<compile_context>
chip_gen: v7x
topology: tpu7x:2x2x1
jax: 0.10.2.dev20260603
libtpu: 0.0.44.dev20260713+nightly
codegen_flags: <defaults>
</compile_context>

<pallas_src>
import jax
import jax.numpy as jnp
from jax import lax
from jax.experimental import pallas as pl
from jax.experimental.pallas import tpu as pltpu
from jax.experimental.pallas import tpu_sc as plsc

N = 10000
E = 160000
D = 256
P = 64
H = 5000

NC = 2
NS = 16
NW = NC * NS
LANES = 16

W = 128
WA = 72
HP = 5120
ROWS_PER_TILE = HP // NS
EP = 163840
EDGES_PER_TILE = EP // NW
C = 128
NCHUNK = EDGES_PER_TILE // C

_SCALE = 1.0 / (P ** 0.5)


def _proj_body(x_ref, wk_ref, wv_ref, katab_ref, kvtab_ref):
    x = x_ref[...]
    dn = (((1,), (1,)), ((), ()))
    k = lax.dot_general(x, wk_ref[...], dn, preferred_element_type=jnp.float32)
    v = lax.dot_general(x, wv_ref[...], dn, preferred_element_type=jnp.float32)
    ones = jnp.ones((N, 1), jnp.float32)
    zeros = jnp.zeros((N, W - P - 1), jnp.float32)
    katab_ref[...] = jnp.concatenate([k, ones, zeros], axis=1)
    kvtab_ref[...] = jnp.concatenate([k, v], axis=1)


def _mid_body(sumk_ref, ctab_ref):
    sumk = sumk_ref[0, :, :P] + sumk_ref[1, :, :P]
    cnt = sumk_ref[0, :, P] + sumk_ref[1, :, P]
    cen = sumk / jnp.maximum(cnt, 1.0)[:, None]
    ctab_ref[...] = jnp.concatenate(
        [cen, jnp.zeros((HP, W - P), jnp.float32)], axis=1)


def _final_body(acc_ref, wv_ref, out_ref):
    a = acc_ref[0, :H, :P] + acc_ref[1, :H, :P]
    den = acc_ref[0, :H, P] + acc_ref[1, :H, P]
    agg = jnp.where((den > 0.0)[:, None], a / den[:, None], 0.0)
    out_ref[...] = jnp.dot(agg, wv_ref[...], preferred_element_type=jnp.float32)


def _chunked_rows(fn):
    off = 0
    while off < ROWS_PER_TILE:
        n = min(C, ROWS_PER_TILE - off)
        fn(off, n)
        off += n


def _copy_idx(src_ref, dst_ref):
    for t in range(C // LANES):
        dst_ref[pl.ds(t * LANES, LANES)] = src_ref[pl.ds(t * LANES, LANES)]


def _fill_idx(dst_ref, value):
    for t in range(C // LANES):
        dst_ref[pl.ds(t * LANES, LANES)] = jnp.full((LANES,), value, jnp.int32)


def _pass_a_body(nid_hbm, he_hbm, katab_hbm, ztab_hbm,
                 sumk_out,
                 nid_v0, he_v0, nid_v1, he_v1, hesc_v0, hesc_v1,
                 rows_v0, rows_v1,
                 semi0, semi1, semr0, semr1, sems0, sems1, sumk_s):
    c = lax.axis_index("c")
    s = lax.axis_index("s")
    wid = c * NS + s
    rbase = s * ROWS_PER_TILE

    def zero_sumk(o, n):
        pltpu.sync_copy(ztab_hbm.at[pl.ds(rbase + o, n)], rows_v0.at[pl.ds(0, n)])
        pltpu.sync_copy(rows_v0.at[pl.ds(0, n)], sumk_s.at[pl.ds(rbase + o, n)])
    _chunked_rows(zero_sumk)
    plsc.subcore_barrier()

    ebase = wid * EDGES_PER_TILE
    idx = ((nid_v0, he_v0, semi0), (nid_v1, he_v1, semi1))
    rows = ((rows_v0, semr0), (rows_v1, semr1))
    scat = ((hesc_v0, sems0), (hesc_v1, sems1))

    def load_idx(i, p):
        nid_v, he_v, _ = idx[p]
        off = ebase + i * C
        pltpu.sync_copy(nid_hbm.at[pl.ds(off, C)], nid_v)
        pltpu.sync_copy(he_hbm.at[pl.ds(off, C)], he_v)

    def load_idx_clamped(i, p):
        load_idx(jnp.where(i < NCHUNK, i, 0), p)

    def start_rows(p):
        pltpu.async_copy(katab_hbm.at[idx[p][0]], rows[p][0], rows[p][1])

    def wait_rows(p):
        pltpu.make_async_copy(katab_hbm.at[idx[p][0]], rows[p][0], rows[p][1]).wait()

    load_idx(0, 0)
    load_idx(1, 1)
    start_rows(0)

    def body(i, p):
        wait_rows(p)
        start_rows(1 - p)
        pltpu.sync_copy(rows[p][0], sumk_s.at[idx[p][1]], add=True)
        load_idx_clamped(i + 2, p)

    def loop2(j, carry):
        i = 2 * j
        body(i, 0)
        body(i + 1, 1)
        return carry
    lax.fori_loop(0, NCHUNK // 2, loop2, 0)

    wait_rows(0)
    plsc.subcore_barrier()

    def out_sumk(o, n):
        pltpu.sync_copy(sumk_s.at[pl.ds(rbase + o, n)], rows_v0.at[pl.ds(0, n)])
        pltpu.sync_copy(rows_v0.at[pl.ds(0, n)],
                        sumk_out.at[c, pl.ds(rbase + o, n)])
    _chunked_rows(out_sumk)


def _pass_b_body(nid_hbm, he_hbm, kvtab_hbm, ctab_hbm, ztabb_hbm,
                 acc_out,
                 nid_v0, he_v0, nid_v1, he_v1,
                 kv_v0, c_v0, kv_v1, c_v1, wv_v0,
                 semi0, semi1, semr0, semr1, acc_s):
    c = lax.axis_index("c")
    s = lax.axis_index("s")
    wid = c * NS + s
    rbase = s * ROWS_PER_TILE

    def zero_acc(o, n):
        pltpu.sync_copy(ztabb_hbm.at[pl.ds(rbase + o, n)], wv_v0.at[pl.ds(0, n)])
        pltpu.sync_copy(wv_v0.at[pl.ds(0, n)], acc_s.at[pl.ds(rbase + o, n)])
    _chunked_rows(zero_acc)
    plsc.subcore_barrier()

    lane = lax.iota(jnp.int32, LANES)
    ebase = wid * EDGES_PER_TILE
    idx = ((nid_v0, he_v0, semi0), (nid_v1, he_v1, semi1))
    rows = ((kv_v0, c_v0, semr0), (kv_v1, c_v1, semr1))

    def load_idx(i, p):
        nid_v, he_v, _ = idx[p]
        off = ebase + i * C
        pltpu.sync_copy(nid_hbm.at[pl.ds(off, C)], nid_v)
        pltpu.sync_copy(he_hbm.at[pl.ds(off, C)], he_v)

    def load_idx_clamped(i, p):
        load_idx(jnp.where(i < NCHUNK, i, 0), p)

    def start_rows(p):
        kv_v, c_v, sem = rows[p]
        pltpu.async_copy(kvtab_hbm.at[idx[p][0]], kv_v, sem)
        pltpu.async_copy(ctab_hbm.at[idx[p][1]], c_v, sem)

    def wait_rows(p):
        kv_v, c_v, sem = rows[p]
        pltpu.make_async_copy(kvtab_hbm.at[idx[p][0]], kv_v, sem).wait()
        pltpu.make_async_copy(ctab_hbm.at[idx[p][1]], c_v, sem).wait()

    def compute(p):
        kv_v, c_v, _ = rows[p]
        wv_v = wv_v0

        def egroup_body(g, carry):
            idx0 = g * LANES + lane
            acc4 = [jnp.zeros((LANES,), jnp.float32) for _ in range(4)]
            for q in range(P):
                pc = jnp.full((LANES,), q, jnp.int32)
                kcol = plsc.load_gather(kv_v, [idx0, pc])
                ccol = plsc.load_gather(c_v, [idx0, pc])
                d = kcol - ccol
                acc4[q % 4] = acc4[q % 4] + d * d
            d2 = (acc4[0] + acc4[1]) + (acc4[2] + acc4[3])
            x = jnp.maximum(d2, 1e-24)
            seed = lax.shift_right_logical(plsc.bitcast(x, jnp.int32), 1) + 0x1FBD1DF5
            y = plsc.bitcast(seed, jnp.float32)
            y = 0.5 * (y + x / y)
            y = 0.5 * (y + x / y)
            y = 0.5 * (y + x / y)
            ex = jnp.exp(y * _SCALE)
            plsc.store_scatter(wv_v, [idx0, jnp.full((LANES,), P, jnp.int32)], ex)
            for q in range(P):
                vcol = plsc.load_gather(kv_v, [idx0, jnp.full((LANES,), P + q, jnp.int32)])
                plsc.store_scatter(wv_v, [idx0, jnp.full((LANES,), q, jnp.int32)], vcol * ex)
            return carry
        lax.fori_loop(0, C // LANES, egroup_body, 0)

    load_idx(0, 0)
    load_idx(1, 1)
    start_rows(0)

    def body(i, p):
        wait_rows(p)
        start_rows(1 - p)
        compute(p)
        pltpu.sync_copy(wv_v0, acc_s.at[idx[p][1]], add=True)
        load_idx_clamped(i + 2, p)
        return None

    def loop2(j, carry):
        i = 2 * j
        body(i, 0)
        body(i + 1, 1)
        return carry
    lax.fori_loop(0, NCHUNK // 2, loop2, 0)

    wait_rows(0)
    plsc.subcore_barrier()

    def out_acc(o, n):
        pltpu.sync_copy(acc_s.at[pl.ds(rbase + o, n)], wv_v0.at[pl.ds(0, n)])
        pltpu.sync_copy(wv_v0.at[pl.ds(0, n)], acc_out.at[c, pl.ds(rbase + o, n)])
    _chunked_rows(out_acc)


def kernel(node_feats, hyperedge_index, num_hyperedges, Wk, Wv):
    f32 = jnp.float32
    i32 = jnp.int32

    shift = jnp.asarray(num_hyperedges - H, i32)
    nid = hyperedge_index[0]
    he = hyperedge_index[1] + shift
    pad = EP - E
    nid_p = jnp.concatenate([nid, jnp.zeros((pad,), i32)])
    he_p = jnp.concatenate([he, jnp.full((pad,), H, i32)])
    ztab = jnp.zeros((HP, W), f32)
    ztabb = jnp.zeros((HP, W), f32)

    katab, kvtab = pl.pallas_call(
        _proj_body,
        out_shape=[jax.ShapeDtypeStruct((N, W), f32),
                   jax.ShapeDtypeStruct((N, W), f32)],
    )(node_feats, Wk, Wv)

    mesh = plsc.VectorSubcoreMesh(core_axis_name="c", subcore_axis_name="s",
                                  num_cores=NC, num_subcores=NS)

    pass_a = pl.kernel(
        _pass_a_body,
        out_type=jax.ShapeDtypeStruct((NC, HP, W), f32),
        mesh=mesh,
        scratch_types=[
            pltpu.VMEM((C,), i32),
            pltpu.VMEM((C,), i32),
            pltpu.VMEM((C,), i32),
            pltpu.VMEM((C,), i32),
            pltpu.VMEM((C,), i32),
            pltpu.VMEM((C,), i32),
            pltpu.VMEM((C, W), f32),
            pltpu.VMEM((C, W), f32),
            pltpu.SemaphoreType.DMA,
            pltpu.SemaphoreType.DMA,
            pltpu.SemaphoreType.DMA,
            pltpu.SemaphoreType.DMA,
            pltpu.SemaphoreType.DMA,
            pltpu.SemaphoreType.DMA,
            pltpu.VMEM_SHARED((HP, W), f32),
        ],
    )
    sumk_part = pass_a(nid_p, he_p, katab, ztab)

    ctab = pl.pallas_call(
        _mid_body,
        out_shape=jax.ShapeDtypeStruct((HP, W), f32),
    )(sumk_part)

    pass_b = pl.kernel(
        _pass_b_body,
        out_type=jax.ShapeDtypeStruct((NC, HP, W), f32),
        mesh=mesh,
        compiler_params=pltpu.CompilerParams(needs_layout_passes=False),
        scratch_types=[
            pltpu.VMEM((C,), i32),
            pltpu.VMEM((C,), i32),
            pltpu.VMEM((C,), i32),
            pltpu.VMEM((C,), i32),
            pltpu.VMEM((C, W), f32),
            pltpu.VMEM((C, W), f32),
            pltpu.VMEM((C, W), f32),
            pltpu.VMEM((C, W), f32),
            pltpu.VMEM((C, W), f32),
            pltpu.SemaphoreType.DMA,
            pltpu.SemaphoreType.DMA,
            pltpu.SemaphoreType.DMA,
            pltpu.SemaphoreType.DMA,
            pltpu.VMEM_SHARED((HP, W), f32),
        ],
    )
    acc_part = pass_b(nid_p, he_p, kvtab, ctab, ztabb)

    out = pl.pallas_call(
        _final_body,
        out_shape=jax.ShapeDtypeStruct((H, D), f32),
    )(acc_part, Wv)
    return out

# --- scband reference (transcript-rebuilt; emitter-appended) ---
"""Pipeline reference for scband-structural-importance-attention-pure-15040975470962 (READ-ONLY COPY).

The authoritative reference and input builder live on the scoring server;
editing this copy changes nothing except your own understanding.
"""

import jax, jax.numpy as jnp
import numpy as np

N = 10000
E = 160000
D = 256
P = D // 4
H = 5000

def _xavier(key, shape):
    fan_in, fan_out = shape[1], shape[0]
    limit = np.sqrt(6.0 / (fan_in + fan_out))
    return jax.random.uniform(key, shape, minval=-limit, maxval=limit, dtype=jnp.float32)

def setup_inputs(seed: int = 0):
    key = jax.random.key(seed)
    k1, k2, k3, k4 = jax.random.split(key, 4)
    node_feats = jax.random.normal(k1, (N, D), dtype=jnp.float32)
    hyperedge_index = jax.random.randint(k2, (2, E), 0, H, dtype=jnp.int32)
    Wk = _xavier(k3, (P, D))
    Wv = _xavier(k4, (P, D))
    return {"node_feats": node_feats, "hyperedge_index": hyperedge_index, "num_hyperedges": H, "Wk": Wk, "Wv": Wv}

def reference(node_feats, hyperedge_index, num_hyperedges, Wk, Wv):
    node_idx = hyperedge_index[0]
    he_idx = hyperedge_index[1]
    he_idx = he_idx + jnp.asarray(num_hyperedges - H, dtype=he_idx.dtype)
    # gather participating node features
    x = node_feats[node_idx]
    # projections (nn.Linear: y = x @ W.T)
    keys = x @ Wk.T
    values = x @ Wv.T
    proj_dim = Wk.shape[0]
    scale = 1.0 / np.sqrt(float(proj_dim))
    ones = jnp.ones(he_idx.shape, dtype=keys.dtype)
    count = jax.ops.segment_sum(ones, he_idx, num_segments=H)
    sum_k = jax.ops.segment_sum(keys, he_idx, num_segments=H)
    centroid = sum_k / jnp.maximum(count, 1.0)[:, None]
    diff = keys - centroid[he_idx]
    dist = jnp.sqrt(jnp.sum(diff * diff, axis=-1))
    scores = dist * scale
    # segment softmax over scores
    seg_max = jax.ops.segment_max(scores, he_idx, num_segments=H)
    seg_max = jnp.where(count > 0, seg_max, 0.0)
    ex = jnp.exp(scores - seg_max[he_idx])
    denom = jax.ops.segment_sum(ex, he_idx, num_segments=H)
    w = ex / denom[he_idx]
    agg = jax.ops.segment_sum(w[:, None] * values, he_idx, num_segments=H)
    agg = jnp.where((count > 0)[:, None], agg, 0.0)
    # F.linear(h, weight=Wv.t()) == h @ Wv  -> [H, hidden_dim]
    out = agg @ Wv
    return out

if __name__ == "__main__":
    import jax
    _d = setup_inputs()
    print(jax.jit(kernel)(*tuple(_d.values())))

</pallas_src>

<mosaic_0001>
#map = affine_map<(d0, d1) -> (0)>
#map1 = affine_map<(d0, d1) -> (0, 0)>
#map2 = affine_map<(d0, d1) -> (0, 0, 0)>
module attributes {stable_mosaic.version = 14 : i64} {
  func.func @_pass_a_body(%arg0: i32, %arg1: i32, %arg2: memref<163840xi32, #tpu.memory_space<hbm>>, %arg3: memref<163840xi32, #tpu.memory_space<hbm>>, %arg4: memref<10000x128xf32, #tpu.memory_space<hbm>>, %arg5: memref<5120x128xf32, #tpu.memory_space<hbm>>, %arg6: memref<2x5120x128xf32, #tpu.memory_space<hbm>>, %arg7: memref<128xi32, #tpu.memory_space<vmem>>, %arg8: memref<128xi32, #tpu.memory_space<vmem>>, %arg9: memref<128xi32, #tpu.memory_space<vmem>>, %arg10: memref<128xi32, #tpu.memory_space<vmem>>, %arg11: memref<128xi32, #tpu.memory_space<vmem>>, %arg12: memref<128xi32, #tpu.memory_space<vmem>>, %arg13: memref<128x128xf32, #tpu.memory_space<vmem>>, %arg14: memref<128x128xf32, #tpu.memory_space<vmem>>, %arg15: memref<!tpu.dma_semaphore, #tpu.memory_space<semaphore_mem>>, %arg16: memref<!tpu.dma_semaphore, #tpu.memory_space<semaphore_mem>>, %arg17: memref<!tpu.dma_semaphore, #tpu.memory_space<semaphore_mem>>, %arg18: memref<!tpu.dma_semaphore, #tpu.memory_space<semaphore_mem>>, %arg19: memref<!tpu.dma_semaphore, #tpu.memory_space<semaphore_mem>>, %arg20: memref<!tpu.dma_semaphore, #tpu.memory_space<semaphore_mem>>, %arg21: memref<5120x128xf32, #tpu.memory_space<vmem_shared>>) attributes {dimension_semantics = [#tpu.dimension_semantics<core_parallel>, #tpu.dimension_semantics<subcore_parallel>], iteration_bounds = array<i64: 2, 16>, scalar_prefetch = 0 : i64, scratch_operands = 15 : i64, tpu.core_type = #tpu.core_type<sc_vector_subcore>, window_params = [{transform_indices = #map}, {transform_indices = #map}, {transform_indices = #map1}, {transform_indices = #map1}, {transform_indices = #map2}]} {
    %mul3A = arith.constant 16 : i32
    %mul3A_0 = arith.muli %arg0, %mul3A : i32
    %add3A = arith.addi %mul3A_0, %arg1 : i32
    %mul3A_1 = arith.constant 320 : i32
    %mul3A_2 = arith.muli %arg1, %mul3A_1 : i32
    %add3A_3 = arith.constant 0 : i32
    %add3A_4 = arith.addi %mul3A_2, %add3A_3 : i32
    "tpu.region"() ({
      %run_scoped3A = tpu.sem_alloc : memref<!tpu.dma_semaphore, #tpu.memory_space<semaphore_mem>>
      %dma_start3A_43 = arith.constant 0 : i32
      %dma_start3A_44 = arith.constant 0 : i32
      %dma_start3A_45 = tpu.memref_slice %arg13[%dma_start3A_43, %dma_start3A_44] : memref<128x128xf32, #tpu.memory_space<vmem>> -> memref<128x128xf32, #tpu.memory_space<vmem>>
      %dma_start3A_46 = arith.constant 0 : i32
      %dma_start3A_47 = tpu.memref_slice %arg5[%add3A_4, %dma_start3A_46] : memref<5120x128xf32, #tpu.memory_space<hbm>> -> memref<128x128xf32, #tpu.memory_space<hbm>>
      %dma_start3A_48 = arith.constant 0 : i32
      %dma_start3A_49 = arith.constant 0 : i32
      %dma_start3A_50 = tpu.memref_slice %arg13[%dma_start3A_48, %dma_start3A_49] : memref<128x128xf32, #tpu.memory_space<vmem>> -> memref<128x128xf32, #tpu.memory_space<vmem>>
      %dma_start3A_51 = arith.constant 0 : i32
      %dma_start3A_52 = tpu.memref_slice %arg5[%add3A_4, %dma_start3A_51] : memref<5120x128xf32, #tpu.memory_space<hbm>> -> memref<128x128xf32, #tpu.memory_space<hbm>>
      tpu.enqueue_dma source(%dma_start3A_52 : memref<128x128xf32, #tpu.memory_space<hbm>>) target(%dma_start3A_50 : memref<128x128xf32, #tpu.memory_space<vmem>>) target_semaphore(%run_scoped3A : memref<!tpu.dma_semaphore, #tpu.memory_space<semaphore_mem>>)
      %dma_wait3A_53 = arith.constant 0 : i32
      %dma_wait3A_54 = arith.constant 0 : i32
      %dma_wait3A_55 = tpu.memref_slice %arg13[%dma_wait3A_53, %dma_wait3A_54] : memref<128x128xf32, #tpu.memory_space<vmem>> -> memref<128x128xf32, #tpu.memory_space<vmem>>
      %dma_wait3A_56 = arith.constant 0 : i32
      %dma_wait3A_57 = tpu.memref_slice %arg5[%add3A_4, %dma_wait3A_56] : memref<5120x128xf32, #tpu.memory_space<hbm>> -> memref<128x128xf32, #tpu.memory_space<hbm>>
      %dma_wait3A_58 = arith.constant 0 : i32
      %dma_wait3A_59 = arith.constant 0 : i32
      %dma_wait3A_60 = tpu.memref_slice %arg13[%dma_wait3A_58, %dma_wait3A_59] : memref<128x128xf32, #tpu.memory_space<vmem>> -> memref<128x128xf32, #tpu.memory_space<vmem>>
      %dma_wait3A_61 = arith.constant 0 : i32
      %dma_wait3A_62 = tpu.memref_slice %arg5[%add3A_4, %dma_wait3A_61] : memref<5120x128xf32, #tpu.memory_space<hbm>> -> memref<128x128xf32, #tpu.memory_space<hbm>>
      tpu.wait_dma2 semaphore(%run_scoped3A : memref<!tpu.dma_semaphore, #tpu.memory_space<semaphore_mem>>) src(%dma_wait3A_62 : memref<128x128xf32, #tpu.memory_space<hbm>>) dst(%dma_wait3A_60 : memref<128x128xf32, #tpu.memory_space<vmem>>)
      tpu.yield
    }) : () -> ()
    %add3A_5 = arith.constant 0 : i32
    %add3A_6 = arith.addi %mul3A_2, %add3A_5 : i32
    "tpu.region"() ({
      %run_scoped3A = tpu.sem_alloc : memref<!tpu.dma_semaphore, #tpu.memory_space<semaphore_mem>>
      %dma_start3A_43 = arith.constant 0 : i32
      %dma_start3A_44 = arith.constant 0 : i32
      %dma_start3A_45 = tpu.memref_slice %arg13[%dma_start3A_43, %dma_start3A_44] : memref<128x128xf32, #tpu.memory_space<vmem>> -> memref<128x128xf32, #tpu.memory_space<vmem>>
      %dma_start3A_46 = arith.constant 0 : i32
      %dma_start3A_47 = tpu.memref_slice %arg21[%add3A_6, %dma_start3A_46] : memref<5120x128xf32, #tpu.memory_space<vmem_shared>> -> memref<128x128xf32, #tpu.memory_space<vmem_shared>>
      %dma_start3A_48 = arith.constant 0 : i32
      %dma_start3A_49 = tpu.memref_slice %arg21[%add3A_6, %dma_start3A_48] : memref<5120x128xf32, #tpu.memory_space<vmem_shared>> -> memref<128x128xf32, #tpu.memory_space<vmem_shared>>
      %dma_start3A_50 = arith.constant 0 : i32
      %dma_start3A_51 = arith.constant 0 : i32
      %dma_start3A_52 = tpu.memref_slice %arg13[%dma_start3A_50, %dma_start3A_51] : memref<128x128xf32, #tpu.memory_space<vmem>> -> memref<128x128xf32, #tpu.memory_space<vmem>>
      tpu.enqueue_dma source(%dma_start3A_52 : memref<128x128xf32, #tpu.memory_space<vmem>>) target(%dma_start3A_49 : memref<128x128xf32, #tpu.memory_space<vmem_shared>>) target_semaphore(%run_scoped3A : memref<!tpu.dma_semaphore, #tpu.memory_space<semaphore_mem>>)
      %dma_wait3A_53 = arith.constant 0 : i32
      %dma_wait3A_54 = arith.constant 0 : i32
      %dma_wait3A_55 = tpu.memref_slice %arg13[%dma_wait3A_53, %dma_wait3A_54] : memref<128x128xf32, #tpu.memory_space<vmem>> -> memref<128x128xf32, #tpu.memory_space<vmem>>
      %dma_wait3A_56 = arith.constant 0 : i32
      %dma_wait3A_57 = tpu.memref_slice %arg21[%add3A_6, %dma_wait3A_56] : memref<5120x128xf32, #tpu.memory_space<vmem_shared>> -> memref<128x128xf32, #tpu.memory_space<vmem_shared>>
      %dma_wait3A_58 = arith.constant 0 : i32
      %dma_wait3A_59 = tpu.memref_slice %arg21[%add3A_6, %dma_wait3A_58] : memref<5120x128xf32, #tpu.memory_space<vmem_shared>> -> memref<128x128xf32, #tpu.memory_space<vmem_shared>>
      %dma_wait3A_60 = arith.constant 0 : i32
      %dma_wait3A_61 = arith.constant 0 : i32
      %dma_wait3A_62 = tpu.memref_slice %arg13[%dma_wait3A_60, %dma_wait3A_61] : memref<128x128xf32, #tpu.memory_space<vmem>> -> memref<128x128xf32, #tpu.memory_space<vmem>>
      tpu.wait_dma2 semaphore(%run_scoped3A : memref<!tpu.dma_semaphore, #tpu.memory_space<semaphore_mem>>) src(%dma_wait3A_62 : memref<128x128xf32, #tpu.memory_space<vmem>>) dst(%dma_wait3A_59 : memref<128x128xf32, #tpu.memory_space<vmem_shared>>)
      tpu.yield
    }) : () -> ()
    %add3A_7 = arith.constant 128 : i32
    %add3A_8 = arith.addi %mul3A_2, %add3A_7 : i32
    "tpu.region"() ({
      %run_scoped3A = tpu.sem_alloc : memref<!tpu.dma_semaphore, #tpu.memory_space<semaphore_mem>>
      %dma_start3A_43 = arith.constant 0 : i32
      %dma_start3A_44 = arith.constant 0 : i32
      %dma_start3A_45 = tpu.memref_slice %arg13[%dma_start3A_43, %dma_start3A_44] : memref<128x128xf32, #tpu.memory_space<vmem>> -> memref<128x128xf32, #tpu.memory_space<vmem>>
      %dma_start3A_46 = arith.constant 0 : i32
      %dma_start3A_47 = tpu.memref_slice %arg5[%add3A_8, %dma_start3A_46] : memref<5120x128xf32, #tpu.memory_space<hbm>> -> memref<128x128xf32, #tpu.memory_space<hbm>>
      %dma_start3A_48 = arith.constant 0 : i32
      %dma_start3A_49 = arith.constant 0 : i32
      %dma_start3A_50 = tpu.memref_slice %arg13[%dma_start3A_48, %dma_start3A_49] : memref<128x128xf32, #tpu.memory_space<vmem>> -> memref<128x128xf32, #tpu.memory_space<vmem>>
      %dma_start3A_51 = arith.constant 0 : i32
      %dma_start3A_52 = tpu.memref_slice %arg5[%add3A_8, %dma_start3A_51] : memref<5120x128xf32, #tpu.memory_space<hbm>> -> memref<128x128xf32, #tpu.memory_space<hbm>>
      tpu.enqueue_dma source(%dma_start3A_52 : memref<128x128xf32, #tpu.memory_space<hbm>>) target(%dma_start3A_50 : memref<128x128xf32, #tpu.memory_space<vmem>>) target_semaphore(%run_scoped3A : memref<!tpu.dma_semaphore, #tpu.memory_space<semaphore_mem>>)
      %dma_wait3A_53 = arith.constant 0 : i32
      %dma_wait3A_54 = arith.constant 0 : i32
      %dma_wait3A_55 = tpu.memref_slice %arg13[%dma_wait3A_53, %dma_wait3A_54] : memref<128x128xf32, #tpu.memory_space<vmem>> -> memref<128x128xf32, #tpu.memory_space<vmem>>
      %dma_wait3A_56 = arith.constant 0 : i32
      %dma_wait3A_57 = tpu.memref_slice %arg5[%add3A_8, %dma_wait3A_56] : memref<5120x128xf32, #tpu.memory_space<hbm>> -> memref<128x128xf32, #tpu.memory_space<hbm>>
      %dma_wait3A_58 = arith.constant 0 : i32
      %dma_wait3A_59 = arith.constant 0 : i32
      %dma_wait3A_60 = tpu.memref_slice %arg13[%dma_wait3A_58, %dma_wait3A_59] : memref<128x128xf32, #tpu.memory_space<vmem>> -> memref<128x128xf32, #tpu.memory_space<vmem>>
      %dma_wait3A_61 = arith.constant 0 : i32
      %dma_wait3A_62 = tpu.memref_slice %arg5[%add3A_8, %dma_wait3A_61] : memref<5120x128xf32, #tpu.memory_space<hbm>> -> memref<128x128xf32, #tpu.memory_space<hbm>>
      tpu.wait_dma2 semaphore(%run_scoped3A : memref<!tpu.dma_semaphore, #tpu.memory_space<semaphore_mem>>) src(%dma_wait3A_62 : memref<128x128xf32, #tpu.memory_space<hbm>>) dst(%dma_wait3A_60 : memref<128x128xf32, #tpu.memory_space<vmem>>)
      tpu.yield
    }) : () -> ()
    %add3A_9 = arith.constant 128 : i32
    %add3A_10 = arith.addi %mul3A_2, %add3A_9 : i32
    "tpu.region"() ({
      %run_scoped3A = tpu.sem_alloc : memref<!tpu.dma_semaphore, #tpu.memory_space<semaphore_mem>>
      %dma_start3A_43 = arith.constant 0 : i32
      %dma_start3A_44 = arith.constant 0 : i32
      %dma_start3A_45 = tpu.memref_slice %arg13[%dma_start3A_43, %dma_start3A_44] : memref<128x128xf32, #tpu.memory_space<vmem>> -> memref<128x128xf32, #tpu.memory_space<vmem>>
      %dma_start3A_46 = arith.constant 0 : i32
      %dma_start3A_47 = tpu.memref_slice %arg21[%add3A_10, %dma_start3A_46] : memref<5120x128xf32, #tpu.memory_space<vmem_shared>> -> memref<128x128xf32, #tpu.memory_space<vmem_shared>>
      %dma_start3A_48 = arith.constant 0 : i32
      %dma_start3A_49 = tpu.memref_slice %arg21[%add3A_10, %dma_start3A_48] : memref<5120x128xf32, #tpu.memory_space<vmem_shared>> -> memref<128x128xf32, #tpu.memory_space<vmem_shared>>
      %dma_start3A_50 = arith.constant 0 : i32
      %dma_start3A_51 = arith.constant 0 : i32
      %dma_start3A_52 = tpu.memref_slice %arg13[%dma_start3A_50, %dma_start3A_51] : memref<128x128xf32, #tpu.memory_space<vmem>> -> memref<128x128xf32, #tpu.memory_space<vmem>>
      tpu.enqueue_dma source(%dma_start3A_52 : memref<128x128xf32, #tpu.memory_space<vmem>>) target(%dma_start3A_49 : memref<128x128xf32, #tpu.memory_space<vmem_shared>>) target_semaphore(%run_scoped3A : memref<!tpu.dma_semaphore, #tpu.memory_space<semaphore_mem>>)
      %dma_wait3A_53 = arith.constant 0 : i32
      %dma_wait3A_54 = arith.constant 0 : i32
      %dma_wait3A_55 = tpu.memref_slice %arg13[%dma_wait3A_53, %dma_wait3A_54] : memref<128x128xf32, #tpu.memory_space<vmem>> -> memref<128x128xf32, #tpu.memory_space<vmem>>
      %dma_wait3A_56 = arith.constant 0 : i32
      %dma_wait3A_57 = tpu.memref_slice %arg21[%add3A_10, %dma_wait3A_56] : memref<5120x128xf32, #tpu.memory_space<vmem_shared>> -> memref<128x128xf32, #tpu.memory_space<vmem_shared>>
      %dma_wait3A_58 = arith.constant 0 : i32
      %dma_wait3A_59 = tpu.memref_slice %arg21[%add3A_10, %dma_wait3A_58] : memref<5120x128xf32, #tpu.memory_space<vmem_shared>> -> memref<128x128xf32, #tpu.memory_space<vmem_shared>>
      %dma_wait3A_60 = arith.constant 0 : i32
      %dma_wait3A_61 = arith.constant 0 : i32
      %dma_wait3A_62 = tpu.memref_slice %arg13[%dma_wait3A_60, %dma_wait3A_61] : memref<128x128xf32, #tpu.memory_space<vmem>> -> memref<128x128xf32, #tpu.memory_space<vmem>>
      tpu.wait_dma2 semaphore(%run_scoped3A : memref<!tpu.dma_semaphore, #tpu.memory_space<semaphore_mem>>) src(%dma_wait3A_62 : memref<128x128xf32, #tpu.memory_space<vmem>>) dst(%dma_wait3A_59 : memref<128x128xf32, #tpu.memory_space<vmem_shared>>)
      tpu.yield
    }) : () -> ()
    %add3A_11 = arith.constant 256 : i32
    %add3A_12 = arith.addi %mul3A_2, %add3A_11 : i32
    "tpu.region"() ({
      %run_scoped3A = tpu.sem_alloc : memref<!tpu.dma_semaphore, #tpu.memory_space<semaphore_mem>>
      %dma_start3A_43 = arith.constant 0 : i32
      %dma_start3A_44 = arith.constant 0 : i32
      %dma_start3A_45 = tpu.memref_slice %arg13[%dma_start3A_43, %dma_start3A_44] : memref<128x128xf32, #tpu.memory_space<vmem>> -> memref<64x128xf32, #tpu.memory_space<vmem>>
      %dma_start3A_46 = arith.constant 0 : i32
      %dma_start3A_47 = tpu.memref_slice %arg5[%add3A_12, %dma_start3A_46] : memref<5120x128xf32, #tpu.memory_space<hbm>> -> memref<64x128xf32, #tpu.memory_space<hbm>>
      %dma_start3A_48 = arith.constant 0 : i32
      %dma_start3A_49 = arith.constant 0 : i32
      %dma_start3A_50 = tpu.memref_slice %arg13[%dma_start3A_48, %dma_start3A_49] : memref<128x128xf32, #tpu.memory_space<vmem>> -> memref<64x128xf32, #tpu.memory_space<vmem>>
      %dma_start3A_51 = arith.constant 0 : i32
      %dma_start3A_52 = tpu.memref_slice %arg5[%add3A_12, %dma_start3A_51] : memref<5120x128xf32, #tpu.memory_space<hbm>> -> memref<64x128xf32, #tpu.memory_space<hbm>>
      tpu.enqueue_dma source(%dma_start3A_52 : memref<64x128xf32, #tpu.memory_space<hbm>>) target(%dma_start3A_50 : memref<64x128xf32, #tpu.memory_space<vmem>>) target_semaphore(%run_scoped3A : memref<!tpu.dma_semaphore, #tpu.memory_space<semaphore_mem>>)
      %dma_wait3A_53 = arith.constant 0 : i32
      %dma_wait3A_54 = arith.constant 0 : i32
      %dma_wait3A_55 = tpu.memref_slice %arg13[%dma_wait3A_53, %dma_wait3A_54] : memref<128x128xf32, #tpu.memory_space<vmem>> -> memref<64x128xf32, #tpu.memory_space<vmem>>
      %dma_wait3A_56 = arith.constant 0 : i32
      %dma_wait3A_57 = tpu.memref_slice %arg5[%add3A_12, %dma_wait3A_56] : memref<5120x128xf32, #tpu.memory_space<hbm>> -> memref<64x128xf32, #tpu.memory_space<hbm>>
      %dma_wait3A_58 = arith.constant 0 : i32
      %dma_wait3A_59 = arith.constant 0 : i32
      %dma_wait3A_60 = tpu.memref_slice %arg13[%dma_wait3A_58, %dma_wait3A_59] : memref<128x128xf32, #tpu.memory_space<vmem>> -> memref<64x128xf32, #tpu.memory_space<vmem>>
      %dma_wait3A_61 = arith.constant 0 : i32
      %dma_wait3A_62 = tpu.memref_slice %arg5[%add3A_12, %dma_wait3A_61] : memref<5120x128xf32, #tpu.memory_space<hbm>> -> memref<64x128xf32, #tpu.memory_space<hbm>>
      tpu.wait_dma2 semaphore(%run_scoped3A : memref<!tpu.dma_semaphore, #tpu.memory_space<semaphore_mem>>) src(%dma_wait3A_62 : memref<64x128xf32, #tpu.memory_space<hbm>>) dst(%dma_wait3A_60 : memref<64x128xf32, #tpu.memory_space<vmem>>)
      tpu.yield
    }) : () -> ()
    %add3A_13 = arith.constant 256 : i32
    %add3A_14 = arith.addi %mul3A_2, %add3A_13 : i32
    "tpu.region"() ({
      %run_scoped3A = tpu.sem_alloc : memref<!tpu.dma_semaphore, #tpu.memory_space<semaphore_mem>>
      %dma_start3A_43 = arith.constant 0 : i32
      %dma_start3A_44 = arith.constant 0 : i32
      %dma_start3A_45 = tpu.memref_slice %arg13[%dma_start3A_43, %dma_start3A_44] : memref<128x128xf32, #tpu.memory_space<vmem>> -> memref<64x128xf32, #tpu.memory_space<vmem>>
      %dma_start3A_46 = arith.constant 0 : i32
      %dma_start3A_47 = tpu.memref_slice %arg21[%add3A_14, %dma_start3A_46] : memref<5120x128xf32, #tpu.memory_space<vmem_shared>> -> memref<64x128xf32, #tpu.memory_space<vmem_shared>>
      %dma_start3A_48 = arith.constant 0 : i32
      %dma_start3A_49 = tpu.memref_slice %arg21[%add3A_14, %dma_start3A_48] : memref<5120x128xf32, #tpu.memory_space<vmem_shared>> -> memref<64x128xf32, #tpu.memory_space<vmem_shared>>
      %dma_start3A_50 = arith.constant 0 : i32
      %dma_start3A_51 = arith.constant 0 : i32
      %dma_start3A_52 = tpu.memref_slice %arg13[%dma_start3A_50, %dma_start3A_51] : memref<128x128xf32, #tpu.memory_space<vmem>> -> memref<64x128xf32, #tpu.memory_space<vmem>>
      tpu.enqueue_dma source(%dma_start3A_52 : memref<64x128xf32, #tpu.memory_space<vmem>>) target(%dma_start3A_49 : memref<64x128xf32, #tpu.memory_space<vmem_shared>>) target_semaphore(%run_scoped3A : memref<!tpu.dma_semaphore, #tpu.memory_space<semaphore_mem>>)
      %dma_wait3A_53 = arith.constant 0 : i32
      %dma_wait3A_54 = arith.constant 0 : i32
      %dma_wait3A_55 = tpu.memref_slice %arg13[%dma_wait3A_53, %dma_wait3A_54] : memref<128x128xf32, #tpu.memory_space<vmem>> -> memref<64x128xf32, #tpu.memory_space<vmem>>
      %dma_wait3A_56 = arith.constant 0 : i32
      %dma_wait3A_57 = tpu.memref_slice %arg21[%add3A_14, %dma_wait3A_56] : memref<5120x128xf32, #tpu.memory_space<vmem_shared>> -> memref<64x128xf32, #tpu.memory_space<vmem_shared>>
      %dma_wait3A_58 = arith.constant 0 : i32
      %dma_wait3A_59 = tpu.memref_slice %arg21[%add3A_14, %dma_wait3A_58] : memref<5120x128xf32, #tpu.memory_space<vmem_shared>> -> memref<64x128xf32, #tpu.memory_space<vmem_shared>>
      %dma_wait3A_60 = arith.constant 0 : i32
      %dma_wait3A_61 = arith.constant 0 : i32
      %dma_wait3A_62 = tpu.memref_slice %arg13[%dma_wait3A_60, %dma_wait3A_61] : memref<128x128xf32, #tpu.memory_space<vmem>> -> memref<64x128xf32, #tpu.memory_space<vmem>>
      tpu.wait_dma2 semaphore(%run_scoped3A : memref<!tpu.dma_semaphore, #tpu.memory_space<semaphore_mem>>) src(%dma_wait3A_62 : memref<64x128xf32, #tpu.memory_space<vmem>>) dst(%dma_wait3A_59 : memref<64x128xf32, #tpu.memory_space<vmem_shared>>)
      tpu.yield
    }) : () -> ()
    %barrier3A = arith.constant 0 : index
    tpu.barrier barrier_id(%barrier3A)
    %mul3A_15 = arith.constant 5120 : i32
    %mul3A_16 = arith.muli %add3A, %mul3A_15 : i32
    %add3A_17 = arith.constant 0 : i32
    %add3A_18 = arith.addi %mul3A_16, %add3A_17 : i32
    "tpu.region"() ({
      %run_scoped3A = tpu.sem_alloc : memref<!tpu.dma_semaphore, #tpu.memory_space<semaphore_mem>>
      %dma_start3A_43 = tpu.memref_slice %arg2[%add3A_18] : memref<163840xi32, #tpu.memory_space<hbm>> -> memref<128xi32, #tpu.memory_space<hbm>>
      %dma_start3A_44 = tpu.memref_slice %arg2[%add3A_18] : memref<163840xi32, #tpu.memory_space<hbm>> -> memref<128xi32, #tpu.memory_space<hbm>>
      tpu.enqueue_dma source(%dma_start3A_44 : memref<128xi32, #tpu.memory_space<hbm>>) target(%arg7 : memref<128xi32, #tpu.memory_space<vmem>>) target_semaphore(%run_scoped3A : memref<!tpu.dma_semaphore, #tpu.memory_space<semaphore_mem>>)
      %dma_wait3A_45 = tpu.memref_slice %arg2[%add3A_18] : memref<163840xi32, #tpu.memory_space<hbm>> -> memref<128xi32, #tpu.memory_space<hbm>>
      %dma_wait3A_46 = tpu.memref_slice %arg2[%add3A_18] : memref<163840xi32, #tpu.memory_space<hbm>> -> memref<128xi32, #tpu.memory_space<hbm>>
      tpu.wait_dma2 semaphore(%run_scoped3A : memref<!tpu.dma_semaphore, #tpu.memory_space<semaphore_mem>>) src(%dma_wait3A_46 : memref<128xi32, #tpu.memory_space<hbm>>) dst(%arg7 : memref<128xi32, #tpu.memory_space<vmem>>)
      tpu.yield
    }) : () -> ()
    "tpu.region"() ({
      %run_scoped3A = tpu.sem_alloc : memref<!tpu.dma_semaphore, #tpu.memory_space<semaphore_mem>>
      %dma_start3A_43 = tpu.memref_slice %arg3[%add3A_18] : memref<163840xi32, #tpu.memory_space<hbm>> -> memref<128xi32, #tpu.memory_space<hbm>>
      %dma_start3A_44 = tpu.memref_slice %arg3[%add3A_18] : memref<163840xi32, #tpu.memory_space<hbm>> -> memref<128xi32, #tpu.memory_space<hbm>>
      tpu.enqueue_dma source(%dma_start3A_44 : memref<128xi32, #tpu.memory_space<hbm>>) target(%arg8 : memref<128xi32, #tpu.memory_space<vmem>>) target_semaphore(%run_scoped3A : memref<!tpu.dma_semaphore, #tpu.memory_space<semaphore_mem>>)
      %dma_wait3A_45 = tpu.memref_slice %arg3[%add3A_18] : memref<163840xi32, #tpu.memory_space<hbm>> -> memref<128xi32, #tpu.memory_space<hbm>>
      %dma_wait3A_46 = tpu.memref_slice %arg3[%add3A_18] : memref<163840xi32, #tpu.memory_space<hbm>> -> memref<128xi32, #tpu.memory_space<hbm>>
      tpu.wait_dma2 semaphore(%run_scoped3A : memref<!tpu.dma_semaphore, #tpu.memory_space<semaphore_mem>>) src(%dma_wait3A_46 : memref<128xi32, #tpu.memory_space<hbm>>) dst(%arg8 : memref<128xi32, #tpu.memory_space<vmem>>)
      tpu.yield
    }) : () -> ()
    %add3A_19 = arith.constant 128 : i32
    %add3A_20 = arith.addi %mul3A_16, %add3A_19 : i32
    "tpu.region"() ({
      %run_scoped3A = tpu.sem_alloc : memref<!tpu.dma_semaphore, #tpu.memory_space<semaphore_mem>>
      %dma_start3A_43 = tpu.memref_slice %arg2[%add3A_20] : memref<163840xi32, #tpu.memory_space<hbm>> -> memref<128xi32, #tpu.memory_space<hbm>>
      %dma_start3A_44 = tpu.memref_slice %arg2[%add3A_20] : memref<163840xi32, #tpu.memory_space<hbm>> -> memref<128xi32, #tpu.memory_space<hbm>>
      tpu.enqueue_dma source(%dma_start3A_44 : memref<128xi32, #tpu.memory_space<hbm>>) target(%arg9 : memref<128xi32, #tpu.memory_space<vmem>>) target_semaphore(%run_scoped3A : memref<!tpu.dma_semaphore, #tpu.memory_space<semaphore_mem>>)
      %dma_wait3A_45 = tpu.memref_slice %arg2[%add3A_20] : memref<163840xi32, #tpu.memory_space<hbm>> -> memref<128xi32, #tpu.memory_space<hbm>>
      %dma_wait3A_46 = tpu.memref_slice %arg2[%add3A_20] : memref<163840xi32, #tpu.memory_space<hbm>> -> memref<128xi32, #tpu.memory_space<hbm>>
      tpu.wait_dma2 semaphore(%run_scoped3A : memref<!tpu.dma_semaphore, #tpu.memory_space<semaphore_mem>>) src(%dma_wait3A_46 : memref<128xi32, #tpu.memory_space<hbm>>) dst(%arg9 : memref<128xi32, #tpu.memory_space<vmem>>)
      tpu.yield
    }) : () -> ()
    "tpu.region"() ({
      %run_scoped3A = tpu.sem_alloc : memref<!tpu.dma_semaphore, #tpu.memory_space<semaphore_mem>>
      %dma_start3A_43 = tpu.memref_slice %arg3[%add3A_20] : memref<163840xi32, #tpu.memory_space<hbm>> -> memref<128xi32, #tpu.memory_space<hbm>>
      %dma_start3A_44 = tpu.memref_slice %arg3[%add3A_20] : memref<163840xi32, #tpu.memory_space<hbm>> -> memref<128xi32, #tpu.memory_space<hbm>>
      tpu.enqueue_dma source(%dma_start3A_44 : memref<128xi32, #tpu.memory_space<hbm>>) target(%arg10 : memref<128xi32, #tpu.memory_space<vmem>>) target_semaphore(%run_scoped3A : memref<!tpu.dma_semaphore, #tpu.memory_space<semaphore_mem>>)
      %dma_wait3A_45 = tpu.memref_slice %arg3[%add3A_20] : memref<163840xi32, #tpu.memory_space<hbm>> -> memref<128xi32, #tpu.memory_space<hbm>>
      %dma_wait3A_46 = tpu.memref_slice %arg3[%add3A_20] : memref<163840xi32, #tpu.memory_space<hbm>> -> memref<128xi32, #tpu.memory_space<hbm>>
      tpu.wait_dma2 semaphore(%run_scoped3A : memref<!tpu.dma_semaphore, #tpu.memory_space<semaphore_mem>>) src(%dma_wait3A_46 : memref<128xi32, #tpu.memory_space<hbm>>) dst(%arg10 : memref<128xi32, #tpu.memory_space<vmem>>)
      tpu.yield
    }) : () -> ()
    %dma_start3A = arith.constant 0 : i32
    %dma_start3A_21 = arith.constant 0 : i32
    %dma_start3A_22 = tpu.memref_slice %arg4[%dma_start3A, %dma_start3A_21] : memref<10000x128xf32, #tpu.memory_space<hbm>> -> memref<10000x128xf32, #tpu.memory_space<hbm>>
    tpu.enqueue_indirect_dma source(%dma_start3A_22 : memref<10000x128xf32, #tpu.memory_space<hbm>>) target(%arg13 : memref<128x128xf32, #tpu.memory_space<vmem>>) offsets(%arg7 : memref<128xi32, #tpu.memory_space<vmem>>) semaphore(%arg17 : memref<!tpu.dma_semaphore, #tpu.memory_space<semaphore_mem>>)
    %scan3A = arith.constant 0 : i32
    %scan3A_23 = arith.constant 0 : i32
    %scan3A_24 = arith.constant 20 : i32
    %scan3A_25 = arith.addi %scan3A_23, %scan3A_24 : i32
    %scan3A_26 = arith.constant 1 : i32
    scf.for %scan3A_43 = %scan3A_23 to %scan3A_25 step %scan3A_26  : i32 {
      %mul3A_44 = arith.constant 2 : i32
      %mul3A_45 = arith.muli %mul3A_44, %scan3A_43 : i32
      %dma_wait3A_46 = arith.constant 0 : i32
      %dma_wait3A_47 = arith.constant 0 : i32
      %dma_wait3A_48 = tpu.memref_slice %arg4[%dma_wait3A_46, %dma_wait3A_47] : memref<10000x128xf32, #tpu.memory_space<hbm>> -> memref<10000x128xf32, #tpu.memory_space<hbm>>
      tpu.wait_indirect_dma semaphore(%arg17 : memref<!tpu.dma_semaphore, #tpu.memory_space<semaphore_mem>>) src(%dma_wait3A_48 : memref<10000x128xf32, #tpu.memory_space<hbm>>) dst(%arg13 : memref<128x128xf32, #tpu.memory_space<vmem>>)
      %dma_start3A_49 = arith.constant 0 : i32
      %dma_start3A_50 = arith.constant 0 : i32
      %dma_start3A_51 = tpu.memref_slice %arg4[%dma_start3A_49, %dma_start3A_50] : memref<10000x128xf32, #tpu.memory_space<hbm>> -> memref<10000x128xf32, #tpu.memory_space<hbm>>
      tpu.enqueue_indirect_dma source(%dma_start3A_51 : memref<10000x128xf32, #tpu.memory_space<hbm>>) target(%arg14 : memref<128x128xf32, #tpu.memory_space<vmem>>) offsets(%arg9 : memref<128xi32, #tpu.memory_space<vmem>>) semaphore(%arg18 : memref<!tpu.dma_semaphore, #tpu.memory_space<semaphore_mem>>)
      "tpu.region"() ({
        %run_scoped3A = tpu.sem_alloc : memref<!tpu.dma_semaphore, #tpu.memory_space<semaphore_mem>>
        %dma_start3A_75 = arith.constant 0 : i32
        %dma_start3A_76 = arith.constant 0 : i32
        %dma_start3A_77 = tpu.memref_slice %arg21[%dma_start3A_75, %dma_start3A_76] : memref<5120x128xf32, #tpu.memory_space<vmem_shared>> -> memref<5120x128xf32, #tpu.memory_space<vmem_shared>>
        tpu.enqueue_indirect_dma source(%arg13 : memref<128x128xf32, #tpu.memory_space<vmem>>) target(%dma_start3A_77 : memref<5120x128xf32, #tpu.memory_space<vmem_shared>>) offsets(%arg8 : memref<128xi32, #tpu.memory_space<vmem>>) semaphore(%run_scoped3A : memref<!tpu.dma_semaphore, #tpu.memory_space<semaphore_mem>>) {add = true}
        %dma_wait3A_78 = arith.constant 0 : i32
        %dma_wait3A_79 = arith.constant 0 : i32
        %dma_wait3A_80 = tpu.memref_slice %arg21[%dma_wait3A_78, %dma_wait3A_79] : memref<5120x128xf32, #tpu.memory_space<vmem_shared>> -> memref<5120x128xf32, #tpu.memory_space<vmem_shared>>
        tpu.wait_indirect_dma semaphore(%run_scoped3A : memref<!tpu.dma_semaphore, #tpu.memory_space<semaphore_mem>>) src(%arg13 : memref<128x128xf32, #tpu.memory_space<vmem>>) dst(%dma_wait3A_80 : memref<5120x128xf32, #tpu.memory_space<vmem_shared>>)
        tpu.yield
      }) : () -> ()
      %add3A_52 = arith.constant 2 : i32
      %add3A_53 = arith.addi %mul3A_45, %add3A_52 : i32
      %lt3A = arith.constant 40 : i32
      %lt3A_54 = arith.cmpi slt, %add3A_53, %lt3A : i32
      %jit3A = arith.constant 0 : i32
      %select_n3A = arith.select %lt3A_54, %add3A_53, %jit3A : i32
      %mul3A_55 = arith.constant 128 : i32
      %mul3A_56 = arith.muli %select_n3A, %mul3A_55 : i32
      %add3A_57 = arith.addi %mul3A_16, %mul3A_56 : i32
      "tpu.region"() ({
        %run_scoped3A = tpu.sem_alloc : memref<!tpu.dma_semaphore, #tpu.memory_space<semaphore_mem>>
        %dma_start3A_75 = tpu.memref_slice %arg2[%add3A_57] : memref<163840xi32, #tpu.memory_space<hbm>> -> memref<128xi32, #tpu.memory_space<hbm>>
        %dma_start3A_76 = tpu.memref_slice %arg2[%add3A_57] : memref<163840xi32, #tpu.memory_space<hbm>> -> memref<128xi32, #tpu.memory_space<hbm>>
        tpu.enqueue_dma source(%dma_start3A_76 : memref<128xi32, #tpu.memory_space<hbm>>) target(%arg7 : memref<128xi32, #tpu.memory_space<vmem>>) target_semaphore(%run_scoped3A : memref<!tpu.dma_semaphore, #tpu.memory_space<semaphore_mem>>)
        %dma_wait3A_77 = tpu.memref_slice %arg2[%add3A_57] : memref<163840xi32, #tpu.memory_space<hbm>> -> memref<128xi32, #tpu.memory_space<hbm>>
        %dma_wait3A_78 = tpu.memref_slice %arg2[%add3A_57] : memref<163840xi32, #tpu.memory_space<hbm>> -> memref<128xi32, #tpu.memory_space<hbm>>
        tpu.wait_dma2 semaphore(%run_scoped3A : memref<!tpu.dma_semaphore, #tpu.memory_space<semaphore_mem>>) src(%dma_wait3A_78 : memref<128xi32, #tpu.memory_space<hbm>>) dst(%arg7 : memref<128xi32, #tpu.memory_space<vmem>>)
        tpu.yield
      }) : () -> ()
      "tpu.region"() ({
        %run_scoped3A = tpu.sem_alloc : memref<!tpu.dma_semaphore, #tpu.memory_space<semaphore_mem>>
        %dma_start3A_75 = tpu.memref_slice %arg3[%add3A_57] : memref<163840xi32, #tpu.memory_space<hbm>> -> memref<128xi32, #tpu.memory_space<hbm>>
        %dma_start3A_76 = tpu.memref_slice %arg3[%add3A_57] : memref<163840xi32, #tpu.memory_space<hbm>> -> memref<128xi32, #tpu.memory_space<hbm>>
        tpu.enqueue_dma source(%dma_start3A_76 : memref<128xi32, #tpu.memory_space<hbm>>) target(%arg8 : memref<128xi32, #tpu.memory_space<vmem>>) target_semaphore(%run_scoped3A : memref<!tpu.dma_semaphore, #tpu.memory_space<semaphore_mem>>)
        %dma_wait3A_77 = tpu.memref_slice %arg3[%add3A_57] : memref<163840xi32, #tpu.memory_space<hbm>> -> memref<128xi32, #tpu.memory_space<hbm>>
        %dma_wait3A_78 = tpu.memref_slice %arg3[%add3A_57] : memref<163840xi32, #tpu.memory_space<hbm>> -> memref<128xi32, #tpu.memory_space<hbm>>
        tpu.wait_dma2 semaphore(%run_scoped3A : memref<!tpu.dma_semaphore, #tpu.memory_space<semaphore_mem>>) src(%dma_wait3A_78 : memref<128xi32, #tpu.memory_space<hbm>>) dst(%arg8 : memref<128xi32, #tpu.memory_space<vmem>>)
        tpu.yield
      }) : () -> ()
      %add3A_58 = arith.constant 1 : i32
      %add3A_59 = arith.addi %mul3A_45, %add3A_58 : i32
      %dma_wait3A_60 = arith.constant 0 : i32
      %dma_wait3A_61 = arith.constant 0 : i32
      %dma_wait3A_62 = tpu.memref_slice %arg4[%dma_wait3A_60, %dma_wait3A_61] : memref<10000x128xf32, #tpu.memory_space<hbm>> -> memref<10000x128xf32, #tpu.memory_space<hbm>>
      tpu.wait_indirect_dma semaphore(%arg18 : memref<!tpu.dma_semaphore, #tpu.memory_space<semaphore_mem>>) src(%dma_wait3A_62 : memref<10000x128xf32, #tpu.memory_space<hbm>>) dst(%arg14 : memref<128x128xf32, #tpu.memory_space<vmem>>)
      %dma_start3A_63 = arith.constant 0 : i32
      %dma_start3A_64 = arith.constant 0 : i32
      %dma_start3A_65 = tpu.memref_slice %arg4[%dma_start3A_63, %dma_start3A_64] : memref<10000x128xf32, #tpu.memory_space<hbm>> -> memref<10000x128xf32, #tpu.memory_space<hbm>>
      tpu.enqueue_indirect_dma source(%dma_start3A_65 : memref<10000x128xf32, #tpu.memory_space<hbm>>) target(%arg13 : memref<128x128xf32, #tpu.memory_space<vmem>>) offsets(%arg7 : memref<128xi32, #tpu.memory_space<vmem>>) semaphore(%arg17 : memref<!tpu.dma_semaphore, #tpu.memory_space<semaphore_mem>>)
      "tpu.region"() ({
        %run_scoped3A = tpu.sem_alloc : memref<!tpu.dma_semaphore, #tpu.memory_space<semaphore_mem>>
        %dma_start3A_75 = arith.constant 0 : i32
        %dma_start3A_76 = arith.constant 0 : i32
        %dma_start3A_77 = tpu.memref_slice %arg21[%dma_start3A_75, %dma_start3A_76] : memref<5120x128xf32, #tpu.memory_space<vmem_shared>> -> memref<5120x128xf32, #tpu.memory_space<vmem_shared>>
        tpu.enqueue_indirect_dma source(%arg14 : memref<128x128xf32, #tpu.memory_space<vmem>>) target(%dma_start3A_77 : memref<5120x128xf32, #tpu.memory_space<vmem_shared>>) offsets(%arg10 : memref<128xi32, #tpu.memory_space<vmem>>) semaphore(%run_scoped3A : memref<!tpu.dma_semaphore, #tpu.memory_space<semaphore_mem>>) {add = true}
        %dma_wait3A_78 = arith.constant 0 : i32
        %dma_wait3A_79 = arith.constant 0 : i32
        %dma_wait3A_80 = tpu.memref_slice %arg21[%dma_wait3A_78, %dma_wait3A_79] : memref<5120x128xf32, #tpu.memory_space<vmem_shared>> -> memref<5120x128xf32, #tpu.memory_space<vmem_shared>>
        tpu.wait_indirect_dma semaphore(%run_scoped3A : memref<!tpu.dma_semaphore, #tpu.memory_space<semaphore_mem>>) src(%arg14 : memref<128x128xf32, #tpu.memory_space<vmem>>) dst(%dma_wait3A_80 : memref<5120x128xf32, #tpu.memory_space<vmem_shared>>)
        tpu.yield
      }) : () -> ()
      %add3A_66 = arith.constant 2 : i32
      %add3A_67 = arith.addi %add3A_59, %add3A_66 : i32
      %lt3A_68 = arith.constant 40 : i32
      %lt3A_69 = arith.cmpi slt, %add3A_67, %lt3A_68 : i32
      %jit3A_70 = arith.constant 0 : i32
      %select_n3A_71 = arith.select %lt3A_69, %add3A_67, %jit3A_70 : i32
      %mul3A_72 = arith.constant 128 : i32
      %mul3A_73 = arith.muli %select_n3A_71, %mul3A_72 : i32
      %add3A_74 = arith.addi %mul3A_16, %mul3A_73 : i32
      "tpu.region"() ({
        %run_scoped3A = tpu.sem_alloc : memref<!tpu.dma_semaphore, #tpu.memory_space<semaphore_mem>>
        %dma_start3A_75 = tpu.memref_slice %arg2[%add3A_74] : memref<163840xi32, #tpu.memory_space<hbm>> -> memref<128xi32, #tpu.memory_space<hbm>>
        %dma_start3A_76 = tpu.memref_slice %arg2[%add3A_74] : memref<163840xi32, #tpu.memory_space<hbm>> -> memref<128xi32, #tpu.memory_space<hbm>>
        tpu.enqueue_dma source(%dma_start3A_76 : memref<128xi32, #tpu.memory_space<hbm>>) target(%arg9 : memref<128xi32, #tpu.memory_space<vmem>>) target_semaphore(%run_scoped3A : memref<!tpu.dma_semaphore, #tpu.memory_space<semaphore_mem>>)
        %dma_wait3A_77 = tpu.memref_slice %arg2[%add3A_74] : memref<163840xi32, #tpu.memory_space<hbm>> -> memref<128xi32, #tpu.memory_space<hbm>>
        %dma_wait3A_78 = tpu.memref_slice %arg2[%add3A_74] : memref<163840xi32, #tpu.memory_space<hbm>> -> memref<128xi32, #tpu.memory_space<hbm>>
        tpu.wait_dma2 semaphore(%run_scoped3A : memref<!tpu.dma_semaphore, #tpu.memory_space<semaphore_mem>>) src(%dma_wait3A_78 : memref<128xi32, #tpu.memory_space<hbm>>) dst(%arg9 : memref<128xi32, #tpu.memory_space<vmem>>)
        tpu.yield
      }) : () -> ()
      "tpu.region"() ({
        %run_scoped3A = tpu.sem_alloc : memref<!tpu.dma_semaphore, #tpu.memory_space<semaphore_mem>>
        %dma_start3A_75 = tpu.memref_slice %arg3[%add3A_74] : memref<163840xi32, #tpu.memory_space<hbm>> -> memref<128xi32, #tpu.memory_space<hbm>>
        %dma_start3A_76 = tpu.memref_slice %arg3[%add3A_74] : memref<163840xi32, #tpu.memory_space<hbm>> -> memref<128xi32, #tpu.memory_space<hbm>>
        tpu.enqueue_dma source(%dma_start3A_76 : memref<128xi32, #tpu.memory_space<hbm>>) target(%arg10 : memref<128xi32, #tpu.memory_space<vmem>>) target_semaphore(%run_scoped3A : memref<!tpu.dma_semaphore, #tpu.memory_space<semaphore_mem>>)
        %dma_wait3A_77 = tpu.memref_slice %arg3[%add3A_74] : memref<163840xi32, #tpu.memory_space<hbm>> -> memref<128xi32, #tpu.memory_space<hbm>>
        %dma_wait3A_78 = tpu.memref_slice %arg3[%add3A_74] : memref<163840xi32, #tpu.memory_space<hbm>> -> memref<128xi32, #tpu.memory_space<hbm>>
        tpu.wait_dma2 semaphore(%run_scoped3A : memref<!tpu.dma_semaphore, #tpu.memory_space<semaphore_mem>>) src(%dma_wait3A_78 : memref<128xi32, #tpu.memory_space<hbm>>) dst(%arg10 : memref<128xi32, #tpu.memory_space<vmem>>)
        tpu.yield
      }) : () -> ()
    }
    %scan3A_27 = arith.constant 20 : i32
    %dma_wait3A = arith.constant 0 : i32
    %dma_wait3A_28 = arith.constant 0 : i32
    %dma_wait3A_29 = tpu.memref_slice %arg4[%dma_wait3A, %dma_wait3A_28] : memref<10000x128xf32, #tpu.memory_space<hbm>> -> memref<10000x128xf32, #tpu.memory_space<hbm>>
    tpu.wait_indirect_dma semaphore(%arg17 : memref<!tpu.dma_semaphore, #tpu.memory_space<semaphore_mem>>) src(%dma_wait3A_29 : memref<10000x128xf32, #tpu.memory_space<hbm>>) dst(%arg13 : memref<128x128xf32, #tpu.memory_space<vmem>>)
    %barrier3A_30 = arith.constant 0 : index
    tpu.barrier barrier_id(%barrier3A_30)
    %add3A_31 = arith.constant 0 : i32
    %add3A_32 = arith.addi %mul3A_2, %add3A_31 : i32
    "tpu.region"() ({
      %run_scoped3A = tpu.sem_alloc : memref<!tpu.dma_semaphore, #tpu.memory_space<semaphore_mem>>
      %dma_start3A_43 = arith.constant 0 : i32
      %dma_start3A_44 = arith.constant 0 : i32
      %dma_start3A_45 = tpu.memref_slice %arg13[%dma_start3A_43, %dma_start3A_44] : memref<128x128xf32, #tpu.memory_space<vmem>> -> memref<128x128xf32, #tpu.memory_space<vmem>>
      %dma_start3A_46 = arith.constant 0 : i32
      %dma_start3A_47 = tpu.memref_slice %arg21[%add3A_32, %dma_start3A_46] : memref<5120x128xf32, #tpu.memory_space<vmem_shared>> -> memref<128x128xf32, #tpu.memory_space<vmem_shared>>
      %dma_start3A_48 = arith.constant 0 : i32
      %dma_start3A_49 = arith.constant 0 : i32
      %dma_start3A_50 = tpu.memref_slice %arg13[%dma_start3A_48, %dma_start3A_49] : memref<128x128xf32, #tpu.memory_space<vmem>> -> memref<128x128xf32, #tpu.memory_space<vmem>>
      %dma_start3A_51 = arith.constant 0 : i32
      %dma_start3A_52 = tpu.memref_slice %arg21[%add3A_32, %dma_start3A_51] : memref<5120x128xf32, #tpu.memory_space<vmem_shared>> -> memref<128x128xf32, #tpu.memory_space<vmem_shared>>
      tpu.enqueue_dma source(%dma_start3A_52 : memref<128x128xf32, #tpu.memory_space<vmem_shared>>) target(%dma_start3A_50 : memref<128x128xf32, #tpu.memory_space<vmem>>) target_semaphore(%run_scoped3A : memref<!tpu.dma_semaphore, #tpu.memory_space<semaphore_mem>>)
      %dma_wait3A_53 = arith.constant 0 : i32
      %dma_wait3A_54 = arith.constant 0 : i32
      %dma_wait3A_55 = tpu.memref_slice %arg13[%dma_wait3A_53, %dma_wait3A_54] : memref<128x128xf32, #tpu.memory_space<vmem>> -> memref<128x128xf32, #tpu.memory_space<vmem>>
      %dma_wait3A_56 = arith.constant 0 : i32
      %dma_wait3A_57 = tpu.memref_slice %arg21[%add3A_32, %dma_wait3A_56] : memref<5120x128xf32, #tpu.memory_space<vmem_shared>> -> memref<128x128xf32, #tpu.memory_space<vmem_shared>>
      %dma_wait3A_58 = arith.constant 0 : i32
      %dma_wait3A_59 = arith.constant 0 : i32
      %dma_wait3A_60 = tpu.memref_slice %arg13[%dma_wait3A_58, %dma_wait3A_59] : memref<128x128xf32, #tpu.memory_space<vmem>> -> memref<128x128xf32, #tpu.memory_space<vmem>>
      %dma_wait3A_61 = arith.constant 0 : i32
      %dma_wait3A_62 = tpu.memref_slice %arg21[%add3A_32, %dma_wait3A_61] : memref<5120x128xf32, #tpu.memory_space<vmem_shared>> -> memref<128x128xf32, #tpu.memory_space<vmem_shared>>
      tpu.wait_dma2 semaphore(%run_scoped3A : memref<!tpu.dma_semaphore, #tpu.memory_space<semaphore_mem>>) src(%dma_wait3A_62 : memref<128x128xf32, #tpu.memory_space<vmem_shared>>) dst(%dma_wait3A_60 : memref<128x128xf32, #tpu.memory_space<vmem>>)
      tpu.yield
    }) : () -> ()
    %add3A_33 = arith.constant 0 : i32
    %add3A_34 = arith.addi %mul3A_2, %add3A_33 : i32
    "tpu.region"() ({
      %run_scoped3A = tpu.sem_alloc : memref<!tpu.dma_semaphore, #tpu.memory_space<semaphore_mem>>
      %dma_start3A_43 = arith.constant 0 : i32
      %dma_start3A_44 = arith.constant 0 : i32
      %dma_start3A_45 = tpu.memref_slice %arg13[%dma_start3A_43, %dma_start3A_44] : memref<128x128xf32, #tpu.memory_space<vmem>> -> memref<128x128xf32, #tpu.memory_space<vmem>>
      %dma_start3A_46 = arith.constant 0 : i32
      %dma_start3A_47 = tpu.memref_slice %arg6[%arg0, %add3A_34, %dma_start3A_46] : memref<2x5120x128xf32, #tpu.memory_space<hbm>> -> memref<1x128x128xf32, #tpu.memory_space<hbm>>
      %dma_start3A_48 = tpu.memref_squeeze %dma_start3A_47 : memref<1x128x128xf32, #tpu.memory_space<hbm>> -> memref<128x128xf32, #tpu.memory_space<hbm>>
      %dma_start3A_49 = arith.constant 0 : i32
      %dma_start3A_50 = tpu.memref_slice %arg6[%arg0, %add3A_34, %dma_start3A_49] : memref<2x5120x128xf32, #tpu.memory_space<hbm>> -> memref<1x128x128xf32, #tpu.memory_space<hbm>>
      %dma_start3A_51 = tpu.memref_squeeze %dma_start3A_50 : memref<1x128x128xf32, #tpu.memory_space<hbm>> -> memref<128x128xf32, #tpu.memory_space<hbm>>
      %dma_start3A_52 = arith.constant 0 : i32
      %dma_start3A_53 = arith.constant 0 : i32
      %dma_start3A_54 = tpu.memref_slice %arg13[%dma_start3A_52, %dma_start3A_53] : memref<128x128xf32, #tpu.memory_space<vmem>> -> memref<128x128xf32, #tpu.memory_space<vmem>>
      tpu.enqueue_dma source(%dma_start3A_54 : memref<128x128xf32, #tpu.memory_space<vmem>>) target(%dma_start3A_51 : memref<128x128xf32, #tpu.memory_space<hbm>>) target_semaphore(%run_scoped3A : memref<!tpu.dma_semaphore, #tpu.memory_space<semaphore_mem>>)
      %dma_wait3A_55 = arith.constant 0 : i32
      %dma_wait3A_56 = arith.constant 0 : i32
      %dma_wait3A_57 = tpu.memref_slice %arg13[%dma_wait3A_55, %dma_wait3A_56] : memref<128x128xf32, #tpu.memory_space<vmem>> -> memref<128x128xf32, #tpu.memory_space<vmem>>
      %dma_wait3A_58 = arith.constant 0 : i32
      %dma_wait3A_59 = tpu.memref_slice %arg6[%arg0, %add3A_34, %dma_wait3A_58] : memref<2x5120x128xf32, #tpu.memory_space<hbm>> -> memref<1x128x128xf32, #tpu.memory_space<hbm>>
      %dma_wait3A_60 = tpu.memref_squeeze %dma_wait3A_59 : memref<1x128x128xf32, #tpu.memory_space<hbm>> -> memref<128x128xf32, #tpu.memory_space<hbm>>
      %dma_wait3A_61 = arith.constant 0 : i32
      %dma_wait3A_62 = tpu.memref_slice %arg6[%arg0, %add3A_34, %dma_wait3A_61] : memref<2x5120x128xf32, #tpu.memory_space<hbm>> -> memref<1x128x128xf32, #tpu.memory_space<hbm>>
      %dma_wait3A_63 = tpu.memref_squeeze %dma_wait3A_62 : memref<1x128x128xf32, #tpu.memory_space<hbm>> -> memref<128x128xf32, #tpu.memory_space<hbm>>
      %dma_wait3A_64 = arith.constant 0 : i32
      %dma_wait3A_65 = arith.constant 0 : i32
      %dma_wait3A_66 = tpu.memref_slice %arg13[%dma_wait3A_64, %dma_wait3A_65] : memref<128x128xf32, #tpu.memory_space<vmem>> -> memref<128x128xf32, #tpu.memory_space<vmem>>
      tpu.wait_dma2 semaphore(%run_scoped3A : memref<!tpu.dma_semaphore, #tpu.memory_space<semaphore_mem>>) src(%dma_wait3A_66 : memref<128x128xf32, #tpu.memory_space<vmem>>) dst(%dma_wait3A_63 : memref<128x128xf32, #tpu.memory_space<hbm>>)
      tpu.yield
    }) : () -> ()
    %add3A_35 = arith.constant 128 : i32
    %add3A_36 = arith.addi %mul3A_2, %add3A_35 : i32
    "tpu.region"() ({
      %run_scoped3A = tpu.sem_alloc : memref<!tpu.dma_semaphore, #tpu.memory_space<semaphore_mem>>
      %dma_start3A_43 = arith.constant 0 : i32
      %dma_start3A_44 = arith.constant 0 : i32
      %dma_start3A_45 = tpu.memref_slice %arg13[%dma_start3A_43, %dma_start3A_44] : memref<128x128xf32, #tpu.memory_space<vmem>> -> memref<128x128xf32, #tpu.memory_space<vmem>>
      %dma_start3A_46 = arith.constant 0 : i32
      %dma_start3A_47 = tpu.memref_slice %arg21[%add3A_36, %dma_start3A_46] : memref<5120x128xf32, #tpu.memory_space<vmem_shared>> -> memref<128x128xf32, #tpu.memory_space<vmem_shared>>
      %dma_start3A_48 = arith.constant 0 : i32
      %dma_start3A_49 = arith.constant 0 : i32
      %dma_start3A_50 = tpu.memref_slice %arg13[%dma_start3A_48, %dma_start3A_49] : memref<128x128xf32, #tpu.memory_space<vmem>> -> memref<128x128xf32, #tpu.memory_space<vmem>>
      %dma_start3A_51 = arith.constant 0 : i32
      %dma_start3A_52 = tpu.memref_slice %arg21[%add3A_36, %dma_start3A_51] : memref<5120x128xf32, #tpu.memory_space<vmem_shared>> -> memref<128x128xf32, #tpu.memory_space<vmem_shared>>
      tpu.enqueue_dma source(%dma_start3A_52 : memref<128x128xf32, #tpu.memory_space<vmem_shared>>) target(%dma_start3A_50 : memref<128x128xf32, #tpu.memory_space<vmem>>) target_semaphore(%run_scoped3A : memref<!tpu.dma_semaphore, #tpu.memory_space<semaphore_mem>>)
      %dma_wait3A_53 = arith.constant 0 : i32
      %dma_wait3A_54 = arith.constant 0 : i32
      %dma_wait3A_55 = tpu.memref_slice %arg13[%dma_wait3A_53, %dma_wait3A_54] : memref<128x128xf32, #tpu.memory_space<vmem>> -> memref<128x128xf32, #tpu.memory_space<vmem>>
      %dma_wait3A_56 = arith.constant 0 : i32
      %dma_wait3A_57 = tpu.memref_slice %arg21[%add3A_36, %dma_wait3A_56] : memref<5120x128xf32, #tpu.memory_space<vmem_shared>> -> memref<128x128xf32, #tpu.memory_space<vmem_shared>>
      %dma_wait3A_58 = arith.constant 0 : i32
      %dma_wait3A_59 = arith.constant 0 : i32
      %dma_wait3A_60 = tpu.memref_slice %arg13[%dma_wait3A_58, %dma_wait3A_59] : memref<128x128xf32, #tpu.memory_space<vmem>> -> memref<128x128xf32, #tpu.memory_space<vmem>>
      %dma_wait3A_61 = arith.constant 0 : i32
      %dma_wait3A_62 = tpu.memref_slice %arg21[%add3A_36, %dma_wait3A_61] : memref<5120x128xf32, #tpu.memory_space<vmem_shared>> -> memref<128x128xf32, #tpu.memory_space<vmem_shared>>
      tpu.wait_dma2 semaphore(%run_scoped3A : memref<!tpu.dma_semaphore, #tpu.memory_space<semaphore_mem>>) src(%dma_wait3A_62 : memref<128x128xf32, #tpu.memory_space<vmem_shared>>) dst(%dma_wait3A_60 : memref<128x128xf32, #tpu.memory_space<vmem>>)
      tpu.yield
    }) : () -> ()
    %add3A_37 = arith.constant 128 : i32
    %add3A_38 = arith.addi %mul3A_2, %add3A_37 : i32
    "tpu.region"() ({
      %run_scoped3A = tpu.sem_alloc : memref<!tpu.dma_semaphore, #tpu.memory_space<semaphore_mem>>
      %dma_start3A_43 = arith.constant 0 : i32
      %dma_start3A_44 = arith.constant 0 : i32
      %dma_start3A_45 = tpu.memref_slice %arg13[%dma_start3A_43, %dma_start3A_44] : memref<128x128xf32, #tpu.memory_space<vmem>> -> memref<128x128xf32, #tpu.memory_space<vmem>>
      %dma_start3A_46 = arith.constant 0 : i32
      %dma_start3A_47 = tpu.memref_slice %arg6[%arg0, %add3A_38, %dma_start3A_46] : memref<2x5120x128xf32, #tpu.memory_space<hbm>> -> memref<1x128x128xf32, #tpu.memory_space<hbm>>
      %dma_start3A_48 = tpu.memref_squeeze %dma_start3A_47 : memref<1x128x128xf32, #tpu.memory_space<hbm>> -> memref<128x128xf32, #tpu.memory_space<hbm>>
      %dma_start3A_49 = arith.constant 0 : i32
      %dma_start3A_50 = tpu.memref_slice %arg6[%arg0, %add3A_38, %dma_start3A_49] : memref<2x5120x128xf32, #tpu.memory_space<hbm>> -> memref<1x128x128xf32, #tpu.memory_space<hbm>>
      %dma_start3A_51 = tpu.memref_squeeze %dma_start3A_50 : memref<1x128x128xf32, #tpu.memory_space<hbm>> -> memref<128x128xf32, #tpu.memory_space<hbm>>
      %dma_start3A_52 = arith.constant 0 : i32
      %dma_start3A_53 = arith.constant 0 : i32
      %dma_start3A_54 = tpu.memref_slice %arg13[%dma_start3A_52, %dma_start3A_53] : memref<128x128xf32, #tpu.memory_space<vmem>> -> memref<128x128xf32, #tpu.memory_space<vmem>>
      tpu.enqueue_dma source(%dma_start3A_54 : memref<128x128xf32, #tpu.memory_space<vmem>>) target(%dma_start3A_51 : memref<128x128xf32, #tpu.memory_space<hbm>>) target_semaphore(%run_scoped3A : memref<!tpu.dma_semaphore, #tpu.memory_space<semaphore_mem>>)
      %dma_wait3A_55 = arith.constant 0 : i32
      %dma_wait3A_56 = arith.constant 0 : i32
      %dma_wait3A_57 = tpu.memref_slice %arg13[%dma_wait3A_55, %dma_wait3A_56] : memref<128x128xf32, #tpu.memory_space<vmem>> -> memref<128x128xf32, #tpu.memory_space<vmem>>
      %dma_wait3A_58 = arith.constant 0 : i32
      %dma_wait3A_59 = tpu.memref_slice %arg6[%arg0, %add3A_38, %dma_wait3A_58] : memref<2x5120x128xf32, #tpu.memory_space<hbm>> -> memref<1x128x128xf32, #tpu.memory_space<hbm>>
      %dma_wait3A_60 = tpu.memref_squeeze %dma_wait3A_59 : memref<1x128x128xf32, #tpu.memory_space<hbm>> -> memref<128x128xf32, #tpu.memory_space<hbm>>
      %dma_wait3A_61 = arith.constant 0 : i32
      %dma_wait3A_62 = tpu.memref_slice %arg6[%arg0, %add3A_38, %dma_wait3A_61] : memref<2x5120x128xf32, #tpu.memory_space<hbm>> -> memref<1x128x128xf32, #tpu.memory_space<hbm>>
      %dma_wait3A_63 = tpu.memref_squeeze %dma_wait3A_62 : memref<1x128x128xf32, #tpu.memory_space<hbm>> -> memref<128x128xf32, #tpu.memory_space<hbm>>
      %dma_wait3A_64 = arith.constant 0 : i32
      %dma_wait3A_65 = arith.constant 0 : i32
      %dma_wait3A_66 = tpu.memref_slice %arg13[%dma_wait3A_64, %dma_wait3A_65] : memref<128x128xf32, #tpu.memory_space<vmem>> -> memref<128x128xf32, #tpu.memory_space<vmem>>
      tpu.wait_dma2 semaphore(%run_scoped3A : memref<!tpu.dma_semaphore, #tpu.memory_space<semaphore_mem>>) src(%dma_wait3A_66 : memref<128x128xf32, #tpu.memory_space<vmem>>) dst(%dma_wait3A_63 : memref<128x128xf32, #tpu.memory_space<hbm>>)
      tpu.yield
    }) : () -> ()
    %add3A_39 = arith.constant 256 : i32
    %add3A_40 = arith.addi %mul3A_2, %add3A_39 : i32
    "tpu.region"() ({
      %run_scoped3A = tpu.sem_alloc : memref<!tpu.dma_semaphore, #tpu.memory_space<semaphore_mem>>
      %dma_start3A_43 = arith.constant 0 : i32
      %dma_start3A_44 = arith.constant 0 : i32
      %dma_start3A_45 = tpu.memref_slice %arg13[%dma_start3A_43, %dma_start3A_44] : memref<128x128xf32, #tpu.memory_space<vmem>> -> memref<64x128xf32, #tpu.memory_space<vmem>>
      %dma_start3A_46 = arith.constant 0 : i32
      %dma_start3A_47 = tpu.memref_slice %arg21[%add3A_40, %dma_start3A_46] : memref<5120x128xf32, #tpu.memory_space<vmem_shared>> -> memref<64x128xf32, #tpu.memory_space<vmem_shared>>
      %dma_start3A_48 = arith.constant 0 : i32
      %dma_start3A_49 = arith.constant 0 : i32
      %dma_start3A_50 = tpu.memref_slice %arg13[%dma_start3A_48, %dma_start3A_49] : memref<128x128xf32, #tpu.memory_space<vmem>> -> memref<64x128xf32, #tpu.memory_space<vmem>>
      %dma_start3A_51 = arith.constant 0 : i32
      %dma_start3A_52 = tpu.memref_slice %arg21[%add3A_40, %dma_start3A_51] : memref<5120x128xf32, #tpu.memory_space<vmem_shared>> -> memref<64x128xf32, #tpu.memory_space<vmem_shared>>
      tpu.enqueue_dma source(%dma_start3A_52 : memref<64x128xf32, #tpu.memory_space<vmem_shared>>) target(%dma_start3A_50 : memref<64x128xf32, #tpu.memory_space<vmem>>) target_semaphore(%run_scoped3A : memref<!tpu.dma_semaphore, #tpu.memory_space<semaphore_mem>>)
      %dma_wait3A_53 = arith.constant 0 : i32
      %dma_wait3A_54 = arith.constant 0 : i32
      %dma_wait3A_55 = tpu.memref_slice %arg13[%dma_wait3A_53, %dma_wait3A_54] : memref<128x128xf32, #tpu.memory_space<vmem>> -> memref<64x128xf32, #tpu.memory_space<vmem>>
      %dma_wait3A_56 = arith.constant 0 : i32
      %dma_wait3A_57 = tpu.memref_slice %arg21[%add3A_40, %dma_wait3A_56] : memref<5120x128xf32, #tpu.memory_space<vmem_shared>> -> memref<64x128xf32, #tpu.memory_space<vmem_shared>>
      %dma_wait3A_58 = arith.constant 0 : i32
      %dma_wait3A_59 = arith.constant 0 : i32
      %dma_wait3A_60 = tpu.memref_slice %arg13[%dma_wait3A_58, %dma_wait3A_59] : memref<128x128xf32, #tpu.memory_space<vmem>> -> memref<64x128xf32, #tpu.memory_space<vmem>>
      %dma_wait3A_61 = arith.constant 0 : i32
      %dma_wait3A_62 = tpu.memref_slice %arg21[%add3A_40, %dma_wait3A_61] : memref<5120x128xf32, #tpu.memory_space<vmem_shared>> -> memref<64x128xf32, #tpu.memory_space<vmem_shared>>
      tpu.wait_dma2 semaphore(%run_scoped3A : memref<!tpu.dma_semaphore, #tpu.memory_space<semaphore_mem>>) src(%dma_wait3A_62 : memref<64x128xf32, #tpu.memory_space<vmem_shared>>) dst(%dma_wait3A_60 : memref<64x128xf32, #tpu.memory_space<vmem>>)
      tpu.yield
    }) : () -> ()
    %add3A_41 = arith.constant 256 : i32
    %add3A_42 = arith.addi %mul3A_2, %add3A_41 : i32
    "tpu.region"() ({
      %run_scoped3A = tpu.sem_alloc : memref<!tpu.dma_semaphore, #tpu.memory_space<semaphore_mem>>
      %dma_start3A_43 = arith.constant 0 : i32
      %dma_start3A_44 = arith.constant 0 : i32
      %dma_start3A_45 = tpu.memref_slice %arg13[%dma_start3A_43, %dma_start3A_44] : memref<128x128xf32, #tpu.memory_space<vmem>> -> memref<64x128xf32, #tpu.memory_space<vmem>>
      %dma_start3A_46 = arith.constant 0 : i32
      %dma_start3A_47 = tpu.memref_slice %arg6[%arg0, %add3A_42, %dma_start3A_46] : memref<2x5120x128xf32, #tpu.memory_space<hbm>> -> memref<1x64x128xf32, #tpu.memory_space<hbm>>
      %dma_start3A_48 = tpu.memref_squeeze %dma_start3A_47 : memref<1x64x128xf32, #tpu.memory_space<hbm>> -> memref<64x128xf32, #tpu.memory_space<hbm>>
      %dma_start3A_49 = arith.constant 0 : i32
      %dma_start3A_50 = tpu.memref_slice %arg6[%arg0, %add3A_42, %dma_start3A_49] : memref<2x5120x128xf32, #tpu.memory_space<hbm>> -> memref<1x64x128xf32, #tpu.memory_space<hbm>>
      %dma_start3A_51 = tpu.memref_squeeze %dma_start3A_50 : memref<1x64x128xf32, #tpu.memory_space<hbm>> -> memref<64x128xf32, #tpu.memory_space<hbm>>
      %dma_start3A_52 = arith.constant 0 : i32
      %dma_start3A_53 = arith.constant 0 : i32
      %dma_start3A_54 = tpu.memref_slice %arg13[%dma_start3A_52, %dma_start3A_53] : memref<128x128xf32, #tpu.memory_space<vmem>> -> memref<64x128xf32, #tpu.memory_space<vmem>>
      tpu.enqueue_dma source(%dma_start3A_54 : memref<64x128xf32, #tpu.memory_space<vmem>>) target(%dma_start3A_51 : memref<64x128xf32, #tpu.memory_space<hbm>>) target_semaphore(%run_scoped3A : memref<!tpu.dma_semaphore, #tpu.memory_space<semaphore_mem>>)
      %dma_wait3A_55 = arith.constant 0 : i32
      %dma_wait3A_56 = arith.constant 0 : i32
      %dma_wait3A_57 = tpu.memref_slice %arg13[%dma_wait3A_55, %dma_wait3A_56] : memref<128x128xf32, #tpu.memory_space<vmem>> -> memref<64x128xf32, #tpu.memory_space<vmem>>
      %dma_wait3A_58 = arith.constant 0 : i32
      %dma_wait3A_59 = tpu.memref_slice %arg6[%arg0, %add3A_42, %dma_wait3A_58] : memref<2x5120x128xf32, #tpu.memory_space<hbm>> -> memref<1x64x128xf32, #tpu.memory_space<hbm>>
      %dma_wait3A_60 = tpu.memref_squeeze %dma_wait3A_59 : memref<1x64x128xf32, #tpu.memory_space<hbm>> -> memref<64x128xf32, #tpu.memory_space<hbm>>
      %dma_wait3A_61 = arith.constant 0 : i32
      %dma_wait3A_62 = tpu.memref_slice %arg6[%arg0, %add3A_42, %dma_wait3A_61] : memref<2x5120x128xf32, #tpu.memory_space<hbm>> -> memref<1x64x128xf32, #tpu.memory_space<hbm>>
      %dma_wait3A_63 = tpu.memref_squeeze %dma_wait3A_62 : memref<1x64x128xf32, #tpu.memory_space<hbm>> -> memref<64x128xf32, #tpu.memory_space<hbm>>
      %dma_wait3A_64 = arith.constant 0 : i32
      %dma_wait3A_65 = arith.constant 0 : i32
      %dma_wait3A_66 = tpu.memref_slice %arg13[%dma_wait3A_64, %dma_wait3A_65] : memref<128x128xf32, #tpu.memory_space<vmem>> -> memref<64x128xf32, #tpu.memory_space<vmem>>
      tpu.wait_dma2 semaphore(%run_scoped3A : memref<!tpu.dma_semaphore, #tpu.memory_space<semaphore_mem>>) src(%dma_wait3A_66 : memref<64x128xf32, #tpu.memory_space<vmem>>) dst(%dma_wait3A_63 : memref<64x128xf32, #tpu.memory_space<hbm>>)
      tpu.yield
    }) : () -> ()
    return
  }
}

#map = affine_map<(d0, d1) -> (0)>
#map1 = affine_map<(d0, d1) -> (0, 0)>
#map2 = affine_map<(d0, d1) -> (0, 0, 0)>
module attributes {stable_mosaic.version = 14 : i64} {
  func.func @_pass_b_body(%arg0: i32, %arg1: i32, %arg2: memref<163840xi32, #tpu.memory_space<hbm>>, %arg3: memref<163840xi32, #tpu.memory_space<hbm>>, %arg4: memref<10000x128xf32, #tpu.memory_space<hbm>>, %arg5: memref<5120x128xf32, #tpu.memory_space<hbm>>, %arg6: memref<5120x128xf32, #tpu.memory_space<hbm>>, %arg7: memref<2x5120x128xf32, #tpu.memory_space<hbm>>, %arg8: memref<128xi32, #tpu.memory_space<vmem>>, %arg9: memref<128xi32, #tpu.memory_space<vmem>>, %arg10: memref<128xi32, #tpu.memory_space<vmem>>, %arg11: memref<128xi32, #tpu.memory_space<vmem>>, %arg12: memref<128x128xf32, #tpu.memory_space<vmem>>, %arg13: memref<128x128xf32, #tpu.memory_space<vmem>>, %arg14: memref<128x128xf32, #tpu.memory_space<vmem>>, %arg15: memref<128x128xf32, #tpu.memory_space<vmem>>, %arg16: memref<128x128xf32, #tpu.memory_space<vmem>>, %arg17: memref<!tpu.dma_semaphore, #tpu.memory_space<semaphore_mem>>, %arg18: memref<!tpu.dma_semaphore, #tpu.memory_space<semaphore_mem>>, %arg19: memref<!tpu.dma_semaphore, #tpu.memory_space<semaphore_mem>>, %arg20: memref<!tpu.dma_semaphore, #tpu.memory_space<semaphore_mem>>, %arg21: memref<5120x128xf32, #tpu.memory_space<vmem_shared>>) attributes {dimension_semantics = [#tpu.dimension_semantics<core_parallel>, #tpu.dimension_semantics<subcore_parallel>], iteration_bounds = array<i64: 2, 16>, scalar_prefetch = 0 : i64, scratch_operands = 14 : i64, tpu.core_type = #tpu.core_type<sc_vector_subcore>, window_params = [{transform_indices = #map}, {transform_indices = #map}, {transform_indices = #map1}, {transform_indices = #map1}, {transform_indices = #map1}, {transform_indices = #map2}]} {
    %mul3A = arith.constant 16 : i32
    %mul3A_0 = arith.muli %arg0, %mul3A : i32
    %add3A = arith.addi %mul3A_0, %arg1 : i32
    %mul3A_1 = arith.constant 320 : i32
    %mul3A_2 = arith.muli %arg1, %mul3A_1 : i32
    %add3A_3 = arith.constant 0 : i32
    %add3A_4 = arith.addi %mul3A_2, %add3A_3 : i32
    "tpu.region"() ({
      %run_scoped3A = tpu.sem_alloc : memref<!tpu.dma_semaphore, #tpu.memory_space<semaphore_mem>>
      %dma_start3A_49 = arith.constant 0 : i32
      %dma_start3A_50 = arith.constant 0 : i32
      %dma_start3A_51 = tpu.memref_slice %arg16[%dma_start3A_49, %dma_start3A_50] : memref<128x128xf32, #tpu.memory_space<vmem>> -> memref<128x128xf32, #tpu.memory_space<vmem>>
      %dma_start3A_52 = arith.constant 0 : i32
      %dma_start3A_53 = tpu.memref_slice %arg6[%add3A_4, %dma_start3A_52] : memref<5120x128xf32, #tpu.memory_space<hbm>> -> memref<128x128xf32, #tpu.memory_space<hbm>>
      %dma_start3A_54 = arith.constant 0 : i32
      %dma_start3A_55 = arith.constant 0 : i32
      %dma_start3A_56 = tpu.memref_slice %arg16[%dma_start3A_54, %dma_start3A_55] : memref<128x128xf32, #tpu.memory_space<vmem>> -> memref<128x128xf32, #tpu.memory_space<vmem>>
      %dma_start3A_57 = arith.constant 0 : i32
      %dma_start3A_58 = tpu.memref_slice %arg6[%add3A_4, %dma_start3A_57] : memref<5120x128xf32, #tpu.memory_space<hbm>> -> memref<128x128xf32, #tpu.memory_space<hbm>>
      tpu.enqueue_dma source(%dma_start3A_58 : memref<128x128xf32, #tpu.memory_space<hbm>>) target(%dma_start3A_56 : memref<128x128xf32, #tpu.memory_space<vmem>>) target_semaphore(%run_scoped3A : memref<!tpu.dma_semaphore, #tpu.memory_space<semaphore_mem>>)
      %dma_wait3A_59 = arith.constant 0 : i32
      %dma_wait3A_60 = arith.constant 0 : i32
      %dma_wait3A_61 = tpu.memref_slice %arg16[%dma_wait3A_59, %dma_wait3A_60] : memref<128x128xf32, #tpu.memory_space<vmem>> -> memref<128x128xf32, #tpu.memory_space<vmem>>
      %dma_wait3A_62 = arith.constant 0 : i32
      %dma_wait3A_63 = tpu.memref_slice %arg6[%add3A_4, %dma_wait3A_62] : memref<5120x128xf32, #tpu.memory_space<hbm>> -> memref<128x128xf32, #tpu.memory_space<hbm>>
      %dma_wait3A_64 = arith.constant 0 : i32
      %dma_wait3A_65 = arith.constant 0 : i32
      %dma_wait3A_66 = tpu.memref_slice %arg16[%dma_wait3A_64, %dma_wait3A_65] : memref<128x128xf32, #tpu.memory_space<vmem>> -> memref<128x128xf32, #tpu.memory_space<vmem>>
      %dma_wait3A_67 = arith.constant 0 : i32
      %dma_wait3A_68 = tpu.memref_slice %arg6[%add3A_4, %dma_wait3A_67] : memref<5120x128xf32, #tpu.memory_space<hbm>> -> memref<128x128xf32, #tpu.memory_space<hbm>>
      tpu.wait_dma2 semaphore(%run_scoped3A : memref<!tpu.dma_semaphore, #tpu.memory_space<semaphore_mem>>) src(%dma_wait3A_68 : memref<128x128xf32, #tpu.memory_space<hbm>>) dst(%dma_wait3A_66 : memref<128x128xf32, #tpu.memory_space<vmem>>)
      tpu.yield
    }) : () -> ()
    %add3A_5 = arith.constant 0 : i32
    %add3A_6 = arith.addi %mul3A_2, %add3A_5 : i32
    "tpu.region"() ({
      %run_scoped3A = tpu.sem_alloc : memref<!tpu.dma_semaphore, #tpu.memory_space<semaphore_mem>>
      %dma_start3A_49 = arith.constant 0 : i32
      %dma_start3A_50 = arith.constant 0 : i32
      %dma_start3A_51 = tpu.memref_slice %arg16[%dma_start3A_49, %dma_start3A_50] : memref<128x128xf32, #tpu.memory_space<vmem>> -> memref<128x128xf32, #tpu.memory_space<vmem>>
      %dma_start3A_52 = arith.constant 0 : i32
      %dma_start3A_53 = tpu.memref_slice %arg21[%add3A_6, %dma_start3A_52] : memref<5120x128xf32, #tpu.memory_space<vmem_shared>> -> memref<128x128xf32, #tpu.memory_space<vmem_shared>>
      %dma_start3A_54 = arith.constant 0 : i32
      %dma_start3A_55 = tpu.memref_slice %arg21[%add3A_6, %dma_start3A_54] : memref<5120x128xf32, #tpu.memory_space<vmem_shared>> -> memref<128x128xf32, #tpu.memory_space<vmem_shared>>
      %dma_start3A_56 = arith.constant 0 : i32
      %dma_start3A_57 = arith.constant 0 : i32
      %dma_start3A_58 = tpu.memref_slice %arg16[%dma_start3A_56, %dma_start3A_57] : memref<128x128xf32, #tpu.memory_space<vmem>> -> memref<128x128xf32, #tpu.memory_space<vmem>>
      tpu.enqueue_dma source(%dma_start3A_58 : memref<128x128xf32, #tpu.memory_space<vmem>>) target(%dma_start3A_55 : memref<128x128xf32, #tpu.memory_space<vmem_shared>>) target_semaphore(%run_scoped3A : memref<!tpu.dma_semaphore, #tpu.memory_space<semaphore_mem>>)
      %dma_wait3A_59 = arith.constant 0 : i32
      %dma_wait3A_60 = arith.constant 0 : i32
      %dma_wait3A_61 = tpu.memref_slice %arg16[%dma_wait3A_59, %dma_wait3A_60] : memref<128x128xf32, #tpu.memory_space<vmem>> -> memref<128x128xf32, #tpu.memory_space<vmem>>
      %dma_wait3A_62 = arith.constant 0 : i32
      %dma_wait3A_63 = tpu.memref_slice %arg21[%add3A_6, %dma_wait3A_62] : memref<5120x128xf32, #tpu.memory_space<vmem_shared>> -> memref<128x128xf32, #tpu.memory_space<vmem_shared>>
      %dma_wait3A_64 = arith.constant 0 : i32
      %dma_wait3A_65 = tpu.memref_slice %arg21[%add3A_6, %dma_wait3A_64] : memref<5120x128xf32, #tpu.memory_space<vmem_shared>> -> memref<128x128xf32, #tpu.memory_space<vmem_shared>>
      %dma_wait3A_66 = arith.constant 0 : i32
      %dma_wait3A_67 = arith.constant 0 : i32
      %dma_wait3A_68 = tpu.memref_slice %arg16[%dma_wait3A_66, %dma_wait3A_67] : memref<128x128xf32, #tpu.memory_space<vmem>> -> memref<128x128xf32, #tpu.memory_space<vmem>>
      tpu.wait_dma2 semaphore(%run_scoped3A : memref<!tpu.dma_semaphore, #tpu.memory_space<semaphore_mem>>) src(%dma_wait3A_68 : memref<128x128xf32, #tpu.memory_space<vmem>>) dst(%dma_wait3A_65 : memref<128x128xf32, #tpu.memory_space<vmem_shared>>)
      tpu.yield
    }) : () -> ()
    %add3A_7 = arith.constant 128 : i32
    %add3A_8 = arith.addi %mul3A_2, %add3A_7 : i32
    "tpu.region"() ({
      %run_scoped3A = tpu.sem_alloc : memref<!tpu.dma_semaphore, #tpu.memory_space<semaphore_mem>>
      %dma_start3A_49 = arith.constant 0 : i32
      %dma_start3A_50 = arith.constant 0 : i32
      %dma_start3A_51 = tpu.memref_slice %arg16[%dma_start3A_49, %dma_start3A_50] : memref<128x128xf32, #tpu.memory_space<vmem>> -> memref<128x128xf32, #tpu.memory_space<vmem>>
      %dma_start3A_52 = arith.constant 0 : i32
      %dma_start3A_53 = tpu.memref_slice %arg6[%add3A_8, %dma_start3A_52] : memref<5120x128xf32, #tpu.memory_space<hbm>> -> memref<128x128xf32, #tpu.memory_space<hbm>>
      %dma_start3A_54 = arith.constant 0 : i32
      %dma_start3A_55 = arith.constant 0 : i32
      %dma_start3A_56 = tpu.memref_slice %arg16[%dma_start3A_54, %dma_start3A_55] : memref<128x128xf32, #tpu.memory_space<vmem>> -> memref<128x128xf32, #tpu.memory_space<vmem>>
      %dma_start3A_57 = arith.constant 0 : i32
      %dma_start3A_58 = tpu.memref_slice %arg6[%add3A_8, %dma_start3A_57] : memref<5120x128xf32, #tpu.memory_space<hbm>> -> memref<128x128xf32, #tpu.memory_space<hbm>>
      tpu.enqueue_dma source(%dma_start3A_58 : memref<128x128xf32, #tpu.memory_space<hbm>>) target(%dma_start3A_56 : memref<128x128xf32, #tpu.memory_space<vmem>>) target_semaphore(%run_scoped3A : memref<!tpu.dma_semaphore, #tpu.memory_space<semaphore_mem>>)
      %dma_wait3A_59 = arith.constant 0 : i32
      %dma_wait3A_60 = arith.constant 0 : i32
      %dma_wait3A_61 = tpu.memref_slice %arg16[%dma_wait3A_59, %dma_wait3A_60] : memref<128x128xf32, #tpu.memory_space<vmem>> -> memref<128x128xf32, #tpu.memory_space<vmem>>
      %dma_wait3A_62 = arith.constant 0 : i32
      %dma_wait3A_63 = tpu.memref_slice %arg6[%add3A_8, %dma_wait3A_62] : memref<5120x128xf32, #tpu.memory_space<hbm>> -> memref<128x128xf32, #tpu.memory_space<hbm>>
      %dma_wait3A_64 = arith.constant 0 : i32
      %dma_wait3A_65 = arith.constant 0 : i32
      %dma_wait3A_66 = tpu.memref_slice %arg16[%dma_wait3A_64, %dma_wait3A_65] : memref<128x128xf32, #tpu.memory_space<vmem>> -> memref<128x128xf32, #tpu.memory_space<vmem>>
      %dma_wait3A_67 = arith.constant 0 : i32
      %dma_wait3A_68 = tpu.memref_slice %arg6[%add3A_8, %dma_wait3A_67] : memref<5120x128xf32, #tpu.memory_space<hbm>> -> memref<128x128xf32, #tpu.memory_space<hbm>>
      tpu.wait_dma2 semaphore(%run_scoped3A : memref<!tpu.dma_semaphore, #tpu.memory_space<semaphore_mem>>) src(%dma_wait3A_68 : memref<128x128xf32, #tpu.memory_space<hbm>>) dst(%dma_wait3A_66 : memref<128x128xf32, #tpu.memory_space<vmem>>)
      tpu.yield
    }) : () -> ()
    %add3A_9 = arith.constant 128 : i32
    %add3A_10 = arith.addi %mul3A_2, %add3A_9 : i32
    "tpu.region"() ({
      %run_scoped3A = tpu.sem_alloc : memref<!tpu.dma_semaphore, #tpu.memory_space<semaphore_mem>>
      %dma_start3A_49 = arith.constant 0 : i32
      %dma_start3A_50 = arith.constant 0 : i32
      %dma_start3A_51 = tpu.memref_slice %arg16[%dma_start3A_49, %dma_start3A_50] : memref<128x128xf32, #tpu.memory_space<vmem>> -> memref<128x128xf32, #tpu.memory_space<vmem>>
      %dma_start3A_52 = arith.constant 0 : i32
      %dma_start3A_53 = tpu.memref_slice %arg21[%add3A_10, %dma_start3A_52] : memref<5120x128xf32, #tpu.memory_space<vmem_shared>> -> memref<128x128xf32, #tpu.memory_space<vmem_shared>>
      %dma_start3A_54 = arith.constant 0 : i32
      %dma_start3A_55 = tpu.memref_slice %arg21[%add3A_10, %dma_start3A_54] : memref<5120x128xf32, #tpu.memory_space<vmem_shared>> -> memref<128x128xf32, #tpu.memory_space<vmem_shared>>
      %dma_start3A_56 = arith.constant 0 : i32
      %dma_start3A_57 = arith.constant 0 : i32
      %dma_start3A_58 = tpu.memref_slice %arg16[%dma_start3A_56, %dma_start3A_57] : memref<128x128xf32, #tpu.memory_space<vmem>> -> memref<128x128xf32, #tpu.memory_space<vmem>>
      tpu.enqueue_dma source(%dma_start3A_58 : memref<128x128xf32, #tpu.memory_space<vmem>>) target(%dma_start3A_55 : memref<128x128xf32, #tpu.memory_space<vmem_shared>>) target_semaphore(%run_scoped3A : memref<!tpu.dma_semaphore, #tpu.memory_space<semaphore_mem>>)
      %dma_wait3A_59 = arith.constant 0 : i32
      %dma_wait3A_60 = arith.constant 0 : i32
      %dma_wait3A_61 = tpu.memref_slice %arg16[%dma_wait3A_59, %dma_wait3A_60] : memref<128x128xf32, #tpu.memory_space<vmem>> -> memref<128x128xf32, #tpu.memory_space<vmem>>
      %dma_wait3A_62 = arith.constant 0 : i32
      %dma_wait3A_63 = tpu.memref_slice %arg21[%add3A_10, %dma_wait3A_62] : memref<5120x128xf32, #tpu.memory_space<vmem_shared>> -> memref<128x128xf32, #tpu.memory_space<vmem_shared>>
      %dma_wait3A_64 = arith.constant 0 : i32
      %dma_wait3A_65 = tpu.memref_slice %arg21[%add3A_10, %dma_wait3A_64] : memref<5120x128xf32, #tpu.memory_space<vmem_shared>> -> memref<128x128xf32, #tpu.memory_space<vmem_shared>>
      %dma_wait3A_66 = arith.constant 0 : i32
      %dma_wait3A_67 = arith.constant 0 : i32
      %dma_wait3A_68 = tpu.memref_slice %arg16[%dma_wait3A_66, %dma_wait3A_67] : memref<128x128xf32, #tpu.memory_space<vmem>> -> memref<128x128xf32, #tpu.memory_space<vmem>>
      tpu.wait_dma2 semaphore(%run_scoped3A : memref<!tpu.dma_semaphore, #tpu.memory_space<semaphore_mem>>) src(%dma_wait3A_68 : memref<128x128xf32, #tpu.memory_space<vmem>>) dst(%dma_wait3A_65 : memref<128x128xf32, #tpu.memory_space<vmem_shared>>)
      tpu.yield
    }) : () -> ()
    %add3A_11 = arith.constant 256 : i32
    %add3A_12 = arith.addi %mul3A_2, %add3A_11 : i32
    "tpu.region"() ({
      %run_scoped3A = tpu.sem_alloc : memref<!tpu.dma_semaphore, #tpu.memory_space<semaphore_mem>>
      %dma_start3A_49 = arith.constant 0 : i32
      %dma_start3A_50 = arith.constant 0 : i32
      %dma_start3A_51 = tpu.memref_slice %arg16[%dma_start3A_49, %dma_start3A_50] : memref<128x128xf32, #tpu.memory_space<vmem>> -> memref<64x128xf32, #tpu.memory_space<vmem>>
      %dma_start3A_52 = arith.constant 0 : i32
      %dma_start3A_53 = tpu.memref_slice %arg6[%add3A_12, %dma_start3A_52] : memref<5120x128xf32, #tpu.memory_space<hbm>> -> memref<64x128xf32, #tpu.memory_space<hbm>>
      %dma_start3A_54 = arith.constant 0 : i32
      %dma_start3A_55 = arith.constant 0 : i32
      %dma_start3A_56 = tpu.memref_slice %arg16[%dma_start3A_54, %dma_start3A_55] : memref<128x128xf32, #tpu.memory_space<vmem>> -> memref<64x128xf32, #tpu.memory_space<vmem>>
      %dma_start3A_57 = arith.constant 0 : i32
      %dma_start3A_58 = tpu.memref_slice %arg6[%add3A_12, %dma_start3A_57] : memref<5120x128xf32, #tpu.memory_space<hbm>> -> memref<64x128xf32, #tpu.memory_space<hbm>>
      tpu.enqueue_dma source(%dma_start3A_58 : memref<64x128xf32, #tpu.memory_space<hbm>>) target(%dma_start3A_56 : memref<64x128xf32, #tpu.memory_space<vmem>>) target_semaphore(%run_scoped3A : memref<!tpu.dma_semaphore, #tpu.memory_space<semaphore_mem>>)
      %dma_wait3A_59 = arith.constant 0 : i32
      %dma_wait3A_60 = arith.constant 0 : i32
      %dma_wait3A_61 = tpu.memref_slice %arg16[%dma_wait3A_59, %dma_wait3A_60] : memref<128x128xf32, #tpu.memory_space<vmem>> -> memref<64x128xf32, #tpu.memory_space<vmem>>
      %dma_wait3A_62 = arith.constant 0 : i32
      %dma_wait3A_63 = tpu.memref_slice %arg6[%add3A_12, %dma_wait3A_62] : memref<5120x128xf32, #tpu.memory_space<hbm>> -> memref<64x128xf32, #tpu.memory_space<hbm>>
      %dma_wait3A_64 = arith.constant 0 : i32
      %dma_wait3A_65 = arith.constant 0 : i32
      %dma_wait3A_66 = tpu.memref_slice %arg16[%dma_wait3A_64, %dma_wait3A_65] : memref<128x128xf32, #tpu.memory_space<vmem>> -> memref<64x128xf32, #tpu.memory_space<vmem>>
      %dma_wait3A_67 = arith.constant 0 : i32
      %dma_wait3A_68 = tpu.memref_slice %arg6[%add3A_12, %dma_wait3A_67] : memref<5120x128xf32, #tpu.memory_space<hbm>> -> memref<64x128xf32, #tpu.memory_space<hbm>>
      tpu.wait_dma2 semaphore(%run_scoped3A : memref<!tpu.dma_semaphore, #tpu.memory_space<semaphore_mem>>) src(%dma_wait3A_68 : memref<64x128xf32, #tpu.memory_space<hbm>>) dst(%dma_wait3A_66 : memref<64x128xf32, #tpu.memory_space<vmem>>)
      tpu.yield
    }) : () -> ()
    %add3A_13 = arith.constant 256 : i32
    %add3A_14 = arith.addi %mul3A_2, %add3A_13 : i32
    "tpu.region"() ({
      %run_scoped3A = tpu.sem_alloc : memref<!tpu.dma_semaphore, #tpu.memory_space<semaphore_mem>>
      %dma_start3A_49 = arith.constant 0 : i32
      %dma_start3A_50 = arith.constant 0 : i32
      %dma_start3A_51 = tpu.memref_slice %arg16[%dma_start3A_49, %dma_start3A_50] : memref<128x128xf32, #tpu.memory_space<vmem>> -> memref<64x128xf32, #tpu.memory_space<vmem>>
      %dma_start3A_52 = arith.constant 0 : i32
      %dma_start3A_53 = tpu.memref_slice %arg21[%add3A_14, %dma_start3A_52] : memref<5120x128xf32, #tpu.memory_space<vmem_shared>> -> memref<64x128xf32, #tpu.memory_space<vmem_shared>>
      %dma_start3A_54 = arith.constant 0 : i32
      %dma_start3A_55 = tpu.memref_slice %arg21[%add3A_14, %dma_start3A_54] : memref<5120x128xf32, #tpu.memory_space<vmem_shared>> -> memref<64x128xf32, #tpu.memory_space<vmem_shared>>
      %dma_start3A_56 = arith.constant 0 : i32
      %dma_start3A_57 = arith.constant 0 : i32
      %dma_start3A_58 = tpu.memref_slice %arg16[%dma_start3A_56, %dma_start3A_57] : memref<128x128xf32, #tpu.memory_space<vmem>> -> memref<64x128xf32, #tpu.memory_space<vmem>>
      tpu.enqueue_dma source(%dma_start3A_58 : memref<64x128xf32, #tpu.memory_space<vmem>>) target(%dma_start3A_55 : memref<64x128xf32, #tpu.memory_space<vmem_shared>>) target_semaphore(%run_scoped3A : memref<!tpu.dma_semaphore, #tpu.memory_space<semaphore_mem>>)
      %dma_wait3A_59 = arith.constant 0 : i32
      %dma_wait3A_60 = arith.constant 0 : i32
      %dma_wait3A_61 = tpu.memref_slice %arg16[%dma_wait3A_59, %dma_wait3A_60] : memref<128x128xf32, #tpu.memory_space<vmem>> -> memref<64x128xf32, #tpu.memory_space<vmem>>
      %dma_wait3A_62 = arith.constant 0 : i32
      %dma_wait3A_63 = tpu.memref_slice %arg21[%add3A_14, %dma_wait3A_62] : memref<5120x128xf32, #tpu.memory_space<vmem_shared>> -> memref<64x128xf32, #tpu.memory_space<vmem_shared>>
      %dma_wait3A_64 = arith.constant 0 : i32
      %dma_wait3A_65 = tpu.memref_slice %arg21[%add3A_14, %dma_wait3A_64] : memref<5120x128xf32, #tpu.memory_space<vmem_shared>> -> memref<64x128xf32, #tpu.memory_space<vmem_shared>>
      %dma_wait3A_66 = arith.constant 0 : i32
      %dma_wait3A_67 = arith.constant 0 : i32
      %dma_wait3A_68 = tpu.memref_slice %arg16[%dma_wait3A_66, %dma_wait3A_67] : memref<128x128xf32, #tpu.memory_space<vmem>> -> memref<64x128xf32, #tpu.memory_space<vmem>>
      tpu.wait_dma2 semaphore(%run_scoped3A : memref<!tpu.dma_semaphore, #tpu.memory_space<semaphore_mem>>) src(%dma_wait3A_68 : memref<64x128xf32, #tpu.memory_space<vmem>>) dst(%dma_wait3A_65 : memref<64x128xf32, #tpu.memory_space<vmem_shared>>)
      tpu.yield
    }) : () -> ()
    %barrier3A = arith.constant 0 : index
    tpu.barrier barrier_id(%barrier3A)
    %iota3A = tpu.iota {dimensions = array<i32: 0>} : vector<16xi32>
    %mul3A_15 = arith.constant 5120 : i32
    %mul3A_16 = arith.muli %add3A, %mul3A_15 : i32
    %add3A_17 = arith.constant 0 : i32
    %add3A_18 = arith.addi %mul3A_16, %add3A_17 : i32
    "tpu.region"() ({
      %run_scoped3A = tpu.sem_alloc : memref<!tpu.dma_semaphore, #tpu.memory_space<semaphore_mem>>
      %dma_start3A_49 = tpu.memref_slice %arg2[%add3A_18] : memref<163840xi32, #tpu.memory_space<hbm>> -> memref<128xi32, #tpu.memory_space<hbm>>
      %dma_start3A_50 = tpu.memref_slice %arg2[%add3A_18] : memref<163840xi32, #tpu.memory_space<hbm>> -> memref<128xi32, #tpu.memory_space<hbm>>
      tpu.enqueue_dma source(%dma_start3A_50 : memref<128xi32, #tpu.memory_space<hbm>>) target(%arg8 : memref<128xi32, #tpu.memory_space<vmem>>) target_semaphore(%run_scoped3A : memref<!tpu.dma_semaphore, #tpu.memory_space<semaphore_mem>>)
      %dma_wait3A_51 = tpu.memref_slice %arg2[%add3A_18] : memref<163840xi32, #tpu.memory_space<hbm>> -> memref<128xi32, #tpu.memory_space<hbm>>
      %dma_wait3A_52 = tpu.memref_slice %arg2[%add3A_18] : memref<163840xi32, #tpu.memory_space<hbm>> -> memref<128xi32, #tpu.memory_space<hbm>>
      tpu.wait_dma2 semaphore(%run_scoped3A : memref<!tpu.dma_semaphore, #tpu.memory_space<semaphore_mem>>) src(%dma_wait3A_52 : memref<128xi32, #tpu.memory_space<hbm>>) dst(%arg8 : memref<128xi32, #tpu.memory_space<vmem>>)
      tpu.yield
    }) : () -> ()
    "tpu.region"() ({
      %run_scoped3A = tpu.sem_alloc : memref<!tpu.dma_semaphore, #tpu.memory_space<semaphore_mem>>
      %dma_start3A_49 = tpu.memref_slice %arg3[%add3A_18] : memref<163840xi32, #tpu.memory_space<hbm>> -> memref<128xi32, #tpu.memory_space<hbm>>
      %dma_start3A_50 = tpu.memref_slice %arg3[%add3A_18] : memref<163840xi32, #tpu.memory_space<hbm>> -> memref<128xi32, #tpu.memory_space<hbm>>
      tpu.enqueue_dma source(%dma_start3A_50 : memref<128xi32, #tpu.memory_space<hbm>>) target(%arg9 : memref<128xi32, #tpu.memory_space<vmem>>) target_semaphore(%run_scoped3A : memref<!tpu.dma_semaphore, #tpu.memory_space<semaphore_mem>>)
      %dma_wait3A_51 = tpu.memref_slice %arg3[%add3A_18] : memref<163840xi32, #tpu.memory_space<hbm>> -> memref<128xi32, #tpu.memory_space<hbm>>
      %dma_wait3A_52 = tpu.memref_slice %arg3[%add3A_18] : memref<163840xi32, #tpu.memory_space<hbm>> -> memref<128xi32, #tpu.memory_space<hbm>>
      tpu.wait_dma2 semaphore(%run_scoped3A : memref<!tpu.dma_semaphore, #tpu.memory_space<semaphore_mem>>) src(%dma_wait3A_52 : memref<128xi32, #tpu.memory_space<hbm>>) dst(%arg9 : memref<128xi32, #tpu.memory_space<vmem>>)
      tpu.yield
    }) : () -> ()
    %add3A_19 = arith.constant 128 : i32
    %add3A_20 = arith.addi %mul3A_16, %add3A_19 : i32
    "tpu.region"() ({
      %run_scoped3A = tpu.sem_alloc : memref<!tpu.dma_semaphore, #tpu.memory_space<semaphore_mem>>
      %dma_start3A_49 = tpu.memref_slice %arg2[%add3A_20] : memref<163840xi32, #tpu.memory_space<hbm>> -> memref<128xi32, #tpu.memory_space<hbm>>
      %dma_start3A_50 = tpu.memref_slice %arg2[%add3A_20] : memref<163840xi32, #tpu.memory_space<hbm>> -> memref<128xi32, #tpu.memory_space<hbm>>
      tpu.enqueue_dma source(%dma_start3A_50 : memref<128xi32, #tpu.memory_space<hbm>>) target(%arg10 : memref<128xi32, #tpu.memory_space<vmem>>) target_semaphore(%run_scoped3A : memref<!tpu.dma_semaphore, #tpu.memory_space<semaphore_mem>>)
      %dma_wait3A_51 = tpu.memref_slice %arg2[%add3A_20] : memref<163840xi32, #tpu.memory_space<hbm>> -> memref<128xi32, #tpu.memory_space<hbm>>
      %dma_wait3A_52 = tpu.memref_slice %arg2[%add3A_20] : memref<163840xi32, #tpu.memory_space<hbm>> -> memref<128xi32, #tpu.memory_space<hbm>>
      tpu.wait_dma2 semaphore(%run_scoped3A : memref<!tpu.dma_semaphore, #tpu.memory_space<semaphore_mem>>) src(%dma_wait3A_52 : memref<128xi32, #tpu.memory_space<hbm>>) dst(%arg10 : memref<128xi32, #tpu.memory_space<vmem>>)
      tpu.yield
    }) : () -> ()
    "tpu.region"() ({
      %run_scoped3A = tpu.sem_alloc : memref<!tpu.dma_semaphore, #tpu.memory_space<semaphore_mem>>
      %dma_start3A_49 = tpu.memref_slice %arg3[%add3A_20] : memref<163840xi32, #tpu.memory_space<hbm>> -> memref<128xi32, #tpu.memory_space<hbm>>
      %dma_start3A_50 = tpu.memref_slice %arg3[%add3A_20] : memref<163840xi32, #tpu.memory_space<hbm>> -> memref<128xi32, #tpu.memory_space<hbm>>
      tpu.enqueue_dma source(%dma_start3A_50 : memref<128xi32, #tpu.memory_space<hbm>>) target(%arg11 : memref<128xi32, #tpu.memory_space<vmem>>) target_semaphore(%run_scoped3A : memref<!tpu.dma_semaphore, #tpu.memory_space<semaphore_mem>>)
      %dma_wait3A_51 = tpu.memref_slice %arg3[%add3A_20] : memref<163840xi32, #tpu.memory_space<hbm>> -> memref<128xi32, #tpu.memory_space<hbm>>
      %dma_wait3A_52 = tpu.memref_slice %arg3[%add3A_20] : memref<163840xi32, #tpu.memory_space<hbm>> -> memref<128xi32, #tpu.memory_space<hbm>>
      tpu.wait_dma2 semaphore(%run_scoped3A : memref<!tpu.dma_semaphore, #tpu.memory_space<semaphore_mem>>) src(%dma_wait3A_52 : memref<128xi32, #tpu.memory_space<hbm>>) dst(%arg11 : memref<128xi32, #tpu.memory_space<vmem>>)
      tpu.yield
    }) : () -> ()
    %dma_start3A = arith.constant 0 : i32
    %dma_start3A_21 = arith.constant 0 : i32
    %dma_start3A_22 = tpu.memref_slice %arg4[%dma_start3A, %dma_start3A_21] : memref<10000x128xf32, #tpu.memory_space<hbm>> -> memref<10000x128xf32, #tpu.memory_space<hbm>>
    tpu.enqueue_indirect_dma source(%dma_start3A_22 : memref<10000x128xf32, #tpu.memory_space<hbm>>) target(%arg12 : memref<128x128xf32, #tpu.memory_space<vmem>>) offsets(%arg8 : memref<128xi32, #tpu.memory_space<vmem>>) semaphore(%arg19 : memref<!tpu.dma_semaphore, #tpu.memory_space<semaphore_mem>>)
    %dma_start3A_23 = arith.constant 0 : i32
    %dma_start3A_24 = arith.constant 0 : i32
    %dma_start3A_25 = tpu.memref_slice %arg5[%dma_start3A_23, %dma_start3A_24] : memref<5120x128xf32, #tpu.memory_space<hbm>> -> memref<5120x128xf32, #tpu.memory_space<hbm>>
    tpu.enqueue_indirect_dma source(%dma_start3A_25 : memref<5120x128xf32, #tpu.memory_space<hbm>>) target(%arg13 : memref<128x128xf32, #tpu.memory_space<vmem>>) offsets(%arg9 : memref<128xi32, #tpu.memory_space<vmem>>) semaphore(%arg19 : memref<!tpu.dma_semaphore, #tpu.memory_space<semaphore_mem>>)
    %scan3A = arith.constant 0 : i32
    %scan3A_26 = arith.constant 0 : i32
    %scan3A_27 = arith.constant 20 : i32
    %scan3A_28 = arith.addi %scan3A_26, %scan3A_27 : i32
    %scan3A_29 = arith.constant 1 : i32
    scf.for %scan3A_49 = %scan3A_26 to %scan3A_28 step %scan3A_29  : i32 {
      %mul3A_50 = arith.constant 2 : i32
      %mul3A_51 = arith.muli %mul3A_50, %scan3A_49 : i32
      %dma_wait3A_52 = arith.constant 0 : i32
      %dma_wait3A_53 = arith.constant 0 : i32
      %dma_wait3A_54 = tpu.memref_slice %arg4[%dma_wait3A_52, %dma_wait3A_53] : memref<10000x128xf32, #tpu.memory_space<hbm>> -> memref<10000x128xf32, #tpu.memory_space<hbm>>
      tpu.wait_indirect_dma semaphore(%arg19 : memref<!tpu.dma_semaphore, #tpu.memory_space<semaphore_mem>>) src(%dma_wait3A_54 : memref<10000x128xf32, #tpu.memory_space<hbm>>) dst(%arg12 : memref<128x128xf32, #tpu.memory_space<vmem>>)
      %dma_wait3A_55 = arith.constant 0 : i32
      %dma_wait3A_56 = arith.constant 0 : i32
      %dma_wait3A_57 = tpu.memref_slice %arg5[%dma_wait3A_55, %dma_wait3A_56] : memref<5120x128xf32, #tpu.memory_space<hbm>> -> memref<5120x128xf32, #tpu.memory_space<hbm>>
      tpu.wait_indirect_dma semaphore(%arg19 : memref<!tpu.dma_semaphore, #tpu.memory_space<semaphore_mem>>) src(%dma_wait3A_57 : memref<5120x128xf32, #tpu.memory_space<hbm>>) dst(%arg13 : memref<128x128xf32, #tpu.memory_space<vmem>>)
      %dma_start3A_58 = arith.constant 0 : i32
      %dma_start3A_59 = arith.constant 0 : i32
      %dma_start3A_60 = tpu.memref_slice %arg4[%dma_start3A_58, %dma_start3A_59] : memref<10000x128xf32, #tpu.memory_space<hbm>> -> memref<10000x128xf32, #tpu.memory_space<hbm>>
      tpu.enqueue_indirect_dma source(%dma_start3A_60 : memref<10000x128xf32, #tpu.memory_space<hbm>>) target(%arg14 : memref<128x128xf32, #tpu.memory_space<vmem>>) offsets(%arg10 : memref<128xi32, #tpu.memory_space<vmem>>) semaphore(%arg20 : memref<!tpu.dma_semaphore, #tpu.memory_space<semaphore_mem>>)
      %dma_start3A_61 = arith.constant 0 : i32
      %dma_start3A_62 = arith.constant 0 : i32
      %dma_start3A_63 = tpu.memref_slice %arg5[%dma_start3A_61, %dma_start3A_62] : memref<5120x128xf32, #tpu.memory_space<hbm>> -> memref<5120x128xf32, #tpu.memory_space<hbm>>
      tpu.enqueue_indirect_dma source(%dma_start3A_63 : memref<5120x128xf32, #tpu.memory_space<hbm>>) target(%arg15 : memref<128x128xf32, #tpu.memory_space<vmem>>) offsets(%arg11 : memref<128xi32, #tpu.memory_space<vmem>>) semaphore(%arg20 : memref<!tpu.dma_semaphore, #tpu.memory_space<semaphore_mem>>)
      %scan3A_64 = arith.constant 0 : i32
      %scan3A_65 = arith.constant 0 : i32
      %scan3A_66 = arith.constant 8 : i32
      %scan3A_67 = arith.addi %scan3A_65, %scan3A_66 : i32
      %scan3A_68 = arith.constant 1 : i32
      scf.for %scan3A_105 = %scan3A_65 to %scan3A_67 step %scan3A_68  : i32 {
        %mul3A_106 = arith.constant 16 : i32
        %mul3A_107 = arith.muli %scan3A_105, %mul3A_106 : i32
        %add3A_108 = vector.broadcast %mul3A_107 : i32 to vector<16xi32>
        %add3A_109 = arith.addi %add3A_108, %iota3A : vector<16xi32>
        %broadcast_in_dim3A = arith.constant 0.000000e+00 : f32
        %broadcast_in_dim3A_110 = vector.broadcast %broadcast_in_dim3A : f32 to vector<16xf32>
        %broadcast_in_dim3A_111 = arith.constant 0.000000e+00 : f32
        %broadcast_in_dim3A_112 = vector.broadcast %broadcast_in_dim3A_111 : f32 to vector<16xf32>
        %broadcast_in_dim3A_113 = arith.constant 0.000000e+00 : f32
        %broadcast_in_dim3A_114 = vector.broadcast %broadcast_in_dim3A_113 : f32 to vector<16xf32>
        %broadcast_in_dim3A_115 = arith.constant 0.000000e+00 : f32
        %broadcast_in_dim3A_116 = vector.broadcast %broadcast_in_dim3A_115 : f32 to vector<16xf32>
        %broadcast_in_dim3A_117 = arith.constant 0 : i32
        %broadcast_in_dim3A_118 = vector.broadcast %broadcast_in_dim3A_117 : i32 to vector<16xi32>
        %gather3A = tpu.vector_load_idx %arg12[%add3A_109, %broadcast_in_dim3A_118] : memref<128x128xf32, #tpu.memory_space<vmem>>[vector<16xi32>, vector<16xi32>], vector<16xf32>,
        %gather3A_119 = tpu.vector_load_idx %arg13[%add3A_109, %broadcast_in_dim3A_118] : memref<128x128xf32, #tpu.memory_space<vmem>>[vector<16xi32>, vector<16xi32>], vector<16xf32>,
        %sub3A = arith.subf %gather3A, %gather3A_119 : vector<16xf32>
        %mul3A_120 = arith.mulf %sub3A, %sub3A : vector<16xf32>
        %add3A_121 = arith.addf %broadcast_in_dim3A_110, %mul3A_120 : vector<16xf32>
        %broadcast_in_dim3A_122 = arith.constant 1 : i32
        %broadcast_in_dim3A_123 = vector.broadcast %broadcast_in_dim3A_122 : i32 to vector<16xi32>
        %gather3A_124 = tpu.vector_load_idx %arg12[%add3A_109, %broadcast_in_dim3A_123] : memref<128x128xf32, #tpu.memory_space<vmem>>[vector<16xi32>, vector<16xi32>], vector<16xf32>,
        %gather3A_125 = tpu.vector_load_idx %arg13[%add3A_109, %broadcast_in_dim3A_123] : memref<128x128xf32, #tpu.memory_space<vmem>>[vector<16xi32>, vector<16xi32>], vector<16xf32>,
        %sub3A_126 = arith.subf %gather3A_124, %gather3A_125 : vector<16xf32>
        %mul3A_127 = arith.mulf %sub3A_126, %sub3A_126 : vector<16xf32>
        %add3A_128 = arith.addf %broadcast_in_dim3A_112, %mul3A_127 : vector<16xf32>
        %broadcast_in_dim3A_129 = arith.constant 2 : i32
        %broadcast_in_dim3A_130 = vector.broadcast %broadcast_in_dim3A_129 : i32 to vector<16xi32>
        %gather3A_131 = tpu.vector_load_idx %arg12[%add3A_109, %broadcast_in_dim3A_130] : memref<128x128xf32, #tpu.memory_space<vmem>>[vector<16xi32>, vector<16xi32>], vector<16xf32>,
        %gather3A_132 = tpu.vector_load_idx %arg13[%add3A_109, %broadcast_in_dim3A_130] : memref<128x128xf32, #tpu.memory_space<vmem>>[vector<16xi32>, vector<16xi32>], vector<16xf32>,
        %sub3A_133 = arith.subf %gather3A_131, %gather3A_132 : vector<16xf32>
        %mul3A_134 = arith.mulf %sub3A_133, %sub3A_133 : vector<16xf32>
        %add3A_135 = arith.addf %broadcast_in_dim3A_114, %mul3A_134 : vector<16xf32>
        %broadcast_in_dim3A_136 = arith.constant 3 : i32
        %broadcast_in_dim3A_137 = vector.broadcast %broadcast_in_dim3A_136 : i32 to vector<16xi32>
        %gather3A_138 = tpu.vector_load_idx %arg12[%add3A_109, %broadcast_in_dim3A_137] : memref<128x128xf32, #tpu.memory_space<vmem>>[vector<16xi32>, vector<16xi32>], vector<16xf32>,
        %gather3A_139 = tpu.vector_load_idx %arg13[%add3A_109, %broadcast_in_dim3A_137] : memref<128x128xf32, #tpu.memory_space<vmem>>[vector<16xi32>, vector<16xi32>], vector<16xf32>,
        %sub3A_140 = arith.subf %gather3A_138, %gather3A_139 : vector<16xf32>
        %mul3A_141 = arith.mulf %sub3A_140, %sub3A_140 : vector<16xf32>
        %add3A_142 = arith.addf %broadcast_in_dim3A_116, %mul3A_141 : vector<16xf32>
        %broadcast_in_dim3A_143 = arith.constant 4 : i32
        %broadcast_in_dim3A_144 = vector.broadcast %broadcast_in_dim3A_143 : i32 to vector<16xi32>
        %gather3A_145 = tpu.vector_load_idx %arg12[%add3A_109, %broadcast_in_dim3A_144] : memref<128x128xf32, #tpu.memory_space<vmem>>[vector<16xi32>, vector<16xi32>], vector<16xf32>,
        %gather3A_146 = tpu.vector_load_idx %arg13[%add3A_109, %broadcast_in_dim3A_144] : memref<128x128xf32, #tpu.memory_space<vmem>>[vector<16xi32>, vector<16xi32>], vector<16xf32>,
        %sub3A_147 = arith.subf %gather3A_145, %gather3A_146 : vector<16xf32>
        %mul3A_148 = arith.mulf %sub3A_147, %sub3A_147 : vector<16xf32>
        %add3A_149 = arith.addf %add3A_121, %mul3A_148 : vector<16xf32>
        %broadcast_in_dim3A_150 = arith.constant 5 : i32
        %broadcast_in_dim3A_151 = vector.broadcast %broadcast_in_dim3A_150 : i32 to vector<16xi32>
        %gather3A_152 = tpu.vector_load_idx %arg12[%add3A_109, %broadcast_in_dim3A_151] : memref<128x128xf32, #tpu.memory_space<vmem>>[vector<16xi32>, vector<16xi32>], vector<16xf32>,
        %gather3A_153 = tpu.vector_load_idx %arg13[%add3A_109, %broadcast_in_dim3A_151] : memref<128x128xf32, #tpu.memory_space<vmem>>[vector<16xi32>, vector<16xi32>], vector<16xf32>,
        %sub3A_154 = arith.subf %gather3A_152, %gather3A_153 : vector<16xf32>
        %mul3A_155 = arith.mulf %sub3A_154, %sub3A_154 : vector<16xf32>
        %add3A_156 = arith.addf %add3A_128, %mul3A_155 : vector<16xf32>
        %broadcast_in_dim3A_157 = arith.constant 6 : i32
        %broadcast_in_dim3A_158 = vector.broadcast %broadcast_in_dim3A_157 : i32 to vector<16xi32>
        %gather3A_159 = tpu.vector_load_idx %arg12[%add3A_109, %broadcast_in_dim3A_158] : memref<128x128xf32, #tpu.memory_space<vmem>>[vector<16xi32>, vector<16xi32>], vector<16xf32>,
        %gather3A_160 = tpu.vector_load_idx %arg13[%add3A_109, %broadcast_in_dim3A_158] : memref<128x128xf32, #tpu.memory_space<vmem>>[vector<16xi32>, vector<16xi32>], vector<16xf32>,
        %sub3A_161 = arith.subf %gather3A_159, %gather3A_160 : vector<16xf32>
        %mul3A_162 = arith.mulf %sub3A_161, %sub3A_161 : vector<16xf32>
        %add3A_163 = arith.addf %add3A_135, %mul3A_162 : vector<16xf32>
        %broadcast_in_dim3A_164 = arith.constant 7 : i32
        %broadcast_in_dim3A_165 = vector.broadcast %broadcast_in_dim3A_164 : i32 to vector<16xi32>
        %gather3A_166 = tpu.vector_load_idx %arg12[%add3A_109, %broadcast_in_dim3A_165] : memref<128x128xf32, #tpu.memory_space<vmem>>[vector<16xi32>, vector<16xi32>], vector<16xf32>,
        %gather3A_167 = tpu.vector_load_idx %arg13[%add3A_109, %broadcast_in_dim3A_165] : memref<128x128xf32, #tpu.memory_space<vmem>>[vector<16xi32>, vector<16xi32>], vector<16xf32>,
        %sub3A_168 = arith.subf %gather3A_166, %gather3A_167 : vector<16xf32>
        %mul3A_169 = arith.mulf %sub3A_168, %sub3A_168 : vector<16xf32>
        %add3A_170 = arith.addf %add3A_142, %mul3A_169 : vector<16xf32>
        %broadcast_in_dim3A_171 = arith.constant 8 : i32
        %broadcast_in_dim3A_172 = vector.broadcast %broadcast_in_dim3A_171 : i32 to vector<16xi32>
        %gather3A_173 = tpu.vector_load_idx %arg12[%add3A_109, %broadcast_in_dim3A_172] : memref<128x128xf32, #tpu.memory_space<vmem>>[vector<16xi32>, vector<16xi32>], vector<16xf32>,
        %gather3A_174 = tpu.vector_load_idx %arg13[%add3A_109, %broadcast_in_dim3A_172] : memref<128x128xf32, #tpu.memory_space<vmem>>[vector<16xi32>, vector<16xi32>], vector<16xf32>,
        %sub3A_175 = arith.subf %gather3A_173, %gather3A_174 : vector<16xf32>
        %mul3A_176 = arith.mulf %sub3A_175, %sub3A_175 : vector<16xf32>
        %add3A_177 = arith.addf %add3A_149, %mul3A_176 : vector<16xf32>
        %broadcast_in_dim3A_178 = arith.constant 9 : i32
        %broadcast_in_dim3A_179 = vector.broadcast %broadcast_in_dim3A_178 : i32 to vector<16xi32>
        %gather3A_180 = tpu.vector_load_idx %arg12[%add3A_109, %broadcast_in_dim3A_179] : memref<128x128xf32, #tpu.memory_space<vmem>>[vector<16xi32>, vector<16xi32>], vector<16xf32>,
        %gather3A_181 = tpu.vector_load_idx %arg13[%add3A_109, %broadcast_in_dim3A_179] : memref<128x128xf32, #tpu.memory_space<vmem>>[vector<16xi32>, vector<16xi32>], vector<16xf32>,
        %sub3A_182 = arith.subf %gather3A_180, %gather3A_181 : vector<16xf32>
        %mul3A_183 = arith.mulf %sub3A_182, %sub3A_182 : vector<16xf32>
        %add3A_184 = arith.addf %add3A_156, %mul3A_183 : vector<16xf32>
        %broadcast_in_dim3A_185 = arith.constant 10 : i32
        %broadcast_in_dim3A_186 = vector.broadcast %broadcast_in_dim3A_185 : i32 to vector<16xi32>
        %gather3A_187 = tpu.vector_load_idx %arg12[%add3A_109, %broadcast_in_dim3A_186] : memref<128x128xf32, #tpu.memory_space<vmem>>[vector<16xi32>, vector<16xi32>], vector<16xf32>,
        %gather3A_188 = tpu.vector_load_idx %arg13[%add3A_109, %broadcast_in_dim3A_186] : memref<128x128xf32, #tpu.memory_space<vmem>>[vector<16xi32>, vector<16xi32>], vector<16xf32>,
        %sub3A_189 = arith.subf %gather3A_187, %gather3A_188 : vector<16xf32>
        %mul3A_190 = arith.mulf %sub3A_189, %sub3A_189 : vector<16xf32>
        %add3A_191 = arith.addf %add3A_163, %mul3A_190 : vector<16xf32>
        %broadcast_in_dim3A_192 = arith.constant 11 : i32
        %broadcast_in_dim3A_193 = vector.broadcast %broadcast_in_dim3A_192 : i32 to vector<16xi32>
        %gather3A_194 = tpu.vector_load_idx %arg12[%add3A_109, %broadcast_in_dim3A_193] : memref<128x128xf32, #tpu.memory_space<vmem>>[vector<16xi32>, vector<16xi32>], vector<16xf32>,
        %gather3A_195 = tpu.vector_load_idx %arg13[%add3A_109, %broadcast_in_dim3A_193] : memref<128x128xf32, #tpu.memory_space<vmem>>[vector<16xi32>, vector<16xi32>], vector<16xf32>,
        %sub3A_196 = arith.subf %gather3A_194, %gather3A_195 : vector<16xf32>
        %mul3A_197 = arith.mulf %sub3A_196, %sub3A_196 : vector<16xf32>
        %add3A_198 = arith.addf %add3A_170, %mul3A_197 : vector<16xf32>
        %broadcast_in_dim3A_199 = arith.constant 12 : i32
        %broadcast_in_dim3A_200 = vector.broadcast %broadcast_in_dim3A_199 : i32 to vector<16xi32>
        %gather3A_201 = tpu.vector_load_idx %arg12[%add3A_109, %broadcast_in_dim3A_200] : memref<128x128xf32, #tpu.memory_space<vmem>>[vector<16xi32>, vector<16xi32>], vector<16xf32>,
        %gather3A_202 = tpu.vector_load_idx %arg13[%add3A_109, %broadcast_in_dim3A_200] : memref<128x128xf32, #tpu.memory_space<vmem>>[vector<16xi32>, vector<16xi32>], vector<16xf32>,
        %sub3A_203 = arith.subf %gather3A_201, %gather3A_202 : vector<16xf32>
        %mul3A_204 = arith.mulf %sub3A_203, %sub3A_203 : vector<16xf32>
        %add3A_205 = arith.addf %add3A_177, %mul3A_204 : vector<16xf32>
        %broadcast_in_dim3A_206 = arith.constant 13 : i32
        %broadcast_in_dim3A_207 = vector.broadcast %broadcast_in_dim3A_206 : i32 to vector<16xi32>
        %gather3A_208 = tpu.vector_load_idx %arg12[%add3A_109, %broadcast_in_dim3A_207] : memref<128x128xf32, #tpu.memory_space<vmem>>[vector<16xi32>, vector<16xi32>], vector<16xf32>,
        %gather3A_209 = tpu.vector_load_idx %arg13[%add3A_109, %broadcast_in_dim3A_207] : memref<128x128xf32, #tpu.memory_space<vmem>>[vector<16xi32>, vector<16xi32>], vector<16xf32>,
        %sub3A_210 = arith.subf %gather3A_208, %gather3A_209 : vector<16xf32>
        %mul3A_211 = arith.mulf %sub3A_210, %sub3A_210 : vector<16xf32>
        %add3A_212 = arith.addf %add3A_184, %mul3A_211 : vector<16xf32>
        %broadcast_in_dim3A_213 = arith.constant 14 : i32
        %broadcast_in_dim3A_214 = vector.broadcast %broadcast_in_dim3A_213 : i32 to vector<16xi32>
        %gather3A_215 = tpu.vector_load_idx %arg12[%add3A_109, %broadcast_in_dim3A_214] : memref<128x128xf32, #tpu.memory_space<vmem>>[vector<16xi32>, vector<16xi32>], vector<16xf32>,
        %gather3A_216 = tpu.vector_load_idx %arg13[%add3A_109, %broadcast_in_dim3A_214] : memref<128x128xf32, #tpu.memory_space<vmem>>[vector<16xi32>, vector<16xi32>], vector<16xf32>,
        %sub3A_217 = arith.subf %gather3A_215, %gather3A_216 : vector<16xf32>
        %mul3A_218 = arith.mulf %sub3A_217, %sub3A_217 : vector<16xf32>
        %add3A_219 = arith.addf %add3A_191, %mul3A_218 : vector<16xf32>
        %broadcast_in_dim3A_220 = arith.constant 15 : i32
        %broadcast_in_dim3A_221 = vector.broadcast %broadcast_in_dim3A_220 : i32 to vector<16xi32>
        %gather3A_222 = tpu.vector_load_idx %arg12[%add3A_109, %broadcast_in_dim3A_221] : memref<128x128xf32, #tpu.memory_space<vmem>>[vector<16xi32>, vector<16xi32>], vector<16xf32>,
        %gather3A_223 = tpu.vector_load_idx %arg13[%add3A_109, %broadcast_in_dim3A_221] : memref<128x128xf32, #tpu.memory_space<vmem>>[vector<16xi32>, vector<16xi32>], vector<16xf32>,
        %sub3A_224 = arith.subf %gather3A_222, %gather3A_223 : vector<16xf32>
        %mul3A_225 = arith.mulf %sub3A_224, %sub3A_224 : vector<16xf32>
        %add3A_226 = arith.addf %add3A_198, %mul3A_225 : vector<16xf32>
        %broadcast_in_dim3A_227 = arith.constant 16 : i32
        %broadcast_in_dim3A_228 = vector.broadcast %broadcast_in_dim3A_227 : i32 to vector<16xi32>
        %gather3A_229 = tpu.vector_load_idx %arg12[%add3A_109, %broadcast_in_dim3A_228] : memref<128x128xf32, #tpu.memory_space<vmem>>[vector<16xi32>, vector<16xi32>], vector<16xf32>,
        %gather3A_230 = tpu.vector_load_idx %arg13[%add3A_109, %broadcast_in_dim3A_228] : memref<128x128xf32, #tpu.memory_space<vmem>>[vector<16xi32>, vector<16xi32>], vector<16xf32>,
        %sub3A_231 = arith.subf %gather3A_229, %gather3A_230 : vector<16xf32>
        %mul3A_232 = arith.mulf %sub3A_231, %sub3A_231 : vector<16xf32>
        %add3A_233 = arith.addf %add3A_205, %mul3A_232 : vector<16xf32>
        %broadcast_in_dim3A_234 = arith.constant 17 : i32
        %broadcast_in_dim3A_235 = vector.broadcast %broadcast_in_dim3A_234 : i32 to vector<16xi32>
        %gather3A_236 = tpu.vector_load_idx %arg12[%add3A_109, %broadcast_in_dim3A_235] : memref<128x128xf32, #tpu.memory_space<vmem>>[vector<16xi32>, vector<16xi32>], vector<16xf32>,
        %gather3A_237 = tpu.vector_load_idx %arg13[%add3A_109, %broadcast_in_dim3A_235] : memref<128x128xf32, #tpu.memory_space<vmem>>[vector<16xi32>, vector<16xi32>], vector<16xf32>,
        %sub3A_238 = arith.subf %gather3A_236, %gather3A_237 : vector<16xf32>
        %mul3A_239 = arith.mulf %sub3A_238, %sub3A_238 : vector<16xf32>
        %add3A_240 = arith.addf %add3A_212, %mul3A_239 : vector<16xf32>
        %broadcast_in_dim3A_241 = arith.constant 18 : i32
        %broadcast_in_dim3A_242 = vector.broadcast %broadcast_in_dim3A_241 : i32 to vector<16xi32>
        %gather3A_243 = tpu.vector_load_idx %arg12[%add3A_109, %broadcast_in_dim3A_242] : memref<128x128xf32, #tpu.memory_space<vmem>>[vector<16xi32>, vector<16xi32>], vector<16xf32>,
        %gather3A_244 = tpu.vector_load_idx %arg13[%add3A_109, %broadcast_in_dim3A_242] : memref<128x128xf32, #tpu.memory_space<vmem>>[vector<16xi32>, vector<16xi32>], vector<16xf32>,
        %sub3A_245 = arith.subf %gather3A_243, %gather3A_244 : vector<16xf32>
        %mul3A_246 = arith.mulf %sub3A_245, %sub3A_245 : vector<16xf32>
        %add3A_247 = arith.addf %add3A_219, %mul3A_246 : vector<16xf32>
        %broadcast_in_dim3A_248 = arith.constant 19 : i32
        %broadcast_in_dim3A_249 = vector.broadcast %broadcast_in_dim3A_248 : i32 to vector<16xi32>
        %gather3A_250 = tpu.vector_load_idx %arg12[%add3A_109, %broadcast_in_dim3A_249] : memref<128x128xf32, #tpu.memory_space<vmem>>[vector<16xi32>, vector<16xi32>], vector<16xf32>,
        %gather3A_251 = tpu.vector_load_idx %arg13[%add3A_109, %broadcast_in_dim3A_249] : memref<128x128xf32, #tpu.memory_space<vmem>>[vector<16xi32>, vector<16xi32>], vector<16xf32>,
        %sub3A_252 = arith.subf %gather3A_250, %gather3A_251 : vector<16xf32>
        %mul3A_253 = arith.mulf %sub3A_252, %sub3A_252 : vector<16xf32>
        %add3A_254 = arith.addf %add3A_226, %mul3A_253 : vector<16xf32>
        %broadcast_in_dim3A_255 = arith.constant 20 : i32
        %broadcast_in_dim3A_256 = vector.broadcast %broadcast_in_dim3A_255 : i32 to vector<16xi32>
        %gather3A_257 = tpu.vector_load_idx %arg12[%add3A_109, %broadcast_in_dim3A_256] : memref<128x128xf32, #tpu.memory_space<vmem>>[vector<16xi32>, vector<16xi32>], vector<16xf32>,
        %gather3A_258 = tpu.vector_load_idx %arg13[%add3A_109, %broadcast_in_dim3A_256] : memref<128x128xf32, #tpu.memory_space<vmem>>[vector<16xi32>, vector<16xi32>], vector<16xf32>,
        %sub3A_259 = arith.subf %gather3A_257, %gather3A_258 : vector<16xf32>
        %mul3A_260 = arith.mulf %sub3A_259, %sub3A_259 : vector<16xf32>
        %add3A_261 = arith.addf %add3A_233, %mul3A_260 : vector<16xf32>
        %broadcast_in_dim3A_262 = arith.constant 21 : i32
        %broadcast_in_dim3A_263 = vector.broadcast %broadcast_in_dim3A_262 : i32 to vector<16xi32>
        %gather3A_264 = tpu.vector_load_idx %arg12[%add3A_109, %broadcast_in_dim3A_263] : memref<128x128xf32, #tpu.memory_space<vmem>>[vector<16xi32>, vector<16xi32>], vector<16xf32>,
        %gather3A_265 = tpu.vector_load_idx %arg13[%add3A_109, %broadcast_in_dim3A_263] : memref<128x128xf32, #tpu.memory_space<vmem>>[vector<16xi32>, vector<16xi32>], vector<16xf32>,
        %sub3A_266 = arith.subf %gather3A_264, %gather3A_265 : vector<16xf32>
        %mul3A_267 = arith.mulf %sub3A_266, %sub3A_266 : vector<16xf32>
        %add3A_268 = arith.addf %add3A_240, %mul3A_267 : vector<16xf32>
        %broadcast_in_dim3A_269 = arith.constant 22 : i32
        %broadcast_in_dim3A_270 = vector.broadcast %broadcast_in_dim3A_269 : i32 to vector<16xi32>
        %gather3A_271 = tpu.vector_load_idx %arg12[%add3A_109, %broadcast_in_dim3A_270] : memref<128x128xf32, #tpu.memory_space<vmem>>[vector<16xi32>, vector<16xi32>], vector<16xf32>,
        %gather3A_272 = tpu.vector_load_idx %arg13[%add3A_109, %broadcast_in_dim3A_270] : memref<128x128xf32, #tpu.memory_space<vmem>>[vector<16xi32>, vector<16xi32>], vector<16xf32>,
        %sub3A_273 = arith.subf %gather3A_271, %gather3A_272 : vector<16xf32>
        %mul3A_274 = arith.mulf %sub3A_273, %sub3A_273 : vector<16xf32>
        %add3A_275 = arith.addf %add3A_247, %mul3A_274 : vector<16xf32>
        %broadcast_in_dim3A_276 = arith.constant 23 : i32
        %broadcast_in_dim3A_277 = vector.broadcast %broadcast_in_dim3A_276 : i32 to vector<16xi32>
        %gather3A_278 = tpu.vector_load_idx %arg12[%add3A_109, %broadcast_in_dim3A_277] : memref<128x128xf32, #tpu.memory_space<vmem>>[vector<16xi32>, vector<16xi32>], vector<16xf32>,
        %gather3A_279 = tpu.vector_load_idx %arg13[%add3A_109, %broadcast_in_dim3A_277] : memref<128x128xf32, #tpu.memory_space<vmem>>[vector<16xi32>, vector<16xi32>], vector<16xf32>,
        %sub3A_280 = arith.subf %gather3A_278, %gather3A_279 : vector<16xf32>
        %mul3A_281 = arith.mulf %sub3A_280, %sub3A_280 : vector<16xf32>
        %add3A_282 = arith.addf %add3A_254, %mul3A_281 : vector<16xf32>
        %broadcast_in_dim3A_283 = arith.constant 24 : i32
        %broadcast_in_dim3A_284 = vector.broadcast %broadcast_in_dim3A_283 : i32 to vector<16xi32>
        %gather3A_285 = tpu.vector_load_idx %arg12[%add3A_109, %broadcast_in_dim3A_284] : memref<128x128xf32, #tpu.memory_space<vmem>>[vector<16xi32>, vector<16xi32>], vector<16xf32>,
        %gather3A_286 = tpu.vector_load_idx %arg13[%add3A_109, %broadcast_in_dim3A_284] : memref<128x128xf32, #tpu.memory_space<vmem>>[vector<16xi32>, vector<16xi32>], vector<16xf32>,
        %sub3A_287 = arith.subf %gather3A_285, %gather3A_286 : vector<16xf32>
        %mul3A_288 = arith.mulf %sub3A_287, %sub3A_287 : vector<16xf32>
        %add3A_289 = arith.addf %add3A_261, %mul3A_288 : vector<16xf32>
        %broadcast_in_dim3A_290 = arith.constant 25 : i32
        %broadcast_in_dim3A_291 = vector.broadcast %broadcast_in_dim3A_290 : i32 to vector<16xi32>
        %gather3A_292 = tpu.vector_load_idx %arg12[%add3A_109, %broadcast_in_dim3A_291] : memref<128x128xf32, #tpu.memory_space<vmem>>[vector<16xi32>, vector<16xi32>], vector<16xf32>,
        %gather3A_293 = tpu.vector_load_idx %arg13[%add3A_109, %broadcast_in_dim3A_291] : memref<128x128xf32, #tpu.memory_space<vmem>>[vector<16xi32>, vector<16xi32>], vector<16xf32>,
        %sub3A_294 = arith.subf %gather3A_292, %gather3A_293 : vector<16xf32>
        %mul3A_295 = arith.mulf %sub3A_294, %sub3A_294 : vector<16xf32>
        %add3A_296 = arith.addf %add3A_268, %mul3A_295 : vector<16xf32>
        %broadcast_in_dim3A_297 = arith.constant 26 : i32
        %broadcast_in_dim3A_298 = vector.broadcast %broadcast_in_dim3A_297 : i32 to vector<16xi32>
        %gather3A_299 = tpu.vector_load_idx %arg12[%add3A_109, %broadcast_in_dim3A_298] : memref<128x128xf32, #tpu.memory_space<vmem>>[vector<16xi32>, vector<16xi32>], vector<16xf32>,
        %gather3A_300 = tpu.vector_load_idx %arg13[%add3A_109, %broadcast_in_dim3A_298] : memref<128x128xf32, #tpu.memory_space<vmem>>[vector<16xi32>, vector<16xi32>], vector<16xf32>,
        %sub3A_301 = arith.subf %gather3A_299, %gather3A_300 : vector<16xf32>
        %mul3A_302 = arith.mulf %sub3A_301, %sub3A_301 : vector<16xf32>
        %add3A_303 = arith.addf %add3A_275, %mul3A_302 : vector<16xf32>
        %broadcast_in_dim3A_304 = arith.constant 27 : i32
        %broadcast_in_dim3A_305 = vector.broadcast %broadcast_in_dim3A_304 : i32 to vector<16xi32>
        %gather3A_306 = tpu.vector_load_idx %arg12[%add3A_109, %broadcast_in_dim3A_305] : memref<128x128xf32, #tpu.memory_space<vmem>>[vector<16xi32>, vector<16xi32>], vector<16xf32>,
        %gather3A_307 = tpu.vector_load_idx %arg13[%add3A_109, %broadcast_in_dim3A_305] : memref<128x128xf32, #tpu.memory_space<vmem>>[vector<16xi32>, vector<16xi32>], vector<16xf32>,
        %sub3A_308 = arith.subf %gather3A_306, %gather3A_307 : vector<16xf32>
        %mul3A_309 = arith.mulf %sub3A_308, %sub3A_308 : vector<16xf32>
        %add3A_310 = arith.addf %add3A_282, %mul3A_309 : vector<16xf32>
        %broadcast_in_dim3A_311 = arith.constant 28 : i32
        %broadcast_in_dim3A_312 = vector.broadcast %broadcast_in_dim3A_311 : i32 to vector<16xi32>
        %gather3A_313 = tpu.vector_load_idx %arg12[%add3A_109, %broadcast_in_dim3A_312] : memref<128x128xf32, #tpu.memory_space<vmem>>[vector<16xi32>, vector<16xi32>], vector<16xf32>,
        %gather3A_314 = tpu.vector_load_idx %arg13[%add3A_109, %broadcast_in_dim3A_312] : memref<128x128xf32, #tpu.memory_space<vmem>>[vector<16xi32>, vector<16xi32>], vector<16xf32>,
        %sub3A_315 = arith.subf %gather3A_313, %gather3A_314 : vector<16xf32>
        %mul3A_316 = arith.mulf %sub3A_315, %sub3A_315 : vector<16xf32>
        %add3A_317 = arith.addf %add3A_289, %mul3A_316 : vector<16xf32>
        %broadcast_in_dim3A_318 = arith.constant 29 : i32
        %broadcast_in_dim3A_319 = vector.broadcast %broadcast_in_dim3A_318 : i32 to vector<16xi32>
        %gather3A_320 = tpu.vector_load_idx %arg12[%add3A_109, %broadcast_in_dim3A_319] : memref<128x128xf32, #tpu.memory_space<vmem>>[vector<16xi32>, vector<16xi32>], vector<16xf32>,
        %gather3A_321 = tpu.vector_load_idx %arg13[%add3A_109, %broadcast_in_dim3A_319] : memref<128x128xf32, #tpu.memory_space<vmem>>[vector<16xi32>, vector<16xi32>], vector<16xf32>,
        %sub3A_322 = arith.subf %gather3A_320, %gather3A_321 : vector<16xf32>
        %mul3A_323 = arith.mulf %sub3A_322, %sub3A_322 : vector<16xf32>
        %add3A_324 = arith.addf %add3A_296, %mul3A_323 : vector<16xf32>
        %broadcast_in_dim3A_325 = arith.constant 30 : i32
        %broadcast_in_dim3A_326 = vector.broadcast %broadcast_in_dim3A_325 : i32 to vector<16xi32>
        %gather3A_327 = tpu.vector_load_idx %arg12[%add3A_109, %broadcast_in_dim3A_326] : memref<128x128xf32, #tpu.memory_space<vmem>>[vector<16xi32>, vector<16xi32>], vector<16xf32>,
        %gather3A_328 = tpu.vector_load_idx %arg13[%add3A_109, %broadcast_in_dim3A_326] : memref<128x128xf32, #tpu.memory_space<vmem>>[vector<16xi32>, vector<16xi32>], vector<16xf32>,
        %sub3A_329 = arith.subf %gather3A_327, %gather3A_328 : vector<16xf32>
        %mul3A_330 = arith.mulf %sub3A_329, %sub3A_329 : vector<16xf32>
        %add3A_331 = arith.addf %add3A_303, %mul3A_330 : vector<16xf32>
        %broadcast_in_dim3A_332 = arith.constant 31 : i32
        %broadcast_in_dim3A_333 = vector.broadcast %broadcast_in_dim3A_332 : i32 to vector<16xi32>
        %gather3A_334 = tpu.vector_load_idx %arg12[%add3A_109, %broadcast_in_dim3A_333] : memref<128x128xf32, #tpu.memory_space<vmem>>[vector<16xi32>, vector<16xi32>], vector<16xf32>,
        %gather3A_335 = tpu.vector_load_idx %arg13[%add3A_109, %broadcast_in_dim3A_333] : memref<128x128xf32, #tpu.memory_space<vmem>>[vector<16xi32>, vector<16xi32>], vector<16xf32>,
        %sub3A_336 = arith.subf %gather3A_334, %gather3A_335 : vector<16xf32>
        %mul3A_337 = arith.mulf %sub3A_336, %sub3A_336 : vector<16xf32>
        %add3A_338 = arith.addf %add3A_310, %mul3A_337 : vector<16xf32>
        %broadcast_in_dim3A_339 = arith.constant 32 : i32
        %broadcast_in_dim3A_340 = vector.broadcast %broadcast_in_dim3A_339 : i32 to vector<16xi32>
        %gather3A_341 = tpu.vector_load_idx %arg12[%add3A_109, %broadcast_in_dim3A_340] : memref<128x128xf32, #tpu.memory_space<vmem>>[vector<16xi32>, vector<16xi32>], vector<16xf32>,
        %gather3A_342 = tpu.vector_load_idx %arg13[%add3A_109, %broadcast_in_dim3A_340] : memref<128x128xf32, #tpu.memory_space<vmem>>[vector<16xi32>, vector<16xi32>], vector<16xf32>,
        %sub3A_343 = arith.subf %gather3A_341, %gather3A_342 : vector<16xf32>
        %mul3A_344 = arith.mulf %sub3A_343, %sub3A_343 : vector<16xf32>
        %add3A_345 = arith.addf %add3A_317, %mul3A_344 : vector<16xf32>
        %broadcast_in_dim3A_346 = arith.constant 33 : i32
        %broadcast_in_dim3A_347 = vector.broadcast %broadcast_in_dim3A_346 : i32 to vector<16xi32>
        %gather3A_348 = tpu.vector_load_idx %arg12[%add3A_109, %broadcast_in_dim3A_347] : memref<128x128xf32, #tpu.memory_space<vmem>>[vector<16xi32>, vector<16xi32>], vector<16xf32>,
        %gather3A_349 = tpu.vector_load_idx %arg13[%add3A_109, %broadcast_in_dim3A_347] : memref<128x128xf32, #tpu.memory_space<vmem>>[vector<16xi32>, vector<16xi32>], vector<16xf32>,
        %sub3A_350 = arith.subf %gather3A_348, %gather3A_349 : vector<16xf32>
        %mul3A_351 = arith.mulf %sub3A_350, %sub3A_350 : vector<16xf32>
        %add3A_352 = arith.addf %add3A_324, %mul3A_351 : vector<16xf32>
        %broadcast_in_dim3A_353 = arith.constant 34 : i32
        %broadcast_in_dim3A_354 = vector.broadcast %broadcast_in_dim3A_353 : i32 to vector<16xi32>
        %gather3A_355 = tpu.vector_load_idx %arg12[%add3A_109, %broadcast_in_dim3A_354] : memref<128x128xf32, #tpu.memory_space<vmem>>[vector<16xi32>, vector<16xi32>], vector<16xf32>,
        %gather3A_356 = tpu.vector_load_idx %arg13[%add3A_109, %broadcast_in_dim3A_354] : memref<128x128xf32, #tpu.memory_space<vmem>>[vector<16xi32>, vector<16xi32>], vector<16xf32>,
        %sub3A_357 = arith.subf %gather3A_355, %gather3A_356 : vector<16xf32>
        %mul3A_358 = arith.mulf %sub3A_357, %sub3A_357 : vector<16xf32>
        %add3A_359 = arith.addf %add3A_331, %mul3A_358 : vector<16xf32>
        %broadcast_in_dim3A_360 = arith.constant 35 : i32
        %broadcast_in_dim3A_361 = vector.broadcast %broadcast_in_dim3A_360 : i32 to vector<16xi32>
        %gather3A_362 = tpu.vector_load_idx %arg12[%add3A_109, %broadcast_in_dim3A_361] : memref<128x128xf32, #tpu.memory_space<vmem>>[vector<16xi32>, vector<16xi32>], vector<16xf32>,
        %gather3A_363 = tpu.vector_load_idx %arg13[%add3A_109, %broadcast_in_dim3A_361] : memref<128x128xf32, #tpu.memory_space<vmem>>[vector<16xi32>, vector<16xi32>], vector<16xf32>,
        %sub3A_364 = arith.subf %gather3A_362, %gather3A_363 : vector<16xf32>
        %mul3A_365 = arith.mulf %sub3A_364, %sub3A_364 : vector<16xf32>
        %add3A_366 = arith.addf %add3A_338, %mul3A_365 : vector<16xf32>
        %broadcast_in_dim3A_367 = arith.constant 36 : i32
        %broadcast_in_dim3A_368 = vector.broadcast %broadcast_in_dim3A_367 : i32 to vector<16xi32>
        %gather3A_369 = tpu.vector_load_idx %arg12[%add3A_109, %broadcast_in_dim3A_368] : memref<128x128xf32, #tpu.memory_space<vmem>>[vector<16xi32>, vector<16xi32>], vector<16xf32>,
        %gather3A_370 = tpu.vector_load_idx %arg13[%add3A_109, %broadcast_in_dim3A_368] : memref<128x128xf32, #tpu.memory_space<vmem>>[vector<16xi32>, vector<16xi32>], vector<16xf32>,
        %sub3A_371 = arith.subf %gather3A_369, %gather3A_370 : vector<16xf32>
        %mul3A_372 = arith.mulf %sub3A_371, %sub3A_371 : vector<16xf32>
        %add3A_373 = arith.addf %add3A_345, %mul3A_372 : vector<16xf32>
        %broadcast_in_dim3A_374 = arith.constant 37 : i32
        %broadcast_in_dim3A_375 = vector.broadcast %broadcast_in_dim3A_374 : i32 to vector<16xi32>
        %gather3A_376 = tpu.vector_load_idx %arg12[%add3A_109, %broadcast_in_dim3A_375] : memref<128x128xf32, #tpu.memory_space<vmem>>[vector<16xi32>, vector<16xi32>], vector<16xf32>,
        %gather3A_377 = tpu.vector_load_idx %arg13[%add3A_109, %broadcast_in_dim3A_375] : memref<128x128xf32, #tpu.memory_space<vmem>>[vector<16xi32>, vector<16xi32>], vector<16xf32>,
        %sub3A_378 = arith.subf %gather3A_376, %gather3A_377 : vector<16xf32>
        %mul3A_379 = arith.mulf %sub3A_378, %sub3A_378 : vector<16xf32>
        %add3A_380 = arith.addf %add3A_352, %mul3A_379 : vector<16xf32>
        %broadcast_in_dim3A_381 = arith.constant 38 : i32
        %broadcast_in_dim3A_382 = vector.broadcast %broadcast_in_dim3A_381 : i32 to vector<16xi32>
        %gather3A_383 = tpu.vector_load_idx %arg12[%add3A_109, %broadcast_in_dim3A_382] : memref<128x128xf32, #tpu.memory_space<vmem>>[vector<16xi32>, vector<16xi32>], vector<16xf32>,
        %gather3A_384 = tpu.vector_load_idx %arg13[%add3A_109, %broadcast_in_dim3A_382] : memref<128x128xf32, #tpu.memory_space<vmem>>[vector<16xi32>, vector<16xi32>], vector<16xf32>,
        %sub3A_385 = arith.subf %gather3A_383, %gather3A_384 : vector<16xf32>
        %mul3A_386 = arith.mulf %sub3A_385, %sub3A_385 : vector<16xf32>
        %add3A_387 = arith.addf %add3A_359, %mul3A_386 : vector<16xf32>
        %broadcast_in_dim3A_388 = arith.constant 39 : i32
        %broadcast_in_dim3A_389 = vector.broadcast %broadcast_in_dim3A_388 : i32 to vector<16xi32>
        %gather3A_390 = tpu.vector_load_idx %arg12[%add3A_109, %broadcast_in_dim3A_389] : memref<128x128xf32, #tpu.memory_space<vmem>>[vector<16xi32>, vector<16xi32>], vector<16xf32>,
        %gather3A_391 = tpu.vector_load_idx %arg13[%add3A_109, %broadcast_in_dim3A_389] : memref<128x128xf32, #tpu.memory_space<vmem>>[vector<16xi32>, vector<16xi32>], vector<16xf32>,
        %sub3A_392 = arith.subf %gather3A_390, %gather3A_391 : vector<16xf32>
        %mul3A_393 = arith.mulf %sub3A_392, %sub3A_392 : vector<16xf32>
        %add3A_394 = arith.addf %add3A_366, %mul3A_393 : vector<16xf32>
        %broadcast_in_dim3A_395 = arith.constant 40 : i32
        %broadcast_in_dim3A_396 = vector.broadcast %broadcast_in_dim3A_395 : i32 to vector<16xi32>
        %gather3A_397 = tpu.vector_load_idx %arg12[%add3A_109, %broadcast_in_dim3A_396] : memref<128x128xf32, #tpu.memory_space<vmem>>[vector<16xi32>, vector<16xi32>], vector<16xf32>,
        %gather3A_398 = tpu.vector_load_idx %arg13[%add3A_109, %broadcast_in_dim3A_396] : memref<128x128xf32, #tpu.memory_space<vmem>>[vector<16xi32>, vector<16xi32>], vector<16xf32>,
        %sub3A_399 = arith.subf %gather3A_397, %gather3A_398 : vector<16xf32>
        %mul3A_400 = arith.mulf %sub3A_399, %sub3A_399 : vector<16xf32>
        %add3A_401 = arith.addf %add3A_373, %mul3A_400 : vector<16xf32>
        %broadcast_in_dim3A_402 = arith.constant 41 : i32
        %broadcast_in_dim3A_403 = vector.broadcast %broadcast_in_dim3A_402 : i32 to vector<16xi32>
        %gather3A_404 = tpu.vector_load_idx %arg12[%add3A_109, %broadcast_in_dim3A_403] : memref<128x128xf32, #tpu.memory_space<vmem>>[vector<16xi32>, vector<16xi32>], vector<16xf32>,
        %gather3A_405 = tpu.vector_load_idx %arg13[%add3A_109, %broadcast_in_dim3A_403] : memref<128x128xf32, #tpu.memory_space<vmem>>[vector<16xi32>, vector<16xi32>], vector<16xf32>,
        %sub3A_406 = arith.subf %gather3A_404, %gather3A_405 : vector<16xf32>
        %mul3A_407 = arith.mulf %sub3A_406, %sub3A_406 : vector<16xf32>
        %add3A_408 = arith.addf %add3A_380, %mul3A_407 : vector<16xf32>
        %broadcast_in_dim3A_409 = arith.constant 42 : i32
        %broadcast_in_dim3A_410 = vector.broadcast %broadcast_in_dim3A_409 : i32 to vector<16xi32>
        %gather3A_411 = tpu.vector_load_idx %arg12[%add3A_109, %broadcast_in_dim3A_410] : memref<128x128xf32, #tpu.memory_space<vmem>>[vector<16xi32>, vector<16xi32>], vector<16xf32>,
        %gather3A_412 = tpu.vector_load_idx %arg13[%add3A_109, %broadcast_in_dim3A_410] : memref<128x128xf32, #tpu.memory_space<vmem>>[vector<16xi32>, vector<16xi32>], vector<16xf32>,
        %sub3A_413 = arith.subf %gather3A_411, %gather3A_412 : vector<16xf32>
        %mul3A_414 = arith.mulf %sub3A_413, %sub3A_413 : vector<16xf32>
        %add3A_415 = arith.addf %add3A_387, %mul3A_414 : vector<16xf32>
        %broadcast_in_dim3A_416 = arith.constant 43 : i32
        %broadcast_in_dim3A_417 = vector.broadcast %broadcast_in_dim3A_416 : i32 to vector<16xi32>
        %gather3A_418 = tpu.vector_load_idx %arg12[%add3A_109, %broadcast_in_dim3A_417] : memref<128x128xf32, #tpu.memory_space<vmem>>[vector<16xi32>, vector<16xi32>], vector<16xf32>,
        %gather3A_419 = tpu.vector_load_idx %arg13[%add3A_109, %broadcast_in_dim3A_417] : memref<128x128xf32, #tpu.memory_space<vmem>>[vector<16xi32>, vector<16xi32>], vector<16xf32>,
        %sub3A_420 = arith.subf %gather3A_418, %gather3A_419 : vector<16xf32>
        %mul3A_421 = arith.mulf %sub3A_420, %sub3A_420 : vector<16xf32>
        %add3A_422 = arith.addf %add3A_394, %mul3A_421 : vector<16xf32>
        %broadcast_in_dim3A_423 = arith.constant 44 : i32
        %broadcast_in_dim3A_424 = vector.broadcast %broadcast_in_dim3A_423 : i32 to vector<16xi32>
        %gather3A_425 = tpu.vector_load_idx %arg12[%add3A_109, %broadcast_in_dim3A_424] : memref<128x128xf32, #tpu.memory_space<vmem>>[vector<16xi32>, vector<16xi32>], vector<16xf32>,
        %gather3A_426 = tpu.vector_load_idx %arg13[%add3A_109, %broadcast_in_dim3A_424] : memref<128x128xf32, #tpu.memory_space<vmem>>[vector<16xi32>, vector<16xi32>], vector<16xf32>,
        %sub3A_427 = arith.subf %gather3A_425, %gather3A_426 : vector<16xf32>
        %mul3A_428 = arith.mulf %sub3A_427, %sub3A_427 : vector<16xf32>
        %add3A_429 = arith.addf %add3A_401, %mul3A_428 : vector<16xf32>
        %broadcast_in_dim3A_430 = arith.constant 45 : i32
        %broadcast_in_dim3A_431 = vector.broadcast %broadcast_in_dim3A_430 : i32 to vector<16xi32>
        %gather3A_432 = tpu.vector_load_idx %arg12[%add3A_109, %broadcast_in_dim3A_431] : memref<128x128xf32, #tpu.memory_space<vmem>>[vector<16xi32>, vector<16xi32>], vector<16xf32>,
        %gather3A_433 = tpu.vector_load_idx %arg13[%add3A_109, %broadcast_in_dim3A_431] : memref<128x128xf32, #tpu.memory_space<vmem>>[vector<16xi32>, vector<16xi32>], vector<16xf32>,
        %sub3A_434 = arith.subf %gather3A_432, %gather3A_433 : vector<16xf32>
        %mul3A_435 = arith.mulf %sub3A_434, %sub3A_434 : vector<16xf32>
        %add3A_436 = arith.addf %add3A_408, %mul3A_435 : vector<16xf32>
        %broadcast_in_dim3A_437 = arith.constant 46 : i32
        %broadcast_in_dim3A_438 = vector.broadcast %broadcast_in_dim3A_437 : i32 to vector<16xi32>
        %gather3A_439 = tpu.vector_load_idx %arg12[%add3A_109, %broadcast_in_dim3A_438] : memref<128x128xf32, #tpu.memory_space<vmem>>[vector<16xi32>, vector<16xi32>], vector<16xf32>,
        %gather3A_440 = tpu.vector_load_idx %arg13[%add3A_109, %broadcast_in_dim3A_438] : memref<128x128xf32, #tpu.memory_space<vmem>>[vector<16xi32>, vector<16xi32>], vector<16xf32>,
        %sub3A_441 = arith.subf %gather3A_439, %gather3A_440 : vector<16xf32>
        %mul3A_442 = arith.mulf %sub3A_441, %sub3A_441 : vector<16xf32>
        %add3A_443 = arith.addf %add3A_415, %mul3A_442 : vector<16xf32>
        %broadcast_in_dim3A_444 = arith.constant 47 : i32
        %broadcast_in_dim3A_445 = vector.broadcast %broadcast_in_dim3A_444 : i32 to vector<16xi32>
        %gather3A_446 = tpu.vector_load_idx %arg12[%add3A_109, %broadcast_in_dim3A_445] : memref<128x128xf32, #tpu.memory_space<vmem>>[vector<16xi32>, vector<16xi32>], vector<16xf32>,
        %gather3A_447 = tpu.vector_load_idx %arg13[%add3A_109, %broadcast_in_dim3A_445] : memref<128x128xf32, #tpu.memory_space<vmem>>[vector<16xi32>, vector<16xi32>], vector<16xf32>,
        %sub3A_448 = arith.subf %gather3A_446, %gather3A_447 : vector<16xf32>
        %mul3A_449 = arith.mulf %sub3A_448, %sub3A_448 : vector<16xf32>
        %add3A_450 = arith.addf %add3A_422, %mul3A_449 : vector<16xf32>
        %broadcast_in_dim3A_451 = arith.constant 48 : i32
        %broadcast_in_dim3A_452 = vector.broadcast %broadcast_in_dim3A_451 : i32 to vector<16xi32>
        %gather3A_453 = tpu.vector_load_idx %arg12[%add3A_109, %broadcast_in_dim3A_452] : memref<128x128xf32, #tpu.memory_space<vmem>>[vector<16xi32>, vector<16xi32>], vector<16xf32>,
        %gather3A_454 = tpu.vector_load_idx %arg13[%add3A_109, %broadcast_in_dim3A_452] : memref<128x128xf32, #tpu.memory_space<vmem>>[vector<16xi32>, vector<16xi32>], vector<16xf32>,
        %sub3A_455 = arith.subf %gather3A_453, %gather3A_454 : vector<16xf32>
        %mul3A_456 = arith.mulf %sub3A_455, %sub3A_455 : vector<16xf32>
        %add3A_457 = arith.addf %add3A_429, %mul3A_456 : vector<16xf32>
        %broadcast_in_dim3A_458 = arith.constant 49 : i32
        %broadcast_in_dim3A_459 = vector.broadcast %broadcast_in_dim3A_458 : i32 to vector<16xi32>
        %gather3A_460 = tpu.vector_load_idx %arg12[%add3A_109, %broadcast_in_dim3A_459] : memref<128x128xf32, #tpu.memory_space<vmem>>[vector<16xi32>, vector<16xi32>], vector<16xf32>,
        %gather3A_461 = tpu.vector_load_idx %arg13[%add3A_109, %broadcast_in_dim3A_459] : memref<128x128xf32, #tpu.memory_space<vmem>>[vector<16xi32>, vector<16xi32>], vector<16xf32>,
        %sub3A_462 = arith.subf %gather3A_460, %gather3A_461 : vector<16xf32>
        %mul3A_463 = arith.mulf %sub3A_462, %sub3A_462 : vector<16xf32>
        %add3A_464 = arith.addf %add3A_436, %mul3A_463 : vector<16xf32>
        %broadcast_in_dim3A_465 = arith.constant 50 : i32
        %broadcast_in_dim3A_466 = vector.broadcast %broadcast_in_dim3A_465 : i32 to vector<16xi32>
        %gather3A_467 = tpu.vector_load_idx %arg12[%add3A_109, %broadcast_in_dim3A_466] : memref<128x128xf32, #tpu.memory_space<vmem>>[vector<16xi32>, vector<16xi32>], vector<16xf32>,
        %gather3A_468 = tpu.vector_load_idx %arg13[%add3A_109, %broadcast_in_dim3A_466] : memref<128x128xf32, #tpu.memory_space<vmem>>[vector<16xi32>, vector<16xi32>], vector<16xf32>,
        %sub3A_469 = arith.subf %gather3A_467, %gather3A_468 : vector<16xf32>
        %mul3A_470 = arith.mulf %sub3A_469, %sub3A_469 : vector<16xf32>
        %add3A_471 = arith.addf %add3A_443, %mul3A_470 : vector<16xf32>
        %broadcast_in_dim3A_472 = arith.constant 51 : i32
        %broadcast_in_dim3A_473 = vector.broadcast %broadcast_in_dim3A_472 : i32 to vector<16xi32>
        %gather3A_474 = tpu.vector_load_idx %arg12[%add3A_109, %broadcast_in_dim3A_473] : memref<128x128xf32, #tpu.memory_space<vmem>>[vector<16xi32>, vector<16xi32>], vector<16xf32>,
        %gather3A_475 = tpu.vector_load_idx %arg13[%add3A_109, %broadcast_in_dim3A_473] : memref<128x128xf32, #tpu.memory_space<vmem>>[vector<16xi32>, vector<16xi32>], vector<16xf32>,
        %sub3A_476 = arith.subf %gather3A_474, %gather3A_475 : vector<16xf32>
        %mul3A_477 = arith.mulf %sub3A_476, %sub3A_476 : vector<16xf32>
        %add3A_478 = arith.addf %add3A_450, %mul3A_477 : vector<16xf32>
        %broadcast_in_dim3A_479 = arith.constant 52 : i32
        %broadcast_in_dim3A_480 = vector.broadcast %broadcast_in_dim3A_479 : i32 to vector<16xi32>
        %gather3A_481 = tpu.vector_load_idx %arg12[%add3A_109, %broadcast_in_dim3A_480] : memref<128x128xf32, #tpu.memory_space<vmem>>[vector<16xi32>, vector<16xi32>], vector<16xf32>,
        %gather3A_482 = tpu.vector_load_idx %arg13[%add3A_109, %broadcast_in_dim3A_480] : memref<128x128xf32, #tpu.memory_space<vmem>>[vector<16xi32>, vector<16xi32>], vector<16xf32>,
        %sub3A_483 = arith.subf %gather3A_481, %gather3A_482 : vector<16xf32>
        %mul3A_484 = arith.mulf %sub3A_483, %sub3A_483 : vector<16xf32>
        %add3A_485 = arith.addf %add3A_457, %mul3A_484 : vector<16xf32>
        %broadcast_in_dim3A_486 = arith.constant 53 : i32
        %broadcast_in_dim3A_487 = vector.broadcast %broadcast_in_dim3A_486 : i32 to vector<16xi32>
        %gather3A_488 = tpu.vector_load_idx %arg12[%add3A_109, %broadcast_in_dim3A_487] : memref<128x128xf32, #tpu.memory_space<vmem>>[vector<16xi32>, vector<16xi32>], vector<16xf32>,
        %gather3A_489 = tpu.vector_load_idx %arg13[%add3A_109, %broadcast_in_dim3A_487] : memref<128x128xf32, #tpu.memory_space<vmem>>[vector<16xi32>, vector<16xi32>], vector<16xf32>,
        %sub3A_490 = arith.subf %gather3A_488, %gather3A_489 : vector<16xf32>
        %mul3A_491 = arith.mulf %sub3A_490, %sub3A_490 : vector<16xf32>
        %add3A_492 = arith.addf %add3A_464, %mul3A_491 : vector<16xf32>
        %broadcast_in_dim3A_493 = arith.constant 54 : i32
        %broadcast_in_dim3A_494 = vector.broadcast %broadcast_in_dim3A_493 : i32 to vector<16xi32>
        %gather3A_495 = tpu.vector_load_idx %arg12[%add3A_109, %broadcast_in_dim3A_494] : memref<128x128xf32, #tpu.memory_space<vmem>>[vector<16xi32>, vector<16xi32>], vector<16xf32>,
        %gather3A_496 = tpu.vector_load_idx %arg13[%add3A_109, %broadcast_in_dim3A_494] : memref<128x128xf32, #tpu.memory_space<vmem>>[vector<16xi32>, vector<16xi32>], vector<16xf32>,
        %sub3A_497 = arith.subf %gather3A_495, %gather3A_496 : vector<16xf32>
        %mul3A_498 = arith.mulf %sub3A_497, %sub3A_497 : vector<16xf32>
        %add3A_499 = arith.addf %add3A_471, %mul3A_498 : vector<16xf32>
        %broadcast_in_dim3A_500 = arith.constant 55 : i32
        %broadcast_in_dim3A_501 = vector.broadcast %broadcast_in_dim3A_500 : i32 to vector<16xi32>
        %gather3A_502 = tpu.vector_load_idx %arg12[%add3A_109, %broadcast_in_dim3A_501] : memref<128x128xf32, #tpu.memory_space<vmem>>[vector<16xi32>, vector<16xi32>], vector<16xf32>,
        %gather3A_503 = tpu.vector_load_idx %arg13[%add3A_109, %broadcast_in_dim3A_501] : memref<128x128xf32, #tpu.memory_space<vmem>>[vector<16xi32>, vector<16xi32>], vector<16xf32>,
        %sub3A_504 = arith.subf %gather3A_502, %gather3A_503 : vector<16xf32>
        %mul3A_505 = arith.mulf %sub3A_504, %sub3A_504 : vector<16xf32>
        %add3A_506 = arith.addf %add3A_478, %mul3A_505 : vector<16xf32>
        %broadcast_in_dim3A_507 = arith.constant 56 : i32
        %broadcast_in_dim3A_508 = vector.broadcast %broadcast_in_dim3A_507 : i32 to vector<16xi32>
        %gather3A_509 = tpu.vector_load_idx %arg12[%add3A_109, %broadcast_in_dim3A_508] : memref<128x128xf32, #tpu.memory_space<vmem>>[vector<16xi32>, vector<16xi32>], vector<16xf32>,
        %gather3A_510 = tpu.vector_load_idx %arg13[%add3A_109, %broadcast_in_dim3A_508] : memref<128x128xf32, #tpu.memory_space<vmem>>[vector<16xi32>, vector<16xi32>], vector<16xf32>,
        %sub3A_511 = arith.subf %gather3A_509, %gather3A_510 : vector<16xf32>
        %mul3A_512 = arith.mulf %sub3A_511, %sub3A_511 : vector<16xf32>
        %add3A_513 = arith.addf %add3A_485, %mul3A_512 : vector<16xf32>
        %broadcast_in_dim3A_514 = arith.constant 57 : i32
        %broadcast_in_dim3A_515 = vector.broadcast %broadcast_in_dim3A_514 : i32 to vector<16xi32>
        %gather3A_516 = tpu.vector_load_idx %arg12[%add3A_109, %broadcast_in_dim3A_515] : memref<128x128xf32, #tpu.memory_space<vmem>>[vector<16xi32>, vector<16xi32>], vector<16xf32>,
        %gather3A_517 = tpu.vector_load_idx %arg13[%add3A_109, %broadcast_in_dim3A_515] : memref<128x128xf32, #tpu.memory_space<vmem>>[vector<16xi32>, vector<16xi32>], vector<16xf32>,
        %sub3A_518 = arith.subf %gather3A_516, %gather3A_517 : vector<16xf32>
        %mul3A_519 = arith.mulf %sub3A_518, %sub3A_518 : vector<16xf32>
        %add3A_520 = arith.addf %add3A_492, %mul3A_519 : vector<16xf32>
        %broadcast_in_dim3A_521 = arith.constant 58 : i32
        %broadcast_in_dim3A_522 = vector.broadcast %broadcast_in_dim3A_521 : i32 to vector<16xi32>
        %gather3A_523 = tpu.vector_load_idx %arg12[%add3A_109, %broadcast_in_dim3A_522] : memref<128x128xf32, #tpu.memory_space<vmem>>[vector<16xi32>, vector<16xi32>], vector<16xf32>,
        %gather3A_524 = tpu.vector_load_idx %arg13[%add3A_109, %broadcast_in_dim3A_522] : memref<128x128xf32, #tpu.memory_space<vmem>>[vector<16xi32>, vector<16xi32>], vector<16xf32>,
        %sub3A_525 = arith.subf %gather3A_523, %gather3A_524 : vector<16xf32>
        %mul3A_526 = arith.mulf %sub3A_525, %sub3A_525 : vector<16xf32>
        %add3A_527 = arith.addf %add3A_499, %mul3A_526 : vector<16xf32>
        %broadcast_in_dim3A_528 = arith.constant 59 : i32
        %broadcast_in_dim3A_529 = vector.broadcast %broadcast_in_dim3A_528 : i32 to vector<16xi32>
        %gather3A_530 = tpu.vector_load_idx %arg12[%add3A_109, %broadcast_in_dim3A_529] : memref<128x128xf32, #tpu.memory_space<vmem>>[vector<16xi32>, vector<16xi32>], vector<16xf32>,
        %gather3A_531 = tpu.vector_load_idx %arg13[%add3A_109, %broadcast_in_dim3A_529] : memref<128x128xf32, #tpu.memory_space<vmem>>[vector<16xi32>, vector<16xi32>], vector<16xf32>,
        %sub3A_532 = arith.subf %gather3A_530, %gather3A_531 : vector<16xf32>
        %mul3A_533 = arith.mulf %sub3A_532, %sub3A_532 : vector<16xf32>
        %add3A_534 = arith.addf %add3A_506, %mul3A_533 : vector<16xf32>
        %broadcast_in_dim3A_535 = arith.constant 60 : i32
        %broadcast_in_dim3A_536 = vector.broadcast %broadcast_in_dim3A_535 : i32 to vector<16xi32>
        %gather3A_537 = tpu.vector_load_idx %arg12[%add3A_109, %broadcast_in_dim3A_536] : memref<128x128xf32, #tpu.memory_space<vmem>>[vector<16xi32>, vector<16xi32>], vector<16xf32>,
        %gather3A_538 = tpu.vector_load_idx %arg13[%add3A_109, %broadcast_in_dim3A_536] : memref<128x128xf32, #tpu.memory_space<vmem>>[vector<16xi32>, vector<16xi32>], vector<16xf32>,
        %sub3A_539 = arith.subf %gather3A_537, %gather3A_538 : vector<16xf32>
        %mul3A_540 = arith.mulf %sub3A_539, %sub3A_539 : vector<16xf32>
        %add3A_541 = arith.addf %add3A_513, %mul3A_540 : vector<16xf32>
        %broadcast_in_dim3A_542 = arith.constant 61 : i32
        %broadcast_in_dim3A_543 = vector.broadcast %broadcast_in_dim3A_542 : i32 to vector<16xi32>
        %gather3A_544 = tpu.vector_load_idx %arg12[%add3A_109, %broadcast_in_dim3A_543] : memref<128x128xf32, #tpu.memory_space<vmem>>[vector<16xi32>, vector<16xi32>], vector<16xf32>,
        %gather3A_545 = tpu.vector_load_idx %arg13[%add3A_109, %broadcast_in_dim3A_543] : memref<128x128xf32, #tpu.memory_space<vmem>>[vector<16xi32>, vector<16xi32>], vector<16xf32>,
        %sub3A_546 = arith.subf %gather3A_544, %gather3A_545 : vector<16xf32>
        %mul3A_547 = arith.mulf %sub3A_546, %sub3A_546 : vector<16xf32>
        %add3A_548 = arith.addf %add3A_520, %mul3A_547 : vector<16xf32>
        %broadcast_in_dim3A_549 = arith.constant 62 : i32
        %broadcast_in_dim3A_550 = vector.broadcast %broadcast_in_dim3A_549 : i32 to vector<16xi32>
        %gather3A_551 = tpu.vector_load_idx %arg12[%add3A_109, %broadcast_in_dim3A_550] : memref<128x128xf32, #tpu.memory_space<vmem>>[vector<16xi32>, vector<16xi32>], vector<16xf32>,
        %gather3A_552 = tpu.vector_load_idx %arg13[%add3A_109, %broadcast_in_dim3A_550] : memref<128x128xf32, #tpu.memory_space<vmem>>[vector<16xi32>, vector<16xi32>], vector<16xf32>,
        %sub3A_553 = arith.subf %gather3A_551, %gather3A_552 : vector<16xf32>
        %mul3A_554 = arith.mulf %sub3A_553, %sub3A_553 : vector<16xf32>
        %add3A_555 = arith.addf %add3A_527, %mul3A_554 : vector<16xf32>
        %broadcast_in_dim3A_556 = arith.constant 63 : i32
        %broadcast_in_dim3A_557 = vector.broadcast %broadcast_in_dim3A_556 : i32 to vector<16xi32>
        %gather3A_558 = tpu.vector_load_idx %arg12[%add3A_109, %broadcast_in_dim3A_557] : memref<128x128xf32, #tpu.memory_space<vmem>>[vector<16xi32>, vector<16xi32>], vector<16xf32>,
        %gather3A_559 = tpu.vector_load_idx %arg13[%add3A_109, %broadcast_in_dim3A_557] : memref<128x128xf32, #tpu.memory_space<vmem>>[vector<16xi32>, vector<16xi32>], vector<16xf32>,
        %sub3A_560 = arith.subf %gather3A_558, %gather3A_559 : vector<16xf32>
        %mul3A_561 = arith.mulf %sub3A_560, %sub3A_560 : vector<16xf32>
        %add3A_562 = arith.addf %add3A_534, %mul3A_561 : vector<16xf32>
        %add3A_563 = arith.addf %add3A_541, %add3A_548 : vector<16xf32>
        %add3A_564 = arith.addf %add3A_555, %add3A_562 : vector<16xf32>
        %add3A_565 = arith.addf %add3A_563, %add3A_564 : vector<16xf32>
        %max3A = arith.constant 1.000000e-24 : f32
        %max3A_566 = vector.broadcast %max3A : f32 to vector<16xf32>
        %max3A_567 = arith.maximumf %add3A_565, %max3A_566 : vector<16xf32>
        %bitcast3A = vector.bitcast %max3A_567 : vector<16xf32> to vector<16xi32>
        %shift_right_logical3A = arith.constant 1 : i32
        %shift_right_logical3A_568 = vector.broadcast %shift_right_logical3A : i32 to vector<16xi32>
        %shift_right_logical3A_569 = arith.shrui %bitcast3A, %shift_right_logical3A_568 : vector<16xi32>
        %add3A_570 = arith.constant 532487669 : i32
        %add3A_571 = vector.broadcast %add3A_570 : i32 to vector<16xi32>
        %add3A_572 = arith.addi %shift_right_logical3A_569, %add3A_571 : vector<16xi32>
        %bitcast3A_573 = vector.bitcast %add3A_572 : vector<16xi32> to vector<16xf32>
        %div3A = arith.divf %max3A_567, %bitcast3A_573 : vector<16xf32>
        %add3A_574 = arith.addf %bitcast3A_573, %div3A : vector<16xf32>
        %mul3A_575 = arith.constant 5.000000e-01 : f32
        %mul3A_576 = vector.broadcast %mul3A_575 : f32 to vector<16xf32>
        %mul3A_577 = arith.mulf %mul3A_576, %add3A_574 : vector<16xf32>
        %div3A_578 = arith.divf %max3A_567, %mul3A_577 : vector<16xf32>
        %add3A_579 = arith.addf %mul3A_577, %div3A_578 : vector<16xf32>
        %mul3A_580 = arith.constant 5.000000e-01 : f32
        %mul3A_581 = vector.broadcast %mul3A_580 : f32 to vector<16xf32>
        %mul3A_582 = arith.mulf %mul3A_581, %add3A_579 : vector<16xf32>
        %div3A_583 = arith.divf %max3A_567, %mul3A_582 : vector<16xf32>
        %add3A_584 = arith.addf %mul3A_582, %div3A_583 : vector<16xf32>
        %mul3A_585 = arith.constant 5.000000e-01 : f32
        %mul3A_586 = vector.broadcast %mul3A_585 : f32 to vector<16xf32>
        %mul3A_587 = arith.mulf %mul3A_586, %add3A_584 : vector<16xf32>
        %mul3A_588 = arith.constant 1.250000e-01 : f32
        %mul3A_589 = vector.broadcast %mul3A_588 : f32 to vector<16xf32>
        %mul3A_590 = arith.mulf %mul3A_587, %mul3A_589 : vector<16xf32>
        %exp3A = math.exp %mul3A_590 : vector<16xf32>
        %broadcast_in_dim3A_591 = arith.constant 64 : i32
        %broadcast_in_dim3A_592 = vector.broadcast %broadcast_in_dim3A_591 : i32 to vector<16xi32>
        tpu.vector_store_idx %arg16[%add3A_109, %broadcast_in_dim3A_592], %exp3A : memref<128x128xf32, #tpu.memory_space<vmem>>[vector<16xi32>, vector<16xi32>], vector<16xf32>,
        %broadcast_in_dim3A_593 = arith.constant 64 : i32
        %broadcast_in_dim3A_594 = vector.broadcast %broadcast_in_dim3A_593 : i32 to vector<16xi32>
        %gather3A_595 = tpu.vector_load_idx %arg12[%add3A_109, %broadcast_in_dim3A_594] : memref<128x128xf32, #tpu.memory_space<vmem>>[vector<16xi32>, vector<16xi32>], vector<16xf32>,
        %broadcast_in_dim3A_596 = arith.constant 0 : i32
        %broadcast_in_dim3A_597 = vector.broadcast %broadcast_in_dim3A_596 : i32 to vector<16xi32>
        %mul3A_598 = arith.mulf %gather3A_595, %exp3A : vector<16xf32>
        tpu.vector_store_idx %arg16[%add3A_109, %broadcast_in_dim3A_597], %mul3A_598 : memref<128x128xf32, #tpu.memory_space<vmem>>[vector<16xi32>, vector<16xi32>], vector<16xf32>,
        %broadcast_in_dim3A_599 = arith.constant 65 : i32
        %broadcast_in_dim3A_600 = vector.broadcast %broadcast_in_dim3A_599 : i32 to vector<16xi32>
        %gather3A_601 = tpu.vector_load_idx %arg12[%add3A_109, %broadcast_in_dim3A_600] : memref<128x128xf32, #tpu.memory_space<vmem>>[vector<16xi32>, vector<16xi32>], vector<16xf32>,
        %broadcast_in_dim3A_602 = arith.constant 1 : i32
        %broadcast_in_dim3A_603 = vector.broadcast %broadcast_in_dim3A_602 : i32 to vector<16xi32>
        %mul3A_604 = arith.mulf %gather3A_601, %exp3A : vector<16xf32>
        tpu.vector_store_idx %arg16[%add3A_109, %broadcast_in_dim3A_603], %mul3A_604 : memref<128x128xf32, #tpu.memory_space<vmem>>[vector<16xi32>, vector<16xi32>], vector<16xf32>,
        %broadcast_in_dim3A_605 = arith.constant 66 : i32
        %broadcast_in_dim3A_606 = vector.broadcast %broadcast_in_dim3A_605 : i32 to vector<16xi32>
        %gather3A_607 = tpu.vector_load_idx %arg12[%add3A_109, %broadcast_in_dim3A_606] : memref<128x128xf32, #tpu.memory_space<vmem>>[vector<16xi32>, vector<16xi32>], vector<16xf32>,
        %broadcast_in_dim3A_608 = arith.constant 2 : i32
        %broadcast_in_dim3A_609 = vector.broadcast %broadcast_in_dim3A_608 : i32 to vector<16xi32>
        %mul3A_610 = arith.mulf %gather3A_607, %exp3A : vector<16xf32>
        tpu.vector_store_idx %arg16[%add3A_109, %broadcast_in_dim3A_609], %mul3A_610 : memref<128x128xf32, #tpu.memory_space<vmem>>[vector<16xi32>, vector<16xi32>], vector<16xf32>,
        %broadcast_in_dim3A_611 = arith.constant 67 : i32
        %broadcast_in_dim3A_612 = vector.broadcast %broadcast_in_dim3A_611 : i32 to vector<16xi32>
        %gather3A_613 = tpu.vector_load_idx %arg12[%add3A_109, %broadcast_in_dim3A_612] : memref<128x128xf32, #tpu.memory_space<vmem>>[vector<16xi32>, vector<16xi32>], vector<16xf32>,
        %broadcast_in_dim3A_614 = arith.constant 3 : i32
        %broadcast_in_dim3A_615 = vector.broadcast %broadcast_in_dim3A_614 : i32 to vector<16xi32>
        %mul3A_616 = arith.mulf %gather3A_613, %exp3A : vector<16xf32>
        tpu.vector_store_idx %arg16[%add3A_109, %broadcast_in_dim3A_615], %mul3A_616 : memref<128x128xf32, #tpu.memory_space<vmem>>[vector<16xi32>, vector<16xi32>], vector<16xf32>,
        %broadcast_in_dim3A_617 = arith.constant 68 : i32
        %broadcast_in_dim3A_618 = vector.broadcast %broadcast_in_dim3A_617 : i32 to vector<16xi32>
        %gather3A_619 = tpu.vector_load_idx %arg12[%add3A_109, %broadcast_in_dim3A_618] : memref<128x128xf32, #tpu.memory_space<vmem>>[vector<16xi32>, vector<16xi32>], vector<16xf32>,
        %broadcast_in_dim3A_620 = arith.constant 4 : i32
        %broadcast_in_dim3A_621 = vector.broadcast %broadcast_in_dim3A_620 : i32 to vector<16xi32>
        %mul3A_622 = arith.mulf %gather3A_619, %exp3A : vector<16xf32>
        tpu.vector_store_idx %arg16[%add3A_109, %broadcast_in_dim3A_621], %mul3A_622 : memref<128x128xf32, #tpu.memory_space<vmem>>[vector<16xi32>, vector<16xi32>], vector<16xf32>,
        %broadcast_in_dim3A_623 = arith.constant 69 : i32
        %broadcast_in_dim3A_624 = vector.broadcast %broadcast_in_dim3A_623 : i32 to vector<16xi32>
        %gather3A_625 = tpu.vector_load_idx %arg12[%add3A_109, %broadcast_in_dim3A_624] : memref<128x128xf32, #tpu.memory_space<vmem>>[vector<16xi32>, vector<16xi32>], vector<16xf32>,
        %broadcast_in_dim3A_626 = arith.constant 5 : i32
        %broadcast_in_dim3A_627 = vector.broadcast %broadcast_in_dim3A_626 : i32 to vector<16xi32>
        %mul3A_628 = arith.mulf %gather3A_625, %exp3A : vector<16xf32>
        tpu.vector_store_idx %arg16[%add3A_109, %broadcast_in_dim3A_627], %mul3A_628 : memref<128x128xf32, #tpu.memory_space<vmem>>[vector<16xi32>, vector<16xi32>], vector<16xf32>,
        %broadcast_in_dim3A_629 = arith.constant 70 : i32
        %broadcast_in_dim3A_630 = vector.broadcast %broadcast_in_dim3A_629 : i32 to vector<16xi32>
        %gather3A_631 = tpu.vector_load_idx %arg12[%add3A_109, %broadcast_in_dim3A_630] : memref<128x128xf32, #tpu.memory_space<vmem>>[vector<16xi32>, vector<16xi32>], vector<16xf32>,
        %broadcast_in_dim3A_632 = arith.constant 6 : i32
        %broadcast_in_dim3A_633 = vector.broadcast %broadcast_in_dim3A_632 : i32 to vector<16xi32>
        %mul3A_634 = arith.mulf %gather3A_631, %exp3A : vector<16xf32>
        tpu.vector_store_idx %arg16[%add3A_109, %broadcast_in_dim3A_633], %mul3A_634 : memref<128x128xf32, #tpu.memory_space<vmem>>[vector<16xi32>, vector<16xi32>], vector<16xf32>,
        %broadcast_in_dim3A_635 = arith.constant 71 : i32
        %broadcast_in_dim3A_636 = vector.broadcast %broadcast_in_dim3A_635 : i32 to vector<16xi32>
        %gather3A_637 = tpu.vector_load_idx %arg12[%add3A_109, %broadcast_in_dim3A_636] : memref<128x128xf32, #tpu.memory_space<vmem>>[vector<16xi32>, vector<16xi32>], vector<16xf32>,
        %broadcast_in_dim3A_638 = arith.constant 7 : i32
        %broadcast_in_dim3A_639 = vector.broadcast %broadcast_in_dim3A_638 : i32 to vector<16xi32>
        %mul3A_640 = arith.mulf %gather3A_637, %exp3A : vector<16xf32>
        tpu.vector_store_idx %arg16[%add3A_109, %broadcast_in_dim3A_639], %mul3A_640 : memref<128x128xf32, #tpu.memory_space<vmem>>[vector<16xi32>, vector<16xi32>], vector<16xf32>,
        %broadcast_in_dim3A_641 = arith.constant 72 : i32
        %broadcast_in_dim3A_642 = vector.broadcast %broadcast_in_dim3A_641 : i32 to vector<16xi32>
        %gather3A_643 = tpu.vector_load_idx %arg12[%add3A_109, %broadcast_in_dim3A_642] : memref<128x128xf32, #tpu.memory_space<vmem>>[vector<16xi32>, vector<16xi32>], vector<16xf32>,
        %broadcast_in_dim3A_644 = arith.constant 8 : i32
        %broadcast_in_dim3A_645 = vector.broadcast %broadcast_in_dim3A_644 : i32 to vector<16xi32>
        %mul3A_646 = arith.mulf %gather3A_643, %exp3A : vector<16xf32>
        tpu.vector_store_idx %arg16[%add3A_109, %broadcast_in_dim3A_645], %mul3A_646 : memref<128x128xf32, #tpu.memory_space<vmem>>[vector<16xi32>, vector<16xi32>], vector<16xf32>,
        %broadcast_in_dim3A_647 = arith.constant 73 : i32
        %broadcast_in_dim3A_648 = vector.broadcast %broadcast_in_dim3A_647 : i32 to vector<16xi32>
        %gather3A_649 = tpu.vector_load_idx %arg12[%add3A_109, %broadcast_in_dim3A_648] : memref<128x128xf32, #tpu.memory_space<vmem>>[vector<16xi32>, vector<16xi32>], vector<16xf32>,
        %broadcast_in_dim3A_650 = arith.constant 9 : i32
        %broadcast_in_dim3A_651 = vector.broadcast %broadcast_in_dim3A_650 : i32 to vector<16xi32>
        %mul3A_652 = arith.mulf %gather3A_649, %exp3A : vector<16xf32>
        tpu.vector_store_idx %arg16[%add3A_109, %broadcast_in_dim3A_651], %mul3A_652 : memref<128x128xf32, #tpu.memory_space<vmem>>[vector<16xi32>, vector<16xi32>], vector<16xf32>,
        %broadcast_in_dim3A_653 = arith.constant 74 : i32
        %broadcast_in_dim3A_654 = vector.broadcast %broadcast_in_dim3A_653 : i32 to vector<16xi32>
        %gather3A_655 = tpu.vector_load_idx %arg12[%add3A_109, %broadcast_in_dim3A_654] : memref<128x128xf32, #tpu.memory_space<vmem>>[vector<16xi32>, vector<16xi32>], vector<16xf32>,
        %broadcast_in_dim3A_656 = arith.constant 10 : i32
        %broadcast_in_dim3A_657 = vector.broadcast %broadcast_in_dim3A_656 : i32 to vector<16xi32>
        %mul3A_658 = arith.mulf %gather3A_655, %exp3A : vector<16xf32>
        tpu.vector_store_idx %arg16[%add3A_109, %broadcast_in_dim3A_657], %mul3A_658 : memref<128x128xf32, #tpu.memory_space<vmem>>[vector<16xi32>, vector<16xi32>], vector<16xf32>,
        %broadcast_in_dim3A_659 = arith.constant 75 : i32
        %broadcast_in_dim3A_660 = vector.broadcast %broadcast_in_dim3A_659 : i32 to vector<16xi32>
        %gather3A_661 = tpu.vector_load_idx %arg12[%add3A_109, %broadcast_in_dim3A_660] : memref<128x128xf32, #tpu.memory_space<vmem>>[vector<16xi32>, vector<16xi32>], vector<16xf32>,
        %broadcast_in_dim3A_662 = arith.constant 11 : i32
        %broadcast_in_dim3A_663 = vector.broadcast %broadcast_in_dim3A_662 : i32 to vector<16xi32>
        %mul3A_664 = arith.mulf %gather3A_661, %exp3A : vector<16xf32>
        tpu.vector_store_idx %arg16[%add3A_109, %broadcast_in_dim3A_663], %mul3A_664 : memref<128x128xf32, #tpu.memory_space<vmem>>[vector<16xi32>, vector<16xi32>], vector<16xf32>,
        %broadcast_in_dim3A_665 = arith.constant 76 : i32
        %broadcast_in_dim3A_666 = vector.broadcast %broadcast_in_dim3A_665 : i32 to vector<16xi32>
        %gather3A_667 = tpu.vector_load_idx %arg12[%add3A_109, %broadcast_in_dim3A_666] : memref<128x128xf32, #tpu.memory_space<vmem>>[vector<16xi32>, vector<16xi32>], vector<16xf32>,
        %broadcast_in_dim3A_668 = arith.constant 12 : i32
        %broadcast_in_dim3A_669 = vector.broadcast %broadcast_in_dim3A_668 : i32 to vector<16xi32>
        %mul3A_670 = arith.mulf %gather3A_667, %exp3A : vector<16xf32>
        tpu.vector_store_idx %arg16[%add3A_109, %broadcast_in_dim3A_669], %mul3A_670 : memref<128x128xf32, #tpu.memory_space<vmem>>[vector<16xi32>, vector<16xi32>], vector<16xf32>,
        %broadcast_in_dim3A_671 = arith.constant 77 : i32
        %broadcast_in_dim3A_672 = vector.broadcast %broadcast_in_dim3A_671 : i32 to vector<16xi32>
        %gather3A_673 = tpu.vector_load_idx %arg12[%add3A_109, %broadcast_in_dim3A_672] : memref<128x128xf32, #tpu.memory_space<vmem>>[vector<16xi32>, vector<16xi32>], vector<16xf32>,
        %broadcast_in_dim3A_674 = arith.constant 13 : i32
        %broadcast_in_dim3A_675 = vector.broadcast %broadcast_in_dim3A_674 : i32 to vector<16xi32>
        %mul3A_676 = arith.mulf %gather3A_673, %exp3A : vector<16xf32>
        tpu.vector_store_idx %arg16[%add3A_109, %broadcast_in_dim3A_675], %mul3A_676 : memref<128x128xf32, #tpu.memory_space<vmem>>[vector<16xi32>, vector<16xi32>], vector<16xf32>,
        %broadcast_in_dim3A_677 = arith.constant 78 : i32
        %broadcast_in_dim3A_678 = vector.broadcast %broadcast_in_dim3A_677 : i32 to vector<16xi32>
        %gather3A_679 = tpu.vector_load_idx %arg12[%add3A_109, %broadcast_in_dim3A_678] : memref<128x128xf32, #tpu.memory_space<vmem>>[vector<16xi32>, vector<16xi32>], vector<16xf32>,
        %broadcast_in_dim3A_680 = arith.constant 14 : i32
        %broadcast_in_dim3A_681 = vector.broadcast %broadcast_in_dim3A_680 : i32 to vector<16xi32>
        %mul3A_682 = arith.mulf %gather3A_679, %exp3A : vector<16xf32>
        tpu.vector_store_idx %arg16[%add3A_109, %broadcast_in_dim3A_681], %mul3A_682 : memref<128x128xf32, #tpu.memory_space<vmem>>[vector<16xi32>, vector<16xi32>], vector<16xf32>,
        %broadcast_in_dim3A_683 = arith.constant 79 : i32
        %broadcast_in_dim3A_684 = vector.broadcast %broadcast_in_dim3A_683 : i32 to vector<16xi32>
        %gather3A_685 = tpu.vector_load_idx %arg12[%add3A_109, %broadcast_in_dim3A_684] : memref<128x128xf32, #tpu.memory_space<vmem>>[vector<16xi32>, vector<16xi32>], vector<16xf32>,
        %broadcast_in_dim3A_686 = arith.constant 15 : i32
        %broadcast_in_dim3A_687 = vector.broadcast %broadcast_in_dim3A_686 : i32 to vector<16xi32>
        %mul3A_688 = arith.mulf %gather3A_685, %exp3A : vector<16xf32>
        tpu.vector_store_idx %arg16[%add3A_109, %broadcast_in_dim3A_687], %mul3A_688 : memref<128x128xf32, #tpu.memory_space<vmem>>[vector<16xi32>, vector<16xi32>], vector<16xf32>,
        %broadcast_in_dim3A_689 = arith.constant 80 : i32
        %broadcast_in_dim3A_690 = vector.broadcast %broadcast_in_dim3A_689 : i32 to vector<16xi32>
        %gather3A_691 = tpu.vector_load_idx %arg12[%add3A_109, %broadcast_in_dim3A_690] : memref<128x128xf32, #tpu.memory_space<vmem>>[vector<16xi32>, vector<16xi32>], vector<16xf32>,
        %broadcast_in_dim3A_692 = arith.constant 16 : i32
        %broadcast_in_dim3A_693 = vector.broadcast %broadcast_in_dim3A_692 : i32 to vector<16xi32>
        %mul3A_694 = arith.mulf %gather3A_691, %exp3A : vector<16xf32>
        tpu.vector_store_idx %arg16[%add3A_109, %broadcast_in_dim3A_693], %mul3A_694 : memref<128x128xf32, #tpu.memory_space<vmem>>[vector<16xi32>, vector<16xi32>], vector<16xf32>,
        %broadcast_in_dim3A_695 = arith.constant 81 : i32
        %broadcast_in_dim3A_696 = vector.broadcast %broadcast_in_dim3A_695 : i32 to vector<16xi32>
        %gather3A_697 = tpu.vector_load_idx %arg12[%add3A_109, %broadcast_in_dim3A_696] : memref<128x128xf32, #tpu.memory_space<vmem>>[vector<16xi32>, vector<16xi32>], vector<16xf32>,
        %broadcast_in_dim3A_698 = arith.constant 17 : i32
        %broadcast_in_dim3A_699 = vector.broadcast %broadcast_in_dim3A_698 : i32 to vector<16xi32>
        %mul3A_700 = arith.mulf %gather3A_697, %exp3A : vector<16xf32>
        tpu.vector_store_idx %arg16[%add3A_109, %broadcast_in_dim3A_699], %mul3A_700 : memref<128x128xf32, #tpu.memory_space<vmem>>[vector<16xi32>, vector<16xi32>], vector<16xf32>,
        %broadcast_in_dim3A_701 = arith.constant 82 : i32
        %broadcast_in_dim3A_702 = vector.broadcast %broadcast_in_dim3A_701 : i32 to vector<16xi32>
        %gather3A_703 = tpu.vector_load_idx %arg12[%add3A_109, %broadcast_in_dim3A_702] : memref<128x128xf32, #tpu.memory_space<vmem>>[vector<16xi32>, vector<16xi32>], vector<16xf32>,
        %broadcast_in_dim3A_704 = arith.constant 18 : i32
        %broadcast_in_dim3A_705 = vector.broadcast %broadcast_in_dim3A_704 : i32 to vector<16xi32>
        %mul3A_706 = arith.mulf %gather3A_703, %exp3A : vector<16xf32>
        tpu.vector_store_idx %arg16[%add3A_109, %broadcast_in_dim3A_705], %mul3A_706 : memref<128x128xf32, #tpu.memory_space<vmem>>[vector<16xi32>, vector<16xi32>], vector<16xf32>,
        %broadcast_in_dim3A_707 = arith.constant 83 : i32
        %broadcast_in_dim3A_708 = vector.broadcast %broadcast_in_dim3A_707 : i32 to vector<16xi32>
        %gather3A_709 = tpu.vector_load_idx %arg12[%add3A_109, %broadcast_in_dim3A_708] : memref<128x128xf32, #tpu.memory_space<vmem>>[vector<16xi32>, vector<16xi32>], vector<16xf32>,
        %broadcast_in_dim3A_710 = arith.constant 19 : i32
        %broadcast_in_dim3A_711 = vector.broadcast %broadcast_in_dim3A_710 : i32 to vector<16xi32>
        %mul3A_712 = arith.mulf %gather3A_709, %exp3A : vector<16xf32>
        tpu.vector_store_idx %arg16[%add3A_109, %broadcast_in_dim3A_711], %mul3A_712 : memref<128x128xf32, #tpu.memory_space<vmem>>[vector<16xi32>, vector<16xi32>], vector<16xf32>,
        %broadcast_in_dim3A_713 = arith.constant 84 : i32
        %broadcast_in_dim3A_714 = vector.broadcast %broadcast_in_dim3A_713 : i32 to vector<16xi32>
        %gather3A_715 = tpu.vector_load_idx %arg12[%add3A_109, %broadcast_in_dim3A_714] : memref<128x128xf32, #tpu.memory_space<vmem>>[vector<16xi32>, vector<16xi32>], vector<16xf32>,
        %broadcast_in_dim3A_716 = arith.constant 20 : i32
        %broadcast_in_dim3A_717 = vector.broadcast %broadcast_in_dim3A_716 : i32 to vector<16xi32>
        %mul3A_718 = arith.mulf %gather3A_715, %exp3A : vector<16xf32>
        tpu.vector_store_idx %arg16[%add3A_109, %broadcast_in_dim3A_717], %mul3A_718 : memref<128x128xf32, #tpu.memory_space<vmem>>[vector<16xi32>, vector<16xi32>], vector<16xf32>,
        %broadcast_in_dim3A_719 = arith.constant 85 : i32
        %broadcast_in_dim3A_720 = vector.broadcast %broadcast_in_dim3A_719 : i32 to vector<16xi32>
        %gather3A_721 = tpu.vector_load_idx %arg12[%add3A_109, %broadcast_in_dim3A_720] : memref<128x128xf32, #tpu.memory_space<vmem>>[vector<16xi32>, vector<16xi32>], vector<16xf32>,
        %broadcast_in_dim3A_722 = arith.constant 21 : i32
        %broadcast_in_dim3A_723 = vector.broadcast %broadcast_in_dim3A_722 : i32 to vector<16xi32>
        %mul3A_724 = arith.mulf %gather3A_721, %exp3A : vector<16xf32>
        tpu.vector_store_idx %arg16[%add3A_109, %broadcast_in_dim3A_723], %mul3A_724 : memref<128x128xf32, #tpu.memory_space<vmem>>[vector<16xi32>, vector<16xi32>], vector<16xf32>,
        %broadcast_in_dim3A_725 = arith.constant 86 : i32
        %broadcast_in_dim3A_726 = vector.broadcast %broadcast_in_dim3A_725 : i32 to vector<16xi32>
        %gather3A_727 = tpu.vector_load_idx %arg12[%add3A_109, %broadcast_in_dim3A_726] : memref<128x128xf32, #tpu.memory_space<vmem>>[vector<16xi32>, vector<16xi32>], vector<16xf32>,
        %broadcast_in_dim3A_728 = arith.constant 22 : i32
        %broadcast_in_dim3A_729 = vector.broadcast %broadcast_in_dim3A_728 : i32 to vector<16xi32>
        %mul3A_730 = arith.mulf %gather3A_727, %exp3A : vector<16xf32>
        tpu.vector_store_idx %arg16[%add3A_109, %broadcast_in_dim3A_729], %mul3A_730 : memref<128x128xf32, #tpu.memory_space<vmem>>[vector<16xi32>, vector<16xi32>], vector<16xf32>,
        %broadcast_in_dim3A_731 = arith.constant 87 : i32
        %broadcast_in_dim3A_732 = vector.broadcast %broadcast_in_dim3A_731 : i32 to vector<16xi32>
        %gather3A_733 = tpu.vector_load_idx %arg12[%add3A_109, %broadcast_in_dim3A_732] : memref<128x128xf32, #tpu.memory_space<vmem>>[vector<16xi32>, vector<16xi32>], vector<16xf32>,
        %broadcast_in_dim3A_734 = arith.constant 23 : i32
        %broadcast_in_dim3A_735 = vector.broadcast %broadcast_in_dim3A_734 : i32 to vector<16xi32>
        %mul3A_736 = arith.mulf %gather3A_733, %exp3A : vector<16xf32>
        tpu.vector_store_idx %arg16[%add3A_109, %broadcast_in_dim3A_735], %mul3A_736 : memref<128x128xf32, #tpu.memory_space<vmem>>[vector<16xi32>, vector<16xi32>], vector<16xf32>,
        %broadcast_in_dim3A_737 = arith.constant 88 : i32
        %broadcast_in_dim3A_738 = vector.broadcast %broadcast_in_dim3A_737 : i32 to vector<16xi32>
        %gather3A_739 = tpu.vector_load_idx %arg12[%add3A_109, %broadcast_in_dim3A_738] : memref<128x128xf32, #tpu.memory_space<vmem>>[vector<16xi32>, vector<16xi32>], vector<16xf32>,
        %broadcast_in_dim3A_740 = arith.constant 24 : i32
        %broadcast_in_dim3A_741 = vector.broadcast %broadcast_in_dim3A_740 : i32 to vector<16xi32>
        %mul3A_742 = arith.mulf %gather3A_739, %exp3A : vector<16xf32>
        tpu.vector_store_idx %arg16[%add3A_109, %broadcast_in_dim3A_741], %mul3A_742 : memref<128x128xf32, #tpu.memory_space<vmem>>[vector<16xi32>, vector<16xi32>], vector<16xf32>,
        %broadcast_in_dim3A_743 = arith.constant 89 : i32
        %broadcast_in_dim3A_744 = vector.broadcast %broadcast_in_dim3A_743 : i32 to vector<16xi32>
        %gather3A_745 = tpu.vector_load_idx %arg12[%add3A_109, %broadcast_in_dim3A_744] : memref<128x128xf32, #tpu.memory_space<vmem>>[vector<16xi32>, vector<16xi32>], vector<16xf32>,
        %broadcast_in_dim3A_746 = arith.constant 25 : i32
        %broadcast_in_dim3A_747 = vector.broadcast %broadcast_in_dim3A_746 : i32 to vector<16xi32>
        %mul3A_748 = arith.mulf %gather3A_745, %exp3A : vector<16xf32>
        tpu.vector_store_idx %arg16[%add3A_109, %broadcast_in_dim3A_747], %mul3A_748 : memref<128x128xf32, #tpu.memory_space<vmem>>[vector<16xi32>, vector<16xi32>], vector<16xf32>,
        %broadcast_in_dim3A_749 = arith.constant 90 : i32
        %broadcast_in_dim3A_750 = vector.broadcast %broadcast_in_dim3A_749 : i32 to vector<16xi32>
        %gather3A_751 = tpu.vector_load_idx %arg12[%add3A_109, %broadcast_in_dim3A_750] : memref<128x128xf32, #tpu.memory_space<vmem>>[vector<16xi32>, vector<16xi32>], vector<16xf32>,
        %broadcast_in_dim3A_752 = arith.constant 26 : i32
        %broadcast_in_dim3A_753 = vector.broadcast %broadcast_in_dim3A_752 : i32 to vector<16xi32>
        %mul3A_754 = arith.mulf %gather3A_751, %exp3A : vector<16xf32>
        tpu.vector_store_idx %arg16[%add3A_109, %broadcast_in_dim3A_753], %mul3A_754 : memref<128x128xf32, #tpu.memory_space<vmem>>[vector<16xi32>, vector<16xi32>], vector<16xf32>,
        %broadcast_in_dim3A_755 = arith.constant 91 : i32
        %broadcast_in_dim3A_756 = vector.broadcast %broadcast_in_dim3A_755 : i32 to vector<16xi32>
        %gather3A_757 = tpu.vector_load_idx %arg12[%add3A_109, %broadcast_in_dim3A_756] : memref<128x128xf32, #tpu.memory_space<vmem>>[vector<16xi32>, vector<16xi32>], vector<16xf32>,
        %broadcast_in_dim3A_758 = arith.constant 27 : i32
        %broadcast_in_dim3A_759 = vector.broadcast %broadcast_in_dim3A_758 : i32 to vector<16xi32>
        %mul3A_760 = arith.mulf %gather3A_757, %exp3A : vector<16xf32>
        tpu.vector_store_idx %arg16[%add3A_109, %broadcast_in_dim3A_759], %mul3A_760 : memref<128x128xf32, #tpu.memory_space<vmem>>[vector<16xi32>, vector<16xi32>], vector<16xf32>,
        %broadcast_in_dim3A_761 = arith.constant 92 : i32
        %broadcast_in_dim3A_762 = vector.broadcast %broadcast_in_dim3A_761 : i32 to vector<16xi32>
        %gather3A_763 = tpu.vector_load_idx %arg12[%add3A_109, %broadcast_in_dim3A_762] : memref<128x128xf32, #tpu.memory_space<vmem>>[vector<16xi32>, vector<16xi32>], vector<16xf32>,
        %broadcast_in_dim3A_764 = arith.constant 28 : i32
        %broadcast_in_dim3A_765 = vector.broadcast %broadcast_in_dim3A_764 : i32 to vector<16xi32>
        %mul3A_766 = arith.mulf %gather3A_763, %exp3A : vector<16xf32>
        tpu.vector_store_idx %arg16[%add3A_109, %broadcast_in_dim3A_765], %mul3A_766 : memref<128x128xf32, #tpu.memory_space<vmem>>[vector<16xi32>, vector<16xi32>], vector<16xf32>,
        %broadcast_in_dim3A_767 = arith.constant 93 : i32
        %broadcast_in_dim3A_768 = vector.broadcast %broadcast_in_dim3A_767 : i32 to vector<16xi32>
        %gather3A_769 = tpu.vector_load_idx %arg12[%add3A_109, %broadcast_in_dim3A_768] : memref<128x128xf32, #tpu.memory_space<vmem>>[vector<16xi32>, vector<16xi32>], vector<16xf32>,
        %broadcast_in_dim3A_770 = arith.constant 29 : i32
        %broadcast_in_dim3A_771 = vector.broadcast %broadcast_in_dim3A_770 : i32 to vector<16xi32>
        %mul3A_772 = arith.mulf %gather3A_769, %exp3A : vector<16xf32>
        tpu.vector_store_idx %arg16[%add3A_109, %broadcast_in_dim3A_771], %mul3A_772 : memref<128x128xf32, #tpu.memory_space<vmem>>[vector<16xi32>, vector<16xi32>], vector<16xf32>,
        %broadcast_in_dim3A_773 = arith.constant 94 : i32
        %broadcast_in_dim3A_774 = vector.broadcast %broadcast_in_dim3A_773 : i32 to vector<16xi32>
        %gather3A_775 = tpu.vector_load_idx %arg12[%add3A_109, %broadcast_in_dim3A_774] : memref<128x128xf32, #tpu.memory_space<vmem>>[vector<16xi32>, vector<16xi32>], vector<16xf32>,
        %broadcast_in_dim3A_776 = arith.constant 30 : i32
        %broadcast_in_dim3A_777 = vector.broadcast %broadcast_in_dim3A_776 : i32 to vector<16xi32>
        %mul3A_778 = arith.mulf %gather3A_775, %exp3A : vector<16xf32>
        tpu.vector_store_idx %arg16[%add3A_109, %broadcast_in_dim3A_777], %mul3A_778 : memref<128x128xf32, #tpu.memory_space<vmem>>[vector<16xi32>, vector<16xi32>], vector<16xf32>,
        %broadcast_in_dim3A_779 = arith.constant 95 : i32
        %broadcast_in_dim3A_780 = vector.broadcast %broadcast_in_dim3A_779 : i32 to vector<16xi32>
        %gather3A_781 = tpu.vector_load_idx %arg12[%add3A_109, %broadcast_in_dim3A_780] : memref<128x128xf32, #tpu.memory_space<vmem>>[vector<16xi32>, vector<16xi32>], vector<16xf32>,
        %broadcast_in_dim3A_782 = arith.constant 31 : i32
        %broadcast_in_dim3A_783 = vector.broadcast %broadcast_in_dim3A_782 : i32 to vector<16xi32>
        %mul3A_784 = arith.mulf %gather3A_781, %exp3A : vector<16xf32>
        tpu.vector_store_idx %arg16[%add3A_109, %broadcast_in_dim3A_783], %mul3A_784 : memref<128x128xf32, #tpu.memory_space<vmem>>[vector<16xi32>, vector<16xi32>], vector<16xf32>,
        %broadcast_in_dim3A_785 = arith.constant 96 : i32
        %broadcast_in_dim3A_786 = vector.broadcast %broadcast_in_dim3A_785 : i32 to vector<16xi32>
        %gather3A_787 = tpu.vector_load_idx %arg12[%add3A_109, %broadcast_in_dim3A_786] : memref<128x128xf32, #tpu.memory_space<vmem>>[vector<16xi32>, vector<16xi32>], vector<16xf32>,
        %broadcast_in_dim3A_788 = arith.constant 32 : i32
        %broadcast_in_dim3A_789 = vector.broadcast %broadcast_in_dim3A_788 : i32 to vector<16xi32>
        %mul3A_790 = arith.mulf %gather3A_787, %exp3A : vector<16xf32>
        tpu.vector_store_idx %arg16[%add3A_109, %broadcast_in_dim3A_789], %mul3A_790 : memref<128x128xf32, #tpu.memory_space<vmem>>[vector<16xi32>, vector<16xi32>], vector<16xf32>,
        %broadcast_in_dim3A_791 = arith.constant 97 : i32
        %broadcast_in_dim3A_792 = vector.broadcast %broadcast_in_dim3A_791 : i32 to vector<16xi32>
        %gather3A_793 = tpu.vector_load_idx %arg12[%add3A_109, %broadcast_in_dim3A_792] : memref<128x128xf32, #tpu.memory_space<vmem>>[vector<16xi32>, vector<16xi32>], vector<16xf32>,
        %broadcast_in_dim3A_794 = arith.constant 33 : i32
        %broadcast_in_dim3A_795 = vector.broadcast %broadcast_in_dim3A_794 : i32 to vector<16xi32>
        %mul3A_796 = arith.mulf %gather3A_793, %exp3A : vector<16xf32>
        tpu.vector_store_idx %arg16[%add3A_109, %broadcast_in_dim3A_795], %mul3A_796 : memref<128x128xf32, #tpu.memory_space<vmem>>[vector<16xi32>, vector<16xi32>], vector<16xf32>,
        %broadcast_in_dim3A_797 = arith.constant 98 : i32
        %broadcast_in_dim3A_798 = vector.broadcast %broadcast_in_dim3A_797 : i32 to vector<16xi32>
        %gather3A_799 = tpu.vector_load_idx %arg12[%add3A_109, %broadcast_in_dim3A_798] : memref<128x128xf32, #tpu.memory_space<vmem>>[vector<16xi32>, vector<16xi32>], vector<16xf32>,
        %broadcast_in_dim3A_800 = arith.constant 34 : i32
        %broadcast_in_dim3A_801 = vector.broadcast %broadcast_in_dim3A_800 : i32 to vector<16xi32>
        %mul3A_802 = arith.mulf %gather3A_799, %exp3A : vector<16xf32>
        tpu.vector_store_idx %arg16[%add3A_109, %broadcast_in_dim3A_801], %mul3A_802 : memref<128x128xf32, #tpu.memory_space<vmem>>[vector<16xi32>, vector<16xi32>], vector<16xf32>,
        %broadcast_in_dim3A_803 = arith.constant 99 : i32
        %broadcast_in_dim3A_804 = vector.broadcast %broadcast_in_dim3A_803 : i32 to vector<16xi32>
        %gather3A_805 = tpu.vector_load_idx %arg12[%add3A_109, %broadcast_in_dim3A_804] : memref<128x128xf32, #tpu.memory_space<vmem>>[vector<16xi32>, vector<16xi32>], vector<16xf32>,
        %broadcast_in_dim3A_806 = arith.constant 35 : i32
        %broadcast_in_dim3A_807 = vector.broadcast %broadcast_in_dim3A_806 : i32 to vector<16xi32>
        %mul3A_808 = arith.mulf %gather3A_805, %exp3A : vector<16xf32>
        tpu.vector_store_idx %arg16[%add3A_109, %broadcast_in_dim3A_807], %mul3A_808 : memref<128x128xf32, #tpu.memory_space<vmem>>[vector<16xi32>, vector<16xi32>], vector<16xf32>,
        %broadcast_in_dim3A_809 = arith.constant 100 : i32
        %broadcast_in_dim3A_810 = vector.broadcast %broadcast_in_dim3A_809 : i32 to vector<16xi32>
        %gather3A_811 = tpu.vector_load_idx %arg12[%add3A_109, %broadcast_in_dim3A_810] : memref<128x128xf32, #tpu.memory_space<vmem>>[vector<16xi32>, vector<16xi32>], vector<16xf32>,
        %broadcast_in_dim3A_812 = arith.constant 36 : i32
        %broadcast_in_dim3A_813 = vector.broadcast %broadcast_in_dim3A_812 : i32 to vector<16xi32>
        %mul3A_814 = arith.mulf %gather3A_811, %exp3A : vector<16xf32>
        tpu.vector_store_idx %arg16[%add3A_109, %broadcast_in_dim3A_813], %mul3A_814 : memref<128x128xf32, #tpu.memory_space<vmem>>[vector<16xi32>, vector<16xi32>], vector<16xf32>,
        %broadcast_in_dim3A_815 = arith.constant 101 : i32
        %broadcast_in_dim3A_816 = vector.broadcast %broadcast_in_dim3A_815 : i32 to vector<16xi32>
        %gather3A_817 = tpu.vector_load_idx %arg12[%add3A_109, %broadcast_in_dim3A_816] : memref<128x128xf32, #tpu.memory_space<vmem>>[vector<16xi32>, vector<16xi32>], vector<16xf32>,
        %broadcast_in_dim3A_818 = arith.constant 37 : i32
        %broadcast_in_dim3A_819 = vector.broadcast %broadcast_in_dim3A_818 : i32 to vector<16xi32>
        %mul3A_820 = arith.mulf %gather3A_817, %exp3A : vector<16xf32>
        tpu.vector_store_idx %arg16[%add3A_109, %broadcast_in_dim3A_819], %mul3A_820 : memref<128x128xf32, #tpu.memory_space<vmem>>[vector<16xi32>, vector<16xi32>], vector<16xf32>,
        %broadcast_in_dim3A_821 = arith.constant 102 : i32
        %broadcast_in_dim3A_822 = vector.broadcast %broadcast_in_dim3A_821 : i32 to vector<16xi32>
        %gather3A_823 = tpu.vector_load_idx %arg12[%add3A_109, %broadcast_in_dim3A_822] : memref<128x128xf32, #tpu.memory_space<vmem>>[vector<16xi32>, vector<16xi32>], vector<16xf32>,
        %broadcast_in_dim3A_824 = arith.constant 38 : i32
        %broadcast_in_dim3A_825 = vector.broadcast %broadcast_in_dim3A_824 : i32 to vector<16xi32>
        %mul3A_826 = arith.mulf %gather3A_823, %exp3A : vector<16xf32>
        tpu.vector_store_idx %arg16[%add3A_109, %broadcast_in_dim3A_825], %mul3A_826 : memref<128x128xf32, #tpu.memory_space<vmem>>[vector<16xi32>, vector<16xi32>], vector<16xf32>,
        %broadcast_in_dim3A_827 = arith.constant 103 : i32
        %broadcast_in_dim3A_828 = vector.broadcast %broadcast_in_dim3A_827 : i32 to vector<16xi32>
        %gather3A_829 = tpu.vector_load_idx %arg12[%add3A_109, %broadcast_in_dim3A_828] : memref<128x128xf32, #tpu.memory_space<vmem>>[vector<16xi32>, vector<16xi32>], vector<16xf32>,
        %broadcast_in_dim3A_830 = arith.constant 39 : i32
        %broadcast_in_dim3A_831 = vector.broadcast %broadcast_in_dim3A_830 : i32 to vector<16xi32>
        %mul3A_832 = arith.mulf %gather3A_829, %exp3A : vector<16xf32>
        tpu.vector_store_idx %arg16[%add3A_109, %broadcast_in_dim3A_831], %mul3A_832 : memref<128x128xf32, #tpu.memory_space<vmem>>[vector<16xi32>, vector<16xi32>], vector<16xf32>,
        %broadcast_in_dim3A_833 = arith.constant 104 : i32
        %broadcast_in_dim3A_834 = vector.broadcast %broadcast_in_dim3A_833 : i32 to vector<16xi32>
        %gather3A_835 = tpu.vector_load_idx %arg12[%add3A_109, %broadcast_in_dim3A_834] : memref<128x128xf32, #tpu.memory_space<vmem>>[vector<16xi32>, vector<16xi32>], vector<16xf32>,
        %broadcast_in_dim3A_836 = arith.constant 40 : i32
        %broadcast_in_dim3A_837 = vector.broadcast %broadcast_in_dim3A_836 : i32 to vector<16xi32>
        %mul3A_838 = arith.mulf %gather3A_835, %exp3A : vector<16xf32>
        tpu.vector_store_idx %arg16[%add3A_109, %broadcast_in_dim3A_837], %mul3A_838 : memref<128x128xf32, #tpu.memory_space<vmem>>[vector<16xi32>, vector<16xi32>], vector<16xf32>,
        %broadcast_in_dim3A_839 = arith.constant 105 : i32
        %broadcast_in_dim3A_840 = vector.broadcast %broadcast_in_dim3A_839 : i32 to vector<16xi32>
        %gather3A_841 = tpu.vector_load_idx %arg12[%add3A_109, %broadcast_in_dim3A_840] : memref<128x128xf32, #tpu.memory_space<vmem>>[vector<16xi32>, vector<16xi32>], vector<16xf32>,
        %broadcast_in_dim3A_842 = arith.constant 41 : i32
        %broadcast_in_dim3A_843 = vector.broadcast %broadcast_in_dim3A_842 : i32 to vector<16xi32>
        %mul3A_844 = arith.mulf %gather3A_841, %exp3A : vector<16xf32>
        tpu.vector_store_idx %arg16[%add3A_109, %broadcast_in_dim3A_843], %mul3A_844 : memref<128x128xf32, #tpu.memory_space<vmem>>[vector<16xi32>, vector<16xi32>], vector<16xf32>,
        %broadcast_in_dim3A_845 = arith.constant 106 : i32
        %broadcast_in_dim3A_846 = vector.broadcast %broadcast_in_dim3A_845 : i32 to vector<16xi32>
        %gather3A_847 = tpu.vector_load_idx %arg12[%add3A_109, %broadcast_in_dim3A_846] : memref<128x128xf32, #tpu.memory_space<vmem>>[vector<16xi32>, vector<16xi32>], vector<16xf32>,
        %broadcast_in_dim3A_848 = arith.constant 42 : i32
        %broadcast_in_dim3A_849 = vector.broadcast %broadcast_in_dim3A_848 : i32 to vector<16xi32>
        %mul3A_850 = arith.mulf %gather3A_847, %exp3A : vector<16xf32>
        tpu.vector_store_idx %arg16[%add3A_109, %broadcast_in_dim3A_849], %mul3A_850 : memref<128x128xf32, #tpu.memory_space<vmem>>[vector<16xi32>, vector<16xi32>], vector<16xf32>,
        %broadcast_in_dim3A_851 = arith.constant 107 : i32
        %broadcast_in_dim3A_852 = vector.broadcast %broadcast_in_dim3A_851 : i32 to vector<16xi32>
        %gather3A_853 = tpu.vector_load_idx %arg12[%add3A_109, %broadcast_in_dim3A_852] : memref<128x128xf32, #tpu.memory_space<vmem>>[vector<16xi32>, vector<16xi32>], vector<16xf32>,
        %broadcast_in_dim3A_854 = arith.constant 43 : i32
        %broadcast_in_dim3A_855 = vector.broadcast %broadcast_in_dim3A_854 : i32 to vector<16xi32>
        %mul3A_856 = arith.mulf %gather3A_853, %exp3A : vector<16xf32>
        tpu.vector_store_idx %arg16[%add3A_109, %broadcast_in_dim3A_855], %mul3A_856 : memref<128x128xf32, #tpu.memory_space<vmem>>[vector<16xi32>, vector<16xi32>], vector<16xf32>,
        %broadcast_in_dim3A_857 = arith.constant 108 : i32
        %broadcast_in_dim3A_858 = vector.broadcast %broadcast_in_dim3A_857 : i32 to vector<16xi32>
        %gather3A_859 = tpu.vector_load_idx %arg12[%add3A_109, %broadcast_in_dim3A_858] : memref<128x128xf32, #tpu.memory_space<vmem>>[vector<16xi32>, vector<16xi32>], vector<16xf32>,
        %broadcast_in_dim3A_860 = arith.constant 44 : i32
        %broadcast_in_dim3A_861 = vector.broadcast %broadcast_in_dim3A_860 : i32 to vector<16xi32>
        %mul3A_862 = arith.mulf %gather3A_859, %exp3A : vector<16xf32>
        tpu.vector_store_idx %arg16[%add3A_109, %broadcast_in_dim3A_861], %mul3A_862 : memref<128x128xf32, #tpu.memory_space<vmem>>[vector<16xi32>, vector<16xi32>], vector<16xf32>,
        %broadcast_in_dim3A_863 = arith.constant 109 : i32
        %broadcast_in_dim3A_864 = vector.broadcast %broadcast_in_dim3A_863 : i32 to vector<16xi32>
        %gather3A_865 = tpu.vector_load_idx %arg12[%add3A_109, %broadcast_in_dim3A_864] : memref<128x128xf32, #tpu.memory_space<vmem>>[vector<16xi32>, vector<16xi32>], vector<16xf32>,
        %broadcast_in_dim3A_866 = arith.constant 45 : i32
        %broadcast_in_dim3A_867 = vector.broadcast %broadcast_in_dim3A_866 : i32 to vector<16xi32>
        %mul3A_868 = arith.mulf %gather3A_865, %exp3A : vector<16xf32>
        tpu.vector_store_idx %arg16[%add3A_109, %broadcast_in_dim3A_867], %mul3A_868 : memref<128x128xf32, #tpu.memory_space<vmem>>[vector<16xi32>, vector<16xi32>], vector<16xf32>,
        %broadcast_in_dim3A_869 = arith.constant 110 : i32
        %broadcast_in_dim3A_870 = vector.broadcast %broadcast_in_dim3A_869 : i32 to vector<16xi32>
        %gather3A_871 = tpu.vector_load_idx %arg12[%add3A_109, %broadcast_in_dim3A_870] : memref<128x128xf32, #tpu.memory_space<vmem>>[vector<16xi32>, vector<16xi32>], vector<16xf32>,
        %broadcast_in_dim3A_872 = arith.constant 46 : i32
        %broadcast_in_dim3A_873 = vector.broadcast %broadcast_in_dim3A_872 : i32 to vector<16xi32>
        %mul3A_874 = arith.mulf %gather3A_871, %exp3A : vector<16xf32>
        tpu.vector_store_idx %arg16[%add3A_109, %broadcast_in_dim3A_873], %mul3A_874 : memref<128x128xf32, #tpu.memory_space<vmem>>[vector<16xi32>, vector<16xi32>], vector<16xf32>,
        %broadcast_in_dim3A_875 = arith.constant 111 : i32
        %broadcast_in_dim3A_876 = vector.broadcast %broadcast_in_dim3A_875 : i32 to vector<16xi32>
        %gather3A_877 = tpu.vector_load_idx %arg12[%add3A_109, %broadcast_in_dim3A_876] : memref<128x128xf32, #tpu.memory_space<vmem>>[vector<16xi32>, vector<16xi32>], vector<16xf32>,
        %broadcast_in_dim3A_878 = arith.constant 47 : i32
        %broadcast_in_dim3A_879 = vector.broadcast %broadcast_in_dim3A_878 : i32 to vector<16xi32>
        %mul3A_880 = arith.mulf %gather3A_877, %exp3A : vector<16xf32>
        tpu.vector_store_idx %arg16[%add3A_109, %broadcast_in_dim3A_879], %mul3A_880 : memref<128x128xf32, #tpu.memory_space<vmem>>[vector<16xi32>, vector<16xi32>], vector<16xf32>,
        %broadcast_in_dim3A_881 = arith.constant 112 : i32
        %broadcast_in_dim3A_882 = vector.broadcast %broadcast_in_dim3A_881 : i32 to vector<16xi32>
        %gather3A_883 = tpu.vector_load_idx %arg12[%add3A_109, %broadcast_in_dim3A_882] : memref<128x128xf32, #tpu.memory_space<vmem>>[vector<16xi32>, vector<16xi32>], vector<16xf32>,
        %broadcast_in_dim3A_884 = arith.constant 48 : i32
        %broadcast_in_dim3A_885 = vector.broadcast %broadcast_in_dim3A_884 : i32 to vector<16xi32>
        %mul3A_886 = arith.mulf %gather3A_883, %exp3A : vector<16xf32>
        tpu.vector_store_idx %arg16[%add3A_109, %broadcast_in_dim3A_885], %mul3A_886 : memref<128x128xf32, #tpu.memory_space<vmem>>[vector<16xi32>, vector<16xi32>], vector<16xf32>,
        %broadcast_in_dim3A_887 = arith.constant 113 : i32
        %broadcast_in_dim3A_888 = vector.broadcast %broadcast_in_dim3A_887 : i32 to vector<16xi32>
        %gather3A_889 = tpu.vector_load_idx %arg12[%add3A_109, %broadcast_in_dim3A_888] : memref<128x128xf32, #tpu.memory_space<vmem>>[vector<16xi32>, vector<16xi32>], vector<16xf32>,
        %broadcast_in_dim3A_890 = arith.constant 49 : i32
        %broadcast_in_dim3A_891 = vector.broadcast %broadcast_in_dim3A_890 : i32 to vector<16xi32>
        %mul3A_892 = arith.mulf %gather3A_889, %exp3A : vector<16xf32>
        tpu.vector_store_idx %arg16[%add3A_109, %broadcast_in_dim3A_891], %mul3A_892 : memref<128x128xf32, #tpu.memory_space<vmem>>[vector<16xi32>, vector<16xi32>], vector<16xf32>,
        %broadcast_in_dim3A_893 = arith.constant 114 : i32
        %broadcast_in_dim3A_894 = vector.broadcast %broadcast_in_dim3A_893 : i32 to vector<16xi32>
        %gather3A_895 = tpu.vector_load_idx %arg12[%add3A_109, %broadcast_in_dim3A_894] : memref<128x128xf32, #tpu.memory_space<vmem>>[vector<16xi32>, vector<16xi32>], vector<16xf32>,
        %broadcast_in_dim3A_896 = arith.constant 50 : i32
        %broadcast_in_dim3A_897 = vector.broadcast %broadcast_in_dim3A_896 : i32 to vector<16xi32>
        %mul3A_898 = arith.mulf %gather3A_895, %exp3A : vector<16xf32>
        tpu.vector_store_idx %arg16[%add3A_109, %broadcast_in_dim3A_897], %mul3A_898 : memref<128x128xf32, #tpu.memory_space<vmem>>[vector<16xi32>, vector<16xi32>], vector<16xf32>,
        %broadcast_in_dim3A_899 = arith.constant 115 : i32
        %broadcast_in_dim3A_900 = vector.broadcast %broadcast_in_dim3A_899 : i32 to vector<16xi32>
        %gather3A_901 = tpu.vector_load_idx %arg12[%add3A_109, %broadcast_in_dim3A_900] : memref<128x128xf32, #tpu.memory_space<vmem>>[vector<16xi32>, vector<16xi32>], vector<16xf32>,
        %broadcast_in_dim3A_902 = arith.constant 51 : i32
        %broadcast_in_dim3A_903 = vector.broadcast %broadcast_in_dim3A_902 : i32 to vector<16xi32>
        %mul3A_904 = arith.mulf %gather3A_901, %exp3A : vector<16xf32>
        tpu.vector_store_idx %arg16[%add3A_109, %broadcast_in_dim3A_903], %mul3A_904 : memref<128x128xf32, #tpu.memory_space<vmem>>[vector<16xi32>, vector<16xi32>], vector<16xf32>,
        %broadcast_in_dim3A_905 = arith.constant 116 : i32
        %broadcast_in_dim3A_906 = vector.broadcast %broadcast_in_dim3A_905 : i32 to vector<16xi32>
        %gather3A_907 = tpu.vector_load_idx %arg12[%add3A_109, %broadcast_in_dim3A_906] : memref<128x128xf32, #tpu.memory_space<vmem>>[vector<16xi32>, vector<16xi32>], vector<16xf32>,
        %broadcast_in_dim3A_908 = arith.constant 52 : i32
        %broadcast_in_dim3A_909 = vector.broadcast %broadcast_in_dim3A_908 : i32 to vector<16xi32>
        %mul3A_910 = arith.mulf %gather3A_907, %exp3A : vector<16xf32>
        tpu.vector_store_idx %arg16[%add3A_109, %broadcast_in_dim3A_909], %mul3A_910 : memref<128x128xf32, #tpu.memory_space<vmem>>[vector<16xi32>, vector<16xi32>], vector<16xf32>,
        %broadcast_in_dim3A_911 = arith.constant 117 : i32
        %broadcast_in_dim3A_912 = vector.broadcast %broadcast_in_dim3A_911 : i32 to vector<16xi32>
        %gather3A_913 = tpu.vector_load_idx %arg12[%add3A_109, %broadcast_in_dim3A_912] : memref<128x128xf32, #tpu.memory_space<vmem>>[vector<16xi32>, vector<16xi32>], vector<16xf32>,
        %broadcast_in_dim3A_914 = arith.constant 53 : i32
        %broadcast_in_dim3A_915 = vector.broadcast %broadcast_in_dim3A_914 : i32 to vector<16xi32>
        %mul3A_916 = arith.mulf %gather3A_913, %exp3A : vector<16xf32>
        tpu.vector_store_idx %arg16[%add3A_109, %broadcast_in_dim3A_915], %mul3A_916 : memref<128x128xf32, #tpu.memory_space<vmem>>[vector<16xi32>, vector<16xi32>], vector<16xf32>,
        %broadcast_in_dim3A_917 = arith.constant 118 : i32
        %broadcast_in_dim3A_918 = vector.broadcast %broadcast_in_dim3A_917 : i32 to vector<16xi32>
        %gather3A_919 = tpu.vector_load_idx %arg12[%add3A_109, %broadcast_in_dim3A_918] : memref<128x128xf32, #tpu.memory_space<vmem>>[vector<16xi32>, vector<16xi32>], vector<16xf32>,
        %broadcast_in_dim3A_920 = arith.constant 54 : i32
        %broadcast_in_dim3A_921 = vector.broadcast %broadcast_in_dim3A_920 : i32 to vector<16xi32>
        %mul3A_922 = arith.mulf %gather3A_919, %exp3A : vector<16xf32>
        tpu.vector_store_idx %arg16[%add3A_109, %broadcast_in_dim3A_921], %mul3A_922 : memref<128x128xf32, #tpu.memory_space<vmem>>[vector<16xi32>, vector<16xi32>], vector<16xf32>,
        %broadcast_in_dim3A_923 = arith.constant 119 : i32
        %broadcast_in_dim3A_924 = vector.broadcast %broadcast_in_dim3A_923 : i32 to vector<16xi32>
        %gather3A_925 = tpu.vector_load_idx %arg12[%add3A_109, %broadcast_in_dim3A_924] : memref<128x128xf32, #tpu.memory_space<vmem>>[vector<16xi32>, vector<16xi32>], vector<16xf32>,
        %broadcast_in_dim3A_926 = arith.constant 55 : i32
        %broadcast_in_dim3A_927 = vector.broadcast %broadcast_in_dim3A_926 : i32 to vector<16xi32>
        %mul3A_928 = arith.mulf %gather3A_925, %exp3A : vector<16xf32>
        tpu.vector_store_idx %arg16[%add3A_109, %broadcast_in_dim3A_927], %mul3A_928 : memref<128x128xf32, #tpu.memory_space<vmem>>[vector<16xi32>, vector<16xi32>], vector<16xf32>,
        %broadcast_in_dim3A_929 = arith.constant 120 : i32
        %broadcast_in_dim3A_930 = vector.broadcast %broadcast_in_dim3A_929 : i32 to vector<16xi32>
        %gather3A_931 = tpu.vector_load_idx %arg12[%add3A_109, %broadcast_in_dim3A_930] : memref<128x128xf32, #tpu.memory_space<vmem>>[vector<16xi32>, vector<16xi32>], vector<16xf32>,
        %broadcast_in_dim3A_932 = arith.constant 56 : i32
        %broadcast_in_dim3A_933 = vector.broadcast %broadcast_in_dim3A_932 : i32 to vector<16xi32>
        %mul3A_934 = arith.mulf %gather3A_931, %exp3A : vector<16xf32>
        tpu.vector_store_idx %arg16[%add3A_109, %broadcast_in_dim3A_933], %mul3A_934 : memref<128x128xf32, #tpu.memory_space<vmem>>[vector<16xi32>, vector<16xi32>], vector<16xf32>,
        %broadcast_in_dim3A_935 = arith.constant 121 : i32
        %broadcast_in_dim3A_936 = vector.broadcast %broadcast_in_dim3A_935 : i32 to vector<16xi32>
        %gather3A_937 = tpu.vector_load_idx %arg12[%add3A_109, %broadcast_in_dim3A_936] : memref<128x128xf32, #tpu.memory_space<vmem>>[vector<16xi32>, vector<16xi32>], vector<16xf32>,
        %broadcast_in_dim3A_938 = arith.constant 57 : i32
        %broadcast_in_dim3A_939 = vector.broadcast %broadcast_in_dim3A_938 : i32 to vector<16xi32>
        %mul3A_940 = arith.mulf %gather3A_937, %exp3A : vector<16xf32>
        tpu.vector_store_idx %arg16[%add3A_109, %broadcast_in_dim3A_939], %mul3A_940 : memref<128x128xf32, #tpu.memory_space<vmem>>[vector<16xi32>, vector<16xi32>], vector<16xf32>,
        %broadcast_in_dim3A_941 = arith.constant 122 : i32
        %broadcast_in_dim3A_942 = vector.broadcast %broadcast_in_dim3A_941 : i32 to vector<16xi32>
        %gather3A_943 = tpu.vector_load_idx %arg12[%add3A_109, %broadcast_in_dim3A_942] : memref<128x128xf32, #tpu.memory_space<vmem>>[vector<16xi32>, vector<16xi32>], vector<16xf32>,
        %broadcast_in_dim3A_944 = arith.constant 58 : i32
        %broadcast_in_dim3A_945 = vector.broadcast %broadcast_in_dim3A_944 : i32 to vector<16xi32>
        %mul3A_946 = arith.mulf %gather3A_943, %exp3A : vector<16xf32>
        tpu.vector_store_idx %arg16[%add3A_109, %broadcast_in_dim3A_945], %mul3A_946 : memref<128x128xf32, #tpu.memory_space<vmem>>[vector<16xi32>, vector<16xi32>], vector<16xf32>,
        %broadcast_in_dim3A_947 = arith.constant 123 : i32
        %broadcast_in_dim3A_948 = vector.broadcast %broadcast_in_dim3A_947 : i32 to vector<16xi32>
        %gather3A_949 = tpu.vector_load_idx %arg12[%add3A_109, %broadcast_in_dim3A_948] : memref<128x128xf32, #tpu.memory_space<vmem>>[vector<16xi32>, vector<16xi32>], vector<16xf32>,
        %broadcast_in_dim3A_950 = arith.constant 59 : i32
        %broadcast_in_dim3A_951 = vector.broadcast %broadcast_in_dim3A_950 : i32 to vector<16xi32>
        %mul3A_952 = arith.mulf %gather3A_949, %exp3A : vector<16xf32>
        tpu.vector_store_idx %arg16[%add3A_109, %broadcast_in_dim3A_951], %mul3A_952 : memref<128x128xf32, #tpu.memory_space<vmem>>[vector<16xi32>, vector<16xi32>], vector<16xf32>,
        %broadcast_in_dim3A_953 = arith.constant 124 : i32
        %broadcast_in_dim3A_954 = vector.broadcast %broadcast_in_dim3A_953 : i32 to vector<16xi32>
        %gather3A_955 = tpu.vector_load_idx %arg12[%add3A_109, %broadcast_in_dim3A_954] : memref<128x128xf32, #tpu.memory_space<vmem>>[vector<16xi32>, vector<16xi32>], vector<16xf32>,
        %broadcast_in_dim3A_956 = arith.constant 60 : i32
        %broadcast_in_dim3A_957 = vector.broadcast %broadcast_in_dim3A_956 : i32 to vector<16xi32>
        %mul3A_958 = arith.mulf %gather3A_955, %exp3A : vector<16xf32>
        tpu.vector_store_idx %arg16[%add3A_109, %broadcast_in_dim3A_957], %mul3A_958 : memref<128x128xf32, #tpu.memory_space<vmem>>[vector<16xi32>, vector<16xi32>], vector<16xf32>,
        %broadcast_in_dim3A_959 = arith.constant 125 : i32
        %broadcast_in_dim3A_960 = vector.broadcast %broadcast_in_dim3A_959 : i32 to vector<16xi32>
        %gather3A_961 = tpu.vector_load_idx %arg12[%add3A_109, %broadcast_in_dim3A_960] : memref<128x128xf32, #tpu.memory_space<vmem>>[vector<16xi32>, vector<16xi32>], vector<16xf32>,
        %broadcast_in_dim3A_962 = arith.constant 61 : i32
        %broadcast_in_dim3A_963 = vector.broadcast %broadcast_in_dim3A_962 : i32 to vector<16xi32>
        %mul3A_964 = arith.mulf %gather3A_961, %exp3A : vector<16xf32>
        tpu.vector_store_idx %arg16[%add3A_109, %broadcast_in_dim3A_963], %mul3A_964 : memref<128x128xf32, #tpu.memory_space<vmem>>[vector<16xi32>, vector<16xi32>], vector<16xf32>,
        %broadcast_in_dim3A_965 = arith.constant 126 : i32
        %broadcast_in_dim3A_966 = vector.broadcast %broadcast_in_dim3A_965 : i32 to vector<16xi32>
        %gather3A_967 = tpu.vector_load_idx %arg12[%add3A_109, %broadcast_in_dim3A_966] : memref<128x128xf32, #tpu.memory_space<vmem>>[vector<16xi32>, vector<16xi32>], vector<16xf32>,
        %broadcast_in_dim3A_968 = arith.constant 62 : i32
        %broadcast_in_dim3A_969 = vector.broadcast %broadcast_in_dim3A_968 : i32 to vector<16xi32>
        %mul3A_970 = arith.mulf %gather3A_967, %exp3A : vector<16xf32>
        tpu.vector_store_idx %arg16[%add3A_109, %broadcast_in_dim3A_969], %mul3A_970 : memref<128x128xf32, #tpu.memory_space<vmem>>[vector<16xi32>, vector<16xi32>], vector<16xf32>,
        %broadcast_in_dim3A_971 = arith.constant 127 : i32
        %broadcast_in_dim3A_972 = vector.broadcast %broadcast_in_dim3A_971 : i32 to vector<16xi32>
        %gather3A_973 = tpu.vector_load_idx %arg12[%add3A_109, %broadcast_in_dim3A_972] : memref<128x128xf32, #tpu.memory_space<vmem>>[vector<16xi32>, vector<16xi32>], vector<16xf32>,
        %broadcast_in_dim3A_974 = arith.constant 63 : i32
        %broadcast_in_dim3A_975 = vector.broadcast %broadcast_in_dim3A_974 : i32 to vector<16xi32>
        %mul3A_976 = arith.mulf %gather3A_973, %exp3A : vector<16xf32>
        tpu.vector_store_idx %arg16[%add3A_109, %broadcast_in_dim3A_975], %mul3A_976 : memref<128x128xf32, #tpu.memory_space<vmem>>[vector<16xi32>, vector<16xi32>], vector<16xf32>,
      }
      %scan3A_69 = arith.constant 8 : i32
      "tpu.region"() ({
        %run_scoped3A = tpu.sem_alloc : memref<!tpu.dma_semaphore, #tpu.memory_space<semaphore_mem>>
        %dma_start3A_105 = arith.constant 0 : i32
        %dma_start3A_106 = arith.constant 0 : i32
        %dma_start3A_107 = tpu.memref_slice %arg21[%dma_start3A_105, %dma_start3A_106] : memref<5120x128xf32, #tpu.memory_space<vmem_shared>> -> memref<5120x128xf32, #tpu.memory_space<vmem_shared>>
        tpu.enqueue_indirect_dma source(%arg16 : memref<128x128xf32, #tpu.memory_space<vmem>>) target(%dma_start3A_107 : memref<5120x128xf32, #tpu.memory_space<vmem_shared>>) offsets(%arg9 : memref<128xi32, #tpu.memory_space<vmem>>) semaphore(%run_scoped3A : memref<!tpu.dma_semaphore, #tpu.memory_space<semaphore_mem>>) {add = true}
        %dma_wait3A_108 = arith.constant 0 : i32
        %dma_wait3A_109 = arith.constant 0 : i32
        %dma_wait3A_110 = tpu.memref_slice %arg21[%dma_wait3A_108, %dma_wait3A_109] : memref<5120x128xf32, #tpu.memory_space<vmem_shared>> -> memref<5120x128xf32, #tpu.memory_space<vmem_shared>>
        tpu.wait_indirect_dma semaphore(%run_scoped3A : memref<!tpu.dma_semaphore, #tpu.memory_space<semaphore_mem>>) src(%arg16 : memref<128x128xf32, #tpu.memory_space<vmem>>) dst(%dma_wait3A_110 : memref<5120x128xf32, #tpu.memory_space<vmem_shared>>)
        tpu.yield
      }) : () -> ()
      %add3A_70 = arith.constant 2 : i32
      %add3A_71 = arith.addi %mul3A_51, %add3A_70 : i32
      %lt3A = arith.constant 40 : i32
      %lt3A_72 = arith.cmpi slt, %add3A_71, %lt3A : i32
      %jit3A = arith.constant 0 : i32
      %select_n3A = arith.select %lt3A_72, %add3A_71, %jit3A : i32
      %mul3A_73 = arith.constant 128 : i32
      %mul3A_74 = arith.muli %select_n3A, %mul3A_73 : i32
      %add3A_75 = arith.addi %mul3A_16, %mul3A_74 : i32
      "tpu.region"() ({
        %run_scoped3A = tpu.sem_alloc : memref<!tpu.dma_semaphore, #tpu.memory_space<semaphore_mem>>
        %dma_start3A_105 = tpu.memref_slice %arg2[%add3A_75] : memref<163840xi32, #tpu.memory_space<hbm>> -> memref<128xi32, #tpu.memory_space<hbm>>
        %dma_start3A_106 = tpu.memref_slice %arg2[%add3A_75] : memref<163840xi32, #tpu.memory_space<hbm>> -> memref<128xi32, #tpu.memory_space<hbm>>
        tpu.enqueue_dma source(%dma_start3A_106 : memref<128xi32, #tpu.memory_space<hbm>>) target(%arg8 : memref<128xi32, #tpu.memory_space<vmem>>) target_semaphore(%run_scoped3A : memref<!tpu.dma_semaphore, #tpu.memory_space<semaphore_mem>>)
        %dma_wait3A_107 = tpu.memref_slice %arg2[%add3A_75] : memref<163840xi32, #tpu.memory_space<hbm>> -> memref<128xi32, #tpu.memory_space<hbm>>
        %dma_wait3A_108 = tpu.memref_slice %arg2[%add3A_75] : memref<163840xi32, #tpu.memory_space<hbm>> -> memref<128xi32, #tpu.memory_space<hbm>>
        tpu.wait_dma2 semaphore(%run_scoped3A : memref<!tpu.dma_semaphore, #tpu.memory_space<semaphore_mem>>) src(%dma_wait3A_108 : memref<128xi32, #tpu.memory_space<hbm>>) dst(%arg8 : memref<128xi32, #tpu.memory_space<vmem>>)
        tpu.yield
      }) : () -> ()
      "tpu.region"() ({
        %run_scoped3A = tpu.sem_alloc : memref<!tpu.dma_semaphore, #tpu.memory_space<semaphore_mem>>
        %dma_start3A_105 = tpu.memref_slice %arg3[%add3A_75] : memref<163840xi32, #tpu.memory_space<hbm>> -> memref<128xi32, #tpu.memory_space<hbm>>
        %dma_start3A_106 = tpu.memref_slice %arg3[%add3A_75] : memref<163840xi32, #tpu.memory_space<hbm>> -> memref<128xi32, #tpu.memory_space<hbm>>
        tpu.enqueue_dma source(%dma_start3A_106 : memref<128xi32, #tpu.memory_space<hbm>>) target(%arg9 : memref<128xi32, #tpu.memory_space<vmem>>) target_semaphore(%run_scoped3A : memref<!tpu.dma_semaphore, #tpu.memory_space<semaphore_mem>>)
        %dma_wait3A_107 = tpu.memref_slice %arg3[%add3A_75] : memref<163840xi32, #tpu.memory_space<hbm>> -> memref<128xi32, #tpu.memory_space<hbm>>
        %dma_wait3A_108 = tpu.memref_slice %arg3[%add3A_75] : memref<163840xi32, #tpu.memory_space<hbm>> -> memref<128xi32, #tpu.memory_space<hbm>>
        tpu.wait_dma2 semaphore(%run_scoped3A : memref<!tpu.dma_semaphore, #tpu.memory_space<semaphore_mem>>) src(%dma_wait3A_108 : memref<128xi32, #tpu.memory_space<hbm>>) dst(%arg9 : memref<128xi32, #tpu.memory_space<vmem>>)
        tpu.yield
      }) : () -> ()
      %add3A_76 = arith.constant 1 : i32
      %add3A_77 = arith.addi %mul3A_51, %add3A_76 : i32
      %dma_wait3A_78 = arith.constant 0 : i32
      %dma_wait3A_79 = arith.constant 0 : i32
      %dma_wait3A_80 = tpu.memref_slice %arg4[%dma_wait3A_78, %dma_wait3A_79] : memref<10000x128xf32, #tpu.memory_space<hbm>> -> memref<10000x128xf32, #tpu.memory_space<hbm>>
      tpu.wait_indirect_dma semaphore(%arg20 : memref<!tpu.dma_semaphore, #tpu.memory_space<semaphore_mem>>) src(%dma_wait3A_80 : memref<10000x128xf32, #tpu.memory_space<hbm>>) dst(%arg14 : memref<128x128xf32, #tpu.memory_space<vmem>>)
      %dma_wait3A_81 = arith.constant 0 : i32
      %dma_wait3A_82 = arith.constant 0 : i32
      %dma_wait3A_83 = tpu.memref_slice %arg5[%dma_wait3A_81, %dma_wait3A_82] : memref<5120x128xf32, #tpu.memory_space<hbm>> -> memref<5120x128xf32, #tpu.memory_space<hbm>>
      tpu.wait_indirect_dma semaphore(%arg20 : memref<!tpu.dma_semaphore, #tpu.memory_space<semaphore_mem>>) src(%dma_wait3A_83 : memref<5120x128xf32, #tpu.memory_space<hbm>>) dst(%arg15 : memref<128x128xf32, #tpu.memory_space<vmem>>)
      %dma_start3A_84 = arith.constant 0 : i32
      %dma_start3A_85 = arith.constant 0 : i32
      %dma_start3A_86 = tpu.memref_slice %arg4[%dma_start3A_84, %dma_start3A_85] : memref<10000x128xf32, #tpu.memory_space<hbm>> -> memref<10000x128xf32, #tpu.memory_space<hbm>>
      tpu.enqueue_indirect_dma source(%dma_start3A_86 : memref<10000x128xf32, #tpu.memory_space<hbm>>) target(%arg12 : memref<128x128xf32, #tpu.memory_space<vmem>>) offsets(%arg8 : memref<128xi32, #tpu.memory_space<vmem>>) semaphore(%arg19 : memref<!tpu.dma_semaphore, #tpu.memory_space<semaphore_mem>>)
      %dma_start3A_87 = arith.constant 0 : i32
      %dma_start3A_88 = arith.constant 0 : i32
      %dma_start3A_89 = tpu.memref_slice %arg5[%dma_start3A_87, %dma_start3A_88] : memref<5120x128xf32, #tpu.memory_space<hbm>> -> memref<5120x128xf32, #tpu.memory_space<hbm>>
      tpu.enqueue_indirect_dma source(%dma_start3A_89 : memref<5120x128xf32, #tpu.memory_space<hbm>>) target(%arg13 : memref<128x128xf32, #tpu.memory_space<vmem>>) offsets(%arg9 : memref<128xi32, #tpu.memory_space<vmem>>) semaphore(%arg19 : memref<!tpu.dma_semaphore, #tpu.memory_space<semaphore_mem>>)
      %scan3A_90 = arith.constant 0 : i32
      %scan3A_91 = arith.constant 0 : i32
      %scan3A_92 = arith.constant 8 : i32
      %scan3A_93 = arith.addi %scan3A_91, %scan3A_92 : i32
      %scan3A_94 = arith.constant 1 : i32
      scf.for %scan3A_105 = %scan3A_91 to %scan3A_93 step %scan3A_94  : i32 {
        %mul3A_106 = arith.constant 16 : i32
        %mul3A_107 = arith.muli %scan3A_105, %mul3A_106 : i32
        %add3A_108 = vector.broadcast %mul3A_107 : i32 to vector<16xi32>
        %add3A_109 = arith.addi %add3A_108, %iota3A : vector<16xi32>
        %broadcast_in_dim3A = arith.constant 0.000000e+00 : f32
        %broadcast_in_dim3A_110 = vector.broadcast %broadcast_in_dim3A : f32 to vector<16xf32>
        %broadcast_in_dim3A_111 = arith.constant 0.000000e+00 : f32
        %broadcast_in_dim3A_112 = vector.broadcast %broadcast_in_dim3A_111 : f32 to vector<16xf32>
        %broadcast_in_dim3A_113 = arith.constant 0.000000e+00 : f32
        %broadcast_in_dim3A_114 = vector.broadcast %broadcast_in_dim3A_113 : f32 to vector<16xf32>
        %broadcast_in_dim3A_115 = arith.constant 0.000000e+00 : f32
        %broadcast_in_dim3A_116 = vector.broadcast %broadcast_in_dim3A_115 : f32 to vector<16xf32>
        %broadcast_in_dim3A_117 = arith.constant 0 : i32
        %broadcast_in_dim3A_118 = vector.broadcast %broadcast_in_dim3A_117 : i32 to vector<16xi32>
        %gather3A = tpu.vector_load_idx %arg14[%add3A_109, %broadcast_in_dim3A_118] : memref<128x128xf32, #tpu.memory_space<vmem>>[vector<16xi32>, vector<16xi32>], vector<16xf32>,
        %gather3A_119 = tpu.vector_load_idx %arg15[%add3A_109, %broadcast_in_dim3A_118] : memref<128x128xf32, #tpu.memory_space<vmem>>[vector<16xi32>, vector<16xi32>], vector<16xf32>,
        %sub3A = arith.subf %gather3A, %gather3A_119 : vector<16xf32>
        %mul3A_120 = arith.mulf %sub3A, %sub3A : vector<16xf32>
        %add3A_121 = arith.addf %broadcast_in_dim3A_110, %mul3A_120 : vector<16xf32>
        %broadcast_in_dim3A_122 = arith.constant 1 : i32
        %broadcast_in_dim3A_123 = vector.broadcast %broadcast_in_dim3A_122 : i32 to vector<16xi32>
        %gather3A_124 = tpu.vector_load_idx %arg14[%add3A_109, %broadcast_in_dim3A_123] : memref<128x128xf32, #tpu.memory_space<vmem>>[vector<16xi32>, vector<16xi32>], vector<16xf32>,
        %gather3A_125 = tpu.vector_load_idx %arg15[%add3A_109, %broadcast_in_dim3A_123] : memref<128x128xf32, #tpu.memory_space<vmem>>[vector<16xi32>, vector<16xi32>], vector<16xf32>,
        %sub3A_126 = arith.subf %gather3A_124, %gather3A_125 : vector<16xf32>
        %mul3A_127 = arith.mulf %sub3A_126, %sub3A_126 : vector<16xf32>
        %add3A_128 = arith.addf %broadcast_in_dim3A_112, %mul3A_127 : vector<16xf32>
        %broadcast_in_dim3A_129 = arith.constant 2 : i32
        %broadcast_in_dim3A_130 = vector.broadcast %broadcast_in_dim3A_129 : i32 to vector<16xi32>
        %gather3A_131 = tpu.vector_load_idx %arg14[%add3A_109, %broadcast_in_dim3A_130] : memref<128x128xf32, #tpu.memory_space<vmem>>[vector<16xi32>, vector<16xi32>], vector<16xf32>,
        %gather3A_132 = tpu.vector_load_idx %arg15[%add3A_109, %broadcast_in_dim3A_130] : memref<128x128xf32, #tpu.memory_space<vmem>>[vector<16xi32>, vector<16xi32>], vector<16xf32>,
        %sub3A_133 = arith.subf %gather3A_131, %gather3A_132 : vector<16xf32>
        %mul3A_134 = arith.mulf %sub3A_133, %sub3A_133 : vector<16xf32>
        %add3A_135 = arith.addf %broadcast_in_dim3A_114, %mul3A_134 : vector<16xf32>
        %broadcast_in_dim3A_136 = arith.constant 3 : i32
        %broadcast_in_dim3A_137 = vector.broadcast %broadcast_in_dim3A_136 : i32 to vector<16xi32>
        %gather3A_138 = tpu.vector_load_idx %arg14[%add3A_109, %broadcast_in_dim3A_137] : memref<128x128xf32, #tpu.memory_space<vmem>>[vector<16xi32>, vector<16xi32>], vector<16xf32>,
        %gather3A_139 = tpu.vector_load_idx %arg15[%add3A_109, %broadcast_in_dim3A_137] : memref<128x128xf32, #tpu.memory_space<vmem>>[vector<16xi32>, vector<16xi32>], vector<16xf32>,
        %sub3A_140 = arith.subf %gather3A_138, %gather3A_139 : vector<16xf32>
        %mul3A_141 = arith.mulf %sub3A_140, %sub3A_140 : vector<16xf32>
        %add3A_142 = arith.addf %broadcast_in_dim3A_116, %mul3A_141 : vector<16xf32>
        %broadcast_in_dim3A_143 = arith.constant 4 : i32
        %broadcast_in_dim3A_144 = vector.broadcast %broadcast_in_dim3A_143 : i32 to vector<16xi32>
        %gather3A_145 = tpu.vector_load_idx %arg14[%add3A_109, %broadcast_in_dim3A_144] : memref<128x128xf32, #tpu.memory_space<vmem>>[vector<16xi32>, vector<16xi32>], vector<16xf32>,
        %gather3A_146 = tpu.vector_load_idx %arg15[%add3A_109, %broadcast_in_dim3A_144] : memref<128x128xf32, #tpu.memory_space<vmem>>[vector<16xi32>, vector<16xi32>], vector<16xf32>,
        %sub3A_147 = arith.subf %gather3A_145, %gather3A_146 : vector<16xf32>
        %mul3A_148 = arith.mulf %sub3A_147, %sub3A_147 : vector<16xf32>
        %add3A_149 = arith.addf %add3A_121, %mul3A_148 : vector<16xf32>
        %broadcast_in_dim3A_150 = arith.constant 5 : i32
        %broadcast_in_dim3A_151 = vector.broadcast %broadcast_in_dim3A_150 : i32 to vector<16xi32>
        %gather3A_152 = tpu.vector_load_idx %arg14[%add3A_109, %broadcast_in_dim3A_151] : memref<128x128xf32, #tpu.memory_space<vmem>>[vector<16xi32>, vector<16xi32>], vector<16xf32>,
        %gather3A_153 = tpu.vector_load_idx %arg15[%add3A_109, %broadcast_in_dim3A_151] : memref<128x128xf32, #tpu.memory_space<vmem>>[vector<16xi32>, vector<16xi32>], vector<16xf32>,
        %sub3A_154 = arith.subf %gather3A_152, %gather3A_153 : vector<16xf32>
        %mul3A_155 = arith.mulf %sub3A_154, %sub3A_154 : vector<16xf32>
        %add3A_156 = arith.addf %add3A_128, %mul3A_155 : vector<16xf32>
        %broadcast_in_dim3A_157 = arith.constant 6 : i32
        %broadcast_in_dim3A_158 = vector.broadcast %broadcast_in_dim3A_157 : i32 to vector<16xi32>
        %gather3A_159 = tpu.vector_load_idx %arg14[%add3A_109, %broadcast_in_dim3A_158] : memref<128x128xf32, #tpu.memory_space<vmem>>[vector<16xi32>, vector<16xi32>], vector<16xf32>,
        %gather3A_160 = tpu.vector_load_idx %arg15[%add3A_109, %broadcast_in_dim3A_158] : memref<128x128xf32, #tpu.memory_space<vmem>>[vector<16xi32>, vector<16xi32>], vector<16xf32>,
        %sub3A_161 = arith.subf %gather3A_159, %gather3A_160 : vector<16xf32>
        %mul3A_162 = arith.mulf %sub3A_161, %sub3A_161 : vector<16xf32>
        %add3A_163 = arith.addf %add3A_135, %mul3A_162 : vector<16xf32>
        %broadcast_in_dim3A_164 = arith.constant 7 : i32
        %broadcast_in_dim3A_165 = vector.broadcast %broadcast_in_dim3A_164 : i32 to vector<16xi32>
        %gather3A_166 = tpu.vector_load_idx %arg14[%add3A_109, %broadcast_in_dim3A_165] : memref<128x128xf32, #tpu.memory_space<vmem>>[vector<16xi32>, vector<16xi32>], vector<16xf32>,
        %gather3A_167 = tpu.vector_load_idx %arg15[%add3A_109, %broadcast_in_dim3A_165] : memref<128x128xf32, #tpu.memory_space<vmem>>[vector<16xi32>, vector<16xi32>], vector<16xf32>,
        %sub3A_168 = arith.subf %gather3A_166, %gather3A_167 : vector<16xf32>
        %mul3A_169 = arith.mulf %sub3A_168, %sub3A_168 : vector<16xf32>
        %add3A_170 = arith.addf %add3A_142, %mul3A_169 : vector<16xf32>
        %broadcast_in_dim3A_171 = arith.constant 8 : i32
        %broadcast_in_dim3A_172 = vector.broadcast %broadcast_in_dim3A_171 : i32 to vector<16xi32>
        %gather3A_173 = tpu.vector_load_idx %arg14[%add3A_109, %broadcast_in_dim3A_172] : memref<128x128xf32, #tpu.memory_space<vmem>>[vector<16xi32>, vector<16xi32>], vector<16xf32>,
        %gather3A_174 = tpu.vector_load_idx %arg15[%add3A_109, %broadcast_in_dim3A_172] : memref<128x128xf32, #tpu.memory_space<vmem>>[vector<16xi32>, vector<16xi32>], vector<16xf32>,
        %sub3A_175 = arith.subf %gather3A_173, %gather3A_174 : vector<16xf32>
        %mul3A_176 = arith.mulf %sub3A_175, %sub3A_175 : vector<16xf32>
        %add3A_177 = arith.addf %add3A_149, %mul3A_176 : vector<16xf32>
        %broadcast_in_dim3A_178 = arith.constant 9 : i32
        %broadcast_in_dim3A_179 = vector.broadcast %broadcast_in_dim3A_178 : i32 to vector<16xi32>
        %gather3A_180 = tpu.vector_load_idx %arg14[%add3A_109, %broadcast_in_dim3A_179] : memref<128x128xf32, #tpu.memory_space<vmem>>[vector<16xi32>, vector<16xi32>], vector<16xf32>,
        %gather3A_181 = tpu.vector_load_idx %arg15[%add3A_109, %broadcast_in_dim3A_179] : memref<128x128xf32, #tpu.memory_space<vmem>>[vector<16xi32>, vector<16xi32>], vector<16xf32>,
        %sub3A_182 = arith.subf %gather3A_180, %gather3A_181 : vector<16xf32>
        %mul3A_183 = arith.mulf %sub3A_182, %sub3A_182 : vector<16xf32>
        %add3A_184 = arith.addf %add3A_156, %mul3A_183 : vector<16xf32>
        %broadcast_in_dim3A_185 = arith.constant 10 : i32
        %broadcast_in_dim3A_186 = vector.broadcast %broadcast_in_dim3A_185 : i32 to vector<16xi32>
        %gather3A_187 = tpu.vector_load_idx %arg14[%add3A_109, %broadcast_in_dim3A_186] : memref<128x128xf32, #tpu.memory_space<vmem>>[vector<16xi32>, vector<16xi32>], vector<16xf32>,
        %gather3A_188 = tpu.vector_load_idx %arg15[%add3A_109, %broadcast_in_dim3A_186] : memref<128x128xf32, #tpu.memory_space<vmem>>[vector<16xi32>, vector<16xi32>], vector<16xf32>,
        %sub3A_189 = arith.subf %gather3A_187, %gather3A_188 : vector<16xf32>
        %mul3A_190 = arith.mulf %sub3A_189, %sub3A_189 : vector<16xf32>
        %add3A_191 = arith.addf %add3A_163, %mul3A_190 : vector<16xf32>
        %broadcast_in_dim3A_192 = arith.constant 11 : i32
        %broadcast_in_dim3A_193 = vector.broadcast %broadcast_in_dim3A_192 : i32 to vector<16xi32>
        %gather3A_194 = tpu.vector_load_idx %arg14[%add3A_109, %broadcast_in_dim3A_193] : memref<128x128xf32, #tpu.memory_space<vmem>>[vector<16xi32>, vector<16xi32>], vector<16xf32>,
        %gather3A_195 = tpu.vector_load_idx %arg15[%add3A_109, %broadcast_in_dim3A_193] : memref<128x128xf32, #tpu.memory_space<vmem>>[vector<16xi32>, vector<16xi32>], vector<16xf32>,
        %sub3A_196 = arith.subf %gather3A_194, %gather3A_195 : vector<16xf32>
        %mul3A_197 = arith.mulf %sub3A_196, %sub3A_196 : vector<16xf32>
        %add3A_198 = arith.addf %add3A_170, %mul3A_197 : vector<16xf32>
        %broadcast_in_dim3A_199 = arith.constant 12 : i32
        %broadcast_in_dim3A_200 = vector.broadcast %broadcast_in_dim3A_199 : i32 to vector<16xi32>
        %gather3A_201 = tpu.vector_load_idx %arg14[%add3A_109, %broadcast_in_dim3A_200] : memref<128x128xf32, #tpu.memory_space<vmem>>[vector<16xi32>, vector<16xi32>], vector<16xf32>,
        %gather3A_202 = tpu.vector_load_idx %arg15[%add3A_109, %broadcast_in_dim3A_200] : memref<128x128xf32, #tpu.memory_space<vmem>>[vector<16xi32>, vector<16xi32>], vector<16xf32>,
        %sub3A_203 = arith.subf %gather3A_201, %gather3A_202 : vector<16xf32>
        %mul3A_204 = arith.mulf %sub3A_203, %sub3A_203 : vector<16xf32>
        %add3A_205 = arith.addf %add3A_177, %mul3A_204 : vector<16xf32>
        %broadcast_in_dim3A_206 = arith.constant 13 : i32
        %broadcast_in_dim3A_207 = vector.broadcast %broadcast_in_dim3A_206 : i32 to vector<16xi32>
        %gather3A_208 = tpu.vector_load_idx %arg14[%add3A_109, %broadcast_in_dim3A_207] : memref<128x128xf32, #tpu.memory_space<vmem>>[vector<16xi32>, vector<16xi32>], vector<16xf32>,
        %gather3A_209 = tpu.vector_load_idx %arg15[%add3A_109, %broadcast_in_dim3A_207] : memref<128x128xf32, #tpu.memory_space<vmem>>[vector<16xi32>, vector<16xi32>], vector<16xf32>,
        %sub3A_210 = arith.subf %gather3A_208, %gather3A_209 : vector<16xf32>
        %mul3A_211 = arith.mulf %sub3A_210, %sub3A_210 : vector<16xf32>
        %add3A_212 = arith.addf %add3A_184, %mul3A_211 : vector<16xf32>
        %broadcast_in_dim3A_213 = arith.constant 14 : i32
        %broadcast_in_dim3A_214 = vector.broadcast %broadcast_in_dim3A_213 : i32 to vector<16xi32>
        %gather3A_215 = tpu.vector_load_idx %arg14[%add3A_109, %broadcast_in_dim3A_214] : memref<128x128xf32, #tpu.memory_space<vmem>>[vector<16xi32>, vector<16xi32>], vector<16xf32>,
        %gather3A_216 = tpu.vector_load_idx %arg15[%add3A_109, %broadcast_in_dim3A_214] : memref<128x128xf32, #tpu.memory_space<vmem>>[vector<16xi32>, vector<16xi32>], vector<16xf32>,
        %sub3A_217 = arith.subf %gather3A_215, %gather3A_216 : vector<16xf32>
        %mul3A_218 = arith.mulf %sub3A_217, %sub3A_217 : vector<16xf32>
        %add3A_219 = arith.addf %add3A_191, %mul3A_218 : vector<16xf32>
        %broadcast_in_dim3A_220 = arith.constant 15 : i32
        %broadcast_in_dim3A_221 = vector.broadcast %broadcast_in_dim3A_220 : i32 to vector<16xi32>
        %gather3A_222 = tpu.vector_load_idx %arg14[%add3A_109, %broadcast_in_dim3A_221] : memref<128x128xf32, #tpu.memory_space<vmem>>[vector<16xi32>, vector<16xi32>], vector<16xf32>,
        %gather3A_223 = tpu.vector_load_idx %arg15[%add3A_109, %broadcast_in_dim3A_221] : memref<128x128xf32, #tpu.memory_space<vmem>>[vector<16xi32>, vector<16xi32>], vector<16xf32>,
        %sub3A_224 = arith.subf %gather3A_222, %gather3A_223 : vector<16xf32>
        %mul3A_225 = arith.mulf %sub3A_224, %sub3A_224 : vector<16xf32>
        %add3A_226 = arith.addf %add3A_198, %mul3A_225 : vector<16xf32>
        %broadcast_in_dim3A_227 = arith.constant 16 : i32
        %broadcast_in_dim3A_228 = vector.broadcast %broadcast_in_dim3A_227 : i32 to vector<16xi32>
        %gather3A_229 = tpu.vector_load_idx %arg14[%add3A_109, %broadcast_in_dim3A_228] : memref<128x128xf32, #tpu.memory_space<vmem>>[vector<16xi32>, vector<16xi32>], vector<16xf32>,
        %gather3A_230 = tpu.vector_load_idx %arg15[%add3A_109, %broadcast_in_dim3A_228] : memref<128x128xf32, #tpu.memory_space<vmem>>[vector<16xi32>, vector<16xi32>], vector<16xf32>,
        %sub3A_231 = arith.subf %gather3A_229, %gather3A_230 : vector<16xf32>
        %mul3A_232 = arith.mulf %sub3A_231, %sub3A_231 : vector<16xf32>
        %add3A_233 = arith.addf %add3A_205, %mul3A_232 : vector<16xf32>
        %broadcast_in_dim3A_234 = arith.constant 17 : i32
        %broadcast_in_dim3A_235 = vector.broadcast %broadcast_in_dim3A_234 : i32 to vector<16xi32>
        %gather3A_236 = tpu.vector_load_idx %arg14[%add3A_109, %broadcast_in_dim3A_235] : memref<128x128xf32, #tpu.memory_space<vmem>>[vector<16xi32>, vector<16xi32>], vector<16xf32>,
        %gather3A_237 = tpu.vector_load_idx %arg15[%add3A_109, %broadcast_in_dim3A_235] : memref<128x128xf32, #tpu.memory_space<vmem>>[vector<16xi32>, vector<16xi32>], vector<16xf32>,
        %sub3A_238 = arith.subf %gather3A_236, %gather3A_237 : vector<16xf32>
        %mul3A_239 = arith.mulf %sub3A_238, %sub3A_238 : vector<16xf32>
        %add3A_240 = arith.addf %add3A_212, %mul3A_239 : vector<16xf32>
        %broadcast_in_dim3A_241 = arith.constant 18 : i32
        %broadcast_in_dim3A_242 = vector.broadcast %broadcast_in_dim3A_241 : i32 to vector<16xi32>
        %gather3A_243 = tpu.vector_load_idx %arg14[%add3A_109, %broadcast_in_dim3A_242] : memref<128x128xf32, #tpu.memory_space<vmem>>[vector<16xi32>, vector<16xi32>], vector<16xf32>,
        %gather3A_244 = tpu.vector_load_idx %arg15[%add3A_109, %broadcast_in_dim3A_242] : memref<128x128xf32, #tpu.memory_space<vmem>>[vector<16xi32>, vector<16xi32>], vector<16xf32>,
        %sub3A_245 = arith.subf %gather3A_243, %gather3A_244 : vector<16xf32>
        %mul3A_246 = arith.mulf %sub3A_245, %sub3A_245 : vector<16xf32>
        %add3A_247 = arith.addf %add3A_219, %mul3A_246 : vector<16xf32>
        %broadcast_in_dim3A_248 = arith.constant 19 : i32
        %broadcast_in_dim3A_249 = vector.broadcast %broadcast_in_dim3A_248 : i32 to vector<16xi32>
        %gather3A_250 = tpu.vector_load_idx %arg14[%add3A_109, %broadcast_in_dim3A_249] : memref<128x128xf32, #tpu.memory_space<vmem>>[vector<16xi32>, vector<16xi32>], vector<16xf32>,
        %gather3A_251 = tpu.vector_load_idx %arg15[%add3A_109, %broadcast_in_dim3A_249] : memref<128x128xf32, #tpu.memory_space<vmem>>[vector<16xi32>, vector<16xi32>], vector<16xf32>,
        %sub3A_252 = arith.subf %gather3A_250, %gather3A_251 : vector<16xf32>
        %mul3A_253 = arith.mulf %sub3A_252, %sub3A_252 : vector<16xf32>
        %add3A_254 = arith.addf %add3A_226, %mul3A_253 : vector<16xf32>
        %broadcast_in_dim3A_255 = arith.constant 20 : i32
        %broadcast_in_dim3A_256 = vector.broadcast %broadcast_in_dim3A_255 : i32 to vector<16xi32>
        %gather3A_257 = tpu.vector_load_idx %arg14[%add3A_109, %broadcast_in_dim3A_256] : memref<128x128xf32, #tpu.memory_space<vmem>>[vector<16xi32>, vector<16xi32>], vector<16xf32>,
        %gather3A_258 = tpu.vector_load_idx %arg15[%add3A_109, %broadcast_in_dim3A_256] : memref<128x128xf32, #tpu.memory_space<vmem>>[vector<16xi32>, vector<16xi32>], vector<16xf32>,
        %sub3A_259 = arith.subf %gather3A_257, %gather3A_258 : vector<16xf32>
        %mul3A_260 = arith.mulf %sub3A_259, %sub3A_259 : vector<16xf32>
        %add3A_261 = arith.addf %add3A_233, %mul3A_260 : vector<16xf32>
        %broadcast_in_dim3A_262 = arith.constant 21 : i32
        %broadcast_in_dim3A_263 = vector.broadcast %broadcast_in_dim3A_262 : i32 to vector<16xi32>
        %gather3A_264 = tpu.vector_load_idx %arg14[%add3A_109, %broadcast_in_dim3A_263] : memref<128x128xf32, #tpu.memory_space<vmem>>[vector<16xi32>, vector<16xi32>], vector<16xf32>,
        %gather3A_265 = tpu.vector_load_idx %arg15[%add3A_109, %broadcast_in_dim3A_263] : memref<128x128xf32, #tpu.memory_space<vmem>>[vector<16xi32>, vector<16xi32>], vector<16xf32>,
        %sub3A_266 = arith.subf %gather3A_264, %gather3A_265 : vector<16xf32>
        %mul3A_267 = arith.mulf %sub3A_266, %sub3A_266 : vector<16xf32>
        %add3A_268 = arith.addf %add3A_240, %mul3A_267 : vector<16xf32>
        %broadcast_in_dim3A_269 = arith.constant 22 : i32
        %broadcast_in_dim3A_270 = vector.broadcast %broadcast_in_dim3A_269 : i32 to vector<16xi32>
        %gather3A_271 = tpu.vector_load_idx %arg14[%add3A_109, %broadcast_in_dim3A_270] : memref<128x128xf32, #tpu.memory_space<vmem>>[vector<16xi32>, vector<16xi32>], vector<16xf32>,
        %gather3A_272 = tpu.vector_load_idx %arg15[%add3A_109, %broadcast_in_dim3A_270] : memref<128x128xf32, #tpu.memory_space<vmem>>[vector<16xi32>, vector<16xi32>], vector<16xf32>,
        %sub3A_273 = arith.subf %gather3A_271, %gather3A_272 : vector<16xf32>
        %mul3A_274 = arith.mulf %sub3A_273, %sub3A_273 : vector<16xf32>
        %add3A_275 = arith.addf %add3A_247, %mul3A_274 : vector<16xf32>
        %broadcast_in_dim3A_276 = arith.constant 23 : i32
        %broadcast_in_dim3A_277 = vector.broadcast %broadcast_in_dim3A_276 : i32 to vector<16xi32>
        %gather3A_278 = tpu.vector_load_idx %arg14[%add3A_109, %broadcast_in_dim3A_277] : memref<128x128xf32, #tpu.memory_space<vmem>>[vector<16xi32>, vector<16xi32>], vector<16xf32>,
        %gather3A_279 = tpu.vector_load_idx %arg15[%add3A_109, %broadcast_in_dim3A_277] : memref<128x128xf32, #tpu.memory_space<vmem>>[vector<16xi32>, vector<16xi32>], vector<16xf32>,
        %sub3A_280 = arith.subf %gather3A_278, %gather3A_279 : vector<16xf32>
        %mul3A_281 = arith.mulf %sub3A_280, %sub3A_280 : vector<16xf32>
        %add3A_282 = arith.addf %add3A_254, %mul3A_281 : vector<16xf32>
        %broadcast_in_dim3A_283 = arith.constant 24 : i32
        %broadcast_in_dim3A_284 = vector.broadcast %broadcast_in_dim3A_283 : i32 to vector<16xi32>
        %gather3A_285 = tpu.vector_load_idx %arg14[%add3A_109, %broadcast_in_dim3A_284] : memref<128x128xf32, #tpu.memory_space<vmem>>[vector<16xi32>, vector<16xi32>], vector<16xf32>,
        %gather3A_286 = tpu.vector_load_idx %arg15[%add3A_109, %broadcast_in_dim3A_284] : memref<128x128xf32, #tpu.memory_space<vmem>>[vector<16xi32>, vector<16xi32>], vector<16xf32>,
        %sub3A_287 = arith.subf %gather3A_285, %gather3A_286 : vector<16xf32>
        %mul3A_288 = arith.mulf %sub3A_287, %sub3A_287 : vector<16xf32>
        %add3A_289 = arith.addf %add3A_261, %mul3A_288 : vector<16xf32>
        %broadcast_in_dim3A_290 = arith.constant 25 : i32
        %broadcast_in_dim3A_291 = vector.broadcast %broadcast_in_dim3A_290 : i32 to vector<16xi32>
        %gather3A_292 = tpu.vector_load_idx %arg14[%add3A_109, %broadcast_in_dim3A_291] : memref<128x128xf32, #tpu.memory_space<vmem>>[vector<16xi32>, vector<16xi32>], vector<16xf32>,
        %gather3A_293 = tpu.vector_load_idx %arg15[%add3A_109, %broadcast_in_dim3A_291] : memref<128x128xf32, #tpu.memory_space<vmem>>[vector<16xi32>, vector<16xi32>], vector<16xf32>,
        %sub3A_294 = arith.subf %gather3A_292, %gather3A_293 : vector<16xf32>
        %mul3A_295 = arith.mulf %sub3A_294, %sub3A_294 : vector<16xf32>
        %add3A_296 = arith.addf %add3A_268, %mul3A_295 : vector<16xf32>
        %broadcast_in_dim3A_297 = arith.constant 26 : i32
        %broadcast_in_dim3A_298 = vector.broadcast %broadcast_in_dim3A_297 : i32 to vector<16xi32>
        %gather3A_299 = tpu.vector_load_idx %arg14[%add3A_109, %broadcast_in_dim3A_298] : memref<128x128xf32, #tpu.memory_space<vmem>>[vector<16xi32>, vector<16xi32>], vector<16xf32>,
        %gather3A_300 = tpu.vector_load_idx %arg15[%add3A_109, %broadcast_in_dim3A_298] : memref<128x128xf32, #tpu.memory_space<vmem>>[vector<16xi32>, vector<16xi32>], vector<16xf32>,
        %sub3A_301 = arith.subf %gather3A_299, %gather3A_300 : vector<16xf32>
        %mul3A_302 = arith.mulf %sub3A_301, %sub3A_301 : vector<16xf32>
        %add3A_303 = arith.addf %add3A_275, %mul3A_302 : vector<16xf32>
        %broadcast_in_dim3A_304 = arith.constant 27 : i32
        %broadcast_in_dim3A_305 = vector.broadcast %broadcast_in_dim3A_304 : i32 to vector<16xi32>
        %gather3A_306 = tpu.vector_load_idx %arg14[%add3A_109, %broadcast_in_dim3A_305] : memref<128x128xf32, #tpu.memory_space<vmem>>[vector<16xi32>, vector<16xi32>], vector<16xf32>,
        %gather3A_307 = tpu.vector_load_idx %arg15[%add3A_109, %broadcast_in_dim3A_305] : memref<128x128xf32, #tpu.memory_space<vmem>>[vector<16xi32>, vector<16xi32>], vector<16xf32>,
        %sub3A_308 = arith.subf %gather3A_306, %gather3A_307 : vector<16xf32>
        %mul3A_309 = arith.mulf %sub3A_308, %sub3A_308 : vector<16xf32>
        %add3A_310 = arith.addf %add3A_282, %mul3A_309 : vector<16xf32>
        %broadcast_in_dim3A_311 = arith.constant 28 : i32
        %broadcast_in_dim3A_312 = vector.broadcast %broadcast_in_dim3A_311 : i32 to vector<16xi32>
        %gather3A_313 = tpu.vector_load_idx %arg14[%add3A_109, %broadcast_in_dim3A_312] : memref<128x128xf32, #tpu.memory_space<vmem>>[vector<16xi32>, vector<16xi32>], vector<16xf32>,
        %gather3A_314 = tpu.vector_load_idx %arg15[%add3A_109, %broadcast_in_dim3A_312] : memref<128x128xf32, #tpu.memory_space<vmem>>[vector<16xi32>, vector<16xi32>], vector<16xf32>,
        %sub3A_315 = arith.subf %gather3A_313, %gather3A_314 : vector<16xf32>
        %mul3A_316 = arith.mulf %sub3A_315, %sub3A_315 : vector<16xf32>
        %add3A_317 = arith.addf %add3A_289, %mul3A_316 : vector<16xf32>
        %broadcast_in_dim3A_318 = arith.constant 29 : i32
        %broadcast_in_dim3A_319 = vector.broadcast %broadcast_in_dim3A_318 : i32 to vector<16xi32>
        %gather3A_320 = tpu.vector_load_idx %arg14[%add3A_109, %broadcast_in_dim3A_319] : memref<128x128xf32, #tpu.memory_space<vmem>>[vector<16xi32>, vector<16xi32>], vector<16xf32>,
        %gather3A_321 = tpu.vector_load_idx %arg15[%add3A_109, %broadcast_in_dim3A_319] : memref<128x128xf32, #tpu.memory_space<vmem>>[vector<16xi32>, vector<16xi32>], vector<16xf32>,
        %sub3A_322 = arith.subf %gather3A_320, %gather3A_321 : vector<16xf32>
        %mul3A_323 = arith.mulf %sub3A_322, %sub3A_322 : vector<16xf32>
        %add3A_324 = arith.addf %add3A_296, %mul3A_323 : vector<16xf32>
        %broadcast_in_dim3A_325 = arith.constant 30 : i32
        %broadcast_in_dim3A_326 = vector.broadcast %broadcast_in_dim3A_325 : i32 to vector<16xi32>
        %gather3A_327 = tpu.vector_load_idx %arg14[%add3A_109, %broadcast_in_dim3A_326] : memref<128x128xf32, #tpu.memory_space<vmem>>[vector<16xi32>, vector<16xi32>], vector<16xf32>,
        %gather3A_328 = tpu.vector_load_idx %arg15[%add3A_109, %broadcast_in_dim3A_326] : memref<128x128xf32, #tpu.memory_space<vmem>>[vector<16xi32>, vector<16xi32>], vector<16xf32>,
        %sub3A_329 = arith.subf %gather3A_327, %gather3A_328 : vector<16xf32>
        %mul3A_330 = arith.mulf %sub3A_329, %sub3A_329 : vector<16xf32>
        %add3A_331 = arith.addf %add3A_303, %mul3A_330 : vector<16xf32>
        %broadcast_in_dim3A_332 = arith.constant 31 : i32
        %broadcast_in_dim3A_333 = vector.broadcast %broadcast_in_dim3A_332 : i32 to vector<16xi32>
        %gather3A_334 = tpu.vector_load_idx %arg14[%add3A_109, %broadcast_in_dim3A_333] : memref<128x128xf32, #tpu.memory_space<vmem>>[vector<16xi32>, vector<16xi32>], vector<16xf32>,
        %gather3A_335 = tpu.vector_load_idx %arg15[%add3A_109, %broadcast_in_dim3A_333] : memref<128x128xf32, #tpu.memory_space<vmem>>[vector<16xi32>, vector<16xi32>], vector<16xf32>,
        %sub3A_336 = arith.subf %gather3A_334, %gather3A_335 : vector<16xf32>
        %mul3A_337 = arith.mulf %sub3A_336, %sub3A_336 : vector<16xf32>
        %add3A_338 = arith.addf %add3A_310, %mul3A_337 : vector<16xf32>
        %broadcast_in_dim3A_339 = arith.constant 32 : i32
        %broadcast_in_dim3A_340 = vector.broadcast %broadcast_in_dim3A_339 : i32 to vector<16xi32>
        %gather3A_341 = tpu.vector_load_idx %arg14[%add3A_109, %broadcast_in_dim3A_340] : memref<128x128xf32, #tpu.memory_space<vmem>>[vector<16xi32>, vector<16xi32>], vector<16xf32>,
        %gather3A_342 = tpu.vector_load_idx %arg15[%add3A_109, %broadcast_in_dim3A_340] : memref<128x128xf32, #tpu.memory_space<vmem>>[vector<16xi32>, vector<16xi32>], vector<16xf32>,
        %sub3A_343 = arith.subf %gather3A_341, %gather3A_342 : vector<16xf32>
        %mul3A_344 = arith.mulf %sub3A_343, %sub3A_343 : vector<16xf32>
        %add3A_345 = arith.addf %add3A_317, %mul3A_344 : vector<16xf32>
        %broadcast_in_dim3A_346 = arith.constant 33 : i32
        %broadcast_in_dim3A_347 = vector.broadcast %broadcast_in_dim3A_346 : i32 to vector<16xi32>
        %gather3A_348 = tpu.vector_load_idx %arg14[%add3A_109, %broadcast_in_dim3A_347] : memref<128x128xf32, #tpu.memory_space<vmem>>[vector<16xi32>, vector<16xi32>], vector<16xf32>,
        %gather3A_349 = tpu.vector_load_idx %arg15[%add3A_109, %broadcast_in_dim3A_347] : memref<128x128xf32, #tpu.memory_space<vmem>>[vector<16xi32>, vector<16xi32>], vector<16xf32>,
        %sub3A_350 = arith.subf %gather3A_348, %gather3A_349 : vector<16xf32>
        %mul3A_351 = arith.mulf %sub3A_350, %sub3A_350 : vector<16xf32>
        %add3A_352 = arith.addf %add3A_324, %mul3A_351 : vector<16xf32>
        %broadcast_in_dim3A_353 = arith.constant 34 : i32
        %broadcast_in_dim3A_354 = vector.broadcast %broadcast_in_dim3A_353 : i32 to vector<16xi32>
        %gather3A_355 = tpu.vector_load_idx %arg14[%add3A_109, %broadcast_in_dim3A_354] : memref<128x128xf32, #tpu.memory_space<vmem>>[vector<16xi32>, vector<16xi32>], vector<16xf32>,
        %gather3A_356 = tpu.vector_load_idx %arg15[%add3A_109, %broadcast_in_dim3A_354] : memref<128x128xf32, #tpu.memory_space<vmem>>[vector<16xi32>, vector<16xi32>], vector<16xf32>,
        %sub3A_357 = arith.subf %gather3A_355, %gather3A_356 : vector<16xf32>
        %mul3A_358 = arith.mulf %sub3A_357, %sub3A_357 : vector<16xf32>
        %add3A_359 = arith.addf %add3A_331, %mul3A_358 : vector<16xf32>
        %broadcast_in_dim3A_360 = arith.constant 35 : i32
        %broadcast_in_dim3A_361 = vector.broadcast %broadcast_in_dim3A_360 : i32 to vector<16xi32>
        %gather3A_362 = tpu.vector_load_idx %arg14[%add3A_109, %broadcast_in_dim3A_361] : memref<128x128xf32, #tpu.memory_space<vmem>>[vector<16xi32>, vector<16xi32>], vector<16xf32>,
        %gather3A_363 = tpu.vector_load_idx %arg15[%add3A_109, %broadcast_in_dim3A_361] : memref<128x128xf32, #tpu.memory_space<vmem>>[vector<16xi32>, vector<16xi32>], vector<16xf32>,
        %sub3A_364 = arith.subf %gather3A_362, %gather3A_363 : vector<16xf32>
        %mul3A_365 = arith.mulf %sub3A_364, %sub3A_364 : vector<16xf32>
        %add3A_366 = arith.addf %add3A_338, %mul3A_365 : vector<16xf32>
        %broadcast_in_dim3A_367 = arith.constant 36 : i32
        %broadcast_in_dim3A_368 = vector.broadcast %broadcast_in_dim3A_367 : i32 to vector<16xi32>
        %gather3A_369 = tpu.vector_load_idx %arg14[%add3A_109, %broadcast_in_dim3A_368] : memref<128x128xf32, #tpu.memory_space<vmem>>[vector<16xi32>, vector<16xi32>], vector<16xf32>,
        %gather3A_370 = tpu.vector_load_idx %arg15[%add3A_109, %broadcast_in_dim3A_368] : memref<128x128xf32, #tpu.memory_space<vmem>>[vector<16xi32>, vector<16xi32>], vector<16xf32>,
        %sub3A_371 = arith.subf %gather3A_369, %gather3A_370 : vector<16xf32>
        %mul3A_372 = arith.mulf %sub3A_371, %sub3A_371 : vector<16xf32>
        %add3A_373 = arith.addf %add3A_345, %mul3A_372 : vector<16xf32>
        %broadcast_in_dim3A_374 = arith.constant 37 : i32
        %broadcast_in_dim3A_375 = vector.broadcast %broadcast_in_dim3A_374 : i32 to vector<16xi32>
        %gather3A_376 = tpu.vector_load_idx %arg14[%add3A_109, %broadcast_in_dim3A_375] : memref<128x128xf32, #tpu.memory_space<vmem>>[vector<16xi32>, vector<16xi32>], vector<16xf32>,
        %gather3A_377 = tpu.vector_load_idx %arg15[%add3A_109, %broadcast_in_dim3A_375] : memref<128x128xf32, #tpu.memory_space<vmem>>[vector<16xi32>, vector<16xi32>], vector<16xf32>,
        %sub3A_378 = arith.subf %gather3A_376, %gather3A_377 : vector<16xf32>
        %mul3A_379 = arith.mulf %sub3A_378, %sub3A_378 : vector<16xf32>
        %add3A_380 = arith.addf %add3A_352, %mul3A_379 : vector<16xf32>
        %broadcast_in_dim3A_381 = arith.constant 38 : i32
        %broadcast_in_dim3A_382 = vector.broadcast %broadcast_in_dim3A_381 : i32 to vector<16xi32>
        %gather3A_383 = tpu.vector_load_idx %arg14[%add3A_109, %broadcast_in_dim3A_382] : memref<128x128xf32, #tpu.memory_space<vmem>>[vector<16xi32>, vector<16xi32>], vector<16xf32>,
        %gather3A_384 = tpu.vector_load_idx %arg15[%add3A_109, %broadcast_in_dim3A_382] : memref<128x128xf32, #tpu.memory_space<vmem>>[vector<16xi32>, vector<16xi32>], vector<16xf32>,
        %sub3A_385 = arith.subf %gather3A_383, %gather3A_384 : vector<16xf32>
        %mul3A_386 = arith.mulf %sub3A_385, %sub3A_385 : vector<16xf32>
        %add3A_387 = arith.addf %add3A_359, %mul3A_386 : vector<16xf32>
        %broadcast_in_dim3A_388 = arith.constant 39 : i32
        %broadcast_in_dim3A_389 = vector.broadcast %broadcast_in_dim3A_388 : i32 to vector<16xi32>
        %gather3A_390 = tpu.vector_load_idx %arg14[%add3A_109, %broadcast_in_dim3A_389] : memref<128x128xf32, #tpu.memory_space<vmem>>[vector<16xi32>, vector<16xi32>], vector<16xf32>,
        %gather3A_391 = tpu.vector_load_idx %arg15[%add3A_109, %broadcast_in_dim3A_389] : memref<128x128xf32, #tpu.memory_space<vmem>>[vector<16xi32>, vector<16xi32>], vector<16xf32>,
        %sub3A_392 = arith.subf %gather3A_390, %gather3A_391 : vector<16xf32>
        %mul3A_393 = arith.mulf %sub3A_392, %sub3A_392 : vector<16xf32>
        %add3A_394 = arith.addf %add3A_366, %mul3A_393 : vector<16xf32>
        %broadcast_in_dim3A_395 = arith.constant 40 : i32
        %broadcast_in_dim3A_396 = vector.broadcast %broadcast_in_dim3A_395 : i32 to vector<16xi32>
        %gather3A_397 = tpu.vector_load_idx %arg14[%add3A_109, %broadcast_in_dim3A_396] : memref<128x128xf32, #tpu.memory_space<vmem>>[vector<16xi32>, vector<16xi32>], vector<16xf32>,
        %gather3A_398 = tpu.vector_load_idx %arg15[%add3A_109, %broadcast_in_dim3A_396] : memref<128x128xf32, #tpu.memory_space<vmem>>[vector<16xi32>, vector<16xi32>], vector<16xf32>,
        %sub3A_399 = arith.subf %gather3A_397, %gather3A_398 : vector<16xf32>
        %mul3A_400 = arith.mulf %sub3A_399, %sub3A_399 : vector<16xf32>
        %add3A_401 = arith.addf %add3A_373, %mul3A_400 : vector<16xf32>
        %broadcast_in_dim3A_402 = arith.constant 41 : i32
        %broadcast_in_dim3A_403 = vector.broadcast %broadcast_in_dim3A_402 : i32 to vector<16xi32>
        %gather3A_404 = tpu.vector_load_idx %arg14[%add3A_109, %broadcast_in_dim3A_403] : memref<128x128xf32, #tpu.memory_space<vmem>>[vector<16xi32>, vector<16xi32>], vector<16xf32>,
        %gather3A_405 = tpu.vector_load_idx %arg15[%add3A_109, %broadcast_in_dim3A_403] : memref<128x128xf32, #tpu.memory_space<vmem>>[vector<16xi32>, vector<16xi32>], vector<16xf32>,
        %sub3A_406 = arith.subf %gather3A_404, %gather3A_405 : vector<16xf32>
        %mul3A_407 = arith.mulf %sub3A_406, %sub3A_406 : vector<16xf32>
        %add3A_408 = arith.addf %add3A_380, %mul3A_407 : vector<16xf32>
        %broadcast_in_dim3A_409 = arith.constant 42 : i32
        %broadcast_in_dim3A_410 = vector.broadcast %broadcast_in_dim3A_409 : i32 to vector<16xi32>
        %gather3A_411 = tpu.vector_load_idx %arg14[%add3A_109, %broadcast_in_dim3A_410] : memref<128x128xf32, #tpu.memory_space<vmem>>[vector<16xi32>, vector<16xi32>], vector<16xf32>,
        %gather3A_412 = tpu.vector_load_idx %arg15[%add3A_109, %broadcast_in_dim3A_410] : memref<128x128xf32, #tpu.memory_space<vmem>>[vector<16xi32>, vector<16xi32>], vector<16xf32>,
        %sub3A_413 = arith.subf %gather3A_411, %gather3A_412 : vector<16xf32>
        %mul3A_414 = arith.mulf %sub3A_413, %sub3A_413 : vector<16xf32>
        %add3A_415 = arith.addf %add3A_387, %mul3A_414 : vector<16xf32>
        %broadcast_in_dim3A_416 = arith.constant 43 : i32
        %broadcast_in_dim3A_417 = vector.broadcast %broadcast_in_dim3A_416 : i32 to vector<16xi32>
        %gather3A_418 = tpu.vector_load_idx %arg14[%add3A_109, %broadcast_in_dim3A_417] : memref<128x128xf32, #tpu.memory_space<vmem>>[vector<16xi32>, vector<16xi32>], vector<16xf32>,
        %gather3A_419 = tpu.vector_load_idx %arg15[%add3A_109, %broadcast_in_dim3A_417] : memref<128x128xf32, #tpu.memory_space<vmem>>[vector<16xi32>, vector<16xi32>], vector<16xf32>,
        %sub3A_420 = arith.subf %gather3A_418, %gather3A_419 : vector<16xf32>
        %mul3A_421 = arith.mulf %sub3A_420, %sub3A_420 : vector<16xf32>
        %add3A_422 = arith.addf %add3A_394, %mul3A_421 : vector<16xf32>
        %broadcast_in_dim3A_423 = arith.constant 44 : i32
        %broadcast_in_dim3A_424 = vector.broadcast %broadcast_in_dim3A_423 : i32 to vector<16xi32>
        %gather3A_425 = tpu.vector_load_idx %arg14[%add3A_109, %broadcast_in_dim3A_424] : memref<128x128xf32, #tpu.memory_space<vmem>>[vector<16xi32>, vector<16xi32>], vector<16xf32>,
        %gather3A_426 = tpu.vector_load_idx %arg15[%add3A_109, %broadcast_in_dim3A_424] : memref<128x128xf32, #tpu.memory_space<vmem>>[vector<16xi32>, vector<16xi32>], vector<16xf32>,
        %sub3A_427 = arith.subf %gather3A_425, %gather3A_426 : vector<16xf32>
        %mul3A_428 = arith.mulf %sub3A_427, %sub3A_427 : vector<16xf32>
        %add3A_429 = arith.addf %add3A_401, %mul3A_428 : vector<16xf32>
        %broadcast_in_dim3A_430 = arith.constant 45 : i32
        %broadcast_in_dim3A_431 = vector.broadcast %broadcast_in_dim3A_430 : i32 to vector<16xi32>
        %gather3A_432 = tpu.vector_load_idx %arg14[%add3A_109, %broadcast_in_dim3A_431] : memref<128x128xf32, #tpu.memory_space<vmem>>[vector<16xi32>, vector<16xi32>], vector<16xf32>,
        %gather3A_433 = tpu.vector_load_idx %arg15[%add3A_109, %broadcast_in_dim3A_431] : memref<128x128xf32, #tpu.memory_space<vmem>>[vector<16xi32>, vector<16xi32>], vector<16xf32>,
        %sub3A_434 = arith.subf %gather3A_432, %gather3A_433 : vector<16xf32>
        %mul3A_435 = arith.mulf %sub3A_434, %sub3A_434 : vector<16xf32>
        %add3A_436 = arith.addf %add3A_408, %mul3A_435 : vector<16xf32>
        %broadcast_in_dim3A_437 = arith.constant 46 : i32
        %broadcast_in_dim3A_438 = vector.broadcast %broadcast_in_dim3A_437 : i32 to vector<16xi32>
        %gather3A_439 = tpu.vector_load_idx %arg14[%add3A_109, %broadcast_in_dim3A_438] : memref<128x128xf32, #tpu.memory_space<vmem>>[vector<16xi32>, vector<16xi32>], vector<16xf32>,
        %gather3A_440 = tpu.vector_load_idx %arg15[%add3A_109, %broadcast_in_dim3A_438] : memref<128x128xf32, #tpu.memory_space<vmem>>[vector<16xi32>, vector<16xi32>], vector<16xf32>,
        %sub3A_441 = arith.subf %gather3A_439, %gather3A_440 : vector<16xf32>
        %mul3A_442 = arith.mulf %sub3A_441, %sub3A_441 : vector<16xf32>
        %add3A_443 = arith.addf %add3A_415, %mul3A_442 : vector<16xf32>
        %broadcast_in_dim3A_444 = arith.constant 47 : i32
        %broadcast_in_dim3A_445 = vector.broadcast %broadcast_in_dim3A_444 : i32 to vector<16xi32>
        %gather3A_446 = tpu.vector_load_idx %arg14[%add3A_109, %broadcast_in_dim3A_445] : memref<128x128xf32, #tpu.memory_space<vmem>>[vector<16xi32>, vector<16xi32>], vector<16xf32>,
        %gather3A_447 = tpu.vector_load_idx %arg15[%add3A_109, %broadcast_in_dim3A_445] : memref<128x128xf32, #tpu.memory_space<vmem>>[vector<16xi32>, vector<16xi32>], vector<16xf32>,
        %sub3A_448 = arith.subf %gather3A_446, %gather3A_447 : vector<16xf32>
        %mul3A_449 = arith.mulf %sub3A_448, %sub3A_448 : vector<16xf32>
        %add3A_450 = arith.addf %add3A_422, %mul3A_449 : vector<16xf32>
        %broadcast_in_dim3A_451 = arith.constant 48 : i32
        %broadcast_in_dim3A_452 = vector.broadcast %broadcast_in_dim3A_451 : i32 to vector<16xi32>
        %gather3A_453 = tpu.vector_load_idx %arg14[%add3A_109, %broadcast_in_dim3A_452] : memref<128x128xf32, #tpu.memory_space<vmem>>[vector<16xi32>, vector<16xi32>], vector<16xf32>,
        %gather3A_454 = tpu.vector_load_idx %arg15[%add3A_109, %broadcast_in_dim3A_452] : memref<128x128xf32, #tpu.memory_space<vmem>>[vector<16xi32>, vector<16xi32>], vector<16xf32>,
        %sub3A_455 = arith.subf %gather3A_453, %gather3A_454 : vector<16xf32>
        %mul3A_456 = arith.mulf %sub3A_455, %sub3A_455 : vector<16xf32>
        %add3A_457 = arith.addf %add3A_429, %mul3A_456 : vector<16xf32>
        %broadcast_in_dim3A_458 = arith.constant 49 : i32
        %broadcast_in_dim3A_459 = vector.broadcast %broadcast_in_dim3A_458 : i32 to vector<16xi32>
        %gather3A_460 = tpu.vector_load_idx %arg14[%add3A_109, %broadcast_in_dim3A_459] : memref<128x128xf32, #tpu.memory_space<vmem>>[vector<16xi32>, vector<16xi32>], vector<16xf32>,
        %gather3A_461 = tpu.vector_load_idx %arg15[%add3A_109, %broadcast_in_dim3A_459] : memref<128x128xf32, #tpu.memory_space<vmem>>[vector<16xi32>, vector<16xi32>], vector<16xf32>,
        %sub3A_462 = arith.subf %gather3A_460, %gather3A_461 : vector<16xf32>
        %mul3A_463 = arith.mulf %sub3A_462, %sub3A_462 : vector<16xf32>
        %add3A_464 = arith.addf %add3A_436, %mul3A_463 : vector<16xf32>
        %broadcast_in_dim3A_465 = arith.constant 50 : i32
        %broadcast_in_dim3A_466 = vector.broadcast %broadcast_in_dim3A_465 : i32 to vector<16xi32>
        %gather3A_467 = tpu.vector_load_idx %arg14[%add3A_109, %broadcast_in_dim3A_466] : memref<128x128xf32, #tpu.memory_space<vmem>>[vector<16xi32>, vector<16xi32>], vector<16xf32>,
        %gather3A_468 = tpu.vector_load_idx %arg15[%add3A_109, %broadcast_in_dim3A_466] : memref<128x128xf32, #tpu.memory_space<vmem>>[vector<16xi32>, vector<16xi32>], vector<16xf32>,
        %sub3A_469 = arith.subf %gather3A_467, %gather3A_468 : vector<16xf32>
        %mul3A_470 = arith.mulf %sub3A_469, %sub3A_469 : vector<16xf32>
        %add3A_471 = arith.addf %add3A_443, %mul3A_470 : vector<16xf32>
        %broadcast_in_dim3A_472 = arith.constant 51 : i32
        %broadcast_in_dim3A_473 = vector.broadcast %broadcast_in_dim3A_472 : i32 to vector<16xi32>
        %gather3A_474 = tpu.vector_load_idx %arg14[%add3A_109, %broadcast_in_dim3A_473] : memref<128x128xf32, #tpu.memory_space<vmem>>[vector<16xi32>, vector<16xi32>], vector<16xf32>,
        %gather3A_475 = tpu.vector_load_idx %arg15[%add3A_109, %broadcast_in_dim3A_473] : memref<128x128xf32, #tpu.memory_space<vmem>>[vector<16xi32>, vector<16xi32>], vector<16xf32>,
        %sub3A_476 = arith.subf %gather3A_474, %gather3A_475 : vector<16xf32>
        %mul3A_477 = arith.mulf %sub3A_476, %sub3A_476 : vector<16xf32>
        %add3A_478 = arith.addf %add3A_450, %mul3A_477 : vector<16xf32>
        %broadcast_in_dim3A_479 = arith.constant 52 : i32
        %broadcast_in_dim3A_480 = vector.broadcast %broadcast_in_dim3A_479 : i32 to vector<16xi32>
        %gather3A_481 = tpu.vector_load_idx %arg14[%add3A_109, %broadcast_in_dim3A_480] : memref<128x128xf32, #tpu.memory_space<vmem>>[vector<16xi32>, vector<16xi32>], vector<16xf32>,
        %gather3A_482 = tpu.vector_load_idx %arg15[%add3A_109, %broadcast_in_dim3A_480] : memref<128x128xf32, #tpu.memory_space<vmem>>[vector<16xi32>, vector<16xi32>], vector<16xf32>,
        %sub3A_483 = arith.subf %gather3A_481, %gather3A_482 : vector<16xf32>
        %mul3A_484 = arith.mulf %sub3A_483, %sub3A_483 : vector<16xf32>
        %add3A_485 = arith.addf %add3A_457, %mul3A_484 : vector<16xf32>
        %broadcast_in_dim3A_486 = arith.constant 53 : i32
        %broadcast_in_dim3A_487 = vector.broadcast %broadcast_in_dim3A_486 : i32 to vector<16xi32>
        %gather3A_488 = tpu.vector_load_idx %arg14[%add3A_109, %broadcast_in_dim3A_487] : memref<128x128xf32, #tpu.memory_space<vmem>>[vector<16xi32>, vector<16xi32>], vector<16xf32>,
        %gather3A_489 = tpu.vector_load_idx %arg15[%add3A_109, %broadcast_in_dim3A_487] : memref<128x128xf32, #tpu.memory_space<vmem>>[vector<16xi32>, vector<16xi32>], vector<16xf32>,
        %sub3A_490 = arith.subf %gather3A_488, %gather3A_489 : vector<16xf32>
        %mul3A_491 = arith.mulf %sub3A_490, %sub3A_490 : vector<16xf32>
        %add3A_492 = arith.addf %add3A_464, %mul3A_491 : vector<16xf32>
        %broadcast_in_dim3A_493 = arith.constant 54 : i32
        %broadcast_in_dim3A_494 = vector.broadcast %broadcast_in_dim3A_493 : i32 to vector<16xi32>
        %gather3A_495 = tpu.vector_load_idx %arg14[%add3A_109, %broadcast_in_dim3A_494] : memref<128x128xf32, #tpu.memory_space<vmem>>[vector<16xi32>, vector<16xi32>], vector<16xf32>,
        %gather3A_496 = tpu.vector_load_idx %arg15[%add3A_109, %broadcast_in_dim3A_494] : memref<128x128xf32, #tpu.memory_space<vmem>>[vector<16xi32>, vector<16xi32>], vector<16xf32>,
        %sub3A_497 = arith.subf %gather3A_495, %gather3A_496 : vector<16xf32>
        %mul3A_498 = arith.mulf %sub3A_497, %sub3A_497 : vector<16xf32>
        %add3A_499 = arith.addf %add3A_471, %mul3A_498 : vector<16xf32>
        %broadcast_in_dim3A_500 = arith.constant 55 : i32
        %broadcast_in_dim3A_501 = vector.broadcast %broadcast_in_dim3A_500 : i32 to vector<16xi32>
        %gather3A_502 = tpu.vector_load_idx %arg14[%add3A_109, %broadcast_in_dim3A_501] : memref<128x128xf32, #tpu.memory_space<vmem>>[vector<16xi32>, vector<16xi32>], vector<16xf32>,
        %gather3A_503 = tpu.vector_load_idx %arg15[%add3A_109, %broadcast_in_dim3A_501] : memref<128x128xf32, #tpu.memory_space<vmem>>[vector<16xi32>, vector<16xi32>], vector<16xf32>,
        %sub3A_504 = arith.subf %gather3A_502, %gather3A_503 : vector<16xf32>
        %mul3A_505 = arith.mulf %sub3A_504, %sub3A_504 : vector<16xf32>
        %add3A_506 = arith.addf %add3A_478, %mul3A_505 : vector<16xf32>
        %broadcast_in_dim3A_507 = arith.constant 56 : i32
        %broadcast_in_dim3A_508 = vector.broadcast %broadcast_in_dim3A_507 : i32 to vector<16xi32>
        %gather3A_509 = tpu.vector_load_idx %arg14[%add3A_109, %broadcast_in_dim3A_508] : memref<128x128xf32, #tpu.memory_space<vmem>>[vector<16xi32>, vector<16xi32>], vector<16xf32>,
        %gather3A_510 = tpu.vector_load_idx %arg15[%add3A_109, %broadcast_in_dim3A_508] : memref<128x128xf32, #tpu.memory_space<vmem>>[vector<16xi32>, vector<16xi32>], vector<16xf32>,
        %sub3A_511 = arith.subf %gather3A_509, %gather3A_510 : vector<16xf32>
        %mul3A_512 = arith.mulf %sub3A_511, %sub3A_511 : vector<16xf32>
        %add3A_513 = arith.addf %add3A_485, %mul3A_512 : vector<16xf32>
        %broadcast_in_dim3A_514 = arith.constant 57 : i32
        %broadcast_in_dim3A_515 = vector.broadcast %broadcast_in_dim3A_514 : i32 to vector<16xi32>
        %gather3A_516 = tpu.vector_load_idx %arg14[%add3A_109, %broadcast_in_dim3A_515] : memref<128x128xf32, #tpu.memory_space<vmem>>[vector<16xi32>, vector<16xi32>], vector<16xf32>,
        %gather3A_517 = tpu.vector_load_idx %arg15[%add3A_109, %broadcast_in_dim3A_515] : memref<128x128xf32, #tpu.memory_space<vmem>>[vector<16xi32>, vector<16xi32>], vector<16xf32>,
        %sub3A_518 = arith.subf %gather3A_516, %gather3A_517 : vector<16xf32>
        %mul3A_519 = arith.mulf %sub3A_518, %sub3A_518 : vector<16xf32>
        %add3A_520 = arith.addf %add3A_492, %mul3A_519 : vector<16xf32>
        %broadcast_in_dim3A_521 = arith.constant 58 : i32
        %broadcast_in_dim3A_522 = vector.broadcast %broadcast_in_dim3A_521 : i32 to vector<16xi32>
        %gather3A_523 = tpu.vector_load_idx %arg14[%add3A_109, %broadcast_in_dim3A_522] : memref<128x128xf32, #tpu.memory_space<vmem>>[vector<16xi32>, vector<16xi32>], vector<16xf32>,
        %gather3A_524 = tpu.vector_load_idx %arg15[%add3A_109, %broadcast_in_dim3A_522] : memref<128x128xf32, #tpu.memory_space<vmem>>[vector<16xi32>, vector<16xi32>], vector<16xf32>,
        %sub3A_525 = arith.subf %gather3A_523, %gather3A_524 : vector<16xf32>
        %mul3A_526 = arith.mulf %sub3A_525, %sub3A_525 : vector<16xf32>
        %add3A_527 = arith.addf %add3A_499, %mul3A_526 : vector<16xf32>
        %broadcast_in_dim3A_528 = arith.constant 59 : i32
        %broadcast_in_dim3A_529 = vector.broadcast %broadcast_in_dim3A_528 : i32 to vector<16xi32>
        %gather3A_530 = tpu.vector_load_idx %arg14[%add3A_109, %broadcast_in_dim3A_529] : memref<128x128xf32, #tpu.memory_space<vmem>>[vector<16xi32>, vector<16xi32>], vector<16xf32>,
        %gather3A_531 = tpu.vector_load_idx %arg15[%add3A_109, %broadcast_in_dim3A_529] : memref<128x128xf32, #tpu.memory_space<vmem>>[vector<16xi32>, vector<16xi32>], vector<16xf32>,
        %sub3A_532 = arith.subf %gather3A_530, %gather3A_531 : vector<16xf32>
        %mul3A_533 = arith.mulf %sub3A_532, %sub3A_532 : vector<16xf32>
        %add3A_534 = arith.addf %add3A_506, %mul3A_533 : vector<16xf32>
        %broadcast_in_dim3A_535 = arith.constant 60 : i32
        %broadcast_in_dim3A_536 = vector.broadcast %broadcast_in_dim3A_535 : i32 to vector<16xi32>
        %gather3A_537 = tpu.vector_load_idx %arg14[%add3A_109, %broadcast_in_dim3A_536] : memref<128x128xf32, #tpu.memory_space<vmem>>[vector<16xi32>, vector<16xi32>], vector<16xf32>,
        %gather3A_538 = tpu.vector_load_idx %arg15[%add3A_109, %broadcast_in_dim3A_536] : memref<128x128xf32, #tpu.memory_space<vmem>>[vector<16xi32>, vector<16xi32>], vector<16xf32>,
        %sub3A_539 = arith.subf %gather3A_537, %gather3A_538 : vector<16xf32>
        %mul3A_540 = arith.mulf %sub3A_539, %sub3A_539 : vector<16xf32>
        %add3A_541 = arith.addf %add3A_513, %mul3A_540 : vector<16xf32>
        %broadcast_in_dim3A_542 = arith.constant 61 : i32
        %broadcast_in_dim3A_543 = vector.broadcast %broadcast_in_dim3A_542 : i32 to vector<16xi32>
        %gather3A_544 = tpu.vector_load_idx %arg14[%add3A_109, %broadcast_in_dim3A_543] : memref<128x128xf32, #tpu.memory_space<vmem>>[vector<16xi32>, vector<16xi32>], vector<16xf32>,
        %gather3A_545 = tpu.vector_load_idx %arg15[%add3A_109, %broadcast_in_dim3A_543] : memref<128x128xf32, #tpu.memory_space<vmem>>[vector<16xi32>, vector<16xi32>], vector<16xf32>,
        %sub3A_546 = arith.subf %gather3A_544, %gather3A_545 : vector<16xf32>
        %mul3A_547 = arith.mulf %sub3A_546, %sub3A_546 : vector<16xf32>
        %add3A_548 = arith.addf %add3A_520, %mul3A_547 : vector<16xf32>
        %broadcast_in_dim3A_549 = arith.constant 62 : i32
        %broadcast_in_dim3A_550 = vector.broadcast %broadcast_in_dim3A_549 : i32 to vector<16xi32>
        %gather3A_551 = tpu.vector_load_idx %arg14[%add3A_109, %broadcast_in_dim3A_550] : memref<128x128xf32, #tpu.memory_space<vmem>>[vector<16xi32>, vector<16xi32>], vector<16xf32>,
        %gather3A_552 = tpu.vector_load_idx %arg15[%add3A_109, %broadcast_in_dim3A_550] : memref<128x128xf32, #tpu.memory_space<vmem>>[vector<16xi32>, vector<16xi32>], vector<16xf32>,
        %sub3A_553 = arith.subf %gather3A_551, %gather3A_552 : vector<16xf32>
        %mul3A_554 = arith.mulf %sub3A_553, %sub3A_553 : vector<16xf32>
        %add3A_555 = arith.addf %add3A_527, %mul3A_554 : vector<16xf32>
        %broadcast_in_dim3A_556 = arith.constant 63 : i32
        %broadcast_in_dim3A_557 = vector.broadcast %broadcast_in_dim3A_556 : i32 to vector<16xi32>
        %gather3A_558 = tpu.vector_load_idx %arg14[%add3A_109, %broadcast_in_dim3A_557] : memref<128x128xf32, #tpu.memory_space<vmem>>[vector<16xi32>, vector<16xi32>], vector<16xf32>,
        %gather3A_559 = tpu.vector_load_idx %arg15[%add3A_109, %broadcast_in_dim3A_557] : memref<128x128xf32, #tpu.memory_space<vmem>>[vector<16xi32>, vector<16xi32>], vector<16xf32>,
        %sub3A_560 = arith.subf %gather3A_558, %gather3A_559 : vector<16xf32>
        %mul3A_561 = arith.mulf %sub3A_560, %sub3A_560 : vector<16xf32>
        %add3A_562 = arith.addf %add3A_534, %mul3A_561 : vector<16xf32>
        %add3A_563 = arith.addf %add3A_541, %add3A_548 : vector<16xf32>
        %add3A_564 = arith.addf %add3A_555, %add3A_562 : vector<16xf32>
        %add3A_565 = arith.addf %add3A_563, %add3A_564 : vector<16xf32>
        %max3A = arith.constant 1.000000e-24 : f32
        %max3A_566 = vector.broadcast %max3A : f32 to vector<16xf32>
        %max3A_567 = arith.maximumf %add3A_565, %max3A_566 : vector<16xf32>
        %bitcast3A = vector.bitcast %max3A_567 : vector<16xf32> to vector<16xi32>
        %shift_right_logical3A = arith.constant 1 : i32
        %shift_right_logical3A_568 = vector.broadcast %shift_right_logical3A : i32 to vector<16xi32>
        %shift_right_logical3A_569 = arith.shrui %bitcast3A, %shift_right_logical3A_568 : vector<16xi32>
        %add3A_570 = arith.constant 532487669 : i32
        %add3A_571 = vector.broadcast %add3A_570 : i32 to vector<16xi32>
        %add3A_572 = arith.addi %shift_right_logical3A_569, %add3A_571 : vector<16xi32>
        %bitcast3A_573 = vector.bitcast %add3A_572 : vector<16xi32> to vector<16xf32>
        %div3A = arith.divf %max3A_567, %bitcast3A_573 : vector<16xf32>
        %add3A_574 = arith.addf %bitcast3A_573, %div3A : vector<16xf32>
        %mul3A_575 = arith.constant 5.000000e-01 : f32
        %mul3A_576 = vector.broadcast %mul3A_575 : f32 to vector<16xf32>
        %mul3A_577 = arith.mulf %mul3A_576, %add3A_574 : vector<16xf32>
        %div3A_578 = arith.divf %max3A_567, %mul3A_577 : vector<16xf32>
        %add3A_579 = arith.addf %mul3A_577, %div3A_578 : vector<16xf32>
        %mul3A_580 = arith.constant 5.000000e-01 : f32
        %mul3A_581 = vector.broadcast %mul3A_580 : f32 to vector<16xf32>
        %mul3A_582 = arith.mulf %mul3A_581, %add3A_579 : vector<16xf32>
        %div3A_583 = arith.divf %max3A_567, %mul3A_582 : vector<16xf32>
        %add3A_584 = arith.addf %mul3A_582, %div3A_583 : vector<16xf32>
        %mul3A_585 = arith.constant 5.000000e-01 : f32
        %mul3A_586 = vector.broadcast %mul3A_585 : f32 to vector<16xf32>
        %mul3A_587 = arith.mulf %mul3A_586, %add3A_584 : vector<16xf32>
        %mul3A_588 = arith.constant 1.250000e-01 : f32
        %mul3A_589 = vector.broadcast %mul3A_588 : f32 to vector<16xf32>
        %mul3A_590 = arith.mulf %mul3A_587, %mul3A_589 : vector<16xf32>
        %exp3A = math.exp %mul3A_590 : vector<16xf32>
        %broadcast_in_dim3A_591 = arith.constant 64 : i32
        %broadcast_in_dim3A_592 = vector.broadcast %broadcast_in_dim3A_591 : i32 to vector<16xi32>
        tpu.vector_store_idx %arg16[%add3A_109, %broadcast_in_dim3A_592], %exp3A : memref<128x128xf32, #tpu.memory_space<vmem>>[vector<16xi32>, vector<16xi32>], vector<16xf32>,
        %broadcast_in_dim3A_593 = arith.constant 64 : i32
        %broadcast_in_dim3A_594 = vector.broadcast %broadcast_in_dim3A_593 : i32 to vector<16xi32>
        %gather3A_595 = tpu.vector_load_idx %arg14[%add3A_109, %broadcast_in_dim3A_594] : memref<128x128xf32, #tpu.memory_space<vmem>>[vector<16xi32>, vector<16xi32>], vector<16xf32>,
        %broadcast_in_dim3A_596 = arith.constant 0 : i32
        %broadcast_in_dim3A_597 = vector.broadcast %broadcast_in_dim3A_596 : i32 to vector<16xi32>
        %mul3A_598 = arith.mulf %gather3A_595, %exp3A : vector<16xf32>
        tpu.vector_store_idx %arg16[%add3A_109, %broadcast_in_dim3A_597], %mul3A_598 : memref<128x128xf32, #tpu.memory_space<vmem>>[vector<16xi32>, vector<16xi32>], vector<16xf32>,
        %broadcast_in_dim3A_599 = arith.constant 65 : i32
        %broadcast_in_dim3A_600 = vector.broadcast %broadcast_in_dim3A_599 : i32 to vector<16xi32>
        %gather3A_601 = tpu.vector_load_idx %arg14[%add3A_109, %broadcast_in_dim3A_600] : memref<128x128xf32, #tpu.memory_space<vmem>>[vector<16xi32>, vector<16xi32>], vector<16xf32>,
        %broadcast_in_dim3A_602 = arith.constant 1 : i32
        %broadcast_in_dim3A_603 = vector.broadcast %broadcast_in_dim3A_602 : i32 to vector<16xi32>
        %mul3A_604 = arith.mulf %gather3A_601, %exp3A : vector<16xf32>
        tpu.vector_store_idx %arg16[%add3A_109, %broadcast_in_dim3A_603], %mul3A_604 : memref<128x128xf32, #tpu.memory_space<vmem>>[vector<16xi32>, vector<16xi32>], vector<16xf32>,
        %broadcast_in_dim3A_605 = arith.constant 66 : i32
        %broadcast_in_dim3A_606 = vector.broadcast %broadcast_in_dim3A_605 : i32 to vector<16xi32>
        %gather3A_607 = tpu.vector_load_idx %arg14[%add3A_109, %broadcast_in_dim3A_606] : memref<128x128xf32, #tpu.memory_space<vmem>>[vector<16xi32>, vector<16xi32>], vector<16xf32>,
        %broadcast_in_dim3A_608 = arith.constant 2 : i32
        %broadcast_in_dim3A_609 = vector.broadcast %broadcast_in_dim3A_608 : i32 to vector<16xi32>
        %mul3A_610 = arith.mulf %gather3A_607, %exp3A : vector<16xf32>
        tpu.vector_store_idx %arg16[%add3A_109, %broadcast_in_dim3A_609], %mul3A_610 : memref<128x128xf32, #tpu.memory_space<vmem>>[vector<16xi32>, vector<16xi32>], vector<16xf32>,
        %broadcast_in_dim3A_611 = arith.constant 67 : i32
        %broadcast_in_dim3A_612 = vector.broadcast %broadcast_in_dim3A_611 : i32 to vector<16xi32>
        %gather3A_613 = tpu.vector_load_idx %arg14[%add3A_109, %broadcast_in_dim3A_612] : memref<128x128xf32, #tpu.memory_space<vmem>>[vector<16xi32>, vector<16xi32>], vector<16xf32>,
        %broadcast_in_dim3A_614 = arith.constant 3 : i32
        %broadcast_in_dim3A_615 = vector.broadcast %broadcast_in_dim3A_614 : i32 to vector<16xi32>
        %mul3A_616 = arith.mulf %gather3A_613, %exp3A : vector<16xf32>
        tpu.vector_store_idx %arg16[%add3A_109, %broadcast_in_dim3A_615], %mul3A_616 : memref<128x128xf32, #tpu.memory_space<vmem>>[vector<16xi32>, vector<16xi32>], vector<16xf32>,
        %broadcast_in_dim3A_617 = arith.constant 68 : i32
        %broadcast_in_dim3A_618 = vector.broadcast %broadcast_in_dim3A_617 : i32 to vector<16xi32>
        %gather3A_619 = tpu.vector_load_idx %arg14[%add3A_109, %broadcast_in_dim3A_618] : memref<128x128xf32, #tpu.memory_space<vmem>>[vector<16xi32>, vector<16xi32>], vector<16xf32>,
        %broadcast_in_dim3A_620 = arith.constant 4 : i32
        %broadcast_in_dim3A_621 = vector.broadcast %broadcast_in_dim3A_620 : i32 to vector<16xi32>
        %mul3A_622 = arith.mulf %gather3A_619, %exp3A : vector<16xf32>
        tpu.vector_store_idx %arg16[%add3A_109, %broadcast_in_dim3A_621], %mul3A_622 : memref<128x128xf32, #tpu.memory_space<vmem>>[vector<16xi32>, vector<16xi32>], vector<16xf32>,
        %broadcast_in_dim3A_623 = arith.constant 69 : i32
        %broadcast_in_dim3A_624 = vector.broadcast %broadcast_in_dim3A_623 : i32 to vector<16xi32>
        %gather3A_625 = tpu.vector_load_idx %arg14[%add3A_109, %broadcast_in_dim3A_624] : memref<128x128xf32, #tpu.memory_space<vmem>>[vector<16xi32>, vector<16xi32>], vector<16xf32>,
        %broadcast_in_dim3A_626 = arith.constant 5 : i32
        %broadcast_in_dim3A_627 = vector.broadcast %broadcast_in_dim3A_626 : i32 to vector<16xi32>
        %mul3A_628 = arith.mulf %gather3A_625, %exp3A : vector<16xf32>
        tpu.vector_store_idx %arg16[%add3A_109, %broadcast_in_dim3A_627], %mul3A_628 : memref<128x128xf32, #tpu.memory_space<vmem>>[vector<16xi32>, vector<16xi32>], vector<16xf32>,
        %broadcast_in_dim3A_629 = arith.constant 70 : i32
        %broadcast_in_dim3A_630 = vector.broadcast %broadcast_in_dim3A_629 : i32 to vector<16xi32>
        %gather3A_631 = tpu.vector_load_idx %arg14[%add3A_109, %broadcast_in_dim3A_630] : memref<128x128xf32, #tpu.memory_space<vmem>>[vector<16xi32>, vector<16xi32>], vector<16xf32>,
        %broadcast_in_dim3A_632 = arith.constant 6 : i32
        %broadcast_in_dim3A_633 = vector.broadcast %broadcast_in_dim3A_632 : i32 to vector<16xi32>
        %mul3A_634 = arith.mulf %gather3A_631, %exp3A : vector<16xf32>
        tpu.vector_store_idx %arg16[%add3A_109, %broadcast_in_dim3A_633], %mul3A_634 : memref<128x128xf32, #tpu.memory_space<vmem>>[vector<16xi32>, vector<16xi32>], vector<16xf32>,
        %broadcast_in_dim3A_635 = arith.constant 71 : i32
        %broadcast_in_dim3A_636 = vector.broadcast %broadcast_in_dim3A_635 : i32 to vector<16xi32>
        %gather3A_637 = tpu.vector_load_idx %arg14[%add3A_109, %broadcast_in_dim3A_636] : memref<128x128xf32, #tpu.memory_space<vmem>>[vector<16xi32>, vector<16xi32>], vector<16xf32>,
        %broadcast_in_dim3A_638 = arith.constant 7 : i32
        %broadcast_in_dim3A_639 = vector.broadcast %broadcast_in_dim3A_638 : i32 to vector<16xi32>
        %mul3A_640 = arith.mulf %gather3A_637, %exp3A : vector<16xf32>
        tpu.vector_store_idx %arg16[%add3A_109, %broadcast_in_dim3A_639], %mul3A_640 : memref<128x128xf32, #tpu.memory_space<vmem>>[vector<16xi32>, vector<16xi32>], vector<16xf32>,
        %broadcast_in_dim3A_641 = arith.constant 72 : i32
        %broadcast_in_dim3A_642 = vector.broadcast %broadcast_in_dim3A_641 : i32 to vector<16xi32>
        %gather3A_643 = tpu.vector_load_idx %arg14[%add3A_109, %broadcast_in_dim3A_642] : memref<128x128xf32, #tpu.memory_space<vmem>>[vector<16xi32>, vector<16xi32>], vector<16xf32>,
        %broadcast_in_dim3A_644 = arith.constant 8 : i32
        %broadcast_in_dim3A_645 = vector.broadcast %broadcast_in_dim3A_644 : i32 to vector<16xi32>
        %mul3A_646 = arith.mulf %gather3A_643, %exp3A : vector<16xf32>
        tpu.vector_store_idx %arg16[%add3A_109, %broadcast_in_dim3A_645], %mul3A_646 : memref<128x128xf32, #tpu.memory_space<vmem>>[vector<16xi32>, vector<16xi32>], vector<16xf32>,
        %broadcast_in_dim3A_647 = arith.constant 73 : i32
        %broadcast_in_dim3A_648 = vector.broadcast %broadcast_in_dim3A_647 : i32 to vector<16xi32>
        %gather3A_649 = tpu.vector_load_idx %arg14[%add3A_109, %broadcast_in_dim3A_648] : memref<128x128xf32, #tpu.memory_space<vmem>>[vector<16xi32>, vector<16xi32>], vector<16xf32>,
        %broadcast_in_dim3A_650 = arith.constant 9 : i32
        %broadcast_in_dim3A_651 = vector.broadcast %broadcast_in_dim3A_650 : i32 to vector<16xi32>
        %mul3A_652 = arith.mulf %gather3A_649, %exp3A : vector<16xf32>
        tpu.vector_store_idx %arg16[%add3A_109, %broadcast_in_dim3A_651], %mul3A_652 : memref<128x128xf32, #tpu.memory_space<vmem>>[vector<16xi32>, vector<16xi32>], vector<16xf32>,
        %broadcast_in_dim3A_653 = arith.constant 74 : i32
        %broadcast_in_dim3A_654 = vector.broadcast %broadcast_in_dim3A_653 : i32 to vector<16xi32>
        %gather3A_655 = tpu.vector_load_idx %arg14[%add3A_109, %broadcast_in_dim3A_654] : memref<128x128xf32, #tpu.memory_space<vmem>>[vector<16xi32>, vector<16xi32>], vector<16xf32>,
        %broadcast_in_dim3A_656 = arith.constant 10 : i32
        %broadcast_in_dim3A_657 = vector.broadcast %broadcast_in_dim3A_656 : i32 to vector<16xi32>
        %mul3A_658 = arith.mulf %gather3A_655, %exp3A : vector<16xf32>
        tpu.vector_store_idx %arg16[%add3A_109, %broadcast_in_dim3A_657], %mul3A_658 : memref<128x128xf32, #tpu.memory_space<vmem>>[vector<16xi32>, vector<16xi32>], vector<16xf32>,
        %broadcast_in_dim3A_659 = arith.constant 75 : i32
        %broadcast_in_dim3A_660 = vector.broadcast %broadcast_in_dim3A_659 : i32 to vector<16xi32>
        %gather3A_661 = tpu.vector_load_idx %arg14[%add3A_109, %broadcast_in_dim3A_660] : memref<128x128xf32, #tpu.memory_space<vmem>>[vector<16xi32>, vector<16xi32>], vector<16xf32>,
        %broadcast_in_dim3A_662 = arith.constant 11 : i32
        %broadcast_in_dim3A_663 = vector.broadcast %broadcast_in_dim3A_662 : i32 to vector<16xi32>
        %mul3A_664 = arith.mulf %gather3A_661, %exp3A : vector<16xf32>
        tpu.vector_store_idx %arg16[%add3A_109, %broadcast_in_dim3A_663], %mul3A_664 : memref<128x128xf32, #tpu.memory_space<vmem>>[vector<16xi32>, vector<16xi32>], vector<16xf32>,
        %broadcast_in_dim3A_665 = arith.constant 76 : i32
        %broadcast_in_dim3A_666 = vector.broadcast %broadcast_in_dim3A_665 : i32 to vector<16xi32>
        %gather3A_667 = tpu.vector_load_idx %arg14[%add3A_109, %broadcast_in_dim3A_666] : memref<128x128xf32, #tpu.memory_space<vmem>>[vector<16xi32>, vector<16xi32>], vector<16xf32>,
        %broadcast_in_dim3A_668 = arith.constant 12 : i32
        %broadcast_in_dim3A_669 = vector.broadcast %broadcast_in_dim3A_668 : i32 to vector<16xi32>
        %mul3A_670 = arith.mulf %gather3A_667, %exp3A : vector<16xf32>
        tpu.vector_store_idx %arg16[%add3A_109, %broadcast_in_dim3A_669], %mul3A_670 : memref<128x128xf32, #tpu.memory_space<vmem>>[vector<16xi32>, vector<16xi32>], vector<16xf32>,
        %broadcast_in_dim3A_671 = arith.constant 77 : i32
        %broadcast_in_dim3A_672 = vector.broadcast %broadcast_in_dim3A_671 : i32 to vector<16xi32>
        %gather3A_673 = tpu.vector_load_idx %arg14[%add3A_109, %broadcast_in_dim3A_672] : memref<128x128xf32, #tpu.memory_space<vmem>>[vector<16xi32>, vector<16xi32>], vector<16xf32>,
        %broadcast_in_dim3A_674 = arith.constant 13 : i32
        %broadcast_in_dim3A_675 = vector.broadcast %broadcast_in_dim3A_674 : i32 to vector<16xi32>
        %mul3A_676 = arith.mulf %gather3A_673, %exp3A : vector<16xf32>
        tpu.vector_store_idx %arg16[%add3A_109, %broadcast_in_dim3A_675], %mul3A_676 : memref<128x128xf32, #tpu.memory_space<vmem>>[vector<16xi32>, vector<16xi32>], vector<16xf32>,
        %broadcast_in_dim3A_677 = arith.constant 78 : i32
        %broadcast_in_dim3A_678 = vector.broadcast %broadcast_in_dim3A_677 : i32 to vector<16xi32>
        %gather3A_679 = tpu.vector_load_idx %arg14[%add3A_109, %broadcast_in_dim3A_678] : memref<128x128xf32, #tpu.memory_space<vmem>>[vector<16xi32>, vector<16xi32>], vector<16xf32>,
        %broadcast_in_dim3A_680 = arith.constant 14 : i32
        %broadcast_in_dim3A_681 = vector.broadcast %broadcast_in_dim3A_680 : i32 to vector<16xi32>
        %mul3A_682 = arith.mulf %gather3A_679, %exp3A : vector<16xf32>
        tpu.vector_store_idx %arg16[%add3A_109, %broadcast_in_dim3A_681], %mul3A_682 : memref<128x128xf32, #tpu.memory_space<vmem>>[vector<16xi32>, vector<16xi32>], vector<16xf32>,
        %broadcast_in_dim3A_683 = arith.constant 79 : i32
        %broadcast_in_dim3A_684 = vector.broadcast %broadcast_in_dim3A_683 : i32 to vector<16xi32>
        %gather3A_685 = tpu.vector_load_idx %arg14[%add3A_109, %broadcast_in_dim3A_684] : memref<128x128xf32, #tpu.memory_space<vmem>>[vector<16xi32>, vector<16xi32>], vector<16xf32>,
        %broadcast_in_dim3A_686 = arith.constant 15 : i32
        %broadcast_in_dim3A_687 = vector.broadcast %broadcast_in_dim3A_686 : i32 to vector<16xi32>
        %mul3A_688 = arith.mulf %gather3A_685, %exp3A : vector<16xf32>
        tpu.vector_store_idx %arg16[%add3A_109, %broadcast_in_dim3A_687], %mul3A_688 : memref<128x128xf32, #tpu.memory_space<vmem>>[vector<16xi32>, vector<16xi32>], vector<16xf32>,
        %broadcast_in_dim3A_689 = arith.constant 80 : i32
        %broadcast_in_dim3A_690 = vector.broadcast %broadcast_in_dim3A_689 : i32 to vector<16xi32>
        %gather3A_691 = tpu.vector_load_idx %arg14[%add3A_109, %broadcast_in_dim3A_690] : memref<128x128xf32, #tpu.memory_space<vmem>>[vector<16xi32>, vector<16xi32>], vector<16xf32>,
        %broadcast_in_dim3A_692 = arith.constant 16 : i32
        %broadcast_in_dim3A_693 = vector.broadcast %broadcast_in_dim3A_692 : i32 to vector<16xi32>
        %mul3A_694 = arith.mulf %gather3A_691, %exp3A : vector<16xf32>
        tpu.vector_store_idx %arg16[%add3A_109, %broadcast_in_dim3A_693], %mul3A_694 : memref<128x128xf32, #tpu.memory_space<vmem>>[vector<16xi32>, vector<16xi32>], vector<16xf32>,
        %broadcast_in_dim3A_695 = arith.constant 81 : i32
        %broadcast_in_dim3A_696 = vector.broadcast %broadcast_in_dim3A_695 : i32 to vector<16xi32>
        %gather3A_697 = tpu.vector_load_idx %arg14[%add3A_109, %broadcast_in_dim3A_696] : memref<128x128xf32, #tpu.memory_space<vmem>>[vector<16xi32>, vector<16xi32>], vector<16xf32>,
        %broadcast_in_dim3A_698 = arith.constant 17 : i32
        %broadcast_in_dim3A_699 = vector.broadcast %broadcast_in_dim3A_698 : i32 to vector<16xi32>
        %mul3A_700 = arith.mulf %gather3A_697, %exp3A : vector<16xf32>
        tpu.vector_store_idx %arg16[%add3A_109, %broadcast_in_dim3A_699], %mul3A_700 : memref<128x128xf32, #tpu.memory_space<vmem>>[vector<16xi32>, vector<16xi32>], vector<16xf32>,
        %broadcast_in_dim3A_701 = arith.constant 82 : i32
        %broadcast_in_dim3A_702 = vector.broadcast %broadcast_in_dim3A_701 : i32 to vector<16xi32>
        %gather3A_703 = tpu.vector_load_idx %arg14[%add3A_109, %broadcast_in_dim3A_702] : memref<128x128xf32, #tpu.memory_space<vmem>>[vector<16xi32>, vector<16xi32>], vector<16xf32>,
        %broadcast_in_dim3A_704 = arith.constant 18 : i32
        %broadcast_in_dim3A_705 = vector.broadcast %broadcast_in_dim3A_704 : i32 to vector<16xi32>
        %mul3A_706 = arith.mulf %gather3A_703, %exp3A : vector<16xf32>
        tpu.vector_store_idx %arg16[%add3A_109, %broadcast_in_dim3A_705], %mul3A_706 : memref<128x128xf32, #tpu.memory_space<vmem>>[vector<16xi32>, vector<16xi32>], vector<16xf32>,
        %broadcast_in_dim3A_707 = arith.constant 83 : i32
        %broadcast_in_dim3A_708 = vector.broadcast %broadcast_in_dim3A_707 : i32 to vector<16xi32>
        %gather3A_709 = tpu.vector_load_idx %arg14[%add3A_109, %broadcast_in_dim3A_708] : memref<128x128xf32, #tpu.memory_space<vmem>>[vector<16xi32>, vector<16xi32>], vector<16xf32>,
        %broadcast_in_dim3A_710 = arith.constant 19 : i32
        %broadcast_in_dim3A_711 = vector.broadcast %broadcast_in_dim3A_710 : i32 to vector<16xi32>
        %mul3A_712 = arith.mulf %gather3A_709, %exp3A : vector<16xf32>
        tpu.vector_store_idx %arg16[%add3A_109, %broadcast_in_dim3A_711], %mul3A_712 : memref<128x128xf32, #tpu.memory_space<vmem>>[vector<16xi32>, vector<16xi32>], vector<16xf32>,
        %broadcast_in_dim3A_713 = arith.constant 84 : i32
        %broadcast_in_dim3A_714 = vector.broadcast %broadcast_in_dim3A_713 : i32 to vector<16xi32>
        %gather3A_715 = tpu.vector_load_idx %arg14[%add3A_109, %broadcast_in_dim3A_714] : memref<128x128xf32, #tpu.memory_space<vmem>>[vector<16xi32>, vector<16xi32>], vector<16xf32>,
        %broadcast_in_dim3A_716 = arith.constant 20 : i32
        %broadcast_in_dim3A_717 = vector.broadcast %broadcast_in_dim3A_716 : i32 to vector<16xi32>
        %mul3A_718 = arith.mulf %gather3A_715, %exp3A : vector<16xf32>
        tpu.vector_store_idx %arg16[%add3A_109, %broadcast_in_dim3A_717], %mul3A_718 : memref<128x128xf32, #tpu.memory_space<vmem>>[vector<16xi32>, vector<16xi32>], vector<16xf32>,
        %broadcast_in_dim3A_719 = arith.constant 85 : i32
        %broadcast_in_dim3A_720 = vector.broadcast %broadcast_in_dim3A_719 : i32 to vector<16xi32>
        %gather3A_721 = tpu.vector_load_idx %arg14[%add3A_109, %broadcast_in_dim3A_720] : memref<128x128xf32, #tpu.memory_space<vmem>>[vector<16xi32>, vector<16xi32>], vector<16xf32>,
        %broadcast_in_dim3A_722 = arith.constant 21 : i32
        %broadcast_in_dim3A_723 = vector.broadcast %broadcast_in_dim3A_722 : i32 to vector<16xi32>
        %mul3A_724 = arith.mulf %gather3A_721, %exp3A : vector<16xf32>
        tpu.vector_store_idx %arg16[%add3A_109, %broadcast_in_dim3A_723], %mul3A_724 : memref<128x128xf32, #tpu.memory_space<vmem>>[vector<16xi32>, vector<16xi32>], vector<16xf32>,
        %broadcast_in_dim3A_725 = arith.constant 86 : i32
        %broadcast_in_dim3A_726 = vector.broadcast %broadcast_in_dim3A_725 : i32 to vector<16xi32>
        %gather3A_727 = tpu.vector_load_idx %arg14[%add3A_109, %broadcast_in_dim3A_726] : memref<128x128xf32, #tpu.memory_space<vmem>>[vector<16xi32>, vector<16xi32>], vector<16xf32>,
        %broadcast_in_dim3A_728 = arith.constant 22 : i32
        %broadcast_in_dim3A_729 = vector.broadcast %broadcast_in_dim3A_728 : i32 to vector<16xi32>
        %mul3A_730 = arith.mulf %gather3A_727, %exp3A : vector<16xf32>
        tpu.vector_store_idx %arg16[%add3A_109, %broadcast_in_dim3A_729], %mul3A_730 : memref<128x128xf32, #tpu.memory_space<vmem>>[vector<16xi32>, vector<16xi32>], vector<16xf32>,
        %broadcast_in_dim3A_731 = arith.constant 87 : i32
        %broadcast_in_dim3A_732 = vector.broadcast %broadcast_in_dim3A_731 : i32 to vector<16xi32>
        %gather3A_733 = tpu.vector_load_idx %arg14[%add3A_109, %broadcast_in_dim3A_732] : memref<128x128xf32, #tpu.memory_space<vmem>>[vector<16xi32>, vector<16xi32>], vector<16xf32>,
        %broadcast_in_dim3A_734 = arith.constant 23 : i32
        %broadcast_in_dim3A_735 = vector.broadcast %broadcast_in_dim3A_734 : i32 to vector<16xi32>
        %mul3A_736 = arith.mulf %gather3A_733, %exp3A : vector<16xf32>
        tpu.vector_store_idx %arg16[%add3A_109, %broadcast_in_dim3A_735], %mul3A_736 : memref<128x128xf32, #tpu.memory_space<vmem>>[vector<16xi32>, vector<16xi32>], vector<16xf32>,
        %broadcast_in_dim3A_737 = arith.constant 88 : i32
        %broadcast_in_dim3A_738 = vector.broadcast %broadcast_in_dim3A_737 : i32 to vector<16xi32>
        %gather3A_739 = tpu.vector_load_idx %arg14[%add3A_109, %broadcast_in_dim3A_738] : memref<128x128xf32, #tpu.memory_space<vmem>>[vector<16xi32>, vector<16xi32>], vector<16xf32>,
        %broadcast_in_dim3A_740 = arith.constant 24 : i32
        %broadcast_in_dim3A_741 = vector.broadcast %broadcast_in_dim3A_740 : i32 to vector<16xi32>
        %mul3A_742 = arith.mulf %gather3A_739, %exp3A : vector<16xf32>
        tpu.vector_store_idx %arg16[%add3A_109, %broadcast_in_dim3A_741], %mul3A_742 : memref<128x128xf32, #tpu.memory_space<vmem>>[vector<16xi32>, vector<16xi32>], vector<16xf32>,
        %broadcast_in_dim3A_743 = arith.constant 89 : i32
        %broadcast_in_dim3A_744 = vector.broadcast %broadcast_in_dim3A_743 : i32 to vector<16xi32>
        %gather3A_745 = tpu.vector_load_idx %arg14[%add3A_109, %broadcast_in_dim3A_744] : memref<128x128xf32, #tpu.memory_space<vmem>>[vector<16xi32>, vector<16xi32>], vector<16xf32>,
        %broadcast_in_dim3A_746 = arith.constant 25 : i32
        %broadcast_in_dim3A_747 = vector.broadcast %broadcast_in_dim3A_746 : i32 to vector<16xi32>
        %mul3A_748 = arith.mulf %gather3A_745, %exp3A : vector<16xf32>
        tpu.vector_store_idx %arg16[%add3A_109, %broadcast_in_dim3A_747], %mul3A_748 : memref<128x128xf32, #tpu.memory_space<vmem>>[vector<16xi32>, vector<16xi32>], vector<16xf32>,
        %broadcast_in_dim3A_749 = arith.constant 90 : i32
        %broadcast_in_dim3A_750 = vector.broadcast %broadcast_in_dim3A_749 : i32 to vector<16xi32>
        %gather3A_751 = tpu.vector_load_idx %arg14[%add3A_109, %broadcast_in_dim3A_750] : memref<128x128xf32, #tpu.memory_space<vmem>>[vector<16xi32>, vector<16xi32>], vector<16xf32>,
        %broadcast_in_dim3A_752 = arith.constant 26 : i32
        %broadcast_in_dim3A_753 = vector.broadcast %broadcast_in_dim3A_752 : i32 to vector<16xi32>
        %mul3A_754 = arith.mulf %gather3A_751, %exp3A : vector<16xf32>
        tpu.vector_store_idx %arg16[%add3A_109, %broadcast_in_dim3A_753], %mul3A_754 : memref<128x128xf32, #tpu.memory_space<vmem>>[vector<16xi32>, vector<16xi32>], vector<16xf32>,
        %broadcast_in_dim3A_755 = arith.constant 91 : i32
        %broadcast_in_dim3A_756 = vector.broadcast %broadcast_in_dim3A_755 : i32 to vector<16xi32>
        %gather3A_757 = tpu.vector_load_idx %arg14[%add3A_109, %broadcast_in_dim3A_756] : memref<128x128xf32, #tpu.memory_space<vmem>>[vector<16xi32>, vector<16xi32>], vector<16xf32>,
        %broadcast_in_dim3A_758 = arith.constant 27 : i32
        %broadcast_in_dim3A_759 = vector.broadcast %broadcast_in_dim3A_758 : i32 to vector<16xi32>
        %mul3A_760 = arith.mulf %gather3A_757, %exp3A : vector<16xf32>
        tpu.vector_store_idx %arg16[%add3A_109, %broadcast_in_dim3A_759], %mul3A_760 : memref<128x128xf32, #tpu.memory_space<vmem>>[vector<16xi32>, vector<16xi32>], vector<16xf32>,
        %broadcast_in_dim3A_761 = arith.constant 92 : i32
        %broadcast_in_dim3A_762 = vector.broadcast %broadcast_in_dim3A_761 : i32 to vector<16xi32>
        %gather3A_763 = tpu.vector_load_idx %arg14[%add3A_109, %broadcast_in_dim3A_762] : memref<128x128xf32, #tpu.memory_space<vmem>>[vector<16xi32>, vector<16xi32>], vector<16xf32>,
        %broadcast_in_dim3A_764 = arith.constant 28 : i32
        %broadcast_in_dim3A_765 = vector.broadcast %broadcast_in_dim3A_764 : i32 to vector<16xi32>
        %mul3A_766 = arith.mulf %gather3A_763, %exp3A : vector<16xf32>
        tpu.vector_store_idx %arg16[%add3A_109, %broadcast_in_dim3A_765], %mul3A_766 : memref<128x128xf32, #tpu.memory_space<vmem>>[vector<16xi32>, vector<16xi32>], vector<16xf32>,
        %broadcast_in_dim3A_767 = arith.constant 93 : i32
        %broadcast_in_dim3A_768 = vector.broadcast %broadcast_in_dim3A_767 : i32 to vector<16xi32>
        %gather3A_769 = tpu.vector_load_idx %arg14[%add3A_109, %broadcast_in_dim3A_768] : memref<128x128xf32, #tpu.memory_space<vmem>>[vector<16xi32>, vector<16xi32>], vector<16xf32>,
        %broadcast_in_dim3A_770 = arith.constant 29 : i32
        %broadcast_in_dim3A_771 = vector.broadcast %broadcast_in_dim3A_770 : i32 to vector<16xi32>
        %mul3A_772 = arith.mulf %gather3A_769, %exp3A : vector<16xf32>
        tpu.vector_store_idx %arg16[%add3A_109, %broadcast_in_dim3A_771], %mul3A_772 : memref<128x128xf32, #tpu.memory_space<vmem>>[vector<16xi32>, vector<16xi32>], vector<16xf32>,
        %broadcast_in_dim3A_773 = arith.constant 94 : i32
        %broadcast_in_dim3A_774 = vector.broadcast %broadcast_in_dim3A_773 : i32 to vector<16xi32>
        %gather3A_775 = tpu.vector_load_idx %arg14[%add3A_109, %broadcast_in_dim3A_774] : memref<128x128xf32, #tpu.memory_space<vmem>>[vector<16xi32>, vector<16xi32>], vector<16xf32>,
        %broadcast_in_dim3A_776 = arith.constant 30 : i32
        %broadcast_in_dim3A_777 = vector.broadcast %broadcast_in_dim3A_776 : i32 to vector<16xi32>
        %mul3A_778 = arith.mulf %gather3A_775, %exp3A : vector<16xf32>
        tpu.vector_store_idx %arg16[%add3A_109, %broadcast_in_dim3A_777], %mul3A_778 : memref<128x128xf32, #tpu.memory_space<vmem>>[vector<16xi32>, vector<16xi32>], vector<16xf32>,
        %broadcast_in_dim3A_779 = arith.constant 95 : i32
        %broadcast_in_dim3A_780 = vector.broadcast %broadcast_in_dim3A_779 : i32 to vector<16xi32>
        %gather3A_781 = tpu.vector_load_idx %arg14[%add3A_109, %broadcast_in_dim3A_780] : memref<128x128xf32, #tpu.memory_space<vmem>>[vector<16xi32>, vector<16xi32>], vector<16xf32>,
        %broadcast_in_dim3A_782 = arith.constant 31 : i32
        %broadcast_in_dim3A_783 = vector.broadcast %broadcast_in_dim3A_782 : i32 to vector<16xi32>
        %mul3A_784 = arith.mulf %gather3A_781, %exp3A : vector<16xf32>
        tpu.vector_store_idx %arg16[%add3A_109, %broadcast_in_dim3A_783], %mul3A_784 : memref<128x128xf32, #tpu.memory_space<vmem>>[vector<16xi32>, vector<16xi32>], vector<16xf32>,
        %broadcast_in_dim3A_785 = arith.constant 96 : i32
        %broadcast_in_dim3A_786 = vector.broadcast %broadcast_in_dim3A_785 : i32 to vector<16xi32>
        %gather3A_787 = tpu.vector_load_idx %arg14[%add3A_109, %broadcast_in_dim3A_786] : memref<128x128xf32, #tpu.memory_space<vmem>>[vector<16xi32>, vector<16xi32>], vector<16xf32>,
        %broadcast_in_dim3A_788 = arith.constant 32 : i32
        %broadcast_in_dim3A_789 = vector.broadcast %broadcast_in_dim3A_788 : i32 to vector<16xi32>
        %mul3A_790 = arith.mulf %gather3A_787, %exp3A : vector<16xf32>
        tpu.vector_store_idx %arg16[%add3A_109, %broadcast_in_dim3A_789], %mul3A_790 : memref<128x128xf32, #tpu.memory_space<vmem>>[vector<16xi32>, vector<16xi32>], vector<16xf32>,
        %broadcast_in_dim3A_791 = arith.constant 97 : i32
        %broadcast_in_dim3A_792 = vector.broadcast %broadcast_in_dim3A_791 : i32 to vector<16xi32>
        %gather3A_793 = tpu.vector_load_idx %arg14[%add3A_109, %broadcast_in_dim3A_792] : memref<128x128xf32, #tpu.memory_space<vmem>>[vector<16xi32>, vector<16xi32>], vector<16xf32>,
        %broadcast_in_dim3A_794 = arith.constant 33 : i32
        %broadcast_in_dim3A_795 = vector.broadcast %broadcast_in_dim3A_794 : i32 to vector<16xi32>
        %mul3A_796 = arith.mulf %gather3A_793, %exp3A : vector<16xf32>
        tpu.vector_store_idx %arg16[%add3A_109, %broadcast_in_dim3A_795], %mul3A_796 : memref<128x128xf32, #tpu.memory_space<vmem>>[vector<16xi32>, vector<16xi32>], vector<16xf32>,
        %broadcast_in_dim3A_797 = arith.constant 98 : i32
        %broadcast_in_dim3A_798 = vector.broadcast %broadcast_in_dim3A_797 : i32 to vector<16xi32>
        %gather3A_799 = tpu.vector_load_idx %arg14[%add3A_109, %broadcast_in_dim3A_798] : memref<128x128xf32, #tpu.memory_space<vmem>>[vector<16xi32>, vector<16xi32>], vector<16xf32>,
        %broadcast_in_dim3A_800 = arith.constant 34 : i32
        %broadcast_in_dim3A_801 = vector.broadcast %broadcast_in_dim3A_800 : i32 to vector<16xi32>
        %mul3A_802 = arith.mulf %gather3A_799, %exp3A : vector<16xf32>
        tpu.vector_store_idx %arg16[%add3A_109, %broadcast_in_dim3A_801], %mul3A_802 : memref<128x128xf32, #tpu.memory_space<vmem>>[vector<16xi32>, vector<16xi32>], vector<16xf32>,
        %broadcast_in_dim3A_803 = arith.constant 99 : i32
        %broadcast_in_dim3A_804 = vector.broadcast %broadcast_in_dim3A_803 : i32 to vector<16xi32>
        %gather3A_805 = tpu.vector_load_idx %arg14[%add3A_109, %broadcast_in_dim3A_804] : memref<128x128xf32, #tpu.memory_space<vmem>>[vector<16xi32>, vector<16xi32>], vector<16xf32>,
        %broadcast_in_dim3A_806 = arith.constant 35 : i32
        %broadcast_in_dim3A_807 = vector.broadcast %broadcast_in_dim3A_806 : i32 to vector<16xi32>
        %mul3A_808 = arith.mulf %gather3A_805, %exp3A : vector<16xf32>
        tpu.vector_store_idx %arg16[%add3A_109, %broadcast_in_dim3A_807], %mul3A_808 : memref<128x128xf32, #tpu.memory_space<vmem>>[vector<16xi32>, vector<16xi32>], vector<16xf32>,
        %broadcast_in_dim3A_809 = arith.constant 100 : i32
        %broadcast_in_dim3A_810 = vector.broadcast %broadcast_in_dim3A_809 : i32 to vector<16xi32>
        %gather3A_811 = tpu.vector_load_idx %arg14[%add3A_109, %broadcast_in_dim3A_810] : memref<128x128xf32, #tpu.memory_space<vmem>>[vector<16xi32>, vector<16xi32>], vector<16xf32>,
        %broadcast_in_dim3A_812 = arith.constant 36 : i32
        %broadcast_in_dim3A_813 = vector.broadcast %broadcast_in_dim3A_812 : i32 to vector<16xi32>
        %mul3A_814 = arith.mulf %gather3A_811, %exp3A : vector<16xf32>
        tpu.vector_store_idx %arg16[%add3A_109, %broadcast_in_dim3A_813], %mul3A_814 : memref<128x128xf32, #tpu.memory_space<vmem>>[vector<16xi32>, vector<16xi32>], vector<16xf32>,
        %broadcast_in_dim3A_815 = arith.constant 101 : i32
        %broadcast_in_dim3A_816 = vector.broadcast %broadcast_in_dim3A_815 : i32 to vector<16xi32>
        %gather3A_817 = tpu.vector_load_idx %arg14[%add3A_109, %broadcast_in_dim3A_816] : memref<128x128xf32, #tpu.memory_space<vmem>>[vector<16xi32>, vector<16xi32>], vector<16xf32>,
        %broadcast_in_dim3A_818 = arith.constant 37 : i32
        %broadcast_in_dim3A_819 = vector.broadcast %broadcast_in_dim3A_818 : i32 to vector<16xi32>
        %mul3A_820 = arith.mulf %gather3A_817, %exp3A : vector<16xf32>
        tpu.vector_store_idx %arg16[%add3A_109, %broadcast_in_dim3A_819], %mul3A_820 : memref<128x128xf32, #tpu.memory_space<vmem>>[vector<16xi32>, vector<16xi32>], vector<16xf32>,
        %broadcast_in_dim3A_821 = arith.constant 102 : i32
        %broadcast_in_dim3A_822 = vector.broadcast %broadcast_in_dim3A_821 : i32 to vector<16xi32>
        %gather3A_823 = tpu.vector_load_idx %arg14[%add3A_109, %broadcast_in_dim3A_822] : memref<128x128xf32, #tpu.memory_space<vmem>>[vector<16xi32>, vector<16xi32>], vector<16xf32>,
        %broadcast_in_dim3A_824 = arith.constant 38 : i32
        %broadcast_in_dim3A_825 = vector.broadcast %broadcast_in_dim3A_824 : i32 to vector<16xi32>
        %mul3A_826 = arith.mulf %gather3A_823, %exp3A : vector<16xf32>
        tpu.vector_store_idx %arg16[%add3A_109, %broadcast_in_dim3A_825], %mul3A_826 : memref<128x128xf32, #tpu.memory_space<vmem>>[vector<16xi32>, vector<16xi32>], vector<16xf32>,
        %broadcast_in_dim3A_827 = arith.constant 103 : i32
        %broadcast_in_dim3A_828 = vector.broadcast %broadcast_in_dim3A_827 : i32 to vector<16xi32>
        %gather3A_829 = tpu.vector_load_idx %arg14[%add3A_109, %broadcast_in_dim3A_828] : memref<128x128xf32, #tpu.memory_space<vmem>>[vector<16xi32>, vector<16xi32>], vector<16xf32>,
        %broadcast_in_dim3A_830 = arith.constant 39 : i32
        %broadcast_in_dim3A_831 = vector.broadcast %broadcast_in_dim3A_830 : i32 to vector<16xi32>
        %mul3A_832 = arith.mulf %gather3A_829, %exp3A : vector<16xf32>
        tpu.vector_store_idx %arg16[%add3A_109, %broadcast_in_dim3A_831], %mul3A_832 : memref<128x128xf32, #tpu.memory_space<vmem>>[vector<16xi32>, vector<16xi32>], vector<16xf32>,
        %broadcast_in_dim3A_833 = arith.constant 104 : i32
        %broadcast_in_dim3A_834 = vector.broadcast %broadcast_in_dim3A_833 : i32 to vector<16xi32>
        %gather3A_835 = tpu.vector_load_idx %arg14[%add3A_109, %broadcast_in_dim3A_834] : memref<128x128xf32, #tpu.memory_space<vmem>>[vector<16xi32>, vector<16xi32>], vector<16xf32>,
        %broadcast_in_dim3A_836 = arith.constant 40 : i32
        %broadcast_in_dim3A_837 = vector.broadcast %broadcast_in_dim3A_836 : i32 to vector<16xi32>
        %mul3A_838 = arith.mulf %gather3A_835, %exp3A : vector<16xf32>
        tpu.vector_store_idx %arg16[%add3A_109, %broadcast_in_dim3A_837], %mul3A_838 : memref<128x128xf32, #tpu.memory_space<vmem>>[vector<16xi32>, vector<16xi32>], vector<16xf32>,
        %broadcast_in_dim3A_839 = arith.constant 105 : i32
        %broadcast_in_dim3A_840 = vector.broadcast %broadcast_in_dim3A_839 : i32 to vector<16xi32>
        %gather3A_841 = tpu.vector_load_idx %arg14[%add3A_109, %broadcast_in_dim3A_840] : memref<128x128xf32, #tpu.memory_space<vmem>>[vector<16xi32>, vector<16xi32>], vector<16xf32>,
        %broadcast_in_dim3A_842 = arith.constant 41 : i32
        %broadcast_in_dim3A_843 = vector.broadcast %broadcast_in_dim3A_842 : i32 to vector<16xi32>
        %mul3A_844 = arith.mulf %gather3A_841, %exp3A : vector<16xf32>
        tpu.vector_store_idx %arg16[%add3A_109, %broadcast_in_dim3A_843], %mul3A_844 : memref<128x128xf32, #tpu.memory_space<vmem>>[vector<16xi32>, vector<16xi32>], vector<16xf32>,
        %broadcast_in_dim3A_845 = arith.constant 106 : i32
        %broadcast_in_dim3A_846 = vector.broadcast %broadcast_in_dim3A_845 : i32 to vector<16xi32>
        %gather3A_847 = tpu.vector_load_idx %arg14[%add3A_109, %broadcast_in_dim3A_846] : memref<128x128xf32, #tpu.memory_space<vmem>>[vector<16xi32>, vector<16xi32>], vector<16xf32>,
        %broadcast_in_dim3A_848 = arith.constant 42 : i32
        %broadcast_in_dim3A_849 = vector.broadcast %broadcast_in_dim3A_848 : i32 to vector<16xi32>
        %mul3A_850 = arith.mulf %gather3A_847, %exp3A : vector<16xf32>
        tpu.vector_store_idx %arg16[%add3A_109, %broadcast_in_dim3A_849], %mul3A_850 : memref<128x128xf32, #tpu.memory_space<vmem>>[vector<16xi32>, vector<16xi32>], vector<16xf32>,
        %broadcast_in_dim3A_851 = arith.constant 107 : i32
        %broadcast_in_dim3A_852 = vector.broadcast %broadcast_in_dim3A_851 : i32 to vector<16xi32>
        %gather3A_853 = tpu.vector_load_idx %arg14[%add3A_109, %broadcast_in_dim3A_852] : memref<128x128xf32, #tpu.memory_space<vmem>>[vector<16xi32>, vector<16xi32>], vector<16xf32>,
        %broadcast_in_dim3A_854 = arith.constant 43 : i32
        %broadcast_in_dim3A_855 = vector.broadcast %broadcast_in_dim3A_854 : i32 to vector<16xi32>
        %mul3A_856 = arith.mulf %gather3A_853, %exp3A : vector<16xf32>
        tpu.vector_store_idx %arg16[%add3A_109, %broadcast_in_dim3A_855], %mul3A_856 : memref<128x128xf32, #tpu.memory_space<vmem>>[vector<16xi32>, vector<16xi32>], vector<16xf32>,
        %broadcast_in_dim3A_857 = arith.constant 108 : i32
        %broadcast_in_dim3A_858 = vector.broadcast %broadcast_in_dim3A_857 : i32 to vector<16xi32>
        %gather3A_859 = tpu.vector_load_idx %arg14[%add3A_109, %broadcast_in_dim3A_858] : memref<128x128xf32, #tpu.memory_space<vmem>>[vector<16xi32>, vector<16xi32>], vector<16xf32>,
        %broadcast_in_dim3A_860 = arith.constant 44 : i32
        %broadcast_in_dim3A_861 = vector.broadcast %broadcast_in_dim3A_860 : i32 to vector<16xi32>
        %mul3A_862 = arith.mulf %gather3A_859, %exp3A : vector<16xf32>
        tpu.vector_store_idx %arg16[%add3A_109, %broadcast_in_dim3A_861], %mul3A_862 : memref<128x128xf32, #tpu.memory_space<vmem>>[vector<16xi32>, vector<16xi32>], vector<16xf32>,
        %broadcast_in_dim3A_863 = arith.constant 109 : i32
        %broadcast_in_dim3A_864 = vector.broadcast %broadcast_in_dim3A_863 : i32 to vector<16xi32>
        %gather3A_865 = tpu.vector_load_idx %arg14[%add3A_109, %broadcast_in_dim3A_864] : memref<128x128xf32, #tpu.memory_space<vmem>>[vector<16xi32>, vector<16xi32>], vector<16xf32>,
        %broadcast_in_dim3A_866 = arith.constant 45 : i32
        %broadcast_in_dim3A_867 = vector.broadcast %broadcast_in_dim3A_866 : i32 to vector<16xi32>
        %mul3A_868 = arith.mulf %gather3A_865, %exp3A : vector<16xf32>
        tpu.vector_store_idx %arg16[%add3A_109, %broadcast_in_dim3A_867], %mul3A_868 : memref<128x128xf32, #tpu.memory_space<vmem>>[vector<16xi32>, vector<16xi32>], vector<16xf32>,
        %broadcast_in_dim3A_869 = arith.constant 110 : i32
        %broadcast_in_dim3A_870 = vector.broadcast %broadcast_in_dim3A_869 : i32 to vector<16xi32>
        %gather3A_871 = tpu.vector_load_idx %arg14[%add3A_109, %broadcast_in_dim3A_870] : memref<128x128xf32, #tpu.memory_space<vmem>>[vector<16xi32>, vector<16xi32>], vector<16xf32>,
        %broadcast_in_dim3A_872 = arith.constant 46 : i32
        %broadcast_in_dim3A_873 = vector.broadcast %broadcast_in_dim3A_872 : i32 to vector<16xi32>
        %mul3A_874 = arith.mulf %gather3A_871, %exp3A : vector<16xf32>
        tpu.vector_store_idx %arg16[%add3A_109, %broadcast_in_dim3A_873], %mul3A_874 : memref<128x128xf32, #tpu.memory_space<vmem>>[vector<16xi32>, vector<16xi32>], vector<16xf32>,
        %broadcast_in_dim3A_875 = arith.constant 111 : i32
        %broadcast_in_dim3A_876 = vector.broadcast %broadcast_in_dim3A_875 : i32 to vector<16xi32>
        %gather3A_877 = tpu.vector_load_idx %arg14[%add3A_109, %broadcast_in_dim3A_876] : memref<128x128xf32, #tpu.memory_space<vmem>>[vector<16xi32>, vector<16xi32>], vector<16xf32>,
        %broadcast_in_dim3A_878 = arith.constant 47 : i32
        %broadcast_in_dim3A_879 = vector.broadcast %broadcast_in_dim3A_878 : i32 to vector<16xi32>
        %mul3A_880 = arith.mulf %gather3A_877, %exp3A : vector<16xf32>
        tpu.vector_store_idx %arg16[%add3A_109, %broadcast_in_dim3A_879], %mul3A_880 : memref<128x128xf32, #tpu.memory_space<vmem>>[vector<16xi32>, vector<16xi32>], vector<16xf32>,
        %broadcast_in_dim3A_881 = arith.constant 112 : i32
        %broadcast_in_dim3A_882 = vector.broadcast %broadcast_in_dim3A_881 : i32 to vector<16xi32>
        %gather3A_883 = tpu.vector_load_idx %arg14[%add3A_109, %broadcast_in_dim3A_882] : memref<128x128xf32, #tpu.memory_space<vmem>>[vector<16xi32>, vector<16xi32>], vector<16xf32>,
        %broadcast_in_dim3A_884 = arith.constant 48 : i32
        %broadcast_in_dim3A_885 = vector.broadcast %broadcast_in_dim3A_884 : i32 to vector<16xi32>
        %mul3A_886 = arith.mulf %gather3A_883, %exp3A : vector<16xf32>
        tpu.vector_store_idx %arg16[%add3A_109, %broadcast_in_dim3A_885], %mul3A_886 : memref<128x128xf32, #tpu.memory_space<vmem>>[vector<16xi32>, vector<16xi32>], vector<16xf32>,
        %broadcast_in_dim3A_887 = arith.constant 113 : i32
        %broadcast_in_dim3A_888 = vector.broadcast %broadcast_in_dim3A_887 : i32 to vector<16xi32>
        %gather3A_889 = tpu.vector_load_idx %arg14[%add3A_109, %broadcast_in_dim3A_888] : memref<128x128xf32, #tpu.memory_space<vmem>>[vector<16xi32>, vector<16xi32>], vector<16xf32>,
        %broadcast_in_dim3A_890 = arith.constant 49 : i32
        %broadcast_in_dim3A_891 = vector.broadcast %broadcast_in_dim3A_890 : i32 to vector<16xi32>
        %mul3A_892 = arith.mulf %gather3A_889, %exp3A : vector<16xf32>
        tpu.vector_store_idx %arg16[%add3A_109, %broadcast_in_dim3A_891], %mul3A_892 : memref<128x128xf32, #tpu.memory_space<vmem>>[vector<16xi32>, vector<16xi32>], vector<16xf32>,
        %broadcast_in_dim3A_893 = arith.constant 114 : i32
        %broadcast_in_dim3A_894 = vector.broadcast %broadcast_in_dim3A_893 : i32 to vector<16xi32>
        %gather3A_895 = tpu.vector_load_idx %arg14[%add3A_109, %broadcast_in_dim3A_894] : memref<128x128xf32, #tpu.memory_space<vmem>>[vector<16xi32>, vector<16xi32>], vector<16xf32>,
        %broadcast_in_dim3A_896 = arith.constant 50 : i32
        %broadcast_in_dim3A_897 = vector.broadcast %broadcast_in_dim3A_896 : i32 to vector<16xi32>
        %mul3A_898 = arith.mulf %gather3A_895, %exp3A : vector<16xf32>
        tpu.vector_store_idx %arg16[%add3A_109, %broadcast_in_dim3A_897], %mul3A_898 : memref<128x128xf32, #tpu.memory_space<vmem>>[vector<16xi32>, vector<16xi32>], vector<16xf32>,
        %broadcast_in_dim3A_899 = arith.constant 115 : i32
        %broadcast_in_dim3A_900 = vector.broadcast %broadcast_in_dim3A_899 : i32 to vector<16xi32>
        %gather3A_901 = tpu.vector_load_idx %arg14[%add3A_109, %broadcast_in_dim3A_900] : memref<128x128xf32, #tpu.memory_space<vmem>>[vector<16xi32>, vector<16xi32>], vector<16xf32>,
        %broadcast_in_dim3A_902 = arith.constant 51 : i32
        %broadcast_in_dim3A_903 = vector.broadcast %broadcast_in_dim3A_902 : i32 to vector<16xi32>
        %mul3A_904 = arith.mulf %gather3A_901, %exp3A : vector<16xf32>
        tpu.vector_store_idx %arg16[%add3A_109, %broadcast_in_dim3A_903], %mul3A_904 : memref<128x128xf32, #tpu.memory_space<vmem>>[vector<16xi32>, vector<16xi32>], vector<16xf32>,
        %broadcast_in_dim3A_905 = arith.constant 116 : i32
        %broadcast_in_dim3A_906 = vector.broadcast %broadcast_in_dim3A_905 : i32 to vector<16xi32>
        %gather3A_907 = tpu.vector_load_idx %arg14[%add3A_109, %broadcast_in_dim3A_906] : memref<128x128xf32, #tpu.memory_space<vmem>>[vector<16xi32>, vector<16xi32>], vector<16xf32>,
        %broadcast_in_dim3A_908 = arith.constant 52 : i32
        %broadcast_in_dim3A_909 = vector.broadcast %broadcast_in_dim3A_908 : i32 to vector<16xi32>
        %mul3A_910 = arith.mulf %gather3A_907, %exp3A : vector<16xf32>
        tpu.vector_store_idx %arg16[%add3A_109, %broadcast_in_dim3A_909], %mul3A_910 : memref<128x128xf32, #tpu.memory_space<vmem>>[vector<16xi32>, vector<16xi32>], vector<16xf32>,
        %broadcast_in_dim3A_911 = arith.constant 117 : i32
        %broadcast_in_dim3A_912 = vector.broadcast %broadcast_in_dim3A_911 : i32 to vector<16xi32>
        %gather3A_913 = tpu.vector_load_idx %arg14[%add3A_109, %broadcast_in_dim3A_912] : memref<128x128xf32, #tpu.memory_space<vmem>>[vector<16xi32>, vector<16xi32>], vector<16xf32>,
        %broadcast_in_dim3A_914 = arith.constant 53 : i32
        %broadcast_in_dim3A_915 = vector.broadcast %broadcast_in_dim3A_914 : i32 to vector<16xi32>
        %mul3A_916 = arith.mulf %gather3A_913, %exp3A : vector<16xf32>
        tpu.vector_store_idx %arg16[%add3A_109, %broadcast_in_dim3A_915], %mul3A_916 : memref<128x128xf32, #tpu.memory_space<vmem>>[vector<16xi32>, vector<16xi32>], vector<16xf32>,
        %broadcast_in_dim3A_917 = arith.constant 118 : i32
        %broadcast_in_dim3A_918 = vector.broadcast %broadcast_in_dim3A_917 : i32 to vector<16xi32>
        %gather3A_919 = tpu.vector_load_idx %arg14[%add3A_109, %broadcast_in_dim3A_918] : memref<128x128xf32, #tpu.memory_space<vmem>>[vector<16xi32>, vector<16xi32>], vector<16xf32>,
        %broadcast_in_dim3A_920 = arith.constant 54 : i32
        %broadcast_in_dim3A_921 = vector.broadcast %broadcast_in_dim3A_920 : i32 to vector<16xi32>
        %mul3A_922 = arith.mulf %gather3A_919, %exp3A : vector<16xf32>
        tpu.vector_store_idx %arg16[%add3A_109, %broadcast_in_dim3A_921], %mul3A_922 : memref<128x128xf32, #tpu.memory_space<vmem>>[vector<16xi32>, vector<16xi32>], vector<16xf32>,
        %broadcast_in_dim3A_923 = arith.constant 119 : i32
        %broadcast_in_dim3A_924 = vector.broadcast %broadcast_in_dim3A_923 : i32 to vector<16xi32>
        %gather3A_925 = tpu.vector_load_idx %arg14[%add3A_109, %broadcast_in_dim3A_924] : memref<128x128xf32, #tpu.memory_space<vmem>>[vector<16xi32>, vector<16xi32>], vector<16xf32>,
        %broadcast_in_dim3A_926 = arith.constant 55 : i32
        %broadcast_in_dim3A_927 = vector.broadcast %broadcast_in_dim3A_926 : i32 to vector<16xi32>
        %mul3A_928 = arith.mulf %gather3A_925, %exp3A : vector<16xf32>
        tpu.vector_store_idx %arg16[%add3A_109, %broadcast_in_dim3A_927], %mul3A_928 : memref<128x128xf32, #tpu.memory_space<vmem>>[vector<16xi32>, vector<16xi32>], vector<16xf32>,
        %broadcast_in_dim3A_929 = arith.constant 120 : i32
        %broadcast_in_dim3A_930 = vector.broadcast %broadcast_in_dim3A_929 : i32 to vector<16xi32>
        %gather3A_931 = tpu.vector_load_idx %arg14[%add3A_109, %broadcast_in_dim3A_930] : memref<128x128xf32, #tpu.memory_space<vmem>>[vector<16xi32>, vector<16xi32>], vector<16xf32>,
        %broadcast_in_dim3A_932 = arith.constant 56 : i32
        %broadcast_in_dim3A_933 = vector.broadcast %broadcast_in_dim3A_932 : i32 to vector<16xi32>
        %mul3A_934 = arith.mulf %gather3A_931, %exp3A : vector<16xf32>
        tpu.vector_store_idx %arg16[%add3A_109, %broadcast_in_dim3A_933], %mul3A_934 : memref<128x128xf32, #tpu.memory_space<vmem>>[vector<16xi32>, vector<16xi32>], vector<16xf32>,
        %broadcast_in_dim3A_935 = arith.constant 121 : i32
        %broadcast_in_dim3A_936 = vector.broadcast %broadcast_in_dim3A_935 : i32 to vector<16xi32>
        %gather3A_937 = tpu.vector_load_idx %arg14[%add3A_109, %broadcast_in_dim3A_936] : memref<128x128xf32, #tpu.memory_space<vmem>>[vector<16xi32>, vector<16xi32>], vector<16xf32>,
        %broadcast_in_dim3A_938 = arith.constant 57 : i32
        %broadcast_in_dim3A_939 = vector.broadcast %broadcast_in_dim3A_938 : i32 to vector<16xi32>
        %mul3A_940 = arith.mulf %gather3A_937, %exp3A : vector<16xf32>
        tpu.vector_store_idx %arg16[%add3A_109, %broadcast_in_dim3A_939], %mul3A_940 : memref<128x128xf32, #tpu.memory_space<vmem>>[vector<16xi32>, vector<16xi32>], vector<16xf32>,
        %broadcast_in_dim3A_941 = arith.constant 122 : i32
        %broadcast_in_dim3A_942 = vector.broadcast %broadcast_in_dim3A_941 : i32 to vector<16xi32>
        %gather3A_943 = tpu.vector_load_idx %arg14[%add3A_109, %broadcast_in_dim3A_942] : memref<128x128xf32, #tpu.memory_space<vmem>>[vector<16xi32>, vector<16xi32>], vector<16xf32>,
        %broadcast_in_dim3A_944 = arith.constant 58 : i32
        %broadcast_in_dim3A_945 = vector.broadcast %broadcast_in_dim3A_944 : i32 to vector<16xi32>
        %mul3A_946 = arith.mulf %gather3A_943, %exp3A : vector<16xf32>
        tpu.vector_store_idx %arg16[%add3A_109, %broadcast_in_dim3A_945], %mul3A_946 : memref<128x128xf32, #tpu.memory_space<vmem>>[vector<16xi32>, vector<16xi32>], vector<16xf32>,
        %broadcast_in_dim3A_947 = arith.constant 123 : i32
        %broadcast_in_dim3A_948 = vector.broadcast %broadcast_in_dim3A_947 : i32 to vector<16xi32>
        %gather3A_949 = tpu.vector_load_idx %arg14[%add3A_109, %broadcast_in_dim3A_948] : memref<128x128xf32, #tpu.memory_space<vmem>>[vector<16xi32>, vector<16xi32>], vector<16xf32>,
        %broadcast_in_dim3A_950 = arith.constant 59 : i32
        %broadcast_in_dim3A_951 = vector.broadcast %broadcast_in_dim3A_950 : i32 to vector<16xi32>
        %mul3A_952 = arith.mulf %gather3A_949, %exp3A : vector<16xf32>
        tpu.vector_store_idx %arg16[%add3A_109, %broadcast_in_dim3A_951], %mul3A_952 : memref<128x128xf32, #tpu.memory_space<vmem>>[vector<16xi32>, vector<16xi32>], vector<16xf32>,
        %broadcast_in_dim3A_953 = arith.constant 124 : i32
        %broadcast_in_dim3A_954 = vector.broadcast %broadcast_in_dim3A_953 : i32 to vector<16xi32>
        %gather3A_955 = tpu.vector_load_idx %arg14[%add3A_109, %broadcast_in_dim3A_954] : memref<128x128xf32, #tpu.memory_space<vmem>>[vector<16xi32>, vector<16xi32>], vector<16xf32>,
        %broadcast_in_dim3A_956 = arith.constant 60 : i32
        %broadcast_in_dim3A_957 = vector.broadcast %broadcast_in_dim3A_956 : i32 to vector<16xi32>
        %mul3A_958 = arith.mulf %gather3A_955, %exp3A : vector<16xf32>
        tpu.vector_store_idx %arg16[%add3A_109, %broadcast_in_dim3A_957], %mul3A_958 : memref<128x128xf32, #tpu.memory_space<vmem>>[vector<16xi32>, vector<16xi32>], vector<16xf32>,
        %broadcast_in_dim3A_959 = arith.constant 125 : i32
        %broadcast_in_dim3A_960 = vector.broadcast %broadcast_in_dim3A_959 : i32 to vector<16xi32>
        %gather3A_961 = tpu.vector_load_idx %arg14[%add3A_109, %broadcast_in_dim3A_960] : memref<128x128xf32, #tpu.memory_space<vmem>>[vector<16xi32>, vector<16xi32>], vector<16xf32>,
        %broadcast_in_dim3A_962 = arith.constant 61 : i32
        %broadcast_in_dim3A_963 = vector.broadcast %broadcast_in_dim3A_962 : i32 to vector<16xi32>
        %mul3A_964 = arith.mulf %gather3A_961, %exp3A : vector<16xf32>
        tpu.vector_store_idx %arg16[%add3A_109, %broadcast_in_dim3A_963], %mul3A_964 : memref<128x128xf32, #tpu.memory_space<vmem>>[vector<16xi32>, vector<16xi32>], vector<16xf32>,
        %broadcast_in_dim3A_965 = arith.constant 126 : i32
        %broadcast_in_dim3A_966 = vector.broadcast %broadcast_in_dim3A_965 : i32 to vector<16xi32>
        %gather3A_967 = tpu.vector_load_idx %arg14[%add3A_109, %broadcast_in_dim3A_966] : memref<128x128xf32, #tpu.memory_space<vmem>>[vector<16xi32>, vector<16xi32>], vector<16xf32>,
        %broadcast_in_dim3A_968 = arith.constant 62 : i32
        %broadcast_in_dim3A_969 = vector.broadcast %broadcast_in_dim3A_968 : i32 to vector<16xi32>
        %mul3A_970 = arith.mulf %gather3A_967, %exp3A : vector<16xf32>
        tpu.vector_store_idx %arg16[%add3A_109, %broadcast_in_dim3A_969], %mul3A_970 : memref<128x128xf32, #tpu.memory_space<vmem>>[vector<16xi32>, vector<16xi32>], vector<16xf32>,
        %broadcast_in_dim3A_971 = arith.constant 127 : i32
        %broadcast_in_dim3A_972 = vector.broadcast %broadcast_in_dim3A_971 : i32 to vector<16xi32>
        %gather3A_973 = tpu.vector_load_idx %arg14[%add3A_109, %broadcast_in_dim3A_972] : memref<128x128xf32, #tpu.memory_space<vmem>>[vector<16xi32>, vector<16xi32>], vector<16xf32>,
        %broadcast_in_dim3A_974 = arith.constant 63 : i32
        %broadcast_in_dim3A_975 = vector.broadcast %broadcast_in_dim3A_974 : i32 to vector<16xi32>
        %mul3A_976 = arith.mulf %gather3A_973, %exp3A : vector<16xf32>
        tpu.vector_store_idx %arg16[%add3A_109, %broadcast_in_dim3A_975], %mul3A_976 : memref<128x128xf32, #tpu.memory_space<vmem>>[vector<16xi32>, vector<16xi32>], vector<16xf32>,
      }
      %scan3A_95 = arith.constant 8 : i32
      "tpu.region"() ({
        %run_scoped3A = tpu.sem_alloc : memref<!tpu.dma_semaphore, #tpu.memory_space<semaphore_mem>>
        %dma_start3A_105 = arith.constant 0 : i32
        %dma_start3A_106 = arith.constant 0 : i32
        %dma_start3A_107 = tpu.memref_slice %arg21[%dma_start3A_105, %dma_start3A_106] : memref<5120x128xf32, #tpu.memory_space<vmem_shared>> -> memref<5120x128xf32, #tpu.memory_space<vmem_shared>>
        tpu.enqueue_indirect_dma source(%arg16 : memref<128x128xf32, #tpu.memory_space<vmem>>) target(%dma_start3A_107 : memref<5120x128xf32, #tpu.memory_space<vmem_shared>>) offsets(%arg11 : memref<128xi32, #tpu.memory_space<vmem>>) semaphore(%run_scoped3A : memref<!tpu.dma_semaphore, #tpu.memory_space<semaphore_mem>>) {add = true}
        %dma_wait3A_108 = arith.constant 0 : i32
        %dma_wait3A_109 = arith.constant 0 : i32
        %dma_wait3A_110 = tpu.memref_slice %arg21[%dma_wait3A_108, %dma_wait3A_109] : memref<5120x128xf32, #tpu.memory_space<vmem_shared>> -> memref<5120x128xf32, #tpu.memory_space<vmem_shared>>
        tpu.wait_indirect_dma semaphore(%run_scoped3A : memref<!tpu.dma_semaphore, #tpu.memory_space<semaphore_mem>>) src(%arg16 : memref<128x128xf32, #tpu.memory_space<vmem>>) dst(%dma_wait3A_110 : memref<5120x128xf32, #tpu.memory_space<vmem_shared>>)
        tpu.yield
      }) : () -> ()
      %add3A_96 = arith.constant 2 : i32
      %add3A_97 = arith.addi %add3A_77, %add3A_96 : i32
      %lt3A_98 = arith.constant 40 : i32
      %lt3A_99 = arith.cmpi slt, %add3A_97, %lt3A_98 : i32
      %jit3A_100 = arith.constant 0 : i32
      %select_n3A_101 = arith.select %lt3A_99, %add3A_97, %jit3A_100 : i32
      %mul3A_102 = arith.constant 128 : i32
      %mul3A_103 = arith.muli %select_n3A_101, %mul3A_102 : i32
      %add3A_104 = arith.addi %mul3A_16, %mul3A_103 : i32
      "tpu.region"() ({
        %run_scoped3A = tpu.sem_alloc : memref<!tpu.dma_semaphore, #tpu.memory_space<semaphore_mem>>
        %dma_start3A_105 = tpu.memref_slice %arg2[%add3A_104] : memref<163840xi32, #tpu.memory_space<hbm>> -> memref<128xi32, #tpu.memory_space<hbm>>
        %dma_start3A_106 = tpu.memref_slice %arg2[%add3A_104] : memref<163840xi32, #tpu.memory_space<hbm>> -> memref<128xi32, #tpu.memory_space<hbm>>
        tpu.enqueue_dma source(%dma_start3A_106 : memref<128xi32, #tpu.memory_space<hbm>>) target(%arg10 : memref<128xi32, #tpu.memory_space<vmem>>) target_semaphore(%run_scoped3A : memref<!tpu.dma_semaphore, #tpu.memory_space<semaphore_mem>>)
        %dma_wait3A_107 = tpu.memref_slice %arg2[%add3A_104] : memref<163840xi32, #tpu.memory_space<hbm>> -> memref<128xi32, #tpu.memory_space<hbm>>
        %dma_wait3A_108 = tpu.memref_slice %arg2[%add3A_104] : memref<163840xi32, #tpu.memory_space<hbm>> -> memref<128xi32, #tpu.memory_space<hbm>>
        tpu.wait_dma2 semaphore(%run_scoped3A : memref<!tpu.dma_semaphore, #tpu.memory_space<semaphore_mem>>) src(%dma_wait3A_108 : memref<128xi32, #tpu.memory_space<hbm>>) dst(%arg10 : memref<128xi32, #tpu.memory_space<vmem>>)
        tpu.yield
      }) : () -> ()
      "tpu.region"() ({
        %run_scoped3A = tpu.sem_alloc : memref<!tpu.dma_semaphore, #tpu.memory_space<semaphore_mem>>
        %dma_start3A_105 = tpu.memref_slice %arg3[%add3A_104] : memref<163840xi32, #tpu.memory_space<hbm>> -> memref<128xi32, #tpu.memory_space<hbm>>
        %dma_start3A_106 = tpu.memref_slice %arg3[%add3A_104] : memref<163840xi32, #tpu.memory_space<hbm>> -> memref<128xi32, #tpu.memory_space<hbm>>
        tpu.enqueue_dma source(%dma_start3A_106 : memref<128xi32, #tpu.memory_space<hbm>>) target(%arg11 : memref<128xi32, #tpu.memory_space<vmem>>) target_semaphore(%run_scoped3A : memref<!tpu.dma_semaphore, #tpu.memory_space<semaphore_mem>>)
        %dma_wait3A_107 = tpu.memref_slice %arg3[%add3A_104] : memref<163840xi32, #tpu.memory_space<hbm>> -> memref<128xi32, #tpu.memory_space<hbm>>
        %dma_wait3A_108 = tpu.memref_slice %arg3[%add3A_104] : memref<163840xi32, #tpu.memory_space<hbm>> -> memref<128xi32, #tpu.memory_space<hbm>>
        tpu.wait_dma2 semaphore(%run_scoped3A : memref<!tpu.dma_semaphore, #tpu.memory_space<semaphore_mem>>) src(%dma_wait3A_108 : memref<128xi32, #tpu.memory_space<hbm>>) dst(%arg11 : memref<128xi32, #tpu.memory_space<vmem>>)
        tpu.yield
      }) : () -> ()
    }
    %scan3A_30 = arith.constant 20 : i32
    %dma_wait3A = arith.constant 0 : i32
    %dma_wait3A_31 = arith.constant 0 : i32
    %dma_wait3A_32 = tpu.memref_slice %arg4[%dma_wait3A, %dma_wait3A_31] : memref<10000x128xf32, #tpu.memory_space<hbm>> -> memref<10000x128xf32, #tpu.memory_space<hbm>>
    tpu.wait_indirect_dma semaphore(%arg19 : memref<!tpu.dma_semaphore, #tpu.memory_space<semaphore_mem>>) src(%dma_wait3A_32 : memref<10000x128xf32, #tpu.memory_space<hbm>>) dst(%arg12 : memref<128x128xf32, #tpu.memory_space<vmem>>)
    %dma_wait3A_33 = arith.constant 0 : i32
    %dma_wait3A_34 = arith.constant 0 : i32
    %dma_wait3A_35 = tpu.memref_slice %arg5[%dma_wait3A_33, %dma_wait3A_34] : memref<5120x128xf32, #tpu.memory_space<hbm>> -> memref<5120x128xf32, #tpu.memory_space<hbm>>
    tpu.wait_indirect_dma semaphore(%arg19 : memref<!tpu.dma_semaphore, #tpu.memory_space<semaphore_mem>>) src(%dma_wait3A_35 : memref<5120x128xf32, #tpu.memory_space<hbm>>) dst(%arg13 : memref<128x128xf32, #tpu.memory_space<vmem>>)
    %barrier3A_36 = arith.constant 0 : index
    tpu.barrier barrier_id(%barrier3A_36)
    %add3A_37 = arith.constant 0 : i32
    %add3A_38 = arith.addi %mul3A_2, %add3A_37 : i32
    "tpu.region"() ({
      %run_scoped3A = tpu.sem_alloc : memref<!tpu.dma_semaphore, #tpu.memory_space<semaphore_mem>>
      %dma_start3A_49 = arith.constant 0 : i32
      %dma_start3A_50 = arith.constant 0 : i32
      %dma_start3A_51 = tpu.memref_slice %arg16[%dma_start3A_49, %dma_start3A_50] : memref<128x128xf32, #tpu.memory_space<vmem>> -> memref<128x128xf32, #tpu.memory_space<vmem>>
      %dma_start3A_52 = arith.constant 0 : i32
      %dma_start3A_53 = tpu.memref_slice %arg21[%add3A_38, %dma_start3A_52] : memref<5120x128xf32, #tpu.memory_space<vmem_shared>> -> memref<128x128xf32, #tpu.memory_space<vmem_shared>>
      %dma_start3A_54 = arith.constant 0 : i32
      %dma_start3A_55 = arith.constant 0 : i32
      %dma_start3A_56 = tpu.memref_slice %arg16[%dma_start3A_54, %dma_start3A_55] : memref<128x128xf32, #tpu.memory_space<vmem>> -> memref<128x128xf32, #tpu.memory_space<vmem>>
      %dma_start3A_57 = arith.constant 0 : i32
      %dma_start3A_58 = tpu.memref_slice %arg21[%add3A_38, %dma_start3A_57] : memref<5120x128xf32, #tpu.memory_space<vmem_shared>> -> memref<128x128xf32, #tpu.memory_space<vmem_shared>>
      tpu.enqueue_dma source(%dma_start3A_58 : memref<128x128xf32, #tpu.memory_space<vmem_shared>>) target(%dma_start3A_56 : memref<128x128xf32, #tpu.memory_space<vmem>>) target_semaphore(%run_scoped3A : memref<!tpu.dma_semaphore, #tpu.memory_space<semaphore_mem>>)
      %dma_wait3A_59 = arith.constant 0 : i32
      %dma_wait3A_60 = arith.constant 0 : i32
      %dma_wait3A_61 = tpu.memref_slice %arg16[%dma_wait3A_59, %dma_wait3A_60] : memref<128x128xf32, #tpu.memory_space<vmem>> -> memref<128x128xf32, #tpu.memory_space<vmem>>
      %dma_wait3A_62 = arith.constant 0 : i32
      %dma_wait3A_63 = tpu.memref_slice %arg21[%add3A_38, %dma_wait3A_62] : memref<5120x128xf32, #tpu.memory_space<vmem_shared>> -> memref<128x128xf32, #tpu.memory_space<vmem_shared>>
      %dma_wait3A_64 = arith.constant 0 : i32
      %dma_wait3A_65 = arith.constant 0 : i32
      %dma_wait3A_66 = tpu.memref_slice %arg16[%dma_wait3A_64, %dma_wait3A_65] : memref<128x128xf32, #tpu.memory_space<vmem>> -> memref<128x128xf32, #tpu.memory_space<vmem>>
      %dma_wait3A_67 = arith.constant 0 : i32
      %dma_wait3A_68 = tpu.memref_slice %arg21[%add3A_38, %dma_wait3A_67] : memref<5120x128xf32, #tpu.memory_space<vmem_shared>> -> memref<128x128xf32, #tpu.memory_space<vmem_shared>>
      tpu.wait_dma2 semaphore(%run_scoped3A : memref<!tpu.dma_semaphore, #tpu.memory_space<semaphore_mem>>) src(%dma_wait3A_68 : memref<128x128xf32, #tpu.memory_space<vmem_shared>>) dst(%dma_wait3A_66 : memref<128x128xf32, #tpu.memory_space<vmem>>)
      tpu.yield
    }) : () -> ()
    %add3A_39 = arith.constant 0 : i32
    %add3A_40 = arith.addi %mul3A_2, %add3A_39 : i32
    "tpu.region"() ({
      %run_scoped3A = tpu.sem_alloc : memref<!tpu.dma_semaphore, #tpu.memory_space<semaphore_mem>>
      %dma_start3A_49 = arith.constant 0 : i32
      %dma_start3A_50 = arith.constant 0 : i32
      %dma_start3A_51 = tpu.memref_slice %arg16[%dma_start3A_49, %dma_start3A_50] : memref<128x128xf32, #tpu.memory_space<vmem>> -> memref<128x128xf32, #tpu.memory_space<vmem>>
      %dma_start3A_52 = arith.constant 0 : i32
      %dma_start3A_53 = tpu.memref_slice %arg7[%arg0, %add3A_40, %dma_start3A_52] : memref<2x5120x128xf32, #tpu.memory_space<hbm>> -> memref<1x128x128xf32, #tpu.memory_space<hbm>>
      %dma_start3A_54 = tpu.memref_squeeze %dma_start3A_53 : memref<1x128x128xf32, #tpu.memory_space<hbm>> -> memref<128x128xf32, #tpu.memory_space<hbm>>
      %dma_start3A_55 = arith.constant 0 : i32
      %dma_start3A_56 = tpu.memref_slice %arg7[%arg0, %add3A_40, %dma_start3A_55] : memref<2x5120x128xf32, #tpu.memory_space<hbm>> -> memref<1x128x128xf32, #tpu.memory_space<hbm>>
      %dma_start3A_57 = tpu.memref_squeeze %dma_start3A_56 : memref<1x128x128xf32, #tpu.memory_space<hbm>> -> memref<128x128xf32, #tpu.memory_space<hbm>>
      %dma_start3A_58 = arith.constant 0 : i32
      %dma_start3A_59 = arith.constant 0 : i32
      %dma_start3A_60 = tpu.memref_slice %arg16[%dma_start3A_58, %dma_start3A_59] : memref<128x128xf32, #tpu.memory_space<vmem>> -> memref<128x128xf32, #tpu.memory_space<vmem>>
      tpu.enqueue_dma source(%dma_start3A_60 : memref<128x128xf32, #tpu.memory_space<vmem>>) target(%dma_start3A_57 : memref<128x128xf32, #tpu.memory_space<hbm>>) target_semaphore(%run_scoped3A : memref<!tpu.dma_semaphore, #tpu.memory_space<semaphore_mem>>)
      %dma_wait3A_61 = arith.constant 0 : i32
      %dma_wait3A_62 = arith.constant 0 : i32
      %dma_wait3A_63 = tpu.memref_slice %arg16[%dma_wait3A_61, %dma_wait3A_62] : memref<128x128xf32, #tpu.memory_space<vmem>> -> memref<128x128xf32, #tpu.memory_space<vmem>>
      %dma_wait3A_64 = arith.constant 0 : i32
      %dma_wait3A_65 = tpu.memref_slice %arg7[%arg0, %add3A_40, %dma_wait3A_64] : memref<2x5120x128xf32, #tpu.memory_space<hbm>> -> memref<1x128x128xf32, #tpu.memory_space<hbm>>
      %dma_wait3A_66 = tpu.memref_squeeze %dma_wait3A_65 : memref<1x128x128xf32, #tpu.memory_space<hbm>> -> memref<128x128xf32, #tpu.memory_space<hbm>>
      %dma_wait3A_67 = arith.constant 0 : i32
      %dma_wait3A_68 = tpu.memref_slice %arg7[%arg0, %add3A_40, %dma_wait3A_67] : memref<2x5120x128xf32, #tpu.memory_space<hbm>> -> memref<1x128x128xf32, #tpu.memory_space<hbm>>
      %dma_wait3A_69 = tpu.memref_squeeze %dma_wait3A_68 : memref<1x128x128xf32, #tpu.memory_space<hbm>> -> memref<128x128xf32, #tpu.memory_space<hbm>>
      %dma_wait3A_70 = arith.constant 0 : i32
      %dma_wait3A_71 = arith.constant 0 : i32
      %dma_wait3A_72 = tpu.memref_slice %arg16[%dma_wait3A_70, %dma_wait3A_71] : memref<128x128xf32, #tpu.memory_space<vmem>> -> memref<128x128xf32, #tpu.memory_space<vmem>>
      tpu.wait_dma2 semaphore(%run_scoped3A : memref<!tpu.dma_semaphore, #tpu.memory_space<semaphore_mem>>) src(%dma_wait3A_72 : memref<128x128xf32, #tpu.memory_space<vmem>>) dst(%dma_wait3A_69 : memref<128x128xf32, #tpu.memory_space<hbm>>)
      tpu.yield
    }) : () -> ()
    %add3A_41 = arith.constant 128 : i32
    %add3A_42 = arith.addi %mul3A_2, %add3A_41 : i32
    "tpu.region"() ({
      %run_scoped3A = tpu.sem_alloc : memref<!tpu.dma_semaphore, #tpu.memory_space<semaphore_mem>>
      %dma_start3A_49 = arith.constant 0 : i32
      %dma_start3A_50 = arith.constant 0 : i32
      %dma_start3A_51 = tpu.memref_slice %arg16[%dma_start3A_49, %dma_start3A_50] : memref<128x128xf32, #tpu.memory_space<vmem>> -> memref<128x128xf32, #tpu.memory_space<vmem>>
      %dma_start3A_52 = arith.constant 0 : i32
      %dma_start3A_53 = tpu.memref_slice %arg21[%add3A_42, %dma_start3A_52] : memref<5120x128xf32, #tpu.memory_space<vmem_shared>> -> memref<128x128xf32, #tpu.memory_space<vmem_shared>>
      %dma_start3A_54 = arith.constant 0 : i32
      %dma_start3A_55 = arith.constant 0 : i32
      %dma_start3A_56 = tpu.memref_slice %arg16[%dma_start3A_54, %dma_start3A_55] : memref<128x128xf32, #tpu.memory_space<vmem>> -> memref<128x128xf32, #tpu.memory_space<vmem>>
      %dma_start3A_57 = arith.constant 0 : i32
      %dma_start3A_58 = tpu.memref_slice %arg21[%add3A_42, %dma_start3A_57] : memref<5120x128xf32, #tpu.memory_space<vmem_shared>> -> memref<128x128xf32, #tpu.memory_space<vmem_shared>>
      tpu.enqueue_dma source(%dma_start3A_58 : memref<128x128xf32, #tpu.memory_space<vmem_shared>>) target(%dma_start3A_56 : memref<128x128xf32, #tpu.memory_space<vmem>>) target_semaphore(%run_scoped3A : memref<!tpu.dma_semaphore, #tpu.memory_space<semaphore_mem>>)
      %dma_wait3A_59 = arith.constant 0 : i32
      %dma_wait3A_60 = arith.constant 0 : i32
      %dma_wait3A_61 = tpu.memref_slice %arg16[%dma_wait3A_59, %dma_wait3A_60] : memref<128x128xf32, #tpu.memory_space<vmem>> -> memref<128x128xf32, #tpu.memory_space<vmem>>
      %dma_wait3A_62 = arith.constant 0 : i32
      %dma_wait3A_63 = tpu.memref_slice %arg21[%add3A_42, %dma_wait3A_62] : memref<5120x128xf32, #tpu.memory_space<vmem_shared>> -> memref<128x128xf32, #tpu.memory_space<vmem_shared>>
      %dma_wait3A_64 = arith.constant 0 : i32
      %dma_wait3A_65 = arith.constant 0 : i32
      %dma_wait3A_66 = tpu.memref_slice %arg16[%dma_wait3A_64, %dma_wait3A_65] : memref<128x128xf32, #tpu.memory_space<vmem>> -> memref<128x128xf32, #tpu.memory_space<vmem>>
      %dma_wait3A_67 = arith.constant 0 : i32
      %dma_wait3A_68 = tpu.memref_slice %arg21[%add3A_42, %dma_wait3A_67] : memref<5120x128xf32, #tpu.memory_space<vmem_shared>> -> memref<128x128xf32, #tpu.memory_space<vmem_shared>>
      tpu.wait_dma2 semaphore(%run_scoped3A : memref<!tpu.dma_semaphore, #tpu.memory_space<semaphore_mem>>) src(%dma_wait3A_68 : memref<128x128xf32, #tpu.memory_space<vmem_shared>>) dst(%dma_wait3A_66 : memref<128x128xf32, #tpu.memory_space<vmem>>)
      tpu.yield
    }) : () -> ()
    %add3A_43 = arith.constant 128 : i32
    %add3A_44 = arith.addi %mul3A_2, %add3A_43 : i32
    "tpu.region"() ({
      %run_scoped3A = tpu.sem_alloc : memref<!tpu.dma_semaphore, #tpu.memory_space<semaphore_mem>>
      %dma_start3A_49 = arith.constant 0 : i32
      %dma_start3A_50 = arith.constant 0 : i32
      %dma_start3A_51 = tpu.memref_slice %arg16[%dma_start3A_49, %dma_start3A_50] : memref<128x128xf32, #tpu.memory_space<vmem>> -> memref<128x128xf32, #tpu.memory_space<vmem>>
      %dma_start3A_52 = arith.constant 0 : i32
      %dma_start3A_53 = tpu.memref_slice %arg7[%arg0, %add3A_44, %dma_start3A_52] : memref<2x5120x128xf32, #tpu.memory_space<hbm>> -> memref<1x128x128xf32, #tpu.memory_space<hbm>>
      %dma_start3A_54 = tpu.memref_squeeze %dma_start3A_53 : memref<1x128x128xf32, #tpu.memory_space<hbm>> -> memref<128x128xf32, #tpu.memory_space<hbm>>
      %dma_start3A_55 = arith.constant 0 : i32
      %dma_start3A_56 = tpu.memref_slice %arg7[%arg0, %add3A_44, %dma_start3A_55] : memref<2x5120x128xf32, #tpu.memory_space<hbm>> -> memref<1x128x128xf32, #tpu.memory_space<hbm>>
      %dma_start3A_57 = tpu.memref_squeeze %dma_start3A_56 : memref<1x128x128xf32, #tpu.memory_space<hbm>> -> memref<128x128xf32, #tpu.memory_space<hbm>>
      %dma_start3A_58 = arith.constant 0 : i32
      %dma_start3A_59 = arith.constant 0 : i32
      %dma_start3A_60 = tpu.memref_slice %arg16[%dma_start3A_58, %dma_start3A_59] : memref<128x128xf32, #tpu.memory_space<vmem>> -> memref<128x128xf32, #tpu.memory_space<vmem>>
      tpu.enqueue_dma source(%dma_start3A_60 : memref<128x128xf32, #tpu.memory_space<vmem>>) target(%dma_start3A_57 : memref<128x128xf32, #tpu.memory_space<hbm>>) target_semaphore(%run_scoped3A : memref<!tpu.dma_semaphore, #tpu.memory_space<semaphore_mem>>)
      %dma_wait3A_61 = arith.constant 0 : i32
      %dma_wait3A_62 = arith.constant 0 : i32
      %dma_wait3A_63 = tpu.memref_slice %arg16[%dma_wait3A_61, %dma_wait3A_62] : memref<128x128xf32, #tpu.memory_space<vmem>> -> memref<128x128xf32, #tpu.memory_space<vmem>>
      %dma_wait3A_64 = arith.constant 0 : i32
      %dma_wait3A_65 = tpu.memref_slice %arg7[%arg0, %add3A_44, %dma_wait3A_64] : memref<2x5120x128xf32, #tpu.memory_space<hbm>> -> memref<1x128x128xf32, #tpu.memory_space<hbm>>
      %dma_wait3A_66 = tpu.memref_squeeze %dma_wait3A_65 : memref<1x128x128xf32, #tpu.memory_space<hbm>> -> memref<128x128xf32, #tpu.memory_space<hbm>>
      %dma_wait3A_67 = arith.constant 0 : i32
      %dma_wait3A_68 = tpu.memref_slice %arg7[%arg0, %add3A_44, %dma_wait3A_67] : memref<2x5120x128xf32, #tpu.memory_space<hbm>> -> memref<1x128x128xf32, #tpu.memory_space<hbm>>
      %dma_wait3A_69 = tpu.memref_squeeze %dma_wait3A_68 : memref<1x128x128xf32, #tpu.memory_space<hbm>> -> memref<128x128xf32, #tpu.memory_space<hbm>>
      %dma_wait3A_70 = arith.constant 0 : i32
      %dma_wait3A_71 = arith.constant 0 : i32
      %dma_wait3A_72 = tpu.memref_slice %arg16[%dma_wait3A_70, %dma_wait3A_71] : memref<128x128xf32, #tpu.memory_space<vmem>> -> memref<128x128xf32, #tpu.memory_space<vmem>>
      tpu.wait_dma2 semaphore(%run_scoped3A : memref<!tpu.dma_semaphore, #tpu.memory_space<semaphore_mem>>) src(%dma_wait3A_72 : memref<128x128xf32, #tpu.memory_space<vmem>>) dst(%dma_wait3A_69 : memref<128x128xf32, #tpu.memory_space<hbm>>)
      tpu.yield
    }) : () -> ()
    %add3A_45 = arith.constant 256 : i32
    %add3A_46 = arith.addi %mul3A_2, %add3A_45 : i32
    "tpu.region"() ({
      %run_scoped3A = tpu.sem_alloc : memref<!tpu.dma_semaphore, #tpu.memory_space<semaphore_mem>>
      %dma_start3A_49 = arith.constant 0 : i32
      %dma_start3A_50 = arith.constant 0 : i32
      %dma_start3A_51 = tpu.memref_slice %arg16[%dma_start3A_49, %dma_start3A_50] : memref<128x128xf32, #tpu.memory_space<vmem>> -> memref<64x128xf32, #tpu.memory_space<vmem>>
      %dma_start3A_52 = arith.constant 0 : i32
      %dma_start3A_53 = tpu.memref_slice %arg21[%add3A_46, %dma_start3A_52] : memref<5120x128xf32, #tpu.memory_space<vmem_shared>> -> memref<64x128xf32, #tpu.memory_space<vmem_shared>>
      %dma_start3A_54 = arith.constant 0 : i32
      %dma_start3A_55 = arith.constant 0 : i32
      %dma_start3A_56 = tpu.memref_slice %arg16[%dma_start3A_54, %dma_start3A_55] : memref<128x128xf32, #tpu.memory_space<vmem>> -> memref<64x128xf32, #tpu.memory_space<vmem>>
      %dma_start3A_57 = arith.constant 0 : i32
      %dma_start3A_58 = tpu.memref_slice %arg21[%add3A_46, %dma_start3A_57] : memref<5120x128xf32, #tpu.memory_space<vmem_shared>> -> memref<64x128xf32, #tpu.memory_space<vmem_shared>>
      tpu.enqueue_dma source(%dma_start3A_58 : memref<64x128xf32, #tpu.memory_space<vmem_shared>>) target(%dma_start3A_56 : memref<64x128xf32, #tpu.memory_space<vmem>>) target_semaphore(%run_scoped3A : memref<!tpu.dma_semaphore, #tpu.memory_space<semaphore_mem>>)
      %dma_wait3A_59 = arith.constant 0 : i32
      %dma_wait3A_60 = arith.constant 0 : i32
      %dma_wait3A_61 = tpu.memref_slice %arg16[%dma_wait3A_59, %dma_wait3A_60] : memref<128x128xf32, #tpu.memory_space<vmem>> -> memref<64x128xf32, #tpu.memory_space<vmem>>
      %dma_wait3A_62 = arith.constant 0 : i32
      %dma_wait3A_63 = tpu.memref_slice %arg21[%add3A_46, %dma_wait3A_62] : memref<5120x128xf32, #tpu.memory_space<vmem_shared>> -> memref<64x128xf32, #tpu.memory_space<vmem_shared>>
      %dma_wait3A_64 = arith.constant 0 : i32
      %dma_wait3A_65 = arith.constant 0 : i32
      %dma_wait3A_66 = tpu.memref_slice %arg16[%dma_wait3A_64, %dma_wait3A_65] : memref<128x128xf32, #tpu.memory_space<vmem>> -> memref<64x128xf32, #tpu.memory_space<vmem>>
      %dma_wait3A_67 = arith.constant 0 : i32
      %dma_wait3A_68 = tpu.memref_slice %arg21[%add3A_46, %dma_wait3A_67] : memref<5120x128xf32, #tpu.memory_space<vmem_shared>> -> memref<64x128xf32, #tpu.memory_space<vmem_shared>>
      tpu.wait_dma2 semaphore(%run_scoped3A : memref<!tpu.dma_semaphore, #tpu.memory_space<semaphore_mem>>) src(%dma_wait3A_68 : memref<64x128xf32, #tpu.memory_space<vmem_shared>>) dst(%dma_wait3A_66 : memref<64x128xf32, #tpu.memory_space<vmem>>)
      tpu.yield
    }) : () -> ()
    %add3A_47 = arith.constant 256 : i32
    %add3A_48 = arith.addi %mul3A_2, %add3A_47 : i32
    "tpu.region"() ({
      %run_scoped3A = tpu.sem_alloc : memref<!tpu.dma_semaphore, #tpu.memory_space<semaphore_mem>>
      %dma_start3A_49 = arith.constant 0 : i32
      %dma_start3A_50 = arith.constant 0 : i32
      %dma_start3A_51 = tpu.memref_slice %arg16[%dma_start3A_49, %dma_start3A_50] : memref<128x128xf32, #tpu.memory_space<vmem>> -> memref<64x128xf32, #tpu.memory_space<vmem>>
      %dma_start3A_52 = arith.constant 0 : i32
      %dma_start3A_53 = tpu.memref_slice %arg7[%arg0, %add3A_48, %dma_start3A_52] : memref<2x5120x128xf32, #tpu.memory_space<hbm>> -> memref<1x64x128xf32, #tpu.memory_space<hbm>>
      %dma_start3A_54 = tpu.memref_squeeze %dma_start3A_53 : memref<1x64x128xf32, #tpu.memory_space<hbm>> -> memref<64x128xf32, #tpu.memory_space<hbm>>
      %dma_start3A_55 = arith.constant 0 : i32
      %dma_start3A_56 = tpu.memref_slice %arg7[%arg0, %add3A_48, %dma_start3A_55] : memref<2x5120x128xf32, #tpu.memory_space<hbm>> -> memref<1x64x128xf32, #tpu.memory_space<hbm>>
      %dma_start3A_57 = tpu.memref_squeeze %dma_start3A_56 : memref<1x64x128xf32, #tpu.memory_space<hbm>> -> memref<64x128xf32, #tpu.memory_space<hbm>>
      %dma_start3A_58 = arith.constant 0 : i32
      %dma_start3A_59 = arith.constant 0 : i32
      %dma_start3A_60 = tpu.memref_slice %arg16[%dma_start3A_58, %dma_start3A_59] : memref<128x128xf32, #tpu.memory_space<vmem>> -> memref<64x128xf32, #tpu.memory_space<vmem>>
      tpu.enqueue_dma source(%dma_start3A_60 : memref<64x128xf32, #tpu.memory_space<vmem>>) target(%dma_start3A_57 : memref<64x128xf32, #tpu.memory_space<hbm>>) target_semaphore(%run_scoped3A : memref<!tpu.dma_semaphore, #tpu.memory_space<semaphore_mem>>)
      %dma_wait3A_61 = arith.constant 0 : i32
      %dma_wait3A_62 = arith.constant 0 : i32
      %dma_wait3A_63 = tpu.memref_slice %arg16[%dma_wait3A_61, %dma_wait3A_62] : memref<128x128xf32, #tpu.memory_space<vmem>> -> memref<64x128xf32, #tpu.memory_space<vmem>>
      %dma_wait3A_64 = arith.constant 0 : i32
      %dma_wait3A_65 = tpu.memref_slice %arg7[%arg0, %add3A_48, %dma_wait3A_64] : memref<2x5120x128xf32, #tpu.memory_space<hbm>> -> memref<1x64x128xf32, #tpu.memory_space<hbm>>
      %dma_wait3A_66 = tpu.memref_squeeze %dma_wait3A_65 : memref<1x64x128xf32, #tpu.memory_space<hbm>> -> memref<64x128xf32, #tpu.memory_space<hbm>>
      %dma_wait3A_67 = arith.constant 0 : i32
      %dma_wait3A_68 = tpu.memref_slice %arg7[%arg0, %add3A_48, %dma_wait3A_67] : memref<2x5120x128xf32, #tpu.memory_space<hbm>> -> memref<1x64x128xf32, #tpu.memory_space<hbm>>
      %dma_wait3A_69 = tpu.memref_squeeze %dma_wait3A_68 : memref<1x64x128xf32, #tpu.memory_space<hbm>> -> memref<64x128xf32, #tpu.memory_space<hbm>>
      %dma_wait3A_70 = arith.constant 0 : i32
      %dma_wait3A_71 = arith.constant 0 : i32
      %dma_wait3A_72 = tpu.memref_slice %arg16[%dma_wait3A_70, %dma_wait3A_71] : memref<128x128xf32, #tpu.memory_space<vmem>> -> memref<64x128xf32, #tpu.memory_space<vmem>>
      tpu.wait_dma2 semaphore(%run_scoped3A : memref<!tpu.dma_semaphore, #tpu.memory_space<semaphore_mem>>) src(%dma_wait3A_72 : memref<64x128xf32, #tpu.memory_space<vmem>>) dst(%dma_wait3A_69 : memref<64x128xf32, #tpu.memory_space<hbm>>)
      tpu.yield
    }) : () -> ()
    return
  }
}

module attributes {stable_mosaic.version = 14 : i64} {
  func.func @_proj_body(%arg0: memref<10000x256xf32, #tpu.memory_space<vmem>>, %arg1: memref<64x256xf32, #tpu.memory_space<vmem>>, %arg2: memref<64x256xf32, #tpu.memory_space<vmem>>, %arg3: memref<10000x128xf32, #tpu.memory_space<vmem>>, %arg4: memref<10000x128xf32, #tpu.memory_space<vmem>>) attributes {dimension_semantics = [], scalar_prefetch = 0 : i64, scratch_operands = 0 : i64, tpu.core_type = #tpu.core_type<tc>} {
    %get3A = arith.constant 0 : index
    %get3A_0 = arith.constant 0 : index
    %get3A_1 = vector.load %arg0[%get3A, %get3A_0] : memref<10000x256xf32, #tpu.memory_space<vmem>>, vector<10000x256xf32>
    %get3A_2 = arith.constant 0 : index
    %get3A_3 = arith.constant 0 : index
    %get3A_4 = vector.load %arg1[%get3A_2, %get3A_3] : memref<64x256xf32, #tpu.memory_space<vmem>>, vector<64x256xf32>
    %dot_general3A = arith.constant dense<0.000000e+00> : vector<10000x64xf32>
    %dot_general3A_5 = tpu.matmul %get3A_1, %get3A_4, %dot_general3A {dimension_numbers = #tpu.dot_dimension_numbers<[1], [1], [0], [0], [0, 0, 1, 0], [], []>, transpose_lhs_hint = false} : vector<10000x256xf32>, vector<64x256xf32>, vector<10000x64xf32> -> vector<10000x64xf32>
    %get3A_6 = arith.constant 0 : index
    %get3A_7 = arith.constant 0 : index
    %get3A_8 = vector.load %arg2[%get3A_6, %get3A_7] : memref<64x256xf32, #tpu.memory_space<vmem>>, vector<64x256xf32>
    %dot_general3A_9 = arith.constant dense<0.000000e+00> : vector<10000x64xf32>
    %dot_general3A_10 = tpu.matmul %get3A_1, %get3A_8, %dot_general3A_9 {dimension_numbers = #tpu.dot_dimension_numbers<[1], [1], [0], [0], [0, 0, 1, 0], [], []>, transpose_lhs_hint = false} : vector<10000x256xf32>, vector<64x256xf32>, vector<10000x64xf32> -> vector<10000x64xf32>
    %broadcast_in_dim3A = arith.constant 1.000000e+00 : f32
    %broadcast_in_dim3A_11 = vector.broadcast %broadcast_in_dim3A : f32 to vector<10000x1xf32>
    %broadcast_in_dim3A_12 = arith.constant 0.000000e+00 : f32
    %broadcast_in_dim3A_13 = vector.broadcast %broadcast_in_dim3A_12 : f32 to vector<10000x63xf32>
    %concatenate3A = tpu.concatenate %dot_general3A_5, %broadcast_in_dim3A_11, %broadcast_in_dim3A_13 in 1 : vector<10000x64xf32>, vector<10000x1xf32>, vector<10000x63xf32> -> vector<10000x128xf32>
    %swap3A = arith.constant 0 : index
    %swap3A_14 = arith.constant 0 : index
    %swap3A_15 = vector.load %arg3[%swap3A, %swap3A_14] : memref<10000x128xf32, #tpu.memory_space<vmem>>, vector<10000x128xf32>
    tpu.vector_store %arg3[%swap3A, %swap3A_14], %concatenate3A {strides = array<i32>} : memref<10000x128xf32, #tpu.memory_space<vmem>>, vector<10000x128xf32>,
    %concatenate3A_16 = tpu.concatenate %dot_general3A_5, %dot_general3A_10 in 1 : vector<10000x64xf32>, vector<10000x64xf32> -> vector<10000x128xf32>
    %swap3A_17 = arith.constant 0 : index
    %swap3A_18 = arith.constant 0 : index
    %swap3A_19 = vector.load %arg4[%swap3A_17, %swap3A_18] : memref<10000x128xf32, #tpu.memory_space<vmem>>, vector<10000x128xf32>
    tpu.vector_store %arg4[%swap3A_17, %swap3A_18], %concatenate3A_16 {strides = array<i32>} : memref<10000x128xf32, #tpu.memory_space<vmem>>, vector<10000x128xf32>,
    return
  }
}

module attributes {stable_mosaic.version = 14 : i64} {
  func.func @_final_body(%arg0: memref<2x5120x128xf32, #tpu.memory_space<vmem>>, %arg1: memref<64x256xf32, #tpu.memory_space<vmem>>, %arg2: memref<5000x256xf32, #tpu.memory_space<vmem>>) attributes {dimension_semantics = [], scalar_prefetch = 0 : i64, scratch_operands = 0 : i64, tpu.core_type = #tpu.core_type<tc>} {
    %get3A = arith.constant 0 : index
    %get3A_0 = arith.constant 0 : index
    %get3A_1 = arith.constant 0 : index
    %get3A_2 = vector.load %arg0[%get3A, %get3A_0, %get3A_1] : memref<2x5120x128xf32, #tpu.memory_space<vmem>>, vector<1x5000x64xf32>
    %get3A_3 = vector.shape_cast %get3A_2 : vector<1x5000x64xf32> to vector<5000x64xf32>
    %get3A_4 = arith.constant 1 : index
    %get3A_5 = arith.constant 0 : index
    %get3A_6 = arith.constant 0 : index
    %get3A_7 = vector.load %arg0[%get3A_4, %get3A_5, %get3A_6] : memref<2x5120x128xf32, #tpu.memory_space<vmem>>, vector<1x5000x64xf32>
    %get3A_8 = vector.shape_cast %get3A_7 : vector<1x5000x64xf32> to vector<5000x64xf32>
    %add3A = arith.addf %get3A_3, %get3A_8 : vector<5000x64xf32>
    %get3A_9 = arith.constant 0 : index
    %get3A_10 = arith.constant 0 : index
    %get3A_11 = arith.constant 64 : index
    %get3A_12 = vector.load %arg0[%get3A_9, %get3A_10, %get3A_11] : memref<2x5120x128xf32, #tpu.memory_space<vmem>>, vector<1x5000x1xf32>
    %get3A_13 = vector.shape_cast %get3A_12 : vector<1x5000x1xf32> to vector<5000xf32>
    %get3A_14 = arith.constant 1 : index
    %get3A_15 = arith.constant 0 : index
    %get3A_16 = arith.constant 64 : index
    %get3A_17 = vector.load %arg0[%get3A_14, %get3A_15, %get3A_16] : memref<2x5120x128xf32, #tpu.memory_space<vmem>>, vector<1x5000x1xf32>
    %get3A_18 = vector.shape_cast %get3A_17 : vector<1x5000x1xf32> to vector<5000xf32>
    %add3A_19 = arith.addf %get3A_13, %get3A_18 : vector<5000xf32>
    %gt3A = arith.constant 0.000000e+00 : f32
    %gt3A_20 = vector.broadcast %gt3A : f32 to vector<5000xf32>
    %gt3A_21 = arith.cmpf ogt, %add3A_19, %gt3A_20 : vector<5000xf32>
    %broadcast_in_dim3A = vector.shape_cast %gt3A_21 : vector<5000xi1> to vector<5000x1xi1>
    %broadcast_in_dim3A_22 = vector.shape_cast %add3A_19 : vector<5000xf32> to vector<5000x1xf32>
    %div3A = vector.broadcast %broadcast_in_dim3A_22 : vector<5000x1xf32> to vector<5000x64xf32>
    %div3A_23 = arith.divf %add3A, %div3A : vector<5000x64xf32>
    %jit3A = arith.constant 0.000000e+00 : f32
    %broadcast_in_dim3A_24 = vector.shape_cast %broadcast_in_dim3A : vector<5000x1xi1> to vector<5000x1xi1>
    %broadcast_in_dim3A_25 = vector.broadcast %broadcast_in_dim3A_24 : vector<5000x1xi1> to vector<5000x64xi1>
    %broadcast_in_dim3A_26 = vector.broadcast %jit3A : f32 to vector<5000x64xf32>
    %select_n3A = arith.select %broadcast_in_dim3A_25, %div3A_23, %broadcast_in_dim3A_26 : vector<5000x64xi1>, vector<5000x64xf32>
    %get3A_27 = arith.constant 0 : index
    %get3A_28 = arith.constant 0 : index
    %get3A_29 = vector.load %arg1[%get3A_27, %get3A_28] : memref<64x256xf32, #tpu.memory_space<vmem>>, vector<64x256xf32>
    %dot_general3A = arith.constant dense<0.000000e+00> : vector<5000x256xf32>
    %dot_general3A_30 = tpu.matmul %select_n3A, %get3A_29, %dot_general3A {dimension_numbers = #tpu.dot_dimension_numbers<[1], [0], [0], [1], [0, 0, 1, 1], [], []>, transpose_lhs_hint = false} : vector<5000x64xf32>, vector<64x256xf32>, vector<5000x256xf32> -> vector<5000x256xf32>
    %swap3A = arith.constant 0 : index
    %swap3A_31 = arith.constant 0 : index
    %swap3A_32 = vector.load %arg2[%swap3A, %swap3A_31] : memref<5000x256xf32, #tpu.memory_space<vmem>>, vector<5000x256xf32>
    tpu.vector_store %arg2[%swap3A, %swap3A_31], %dot_general3A_30 {strides = array<i32>} : memref<5000x256xf32, #tpu.memory_space<vmem>>, vector<5000x256xf32>,
    return
  }
}

module attributes {stable_mosaic.version = 14 : i64} {
  func.func @_mid_body(%arg0: memref<2x5120x128xf32, #tpu.memory_space<vmem>>, %arg1: memref<5120x128xf32, #tpu.memory_space<vmem>>) attributes {dimension_semantics = [], scalar_prefetch = 0 : i64, scratch_operands = 0 : i64, tpu.core_type = #tpu.core_type<tc>} {
    %get3A = arith.constant 0 : index
    %get3A_0 = arith.constant 0 : index
    %get3A_1 = arith.constant 0 : index
    %get3A_2 = vector.load %arg0[%get3A, %get3A_0, %get3A_1] : memref<2x5120x128xf32, #tpu.memory_space<vmem>>, vector<1x5120x64xf32>
    %get3A_3 = vector.shape_cast %get3A_2 : vector<1x5120x64xf32> to vector<5120x64xf32>
    %get3A_4 = arith.constant 1 : index
    %get3A_5 = arith.constant 0 : index
    %get3A_6 = arith.constant 0 : index
    %get3A_7 = vector.load %arg0[%get3A_4, %get3A_5, %get3A_6] : memref<2x5120x128xf32, #tpu.memory_space<vmem>>, vector<1x5120x64xf32>
    %get3A_8 = vector.shape_cast %get3A_7 : vector<1x5120x64xf32> to vector<5120x64xf32>
    %add3A = arith.addf %get3A_3, %get3A_8 : vector<5120x64xf32>
    %get3A_9 = arith.constant 0 : index
    %get3A_10 = arith.constant 0 : index
    %get3A_11 = arith.constant 64 : index
    %get3A_12 = vector.load %arg0[%get3A_9, %get3A_10, %get3A_11] : memref<2x5120x128xf32, #tpu.memory_space<vmem>>, vector<1x5120x1xf32>
    %get3A_13 = vector.shape_cast %get3A_12 : vector<1x5120x1xf32> to vector<5120xf32>
    %get3A_14 = arith.constant 1 : index
    %get3A_15 = arith.constant 0 : index
    %get3A_16 = arith.constant 64 : index
    %get3A_17 = vector.load %arg0[%get3A_14, %get3A_15, %get3A_16] : memref<2x5120x128xf32, #tpu.memory_space<vmem>>, vector<1x5120x1xf32>
    %get3A_18 = vector.shape_cast %get3A_17 : vector<1x5120x1xf32> to vector<5120xf32>
    %add3A_19 = arith.addf %get3A_13, %get3A_18 : vector<5120xf32>
    %max3A = arith.constant 1.000000e+00 : f32
    %max3A_20 = vector.broadcast %max3A : f32 to vector<5120xf32>
    %max3A_21 = arith.maximumf %add3A_19, %max3A_20 : vector<5120xf32>
    %broadcast_in_dim3A = vector.shape_cast %max3A_21 : vector<5120xf32> to vector<5120x1xf32>
    %div3A = vector.broadcast %broadcast_in_dim3A : vector<5120x1xf32> to vector<5120x64xf32>
    %div3A_22 = arith.divf %add3A, %div3A : vector<5120x64xf32>
    %broadcast_in_dim3A_23 = arith.constant 0.000000e+00 : f32
    %broadcast_in_dim3A_24 = vector.broadcast %broadcast_in_dim3A_23 : f32 to vector<5120x64xf32>
    %concatenate3A = tpu.concatenate %div3A_22, %broadcast_in_dim3A_24 in 1 : vector<5120x64xf32>, vector<5120x64xf32> -> vector<5120x128xf32>
    %swap3A = arith.constant 0 : index
    %swap3A_25 = arith.constant 0 : index
    %swap3A_26 = vector.load %arg1[%swap3A, %swap3A_25] : memref<5120x128xf32, #tpu.memory_space<vmem>>, vector<5120x128xf32>
    tpu.vector_store %arg1[%swap3A, %swap3A_25], %concatenate3A {strides = array<i32>} : memref<5120x128xf32, #tpu.memory_space<vmem>>, vector<5120x128xf32>,
    return
  }
}

</mosaic_0001>

<sc_bundles>
// kernel: kernel.10.cloned.1.call-start
scs
__scs_entry_jumppad:
0x0: {  	(pc) =	sbr.rel $0x88, $3  }
0x1: {  	(tag) =	ssettag $0x0;
	lr =	simm.s32 $0x1  }
0x2: {  	[smem:$0x3F9C] =	sst lr;
	_ =	strace $0xD0000000  }
0x3: {  	_ = 	snop  }
0x4: {  	_ = 	snop  }
0x5: {  	_ = 	snop  }
0x6: {  	_ = 	snop  }
0x7: {  	_ = 	snop  }
__scs_overlays_trampoline_lowered:
0x8: {  	[smem:$0x3FAB] =	sst s0  }
0x9: {  	[smem:$0x3FAC] =	sst s1  }
0xa: {  	[smem:$0x3FAD] =	sst s2  }
0xb: {  	[smem:$0x3FAE] =	sst s3  }
0xc: {  	[smem:$0x3FAF] =	sst s4  }
0xd: {  	[smem:$0x3FB0] =	sst s5  }
0xe: {  	[smem:$0x3FB1] =	sst s6  }
0xf: {  	[smem:$0x3FB2] =	sst s7  }
0x10: {  	[smem:$0x3FB3] =	sst s8  }
0x11: {  	[smem:$0x3FB4] =	sst s9;
	s0 =	simm.s32 @!p0 $0x0  }
0x12: {  	s1 =	sld [smem:$0x3F9A];
	s0 =	simm.s32 @p0 $0x1  }
0x13: {  	[smem:$0x3FB5] =	sst s0;
	s0 =	simm.s32 @!p1 $0x0  }
0x14: {  	s2 =	sld [smem:$0x3F99];
	s0 =	simm.s32 @p1 $0x1  }
0x15: {  	[smem:$0x3FB6] =	sst s0;
	s0 =	simm.s32 @!p2 $0x0  }
0x16: {  	s3 =	sld [smem:$0x3FDB];
	s0 =	simm.s32 @p2 $0x1  }
0x17: {  	s4 =	simm.s32 $0x1BF5;
	[smem:$0x3FB8] =	sst s0  }
0x18: {  	s0 =	sld [smem:$0x3F9B];
	_ =	swait.ge [sflag:s4], $0x0  }
0x19: {  	s7 =	sld [smem:$0x3F9C]  }
0x1a: {  	s8 =	sadd.s32 $0xFFFFE003, lr  }
0x1b: {  	s9 =	sadd.s32 $0xFFFFFEF7, lr;
	s5 =	simm.s32 $0xFFFFFFFF;
	p2 =	slt.u32 s8, $0xFFFFF086  }
0x1c: {  	p1 =	slt.u32 s9, $0xF7A;
	s5 =	simm.s32 @!p2 $0x0  }
0x1d: {  	s5 =	simm.s32 @p1 $0x1;
	p0 =	seq.s32 s7, s2  }
0x1e: {  	s7 =	smul.u32 @!p0 $0xF7A, s2;
	p2 =	seq.s32 @!p0 s5, $0x0  }
0x1f: {  	s9 =	smul.u32 $0xF7A, s1;
	s8 =	simm.s32 @!p0 $0x1BF5;
	p2 =	por !p2, p0  }
0x20: {  	[sflag:s8] =	ssyncset.s32 @!p0 $0xFFFFF086;
	s6 =	sadd.s32 @!p0 s3, s7;
	s7 =	simm.s32 @!p0 $0x108  }
0x21: {  	s3 =	sadd.s32 s3, s9;
	s6 =	sadd.s32 @!p0 $0x88, s6;
	s7 =	simm.s32 @p2 $0x1082  }
0x22: {  	[simem:s7], [sflag:s8] =	dma.local @!p0 [hbm:s6], $0xF7A  }
0x23: {  	s9 =	sor.u32 $0xD0000000, s2;
	s6 =	simm.s32 $0x108;
	_ =	swait.ge @!p0 [sflag:s8], $0x0  }
0x24: {  	s3 =	sadd.s32 $0x88, s3;
	s6 =	simm.s32 @!p1 $0x1082;
	[sflag:s4] =	ssyncset.s32 $0xFFFFF086  }
0x25: {  	[simem:s6], [sflag:s4] =	dma.local [hbm:s3], $0xF7A  }
0x26: {  	[smem:$0x3F9C] =	sst s1;
	(tag) =	ssettag s2;
	_ =	strace s9  }
0x27: {  	s1 =	sld [smem:$0x3FAC]  }
0x28: {  	s2 =	sld [smem:$0x3FAD]  }
0x29: {  	s4 =	sld [smem:$0x3FAF]  }
0x2a: {  	p0 =	seq.s32 s5, $0x0;
	s5 =	sld [smem:$0x3FB0]  }
0x2b: {  	s6 =	sld [smem:$0x3FB1]  }
0x2c: {  	s7 =	sld [smem:$0x3FB2]  }
0x2d: {  	s3 =	simm.s32 $0x108;
	s8 =	sld [smem:$0x3FB3]  }
0x2e: {  	s3 =	simm.s32 @!p0 $0x1082;
	s9 =	sld [smem:$0x3FB4]  }
0x2f: {  	lr =	sadd.s32 s0, s3;
	s0 =	sld [smem:$0x3FAB]  }
0x30: {  	s3 =	sld [smem:$0x3FAE]  }
0x31: {  	[smem:$0x3FB7] =	sst s10  }
0x32: {  	s10 =	sld [smem:$0x3FB5];
	_ =	sdelay $0x3  }
0x33: {  	p0 =	seq.s32 s10, $0x1;
	s10 =	sld [smem:$0x3FB7];
	_ =	sdelay $0x3  }
0x34: {  	[smem:$0x3FB7] =	sst s10  }
0x35: {  	s10 =	sld [smem:$0x3FB6];
	_ =	sdelay $0x3  }
0x36: {  	p1 =	seq.s32 s10, $0x1;
	s10 =	sld [smem:$0x3FB7];
	_ =	sdelay $0x3  }
0x37: {  	[smem:$0x3FB7] =	sst s10  }
0x38: {  	s10 =	sld [smem:$0x3FB8]  }
0x39: {  	_ = 	snop;
	(pc) =	sbr.ind lr, $3  }
0x3a: {  	_ = 	snop  }
0x3b: {  	_ = 	snop  }
0x3c: {  	p2 =	seq.s32 s10, $0x1;
	s10 =	sld [smem:$0x3FB7]  }
0x3d: {  	_ =	shalt  }
0x3e: {  	_ =	shalt  }
0x3f: {  	_ =	shalt  }
0x40: {  	_ =	shalt  }
0x41: {  	_ =	shalt  }
0x42: {  	_ =	shalt  }
0x43: {  	_ =	shalt  }
0x44: {  	_ =	shalt  }
0x45: {  	_ =	shalt  }
0x46: {  	_ =	shalt  }
0x47: {  	_ =	shalt  }
0x48: {  	_ =	shalt  }
0x49: {  	_ =	shalt  }
0x4a: {  	_ =	shalt  }
0x4b: {  	_ =	shalt  }
0x4c: {  	_ =	shalt  }
0x4d: {  	_ =	shalt  }
0x4e: {  	_ =	shalt  }
0x4f: {  	_ =	shalt  }
0x50: {  	_ =	shalt  }
0x51: {  	_ =	shalt  }
0x52: {  	_ =	shalt  }
0x53: {  	_ =	shalt  }
0x54: {  	_ =	shalt  }
0x55: {  	_ =	shalt  }
0x56: {  	_ =	shalt  }
0x57: {  	_ =	shalt  }
0x58: {  	_ =	shalt  }
0x59: {  	_ =	shalt  }
0x5a: {  	_ =	shalt  }
0x5b: {  	_ =	shalt  }
0x5c: {  	_ =	shalt  }
0x5d: {  	_ =	shalt  }
0x5e: {  	_ =	shalt  }
0x5f: {  	_ =	shalt  }
0x60: {  	_ =	shalt  }
0x61: {  	_ =	shalt  }
0x62: {  	_ =	shalt  }
0x63: {  	_ =	shalt  }
0x64: {  	_ =	shalt  }
0x65: {  	_ =	shalt  }
0x66: {  	_ =	shalt  }
0x67: {  	_ =	shalt  }
0x68: {  	_ =	shalt  }
0x69: {  	_ =	shalt  }
0x6a: {  	_ =	shalt  }
0x6b: {  	_ =	shalt  }
0x6c: {  	_ =	shalt  }
0x6d: {  	_ =	shalt  }
0x6e: {  	_ =	shalt  }
0x6f: {  	_ =	shalt  }
0x70: {  	_ =	shalt  }
0x71: {  	_ =	shalt  }
0x72: {  	_ =	shalt  }
0x73: {  	_ =	shalt  }
0x74: {  	_ =	shalt  }
0x75: {  	_ =	shalt  }
0x76: {  	_ =	shalt  }
0x77: {  	_ =	shalt  }
0x78: {  	_ =	shalt  }
0x79: {  	_ =	shalt  }
0x7a: {  	_ =	shalt  }
0x7b: {  	_ =	shalt  }
0x7c: {  	_ =	shalt  }
0x7d: {  	_ =	shalt  }
0x7e: {  	_ =	shalt  }
0x7f: {  	_ =	shalt  }
0x80: {  	_ =	shalt  }
0x81: {  	_ =	shalt  }
0x82: {  	_ =	shalt  }
0x83: {  	_ =	shalt  }
0x84: {  	_ =	shalt  }
0x85: {  	_ =	shalt  }
0x86: {  	_ =	shalt  }
0x87: {  	_ =	shalt  }
.Lfunc_end0:
.L_simem_size_0:
called_computation.1_lowered:
.L_overlay_start_0:
0x88: {  	s2 =	sld [smem:$0x3FD9]  }
0x89: {  	s3 =	sld [smem:$0x3FFE];
	_ =	sdelay $0x1  }
0x8a: {  	s1 =	srdreg.scid  }
0x8b: {  	s0 =	sand.u32 $0x1, s1  }
0x8c: {  	s17 =	sshll.u32 s0, $0xA;
	s2 =	sadd.s32 s3, s2  }
0x8d: {  	s2 =	sadd.s32 s2, s17  }
0x8e: {  	[smem:$0x3FC3] =	sst s2  }
0x8f: {  	_ = 	snop  }
0x90: {  	s2 =	sld [smem:$0x3FD0];
	(tm) =	ssettm $0x1  }
0x91: {  	s18 =	sld [smem:$0x3FFB];
	_ =	sdelay $0x3  }
0x92: {  	_ =	strace s18  }
0x93: {  	s3 =	sld [smem:$0x3FFC];
	_ =	sdelay $0x3  }
0x94: {  	_ =	strace s3  }
0x95: {  	s3 =	sld [smem:$0x3FFD];
	_ =	sdelay $0x3  }
0x96: {  	_ =	strace s3  }
0x97: {  	_ =	strace $0x8FFFFFFF  }
0x98: {  	s19 =	sld [smem:$0x3FDB];
	_ =	sdelay $0x1  }
0x99: {  	s4 =	simm.s32 $_scs_section_size  }
0x9a: {  	s5 =	simm.s32 $_size__tile_overlayer_lowered;
	s6 =	simm.s32 $_tile_overlayer_lowered  }
0x9b: {  	s22 =	simm.s32 $0x1BFF;
	s21 =	sshll.u32 s6, $0x1;
	s3 =	sadd.s32 s4, s19  }
0x9c: {  	s7 =	simm.s32 $0x0;
	s20 =	sshll.u32 s5, $0x1;
	s5 =	sadd.s32 s21, s3  }
0x9d: {  	[timem:s7], [sflag:s22] =	dma.local [hbm:s5], s20  }
0x9e: {  	_ =	swait.ge [sflag:s22], s20  }
0x9f: {  	s4 =	ssub.s32 $0x0, s20;
	[sflag:s22] =	ssyncset.done $0x0  }
0xa0: {  	[sflag:s22] =	ssyncadd.s32 s4;
	_ =	sdelay $0x1  }
0xa1: {  	s23 =	simm.s32 $0x1B8B  }
0xa2: {  	_ =	swait.ge [sflag:s23], $0x1  }
0xa3: {  	[sflag:s23] =	ssyncset.done $0x0  }
0xa4: {  	s25 =	simm.s32 $0x1B8E;
	s24 =	sld [smem:$0x3FFE];
	[sflag:s23] =	ssyncadd.s32 $0xFFFFFFFF  }
0xa5: {  	s26 =	simm.s32 $execute0_lowered;
	[smem:$0x3FD2] =	sst s25  }
0xa6: {  	s5 =	sshll.u32 s26, $0x1;
	_ =	strace $0x80000049;
	[dreg:$0x1] =	wrdreg $0xFFFFFFFF  }
0xa7: {  	s28 =	simm.s32 $_size_execute0_lowered;
	s3 =	sadd.s32 s3, s5;
	[dreg:$0x0] =	wrdreg $0x0  }
0xa8: {  	s5 =	sshll.u32 s28, $0x1;
	[dreg:$0x2] =	wrdreg s3  }
0xa9: {  	[dreg:$0x3] =	wrdreg s5  }
0xaa: {  	[dreg:$0x4] =	wrdreg $0xC0  }
0xab: {  	_ =	task [dreg:s7], $0x5FFFF  }
0xac: {  	[dreg:$0x1] =	wrdreg $0xFFFFFFFF  }
0xad: {  	[dreg:$0x0] =	wrdreg $0x60  }
0xae: {  	[dreg:$0x2] =	wrdreg s24  }
0xaf: {  	[dreg:$0x3] =	wrdreg s2  }
0xb0: {  	[dreg:$0x4] =	wrdreg $0x142000  }
0xb1: {  	[dreg:$0x5] =	wrdreg $0x9  }
0xb2: {  	_ =	task.clear_ibuf [dreg:s7], $0x6FFFF;
	_ =	strace $0x90000049  }
0xb3: {  	s29 =	simm.s32 $0x9;
	_ =	strace $0x8000004B  }
0xb4: {  	_ =	swait.ge [sflag:s29], $0x1  }
0xb5: {  	[sflag:s29] =	ssyncadd.s32 $0xFFFFFFFF  }
0xb6: {  	_ =	strace $0x9000004B  }
0xb7: {  	_ =	sfence  }
0xb8: {  	s30 =	sld [smem:$0x0];
	_ =	sdelay $0x2  }
0xb9: {  	s31 =	sshll.u32 s1, $0xD;
	s1 =	sshrl.u32 s1, $0x2  }
0xba: {  	s3 =	sand.u32 $0x4000, s31;
	s1 =	sadd.s32 s1, s30  }
0xbb: {  	s0 =	sor.u32 s3, s0;
	s1 =	sshll.u32 s1, $0x11  }
0xbc: {  	s0 =	sor.u32 s1, s0  }
0xbd: {  	s0 =	sadd.s32 $0x8F2B, s0  }
0xbe: {  	[sflag:s0] =	ssyncadd.remote.s32 $0x1  }
0xbf: {  	_ =	sfence.sel $0xFFFF  }
0xc0: {  	[dreg:$0x0] =	wrdreg $0xFFFFFFFF;
	(pc) =	sbr.abs _section_cstart, $3  }
0xc1: {  	[dreg:$0x1] =	wrdreg $0xFFFFFFFF  }
0xc2: {  	_ =	task.clear_ibuf [dreg:s7], $0x2FFFF;
	_ =	strace $0x9FFFFFFF  }
0xc3: {  	(tm) =	ssettm $0x7FFFFFFF  }
tec
execute0_lowered:
.L_overlay_start_1:
0x0: {  	(tag) =	ssettag $0x1  }
0x1: {  	s0 =	rddreg [dreg:$0x0]  }
0x2: {  	s1 =	rddreg [dreg:$0x1]  }
0x3: {  	s2 =	rddreg [dreg:$0x2];
	s3 =	simm.s32 $0x0  }
0x4: {  	s4 =	srdreg.scid;
	s14 =	stileid.u32;
	s28 =	simm.s32 $0x180  }
0x5: {  	s29 =	simm.s32 $0x200;
	s30 =	simm.s32 $0x4200;
	s31 =	simm.s32 $0x1  }
0x6: {  	[smem:$0x7FF] =	sst s3;
	s5 =	sadd.s32 $0x6200, s0;
	s6 =	sadd.s32 $0x1200, s0  }
0x7: {  	s7 =	sadd.s32 $0xB200, s0;
	s4 =	sand.u32 $0x1, s4;
	s10 =	smul.u32 $0xA000, s14  }
0x8: {  	s8 =	sadd.s32 $0x32400, s0;
	s0 =	sadd.s32 $0x46400, s0;
	s12 =	smul.u32 $0x28000, s14  }
0x9: {  	s16 =	smul.u32 $0x140, s14;
	_ =	strace $0x8000004A;
	s9 =	ssub.s32 $0x2, s4  }
0xa: {  	s15 =	sshll.u32 s4, $0x4;
	s4 =	smul.u32 $0xA0000, s4;
	s11 =	sshrl.u32 s9, $0x1  }
0xb: {  	s14 =	sor.u32 s14, s15;
	s17 =	sshrl.u32 s10, $0x3;
	s12 =	sshrl.u32 s12, $0x2  }
0xc: {  	s18 =	sadd.s32 $0x80, s16;
	s16 =	sadd.s32 $0x100, s16;
	s13 =	ssub.s32 s9, s11  }
0xd: {  	s9 =	sadd.s32 s8, s17;
	s15 =	sshll.u32 s18, $0x7;
	s17 =	sshll.u32 s16, $0x4  }
0xe: {  	s11 =	smul.u32 $0x1400, s14;
	s16 =	sshll.u32 s16, $0x7;
	s24 =	sadd.s32 s10, s4  }
0xf: {  	s10 =	simm.s32 $0x0;
	[dreg:$0x4] =	wrdreg s9;
	s9 =	sadd.s32 s12, s2  }
0x10: {  	s12 =	sshll.u32 s18, $0x4;
	s14 =	sadd.s32 s16, s2;
	s25 =	sadd.s32 s4, s15  }
0x11: {  	s4 =	sadd.s32 s4, s16;
	s19 =	sadd.s32 s8, s12;
	s12 =	sadd.s32 s15, s2  }
0x12: {  	s8 =	sadd.s32 s8, s17;
	s20 =	sshrl.u32 s11, $0x3;
	s26 =	sshrl.u32 s25, $0x3  }
0x13: {  	s4 =	sshrl.u32 s4, $0x3;
	s25 =	simm.s32 $0x80;
	[dreg:$0x5] =	wrdreg s19  }
0x14: {  	[dreg:$0x6] =	wrdreg s8;
	s21 =	sadd.s32 s5, s20;
	s22 =	sadd.s32 s6, s20  }
0x15: {  	s8 =	sor.u32 $0x10, s20;
	s20 =	sadd.s32 s0, s26;
	[dreg:$0x7] =	wrdreg s21  }
0x16: {  	s26 =	simm.s32 $0x100;
	[dreg:$0x8] =	wrdreg s22;
	s23 =	sadd.s32 s5, s8  }
0x17: {  	v0 =	vlaneseq.u32;
	s8 =	sadd.s32 s6, s8;
	s21 =	sadd.s32 s0, s4;
	[dreg:$0x9] =	wrdreg s23  }
0x18: {  	v1 =	vmul.u32 $0x80, v0;
	s22 =	smax.u32 s13, $0x1;
	s4 =	simm.s32 $0xC200;
	[dreg:$0xa] =	wrdreg s8  }
0x19: {  	s8 =	sshrl.u32 s24, $0x3;
	s23 =	simm.s32 $0x10200;
	s24 =	simm.s32 $0x3  }
0x1a: {  	[tilespmem:$0x1FFF0] =	vst v1;
	s19 =	sadd.s32 s0, s8;
	s0 =	simm.s32 $0x8200;
	s8 =	simm.s32 $0x2  }
.LBB2_1:
0x1b: {  	s13 =	rddreg [dreg:$0x4]  }
0x1c: {  	[tilespmem:s23], [sflag:$0x3] =	stream.linear.gather [hbm4b:s13+s3], $0x4000, $0x38;
	[tilespmem:$0x1E200] =	vst v63  }
0x1d: {  	_ =	swait.ge [sflag:s24], $0x4000  }
0x1e: {  	[sflag:s24] =	ssyncset.done $0x0  }
0x1f: {  	[sflag:s24] =	ssyncadd.s32 $0xFFFFC000  }
0x20: {  	[spmem:s9] =	stream.linear.scatter [tilespmem:s23], [sflag:$0x3], $0x4000, $0x38;
	[tilespmem:$0x1E200] =	vst v63  }
0x21: {  	_ =	swait.ge [sflag:s24], $0x4000  }
0x22: {  	[sflag:s24] =	ssyncset.done $0x0  }
0x23: {  	s17 =	rddreg [dreg:$0x5];
	[sflag:s24] =	ssyncadd.s32 $0xFFFFC000  }
0x24: {  	[tilespmem:s23], [sflag:$0x3] =	stream.linear.gather [hbm4b:s17+s3], $0x4000, $0x38;
	[tilespmem:$0x1E200] =	vst v63  }
0x25: {  	_ =	swait.ge [sflag:s24], $0x4000  }
0x26: {  	[sflag:s24] =	ssyncset.done $0x0  }
0x27: {  	[sflag:s24] =	ssyncadd.s32 $0xFFFFC000  }
0x28: {  	[spmem:s12] =	stream.linear.scatter [tilespmem:s23], [sflag:$0x3], $0x4000, $0x38;
	[tilespmem:$0x1E200] =	vst v63  }
0x29: {  	_ =	swait.ge [sflag:s24], $0x4000  }
0x2a: {  	[sflag:s24] =	ssyncset.done $0x0  }
0x2b: {  	s18 =	rddreg [dreg:$0x6];
	[sflag:s24] =	ssyncadd.s32 $0xFFFFC000  }
0x2c: {  	[tilespmem:s23], [sflag:$0x3] =	stream.linear.gather [hbm4b:s18+s3], $0x2000, $0x38;
	[tilespmem:$0x1E200] =	vst v63  }
0x2d: {  	_ =	swait.ge [sflag:s24], $0x2000  }
0x2e: {  	[sflag:s24] =	ssyncset.done $0x0  }
0x2f: {  	[sflag:s24] =	ssyncadd.s32 $0xFFFFE000  }
0x30: {  	[spmem:s14] =	stream.linear.scatter [tilespmem:s23], [sflag:$0x3], $0x2000, $0x38;
	[tilespmem:$0x1E200] =	vst v63  }
0x31: {  	_ =	swait.ge [sflag:s24], $0x2000  }
0x32: {  	[sflag:s24] =	ssyncset.done $0x0  }
0x33: {  	[sflag:s24] =	ssyncadd.s32 $0xFFFFE000  }
0x34: {  	[bflag:$0x0] =	sbarrier.arrive $0xFFFF  }
0x35: {  	s15 =	rddreg [dreg:$0x7]  }
0x36: {  	[tilespmem:s3], [sflag:$0x3] =	stream.linear.gather [hbm4b:s15+s3], $0x80, $0x38;
	[tilespmem:$0x1E200] =	vst v63  }
0x37: {  	_ =	swait.ge [sflag:s24], $0x80  }
0x38: {  	[sflag:s24] =	ssyncset.done $0x0  }
0x39: {  	s16 =	rddreg [dreg:$0x8];
	[sflag:s24] =	ssyncadd.s32 $0xFFFFFF80  }
0x3a: {  	[tilespmem:s25], [sflag:$0x3] =	stream.linear.gather [hbm4b:s16+s3], $0x80, $0x38;
	[tilespmem:$0x1E200] =	vst v63  }
0x3b: {  	_ =	swait.ge [sflag:s24], $0x80  }
0x3c: {  	[sflag:s24] =	ssyncset.done $0x0  }
0x3d: {  	s17 =	rddreg [dreg:$0x9];
	[sflag:s24] =	ssyncadd.s32 $0xFFFFFF80  }
0x3e: {  	[tilespmem:s26], [sflag:$0x3] =	stream.linear.gather [hbm4b:s17+s3], $0x80, $0x38;
	[tilespmem:$0x1E200] =	vst v63  }
0x3f: {  	_ =	swait.ge [sflag:s24], $0x80  }
0x40: {  	[sflag:s24] =	ssyncset.done $0x0  }
0x41: {  	s18 =	rddreg [dreg:$0xa];
	[sflag:s24] =	ssyncadd.s32 $0xFFFFFF80  }
0x42: {  	[tilespmem:s28], [sflag:$0x3] =	stream.linear.gather [hbm4b:s18+s3], $0x80, $0x38;
	[tilespmem:$0x1E200] =	vst v63  }
0x43: {  	_ =	swait.ge [sflag:s24], $0x80  }
0x44: {  	[sflag:s24] =	ssyncset.done $0x0  }
0x45: {  	[sflag:s24] =	ssyncadd.s32 $0xFFFFFF80  }
0x46: {  	[tilespmem:s29], [sflag:$0x1] =	stream.indirect.gather [hbm4b:s1+s25], $0x80, s3, s25, $0xb8;
	[tilespmem:$0x1E200] =	vst v63  }
0x47: {  	s13 =	simm.s32 $0x0  }
0x48: {  	[tilespmem:s30], [sflag:$0x1] =	stream.indirect.gather [hbm4b:s7+s25], $0x80, s25, s25, $0xb8;
	[tilespmem:$0x1E200] =	vst v63  }
.LBB2_2:
0x49: {  	_ =	swait.ge [sflag:s31], $0x4000  }
0x4a: {  	[sflag:s31] =	ssyncset.done $0x0  }
0x4b: {  	[sflag:s31] =	ssyncadd.s32 $0xFFFFC000  }
0x4c: {  	_ =	swait.ge [sflag:s31], $0x4000  }
0x4d: {  	[sflag:s31] =	ssyncset.done $0x0  }
0x4e: {  	[sflag:s31] =	ssyncadd.s32 $0xFFFFC000  }
0x4f: {  	[tilespmem:s0], [sflag:$0x2] =	stream.indirect.gather [hbm4b:s1+s25], $0x80, s26, s25, $0xb8;
	[tilespmem:$0x1E200] =	vst v63  }
0x50: {  	s15 =	simm.s32 $0x0  }
0x51: {  	[tilespmem:s4], [sflag:$0x2] =	stream.indirect.gather [hbm4b:s7+s25], $0x80, s28, s25, $0xb8;
	[tilespmem:$0x1E200] =	vst v63  }
.LBB2_3:
0x52: {  	v1 =	vld [tilespmem:$0x1FFF0];
	_ =	sdelay $0x2  }
0x53: {  	v0 =	vmov s15  }
0x54: {  	v0 =	vshll.u32 v0, $0x7  }
0x55: {  	v1 =	vor.u32 v1, v0;
	_ =	sdelay $0x1  }
0x56: {  	v39 =	vor.u32 $0x1, v1;
	_ =	sdelay $0x1  }
0x57: {  	v38 =	vor.u32 $0x2, v1  }
0x58: {  	v30 =	vld.idx.msk [tilespmem:v1+s29+$0x0], $0xffff  }
0x59: {  	v4 =	vor.u32 $0x3, v1;
	v2 =	vld.idx.msk [tilespmem:v1+s30+$0x0], $0xffff  }
0x5a: {  	v5 =	vld.idx.msk [tilespmem:v39+s29+$0x0], $0xffff  }
0x5b: {  	v0 =	vor.u32 $0x4, v1;
	v14 =	vld.idx.msk [tilespmem:v39+s30+$0x0], $0xffff  }
0x5c: {  	v19 =	vld.idx.msk [tilespmem:v38+s29+$0x0], $0xffff  }
0x5d: {  	v3 =	vor.u32 $0x5, v1;
	v24 =	vld.idx.msk [tilespmem:v38+s30+$0x0], $0xffff  }
0x5e: {  	v28 =	vld.idx.msk [tilespmem:v4+s29+$0x0], $0xffff  }
0x5f: {  	v7 =	vor.u32 $0x6, v1;
	v32 =	vld.idx.msk [tilespmem:v4+s30+$0x0], $0xffff  }
0x60: {  	[tilespmem:$0x1FDD0] =	vst v4;
	v4 =	vld.idx.msk [tilespmem:v0+s29+$0x0], $0xffff  }
0x61: {  	v63 =	vor.u32 $0x7, v1;
	v6 =	vld.idx.msk [tilespmem:v0+s30+$0x0], $0xffff  }
0x62: {  	v37 =	vld.idx.msk [tilespmem:v3+s29+$0x0], $0xffff  }
0x63: {  	v9 =	vor.u32 $0x8, v1;
	v40 =	vld.idx.msk [tilespmem:v3+s30+$0x0], $0xffff  }
0x64: {  	v41 =	vld.idx.msk [tilespmem:v7+s29+$0x0], $0xffff  }
0x65: {  	v10 =	vor.u32 $0x9, v1;
	v42 =	vld.idx.msk [tilespmem:v7+s30+$0x0], $0xffff  }
0x66: {  	v43 =	vld.idx.msk [tilespmem:v63+s29+$0x0], $0xffff  }
0x67: {  	v11 =	vor.u32 $0xA, v1;
	v44 =	vld.idx.msk [tilespmem:v63+s30+$0x0], $0xffff  }
0x68: {  	v45 =	vld.idx.msk [tilespmem:v9+s29+$0x0], $0xffff  }
0x69: {  	v12 =	vor.u32 $0xB, v1;
	v46 =	vld.idx.msk [tilespmem:v9+s30+$0x0], $0xffff  }
0x6a: {  	v47 =	vld.idx.msk [tilespmem:v10+s29+$0x0], $0xffff  }
0x6b: {  	v13 =	vor.u32 $0xC, v1;
	v48 =	vld.idx.msk [tilespmem:v10+s30+$0x0], $0xffff  }
0x6c: {  	v49 =	vld.idx.msk [tilespmem:v11+s29+$0x0], $0xffff  }
0x6d: {  	v15 =	vor.u32 $0xD, v1;
	v50 =	vld.idx.msk [tilespmem:v11+s30+$0x0], $0xffff  }
0x6e: {  	v51 =	vld.idx.msk [tilespmem:v12+s29+$0x0], $0xffff  }
0x6f: {  	v16 =	vor.u32 $0xE, v1;
	v52 =	vld.idx.msk [tilespmem:v12+s30+$0x0], $0xffff  }
0x70: {  	v53 =	vld.idx.msk [tilespmem:v13+s29+$0x0], $0xffff  }
0x71: {  	v17 =	vor.u32 $0xF, v1;
	v54 =	vld.idx.msk [tilespmem:v13+s30+$0x0], $0xffff  }
0x72: {  	v55 =	vld.idx.msk [tilespmem:v15+s29+$0x0], $0xffff  }
0x73: {  	v18 =	vor.u32 $0x10, v1;
	v56 =	vld.idx.msk [tilespmem:v15+s30+$0x0], $0xffff  }
0x74: {  	v57 =	vld.idx.msk [tilespmem:v16+s29+$0x0], $0xffff  }
0x75: {  	v20 =	vor.u32 $0x11, v1;
	v58 =	vld.idx.msk [tilespmem:v16+s30+$0x0], $0xffff  }
0x76: {  	v59 =	vld.idx.msk [tilespmem:v17+s29+$0x0], $0xffff  }
0x77: {  	v21 =	vor.u32 $0x12, v1;
	v60 =	vld.idx.msk [tilespmem:v17+s30+$0x0], $0xffff  }
0x78: {  	v61 =	vld.idx.msk [tilespmem:v18+s29+$0x0], $0xffff  }
0x79: {  	v22 =	vor.u32 $0x13, v1;
	[tilespmem:$0x1FDE0] =	vst v0;
	v62 =	vld.idx.msk [tilespmem:v18+s30+$0x0], $0xffff  }
0x7a: {  	[tilespmem:$0x1FE10] =	vst v63;
	v63 =	vld.idx.msk [tilespmem:v20+s29+$0x0], $0xffff  }
0x7b: {  	v23 =	vor.u32 $0x14, v1;
	[tilespmem:$0x1FE20] =	vst v9;
	v9 =	vld.idx.msk [tilespmem:v20+s30+$0x0], $0xffff  }
0x7c: {  	[tilespmem:$0x1FE50] =	vst v12;
	v12 =	vld.idx.msk [tilespmem:v21+s29+$0x0], $0xffff  }
0x7d: {  	v29 =	vor.u32 $0x16, v1;
	[tilespmem:$0x1FDF0] =	vst v3;
	v8 =	vld.idx.msk [tilespmem:v21+s30+$0x0], $0xffff  }
0x7e: {  	[tilespmem:$0x1FE40] =	vst v11;
	v11 =	vld.idx.msk [tilespmem:v22+s29+$0x0], $0xffff  }
0x7f: {  	v31 =	vor.u32 $0x17, v1;
	[tilespmem:$0x1FE00] =	vst v7;
	v7 =	vld.idx.msk [tilespmem:v22+s30+$0x0], $0xffff  }
0x80: {  	[tilespmem:$0x1FE30] =	vst v10;
	v25 =	vld.idx.msk [tilespmem:v23+s29+$0x0], $0xffff  }
0x81: {  	v33 =	vor.u32 $0x18, v1;
	[tilespmem:$0x1FEE0] =	vst v23;
	v23 =	vld.idx.msk [tilespmem:v23+s30+$0x0], $0xffff  }
0x82: {  	[tilespmem:$0x1FEB0] =	vst v20;
	v20 =	vld.idx.msk [tilespmem:v29+s29+$0x0], $0xffff  }
0x83: {  	v34 =	vor.u32 $0x19, v1;
	[tilespmem:$0x1FE70] =	vst v15;
	v15 =	vld.idx.msk [tilespmem:v29+s30+$0x0], $0xffff  }
0x84: {  	[tilespmem:$0x1FE80] =	vst v16;
	v16 =	vld.idx.msk [tilespmem:v31+s29+$0x0], $0xffff  }
0x85: {  	v35 =	vor.u32 $0x1A, v1;
	[tilespmem:$0x1FE60] =	vst v13;
	v13 =	vld.idx.msk [tilespmem:v31+s30+$0x0], $0xffff  }
0x86: {  	[tilespmem:$0x1FED0] =	vst v22;
	v22 =	vld.idx.msk [tilespmem:v33+s29+$0x0], $0xffff  }
0x87: {  	[tilespmem:$0x1FEA0] =	vst v18;
	v10 =	vor.u32 $0x15, v1;
	v18 =	vld.idx.msk [tilespmem:v33+s30+$0x0], $0xffff  }
0x88: {  	[tilespmem:$0x1FE90] =	vst v17;
	v36 =	vld.idx.msk [tilespmem:v34+s29+$0x0], $0xffff  }
0x89: {  	v27 =	vor.u32 $0x1B, v1;
	[tilespmem:$0x1FF00] =	vst v29;
	v29 =	vld.idx.msk [tilespmem:v34+s30+$0x0], $0xffff  }
0x8a: {  	[tilespmem:$0x1FF10] =	vst v31;
	v31 =	vld.idx.msk [tilespmem:v35+s29+$0x0], $0xffff  }
0x8b: {  	[tilespmem:$0x1FEC0] =	vst v21;
	v0 =	vor.u32 $0x1C, v1;
	v26 =	vld.idx.msk [tilespmem:v35+s30+$0x0], $0xffff  }
0x8c: {  	[tilespmem:$0x1FF20] =	vst v33;
	v21 =	vld.idx.msk [tilespmem:v10+s29+$0x0], $0xffff  }
0x8d: {  	[tilespmem:$0x1FEF0] =	vst v10;
	v17 =	vld.idx.msk [tilespmem:v10+s30+$0x0], $0xffff;
	v10 =	vor.u32 $0x1D, v1  }
0x8e: {  	[tilespmem:$0x1FF40] =	vst v35;
	v35 =	vld.idx.msk [tilespmem:v27+s29+$0x0], $0xffff  }
0x8f: {  	[tilespmem:$0x1FF50] =	vst v27;
	v27 =	vld.idx.msk [tilespmem:v27+s30+$0x0], $0xffff;
	v3 =	vsub.f32 v30, v2;
	v30 =	vsub.f32 v4, v6;
	v4 =	vor.u32 $0x1E, v1  }
0x90: {  	[tilespmem:$0x1FF30] =	vst v34;
	v34 =	vld.idx.msk [tilespmem:v0+s29+$0x0], $0xffff;
	v5 =	vsub.f32 v5, v14;
	v19 =	vsub.f32 v19, v24  }
0x91: {  	[tilespmem:$0x1FF60] =	vst v0;
	v33 =	vld.idx.msk [tilespmem:v0+s30+$0x0], $0xffff;
	v0 =	vor.u32 $0x1F, v1;
	v28 =	vsub.f32 v28, v32;
	v32 =	vsub.f32 v37, v40  }
0x92: {  	v37 =	vsub.f32 v41, v42;
	v40 =	vsub.f32 v43, v44;
	v2 =	vmul.f32 v30, v30;
	v30 =	vld.idx.msk [tilespmem:v10+s29+$0x0], $0xffff  }
0x93: {  	v6 =	vor.u32 $0x21, v1;
	v43 =	vsub.f32 v47, v48;
	v3 =	vmul.f32 v3, v3;
	v24 =	vld.idx.msk [tilespmem:v10+s30+$0x0], $0xffff  }
0x94: {  	[tilespmem:$0x1FF70] =	vst v10;
	v32 =	vmul.f32 v32, v32;
	v48 =	vmul.f32 v19, v19;
	v19 =	vor.u32 $0x22, v1;
	v10 =	vld.idx.msk [tilespmem:v4+s29+$0x0], $0xffff  }
0x95: {  	v41 =	vsub.f32 v45, v46;
	v28 =	vmul.f32 v28, v28;
	v37 =	vmul.f32 v37, v37;
	v42 =	vld.idx.msk [tilespmem:v4+s30+$0x0], $0xffff  }
0x96: {  	v14 =	vadd.f32 v2, v3;
	v2 =	vor.u32 $0x20, v1;
	v3 =	vmul.f32 v5, v5;
	v44 =	vld.idx.msk [tilespmem:v0+s29+$0x0], $0xffff  }
0x97: {  	v40 =	vmul.f32 v40, v40;
	v41 =	vmul.f32 v41, v41;
	v46 =	vld.idx.msk [tilespmem:v0+s30+$0x0], $0xffff  }
0x98: {  	v43 =	vmul.f32 v43, v43;
	v45 =	vadd.f32 v37, v48;
	v48 =	vld.idx.msk [tilespmem:v6+s29+$0x0], $0xffff;
	v32 =	vadd.f32 v32, v3  }
0x99: {  	v5 =	vor.u32 $0x23, v1;
	v40 =	vadd.f32 v40, v28;
	v28 =	vsub.f32 v49, v50;
	v50 =	vld.idx.msk [tilespmem:v19+s29+$0x0], $0xffff  }
0x9a: {  	[tilespmem:$0x1FF90] =	vst v0;
	v0 =	vadd.f32 v41, v14;
	v41 =	vadd.f32 v43, v32;
	v43 =	vld.idx.msk [tilespmem:v6+s30+$0x0], $0xffff  }
0x9b: {  	v37 =	vor.u32 $0x26, v1;
	v3 =	vld.idx.msk [tilespmem:v2+s29+$0x0], $0xffff  }
0x9c: {  	[tilespmem:$0x1FFB0] =	vst v6;
	v47 =	vld.idx.msk [tilespmem:v2+s30+$0x0], $0xffff  }
0x9d: {  	v49 =	vsub.f32 v51, v52;
	[tilespmem:$0x1FFA0] =	vst v2;
	v6 =	vor.u32 $0x24, v1;
	v2 =	vsub.f32 v53, v54;
	v53 =	vld.idx.msk [tilespmem:v19+s30+$0x0], $0xffff  }
0x9e: {  	v14 =	vsub.f32 v55, v56;
	v56 =	vld.idx.msk [tilespmem:v5+s29+$0x0], $0xffff  }
0x9f: {  	[tilespmem:$0x1FFC0] =	vst v19;
	v49 =	vmul.f32 v49, v49;
	v32 =	vor.u32 $0x25, v1;
	v19 =	vsub.f32 v57, v58;
	v57 =	vld.idx.msk [tilespmem:v5+s30+$0x0], $0xffff  }
0xa0: {  	v28 =	vmul.f32 v28, v28;
	v52 =	vmul.f32 v14, v14;
	v14 =	vsub.f32 v61, v62;
	v61 =	vld.idx.msk [tilespmem:v37+s29+$0x0], $0xffff  }
0xa1: {  	v9 =	vsub.f32 v63, v9;
	v49 =	vadd.f32 v49, v40;
	v40 =	vor.u32 $0x27, v1;
	v62 =	vld.idx.msk [tilespmem:v37+s30+$0x0], $0xffff  }
0xa2: {  	v8 =	vsub.f32 v12, v8;
	v45 =	vadd.f32 v28, v45;
	v28 =	vor.u32 $0x29, v1;
	v55 =	vld.idx.msk [tilespmem:v6+s29+$0x0], $0xffff  }
0xa3: {  	v7 =	vsub.f32 v11, v7;
	[tilespmem:$0x1FFD0] =	vst v5;
	v5 =	vsub.f32 v25, v23;
	v58 =	vld.idx.msk [tilespmem:v6+s30+$0x0], $0xffff  }
0xa4: {  	v25 =	vsub.f32 v16, v13;
	v51 =	vmul.f32 v2, v2;
	v2 =	vsub.f32 v59, v60;
	v59 =	vld.idx.msk [tilespmem:v32+s29+$0x0], $0xffff  }
0xa5: {  	v15 =	vsub.f32 v20, v15;
	v11 =	vor.u32 $0x2D, v1;
	v9 =	vmul.f32 v9, v9;
	v60 =	vld.idx.msk [tilespmem:v32+s30+$0x0], $0xffff  }
0xa6: {  	v54 =	vmul.f32 v19, v19;
	v12 =	vmul.f32 v25, v25;
	v25 =	vor.u32 $0x2E, v1;
	v63 =	vld.idx.msk [tilespmem:v40+s29+$0x0], $0xffff  }
0xa7: {  	v8 =	vmul.f32 v8, v8;
	v0 =	vadd.f32 v51, v0;
	v51 =	vadd.f32 v52, v41;
	v13 =	vld.idx.msk [tilespmem:v28+s29+$0x0], $0xffff  }
0xa8: {  	v45 =	vadd.f32 v54, v45;
	v41 =	vor.u32 $0x28, v1;
	v19 =	vmul.f32 v2, v2;
	v20 =	vld.idx.msk [tilespmem:v28+s30+$0x0], $0xffff  }
0xa9: {  	v2 =	vmul.f32 v14, v14;
	v14 =	vor.u32 $0x2B, v1;
	v9 =	vadd.f32 v9, v51;
	v51 =	vld.idx.msk [tilespmem:v40+s30+$0x0], $0xffff  }
0xaa: {  	v52 =	vadd.f32 v8, v45;
	v8 =	vmul.f32 v5, v5;
	v5 =	vsub.f32 v30, v24;
	v24 =	vld.idx.msk [tilespmem:v11+s29+$0x0], $0xffff  }
0xab: {  	v7 =	vmul.f32 v7, v7;
	v17 =	vsub.f32 v21, v17;
	v49 =	vadd.f32 v19, v49;
	v30 =	vld.idx.msk [tilespmem:v25+s29+$0x0], $0xffff  }
0xac: {  	[tilespmem:$0x1FFE0] =	vst v6;
	v54 =	vsub.f32 v34, v33;
	v34 =	vsub.f32 v44, v46;
	v6 =	vor.u32 $0x31, v1;
	v44 =	vld.idx.msk [tilespmem:v25+s30+$0x0], $0xffff  }
0xad: {  	v17 =	vmul.f32 v17, v17;
	v49 =	vadd.f32 v7, v49;
	v7 =	vld.idx.msk [tilespmem:v41+s29+$0x0], $0xffff  }
0xae: {  	v29 =	vsub.f32 v36, v29;
	v21 =	vld.idx.msk [tilespmem:v41+s30+$0x0], $0xffff  }
0xaf: {  	v36 =	vsub.f32 v50, v53;
	v53 =	vor.u32 $0x34, v1;
	v17 =	vadd.f32 v17, v9;
	v9 =	vld.idx.msk [tilespmem:v14+s29+$0x0], $0xffff  }
0xb0: {  	v26 =	vsub.f32 v31, v26;
	v31 =	vld.idx.msk [tilespmem:v14+s30+$0x0], $0xffff  }
0xb1: {  	v29 =	vmul.f32 v29, v29;
	v43 =	vsub.f32 v48, v43;
	v19 =	vor.u32 $0x2A, v1;
	v48 =	vld.idx.msk [tilespmem:v6+s29+$0x0], $0xffff  }
0xb2: {  	v18 =	vsub.f32 v22, v18;
	[tilespmem:$0x1FF80] =	vst v4;
	v4 =	vld.idx.msk [tilespmem:v6+s30+$0x0], $0xffff  }
0xb3: {  	v15 =	vmul.f32 v15, v15;
	v45 =	vor.u32 $0x2C, v1;
	v17 =	vadd.f32 v29, v17;
	v29 =	vld.idx.msk [tilespmem:v11+s30+$0x0], $0xffff  }
0xb4: {  	v18 =	vmul.f32 v18, v18;
	v0 =	vadd.f32 v2, v0;
	v2 =	vmul.f32 v5, v5;
	v5 =	vld.idx.msk [tilespmem:v53+s29+$0x0], $0xffff  }
0xb5: {  	v33 =	vmul.f32 v54, v54;
	v54 =	vor.u32 $0x35, v1;
	v13 =	vsub.f32 v13, v20;
	v20 =	vld.idx.msk [tilespmem:v53+s30+$0x0], $0xffff  }
0xb6: {  	v26 =	vmul.f32 v26, v26;
	v10 =	vsub.f32 v10, v42;
	v3 =	vsub.f32 v3, v47;
	v22 =	vld.idx.msk [tilespmem:v19+s29+$0x0], $0xffff  }
0xb7: {  	v16 =	vsub.f32 v56, v57;
	v0 =	vadd.f32 v8, v0;
	v8 =	vor.u32 $0x2F, v1;
	v23 =	vld.idx.msk [tilespmem:v19+s30+$0x0], $0xffff  }
0xb8: {  	v56 =	vor.u32 $0x37, v1;
	v15 =	vadd.f32 v15, v52;
	v52 =	vsub.f32 v35, v27;
	v27 =	vld.idx.msk [tilespmem:v45+s29+$0x0], $0xffff  }
0xb9: {  	v35 =	vmul.f32 v10, v10;
	v10 =	vor.u32 $0x32, v1;
	v12 =	vadd.f32 v12, v49;
	v49 =	vld.idx.msk [tilespmem:v45+s30+$0x0], $0xffff  }
0xba: {  	v42 =	vmul.f32 v34, v34;
	v0 =	vadd.f32 v18, v0;
	v18 =	vmul.f32 v52, v52;
	v57 =	vld.idx.msk [tilespmem:v54+s29+$0x0], $0xffff  }
0xbb: {  	v34 =	vmul.f32 v36, v36;
	v60 =	vsub.f32 v59, v60;
	v26 =	vadd.f32 v26, v15;
	v59 =	vld.idx.msk [tilespmem:v54+s30+$0x0], $0xffff  }
0xbc: {  	v15 =	vor.u32 $0x30, v1;
	v12 =	vadd.f32 v18, v12;
	v2 =	vadd.f32 v2, v17;
	v17 =	vld.idx.msk [tilespmem:v8+s29+$0x0], $0xffff  }
0xbd: {  	v52 =	vor.u32 $0x33, v1;
	v0 =	vadd.f32 v33, v0;
	v18 =	vadd.f32 v35, v26;
	v46 =	vld.idx.msk [tilespmem:v8+s30+$0x0], $0xffff  }
0xbe: {  	v33 =	vsub.f32 v55, v58;
	v35 =	vmul.f32 v16, v16;
	v16 =	vsub.f32 v61, v62;
	v55 =	vld.idx.msk [tilespmem:v10+s30+$0x0], $0xffff  }
0xbf: {  	v43 =	vmul.f32 v43, v43;
	v3 =	vmul.f32 v3, v3;
	v12 =	vadd.f32 v42, v12;
	v42 =	vld.idx.msk [tilespmem:v10+s29+$0x0], $0xffff  }
0xc0: {  	v18 =	vadd.f32 v34, v18;
	v34 =	vmul.f32 v16, v16;
	v16 =	vsub.f32 v9, v31;
	v31 =	vld.idx.msk [tilespmem:v56+s29+$0x0], $0xffff  }
0xc1: {  	v51 =	vsub.f32 v63, v51;
	v58 =	vor.u32 $0x39, v1;
	v61 =	vor.u32 $0x3C, v1;
	v47 =	vld.idx.msk [tilespmem:v15+s29+$0x0], $0xffff  }
0xc2: {  	v30 =	vsub.f32 v30, v44;
	v62 =	vor.u32 $0x3D, v1;
	v0 =	vadd.f32 v3, v0;
	v26 =	vld.idx.msk [tilespmem:v15+s30+$0x0], $0xffff  }
0xc3: {  	v2 =	vadd.f32 v43, v2;
	v36 =	vmul.f32 v33, v33;
	v7 =	vsub.f32 v7, v21;
	v3 =	vld.idx.msk [tilespmem:v52+s29+$0x0], $0xffff  }
0xc4: {  	v33 =	vmul.f32 v60, v60;
	v60 =	vor.u32 $0x3B, v1;
	v50 =	vld.idx.msk [tilespmem:v52+s30+$0x0], $0xffff;
	v24 =	vsub.f32 v24, v29  }
0xc5: {  	v29 =	vld.idx.msk [tilespmem:v56+s30+$0x0], $0xffff;
	v43 =	vadd.f32 v35, v12;
	v0 =	vadd.f32 v36, v0;
	v35 =	vmul.f32 v7, v7  }
0xc6: {  	v51 =	vmul.f32 v51, v51;
	v18 =	vadd.f32 v34, v18;
	v34 =	vmul.f32 v30, v30;
	v30 =	vld.idx.msk [tilespmem:v61+s29+$0x0], $0xffff  }
0xc7: {  	v63 =	vor.u32 $0x3E, v1;
	v4 =	vsub.f32 v48, v4;
	v0 =	vadd.f32 v35, v0;
	v35 =	vld.idx.msk [tilespmem:v58+s29+$0x0], $0xffff  }
0xc8: {  	v13 =	vmul.f32 v13, v13;
	v5 =	vsub.f32 v5, v20;
	v36 =	vadd.f32 v51, v43;
	v51 =	vld.idx.msk [tilespmem:v61+s30+$0x0], $0xffff  }
0xc9: {  	v9 =	vor.u32 $0x3A, v1;
	v22 =	vsub.f32 v22, v23;
	v48 =	vsub.f32 v42, v55;
	v42 =	vld.idx.msk [tilespmem:v60+s29+$0x0], $0xffff  }
0xca: {  	v12 =	vor.u32 $0x36, v1;
	v27 =	vsub.f32 v27, v49;
	v17 =	vsub.f32 v17, v46;
	v46 =	vld.idx.msk [tilespmem:v60+s30+$0x0], $0xffff  }
0xcb: {  	v2 =	vadd.f32 v33, v2;
	v23 =	vmul.f32 v16, v16;
	v55 =	vsub.f32 v57, v59;
	v57 =	vld.idx.msk [tilespmem:v62+s30+$0x0], $0xffff  }
0xcc: {  	v7 =	vor.u32 $0x38, v1;
	v22 =	vmul.f32 v22, v22;
	v27 =	vmul.f32 v27, v27;
	v59 =	vld.idx.msk [tilespmem:v63+s29+$0x0], $0xffff  }
0xcd: {  	v24 =	vmul.f32 v24, v24;
	v2 =	vadd.f32 v13, v2;
	v21 =	vadd.f32 v23, v36;
	v36 =	vld.idx.msk [tilespmem:v58+s30+$0x0], $0xffff  }
0xce: {  	v18 =	vadd.f32 v22, v18;
	v0 =	vadd.f32 v27, v0;
	v22 =	vld.idx.msk [tilespmem:v9+s29+$0x0], $0xffff  }
0xcf: {  	v4 =	vmul.f32 v4, v4;
	v2 =	vadd.f32 v24, v2;
	v26 =	vsub.f32 v47, v26;
	v27 =	vld.idx.msk [tilespmem:v9+s30+$0x0], $0xffff  }
0xd0: {  	v3 =	vsub.f32 v3, v50;
	v17 =	vmul.f32 v17, v17;
	v29 =	vsub.f32 v31, v29;
	v43 =	vld.idx.msk [tilespmem:v12+s29+$0x0], $0xffff  }
0xd1: {  	v13 =	vld.idx.msk [tilespmem:v12+s30+$0x0], $0xffff;
	v50 =	vmul.f32 v48, v48;
	v4 =	vadd.f32 v4, v2;
	v2 =	vor.u32 $0x3F, v1  }
0xd2: {  	v44 =	vld.idx.msk [tilespmem:v7+s29+$0x0], $0xffff;
	v20 =	vmul.f32 v55, v55;
	v18 =	vadd.f32 v34, v18;
	v26 =	vmul.f32 v26, v26  }
0xd3: {  	v33 =	vld.idx.msk [tilespmem:v7+s30+$0x0], $0xffff;
	v17 =	vadd.f32 v17, v21;
	v3 =	vmul.f32 v3, v3;
	v51 =	vsub.f32 v30, v51  }
0xd4: {  	v34 =	vld.idx.msk [tilespmem:v63+s30+$0x0], $0xffff;
	v0 =	vadd.f32 v26, v0;
	v18 =	vadd.f32 v50, v18  }
0xd5: {  	v3 =	vadd.f32 v3, v17;
	v17 =	vld.idx.msk [tilespmem:v62+s29+$0x0], $0xffff;
	v4 =	vadd.f32 v20, v4  }
0xd6: {  	v5 =	vmul.f32 v5, v5;
	v50 =	vsub.f32 v42, v46;
	v23 =	vsub.f32 v35, v36;
	v36 =	vld.idx.msk [tilespmem:v2+s29+$0x0], $0xffff  }
0xd7: {  	v35 =	vmul.f32 v29, v29;
	v49 =	vsub.f32 v22, v27;
	v13 =	vsub.f32 v43, v13;
	v47 =	vld.idx.msk [tilespmem:v2+s30+$0x0], $0xffff  }
0xd8: {  	v33 =	vsub.f32 v44, v33;
	v0 =	vadd.f32 v5, v0  }
0xd9: {  	v3 =	vadd.f32 v35, v3;
	v48 =	vmul.f32 v23, v23;
	v5 =	vmul.f32 v49, v49  }
0xda: {  	v55 =	vsub.f32 v59, v34;
	v13 =	vmul.f32 v13, v13;
	v43 =	vmul.f32 v33, v33  }
0xdb: {  	v4 =	vadd.f32 v48, v4;
	v17 =	vsub.f32 v17, v57;
	v57 =	vmul.f32 v51, v51  }
0xdc: {  	v13 =	vadd.f32 v13, v18;
	v18 =	vmul.f32 v50, v50;
	v20 =	vsub.f32 v36, v47  }
0xdd: {  	v59 =	vmul.f32 v55, v55;
	v0 =	vadd.f32 v43, v0;
	v17 =	vmul.f32 v17, v17  }
0xde: {  	v5 =	vadd.f32 v5, v13;
	v3 =	vadd.f32 v18, v3;
	v20 =	vmul.f32 v20, v20  }
0xdf: {  	v0 =	vadd.f32 v57, v0;
	v4 =	vadd.f32 v17, v4  }
0xe0: {  	v5 =	vadd.f32 v59, v5;
	v3 =	vadd.f32 v20, v3;
	_ =	sdelay $0x1  }
0xe1: {  	v0 =	vadd.f32 v4, v0;
	v3 =	vadd.f32 v3, v5;
	_ =	sdelay $0x1  }
0xe2: {  	v0 =	vadd.f32 v3, v0;
	_ =	sdelay $0x1  }
0xe3: {  	v0 =	vmax.f32 v0, $1.000000020e-24  }
0xe4: {  	v21 =	vshrl.u32 v0, $0x1  }
0xe5: {  	v3 =	vadd.s32 $0x1FBD1DF5, v21  }
0xe6: {  	(erf) = vrcp.f32 v3;
	_ =	sdelay $0x8  }
0xe7: {  	v22 =	vpop (erf)  }
0xe8: {  	v4 =	vmul.f32 v22, v0;
	_ =	sdelay $0x1  }
0xe9: {  	v3 =	vadd.f32 v3, v4;
	_ =	sdelay $0x1  }
0xea: {  	v3 =	vmul.f32 $5.000000000e-01, v3;
	_ =	sdelay $0x1  }
0xeb: {  	(erf) = vrcp.f32 v3;
	_ =	sdelay $0x8  }
0xec: {  	v23 =	vpop (erf)  }
0xed: {  	v4 =	vmul.f32 v23, v0;
	_ =	sdelay $0x1  }
0xee: {  	v3 =	vadd.f32 v4, v3;
	_ =	sdelay $0x1  }
0xef: {  	v3 =	vmul.f32 $5.000000000e-01, v3;
	_ =	sdelay $0x1  }
0xf0: {  	(erf) = vrcp.f32 v3;
	_ =	sdelay $0x8  }
0xf1: {  	v24 =	vpop (erf)  }
0xf2: {  	v0 =	vmul.f32 v24, v0;
	_ =	sdelay $0x1  }
0xf3: {  	v0 =	vadd.f32 v0, v3;
	_ =	sdelay $0x1  }
0xf4: {  	v0 =	vmul.f32 $5.000000000e-01, v0;
	_ =	sdelay $0x1  }
0xf5: {  	v0 =	vmul.f32 $1.250000000e-01, v0;
	_ =	sdelay $0x1  }
0xf6: {  	v0 =	vmul.f32 $1.442695020e+00, v0;
	_ =	sdelay $0x1  }
0xf7: {  	(erf) = vpow2.f32 v0;
	_ =	sdelay $0x4  }
0xf8: {  	v26 =	vor.u32 $0x40, v1;
	_ =	sdelay $0x3  }
0xf9: {  	v0 =	vpop (erf)  }
0xfa: {  	[tilespmem:v26+s23+$0x0] =	vst.idx.msk $0xffff, v0  }
0xfb: {  	v3 =	vld.idx.msk [tilespmem:v26+s29+$0x0], $0xffff;
	_ =	sdelay $0x2  }
0xfc: {  	v27 =	vor.u32 $0x41, v1;
	_ =	sdelay $0x1  }
0xfd: {  	v3 =	vmul.f32 v0, v3;
	_ =	sdelay $0x1  }
0xfe: {  	[tilespmem:v1+s23+$0x0] =	vst.idx.msk $0xffff, v3  }
0xff: {  	v3 =	vld.idx.msk [tilespmem:v27+s29+$0x0], $0xffff;
	_ =	sdelay $0x2  }
0x100: {  	v29 =	vor.u32 $0x42, v1;
	_ =	sdelay $0x1  }
0x101: {  	v3 =	vmul.f32 v0, v3;
	_ =	sdelay $0x1  }
0x102: {  	[tilespmem:v39+s23+$0x0] =	vst.idx.msk $0xffff, v3  }
0x103: {  	v3 =	vld.idx.msk [tilespmem:v29+s29+$0x0], $0xffff;
	_ =	sdelay $0x2  }
0x104: {  	v30 =	vor.u32 $0x43, v1;
	_ =	sdelay $0x1  }
0x105: {  	v3 =	vmul.f32 v0, v3;
	_ =	sdelay $0x1  }
0x106: {  	v33 =	vld [tilespmem:$0x1FDD0];
	[tilespmem:v38+s23+$0x0] =	vst.idx.msk $0xffff, v3  }
0x107: {  	v3 =	vld.idx.msk [tilespmem:v30+s29+$0x0], $0xffff;
	_ =	sdelay $0x2  }
0x108: {  	v31 =	vor.u32 $0x44, v1;
	_ =	sdelay $0x1  }
0x109: {  	v3 =	vmul.f32 v0, v3;
	_ =	sdelay $0x1  }
0x10a: {  	v35 =	vld [tilespmem:$0x1FDE0];
	[tilespmem:v33+s23+$0x0] =	vst.idx.msk $0xffff, v3  }
0x10b: {  	v3 =	vld.idx.msk [tilespmem:v31+s29+$0x0], $0xffff;
	_ =	sdelay $0x2  }
0x10c: {  	v34 =	vor.u32 $0x45, v1;
	_ =	sdelay $0x1  }
0x10d: {  	v3 =	vmul.f32 v0, v3;
	_ =	sdelay $0x1  }
0x10e: {  	v38 =	vld [tilespmem:$0x1FDF0];
	[tilespmem:v35+s23+$0x0] =	vst.idx.msk $0xffff, v3  }
0x10f: {  	v3 =	vld.idx.msk [tilespmem:v34+s29+$0x0], $0xffff;
	_ =	sdelay $0x2  }
0x110: {  	v36 =	vor.u32 $0x46, v1;
	_ =	sdelay $0x1  }
0x111: {  	v3 =	vmul.f32 v0, v3;
	_ =	sdelay $0x1  }
0x112: {  	v42 =	vld [tilespmem:$0x1FE00];
	[tilespmem:v38+s23+$0x0] =	vst.idx.msk $0xffff, v3  }
0x113: {  	v3 =	vld.idx.msk [tilespmem:v36+s29+$0x0], $0xffff;
	_ =	sdelay $0x2  }
0x114: {  	v39 =	vor.u32 $0x47, v1;
	_ =	sdelay $0x1  }
0x115: {  	v3 =	vmul.f32 v0, v3;
	_ =	sdelay $0x1  }
0x116: {  	v44 =	vld [tilespmem:$0x1FE10];
	[tilespmem:v42+s23+$0x0] =	vst.idx.msk $0xffff, v3  }
0x117: {  	v3 =	vld.idx.msk [tilespmem:v39+s29+$0x0], $0xffff;
	_ =	sdelay $0x2  }
0x118: {  	v43 =	vor.u32 $0x48, v1;
	_ =	sdelay $0x1  }
0x119: {  	v3 =	vmul.f32 v0, v3;
	_ =	sdelay $0x1  }
0x11a: {  	v47 =	vld [tilespmem:$0x1FE20];
	[tilespmem:v44+s23+$0x0] =	vst.idx.msk $0xffff, v3  }
0x11b: {  	v3 =	vld.idx.msk [tilespmem:v43+s29+$0x0], $0xffff;
	_ =	sdelay $0x2  }
0x11c: {  	v46 =	vor.u32 $0x49, v1;
	_ =	sdelay $0x1  }
0x11d: {  	v3 =	vmul.f32 v0, v3;
	_ =	sdelay $0x1  }
0x11e: {  	v49 =	vld [tilespmem:$0x1FE30];
	[tilespmem:v47+s23+$0x0] =	vst.idx.msk $0xffff, v3  }
0x11f: {  	v3 =	vld.idx.msk [tilespmem:v46+s29+$0x0], $0xffff;
	_ =	sdelay $0x2  }
0x120: {  	v48 =	vor.u32 $0x4A, v1;
	_ =	sdelay $0x1  }
0x121: {  	v3 =	vmul.f32 v0, v3;
	_ =	sdelay $0x1  }
0x122: {  	v51 =	vld [tilespmem:$0x1FE40];
	[tilespmem:v49+s23+$0x0] =	vst.idx.msk $0xffff, v3  }
0x123: {  	v3 =	vld.idx.msk [tilespmem:v48+s29+$0x0], $0xffff;
	_ =	sdelay $0x2  }
0x124: {  	v50 =	vor.u32 $0x4B, v1;
	_ =	sdelay $0x1  }
0x125: {  	v3 =	vmul.f32 v0, v3;
	_ =	sdelay $0x1  }
0x126: {  	v57 =	vld [tilespmem:$0x1FE50];
	[tilespmem:v51+s23+$0x0] =	vst.idx.msk $0xffff, v3  }
0x127: {  	v3 =	vld.idx.msk [tilespmem:v50+s29+$0x0], $0xffff;
	_ =	sdelay $0x2  }
0x128: {  	v55 =	vor.u32 $0x4C, v1;
	_ =	sdelay $0x1  }
0x129: {  	v3 =	vmul.f32 v0, v3;
	_ =	sdelay $0x1  }
0x12a: {  	v13 =	vld [tilespmem:$0x1FE60];
	[tilespmem:v57+s23+$0x0] =	vst.idx.msk $0xffff, v3  }
0x12b: {  	v3 =	vld.idx.msk [tilespmem:v55+s29+$0x0], $0xffff;
	_ =	sdelay $0x2  }
0x12c: {  	v59 =	vor.u32 $0x4D, v1;
	_ =	sdelay $0x1  }
0x12d: {  	v3 =	vmul.f32 v3, v0;
	_ =	sdelay $0x1  }
0x12e: {  	v17 =	vld [tilespmem:$0x1FE70];
	[tilespmem:v13+s23+$0x0] =	vst.idx.msk $0xffff, v3  }
0x12f: {  	v3 =	vld.idx.msk [tilespmem:v59+s29+$0x0], $0xffff;
	_ =	sdelay $0x2  }
0x130: {  	v16 =	vor.u32 $0x4E, v1;
	_ =	sdelay $0x1  }
0x131: {  	v3 =	vmul.f32 v3, v0;
	_ =	sdelay $0x1  }
0x132: {  	v20 =	vld [tilespmem:$0x1FE80];
	[tilespmem:v17+s23+$0x0] =	vst.idx.msk $0xffff, v3  }
0x133: {  	v3 =	vld.idx.msk [tilespmem:v16+s29+$0x0], $0xffff;
	_ =	sdelay $0x2  }
0x134: {  	v18 =	vor.u32 $0x4F, v1;
	_ =	sdelay $0x1  }
0x135: {  	v3 =	vmul.f32 v3, v0;
	_ =	sdelay $0x1  }
0x136: {  	v22 =	vld [tilespmem:$0x1FE90];
	[tilespmem:v20+s23+$0x0] =	vst.idx.msk $0xffff, v3  }
0x137: {  	v3 =	vld.idx.msk [tilespmem:v18+s29+$0x0], $0xffff;
	_ =	sdelay $0x2  }
0x138: {  	v21 =	vor.u32 $0x50, v1;
	_ =	sdelay $0x1  }
0x139: {  	v3 =	vmul.f32 v3, v0;
	_ =	sdelay $0x1  }
0x13a: {  	v24 =	vld [tilespmem:$0x1FEA0];
	[tilespmem:v22+s23+$0x0] =	vst.idx.msk $0xffff, v3  }
0x13b: {  	v3 =	vld.idx.msk [tilespmem:v21+s29+$0x0], $0xffff;
	_ =	sdelay $0x2  }
0x13c: {  	v23 =	vor.u32 $0x51, v1;
	_ =	sdelay $0x1  }
0x13d: {  	v3 =	vmul.f32 v3, v0;
	_ =	sdelay $0x1  }
0x13e: {  	v27 =	vld [tilespmem:$0x1FEB0];
	[tilespmem:v24+s23+$0x0] =	vst.idx.msk $0xffff, v3  }
0x13f: {  	v3 =	vld.idx.msk [tilespmem:v23+s29+$0x0], $0xffff;
	_ =	sdelay $0x2  }
0x140: {  	v26 =	vor.u32 $0x52, v1;
	_ =	sdelay $0x1  }
0x141: {  	v3 =	vmul.f32 v3, v0;
	_ =	sdelay $0x1  }
0x142: {  	v30 =	vld [tilespmem:$0x1FEC0];
	[tilespmem:v27+s23+$0x0] =	vst.idx.msk $0xffff, v3  }
0x143: {  	v3 =	vld.idx.msk [tilespmem:v26+s29+$0x0], $0xffff;
	_ =	sdelay $0x2  }
0x144: {  	v29 =	vor.u32 $0x53, v1;
	_ =	sdelay $0x1  }
0x145: {  	v3 =	vmul.f32 v3, v0;
	_ =	sdelay $0x1  }
0x146: {  	v33 =	vld [tilespmem:$0x1FED0];
	[tilespmem:v30+s23+$0x0] =	vst.idx.msk $0xffff, v3  }
0x147: {  	v3 =	vld.idx.msk [tilespmem:v29+s29+$0x0], $0xffff;
	_ =	sdelay $0x2  }
0x148: {  	v31 =	vor.u32 $0x54, v1;
	_ =	sdelay $0x1  }
0x149: {  	v3 =	vmul.f32 v3, v0;
	_ =	sdelay $0x1  }
0x14a: {  	v35 =	vld [tilespmem:$0x1FEE0];
	[tilespmem:v33+s23+$0x0] =	vst.idx.msk $0xffff, v3  }
0x14b: {  	v3 =	vld.idx.msk [tilespmem:v31+s29+$0x0], $0xffff;
	_ =	sdelay $0x2  }
0x14c: {  	v34 =	vor.u32 $0x55, v1;
	_ =	sdelay $0x1  }
0x14d: {  	v3 =	vmul.f32 v3, v0;
	_ =	sdelay $0x1  }
0x14e: {  	v38 =	vld [tilespmem:$0x1FEF0];
	[tilespmem:v35+s23+$0x0] =	vst.idx.msk $0xffff, v3  }
0x14f: {  	v3 =	vld.idx.msk [tilespmem:v34+s29+$0x0], $0xffff;
	_ =	sdelay $0x2  }
0x150: {  	v36 =	vor.u32 $0x56, v1;
	_ =	sdelay $0x1  }
0x151: {  	v3 =	vmul.f32 v3, v0;
	_ =	sdelay $0x1  }
0x152: {  	v42 =	vld [tilespmem:$0x1FF00];
	[tilespmem:v38+s23+$0x0] =	vst.idx.msk $0xffff, v3  }
0x153: {  	v3 =	vld.idx.msk [tilespmem:v36+s29+$0x0], $0xffff;
	_ =	sdelay $0x2  }
0x154: {  	v39 =	vor.u32 $0x57, v1;
	_ =	sdelay $0x1  }
0x155: {  	v3 =	vmul.f32 v3, v0;
	_ =	sdelay $0x1  }
0x156: {  	v44 =	vld [tilespmem:$0x1FF10];
	[tilespmem:v42+s23+$0x0] =	vst.idx.msk $0xffff, v3  }
0x157: {  	v3 =	vld.idx.msk [tilespmem:v39+s29+$0x0], $0xffff;
	_ =	sdelay $0x2  }
0x158: {  	v43 =	vor.u32 $0x58, v1;
	_ =	sdelay $0x1  }
0x159: {  	v3 =	vmul.f32 v3, v0;
	_ =	sdelay $0x1  }
0x15a: {  	v47 =	vld [tilespmem:$0x1FF20];
	[tilespmem:v44+s23+$0x0] =	vst.idx.msk $0xffff, v3  }
0x15b: {  	v3 =	vld.idx.msk [tilespmem:v43+s29+$0x0], $0xffff;
	_ =	sdelay $0x2  }
0x15c: {  	v46 =	vor.u32 $0x59, v1;
	_ =	sdelay $0x1  }
0x15d: {  	v3 =	vmul.f32 v3, v0;
	_ =	sdelay $0x1  }
0x15e: {  	v49 =	vld [tilespmem:$0x1FF30];
	[tilespmem:v47+s23+$0x0] =	vst.idx.msk $0xffff, v3  }
0x15f: {  	v3 =	vld.idx.msk [tilespmem:v46+s29+$0x0], $0xffff;
	_ =	sdelay $0x2  }
0x160: {  	v48 =	vor.u32 $0x5A, v1;
	_ =	sdelay $0x1  }
0x161: {  	v3 =	vmul.f32 v3, v0;
	_ =	sdelay $0x1  }
0x162: {  	v51 =	vld [tilespmem:$0x1FF40];
	[tilespmem:v49+s23+$0x0] =	vst.idx.msk $0xffff, v3  }
0x163: {  	v3 =	vld.idx.msk [tilespmem:v48+s29+$0x0], $0xffff;
	_ =	sdelay $0x2  }
0x164: {  	v50 =	vor.u32 $0x5B, v1;
	_ =	sdelay $0x1  }
0x165: {  	v3 =	vmul.f32 v3, v0;
	_ =	sdelay $0x1  }
0x166: {  	v57 =	vld [tilespmem:$0x1FF50];
	[tilespmem:v51+s23+$0x0] =	vst.idx.msk $0xffff, v3  }
0x167: {  	v3 =	vld.idx.msk [tilespmem:v50+s29+$0x0], $0xffff;
	_ =	sdelay $0x2  }
0x168: {  	v55 =	vor.u32 $0x5C, v1;
	_ =	sdelay $0x1  }
0x169: {  	v3 =	vmul.f32 v3, v0;
	_ =	sdelay $0x1  }
0x16a: {  	v13 =	vld [tilespmem:$0x1FF60];
	[tilespmem:v57+s23+$0x0] =	vst.idx.msk $0xffff, v3  }
0x16b: {  	v3 =	vld.idx.msk [tilespmem:v55+s29+$0x0], $0xffff;
	_ =	sdelay $0x2  }
0x16c: {  	v59 =	vor.u32 $0x5D, v1;
	_ =	sdelay $0x1  }
0x16d: {  	v3 =	vmul.f32 v3, v0;
	_ =	sdelay $0x1  }
0x16e: {  	v17 =	vld [tilespmem:$0x1FF70];
	[tilespmem:v13+s23+$0x0] =	vst.idx.msk $0xffff, v3  }
0x16f: {  	v3 =	vld.idx.msk [tilespmem:v59+s29+$0x0], $0xffff;
	_ =	sdelay $0x2  }
0x170: {  	v16 =	vor.u32 $0x5E, v1;
	_ =	sdelay $0x1  }
0x171: {  	v3 =	vmul.f32 v3, v0;
	_ =	sdelay $0x1  }
0x172: {  	v20 =	vld [tilespmem:$0x1FF80];
	[tilespmem:v17+s23+$0x0] =	vst.idx.msk $0xffff, v3  }
0x173: {  	v3 =	vld.idx.msk [tilespmem:v16+s29+$0x0], $0xffff;
	_ =	sdelay $0x2  }
0x174: {  	v18 =	vor.u32 $0x5F, v1;
	_ =	sdelay $0x1  }
0x175: {  	v3 =	vmul.f32 v3, v0;
	_ =	sdelay $0x1  }
0x176: {  	v22 =	vld [tilespmem:$0x1FF90];
	[tilespmem:v20+s23+$0x0] =	vst.idx.msk $0xffff, v3  }
0x177: {  	v3 =	vld.idx.msk [tilespmem:v18+s29+$0x0], $0xffff;
	_ =	sdelay $0x2  }
0x178: {  	v21 =	vor.u32 $0x60, v1;
	_ =	sdelay $0x1  }
0x179: {  	v3 =	vmul.f32 v3, v0;
	_ =	sdelay $0x1  }
0x17a: {  	v24 =	vld [tilespmem:$0x1FFA0];
	[tilespmem:v22+s23+$0x0] =	vst.idx.msk $0xffff, v3  }
0x17b: {  	v3 =	vld.idx.msk [tilespmem:v21+s29+$0x0], $0xffff;
	_ =	sdelay $0x2  }
0x17c: {  	v23 =	vor.u32 $0x61, v1;
	_ =	sdelay $0x1  }
0x17d: {  	v3 =	vmul.f32 v3, v0;
	_ =	sdelay $0x1  }
0x17e: {  	v27 =	vld [tilespmem:$0x1FFB0];
	[tilespmem:v24+s23+$0x0] =	vst.idx.msk $0xffff, v3  }
0x17f: {  	v3 =	vld.idx.msk [tilespmem:v23+s29+$0x0], $0xffff;
	_ =	sdelay $0x2  }
0x180: {  	v26 =	vor.u32 $0x62, v1;
	_ =	sdelay $0x1  }
0x181: {  	v3 =	vmul.f32 v3, v0;
	_ =	sdelay $0x1  }
0x182: {  	v30 =	vld [tilespmem:$0x1FFC0];
	[tilespmem:v27+s23+$0x0] =	vst.idx.msk $0xffff, v3  }
0x183: {  	v3 =	vld.idx.msk [tilespmem:v26+s29+$0x0], $0xffff;
	_ =	sdelay $0x2  }
0x184: {  	v29 =	vor.u32 $0x63, v1;
	_ =	sdelay $0x1  }
0x185: {  	v3 =	vmul.f32 v3, v0;
	_ =	sdelay $0x1  }
0x186: {  	v33 =	vld [tilespmem:$0x1FFD0];
	[tilespmem:v30+s23+$0x0] =	vst.idx.msk $0xffff, v3  }
0x187: {  	v3 =	vld.idx.msk [tilespmem:v29+s29+$0x0], $0xffff;
	_ =	sdelay $0x2  }
0x188: {  	v31 =	vor.u32 $0x64, v1;
	_ =	sdelay $0x1  }
0x189: {  	v3 =	vmul.f32 v3, v0;
	_ =	sdelay $0x1  }
0x18a: {  	v35 =	vld [tilespmem:$0x1FFE0];
	[tilespmem:v33+s23+$0x0] =	vst.idx.msk $0xffff, v3  }
0x18b: {  	v3 =	vld.idx.msk [tilespmem:v31+s29+$0x0], $0xffff;
	_ =	sdelay $0x2  }
0x18c: {  	v34 =	vor.u32 $0x65, v1;
	_ =	sdelay $0x1  }
0x18d: {  	v3 =	vmul.f32 v3, v0;
	_ =	sdelay $0x1  }
0x18e: {  	[tilespmem:v35+s23+$0x0] =	vst.idx.msk $0xffff, v3  }
0x18f: {  	v3 =	vld.idx.msk [tilespmem:v34+s29+$0x0], $0xffff;
	_ =	sdelay $0x2  }
0x190: {  	v36 =	vor.u32 $0x66, v1;
	_ =	sdelay $0x1  }
0x191: {  	v3 =	vmul.f32 v3, v0;
	_ =	sdelay $0x1  }
0x192: {  	[tilespmem:v32+s23+$0x0] =	vst.idx.msk $0xffff, v3  }
0x193: {  	v3 =	vld.idx.msk [tilespmem:v36+s29+$0x0], $0xffff;
	_ =	sdelay $0x2  }
0x194: {  	v38 =	vor.u32 $0x67, v1;
	_ =	sdelay $0x1  }
0x195: {  	v3 =	vmul.f32 v3, v0;
	_ =	sdelay $0x1  }
0x196: {  	[tilespmem:v37+s23+$0x0] =	vst.idx.msk $0xffff, v3  }
0x197: {  	v3 =	vld.idx.msk [tilespmem:v38+s29+$0x0], $0xffff;
	_ =	sdelay $0x2  }
0x198: {  	v39 =	vor.u32 $0x68, v1;
	_ =	sdelay $0x1  }
0x199: {  	v3 =	vmul.f32 v3, v0;
	_ =	sdelay $0x1  }
0x19a: {  	[tilespmem:v40+s23+$0x0] =	vst.idx.msk $0xffff, v3  }
0x19b: {  	v3 =	vld.idx.msk [tilespmem:v39+s29+$0x0], $0xffff;
	_ =	sdelay $0x2  }
0x19c: {  	v40 =	vor.u32 $0x69, v1;
	_ =	sdelay $0x1  }
0x19d: {  	v3 =	vmul.f32 v3, v0;
	_ =	sdelay $0x1  }
0x19e: {  	[tilespmem:v41+s23+$0x0] =	vst.idx.msk $0xffff, v3  }
0x19f: {  	v3 =	vld.idx.msk [tilespmem:v40+s29+$0x0], $0xffff;
	_ =	sdelay $0x2  }
0x1a0: {  	v41 =	vor.u32 $0x6A, v1;
	_ =	sdelay $0x1  }
0x1a1: {  	v3 =	vmul.f32 v3, v0;
	_ =	sdelay $0x1  }
0x1a2: {  	[tilespmem:v28+s23+$0x0] =	vst.idx.msk $0xffff, v3  }
0x1a3: {  	v3 =	vld.idx.msk [tilespmem:v41+s29+$0x0], $0xffff;
	_ =	sdelay $0x2  }
0x1a4: {  	v42 =	vor.u32 $0x6B, v1;
	_ =	sdelay $0x1  }
0x1a5: {  	v3 =	vmul.f32 v3, v0;
	_ =	sdelay $0x1  }
0x1a6: {  	[tilespmem:v19+s23+$0x0] =	vst.idx.msk $0xffff, v3  }
0x1a7: {  	v3 =	vld.idx.msk [tilespmem:v42+s29+$0x0], $0xffff;
	_ =	sdelay $0x2  }
0x1a8: {  	v43 =	vor.u32 $0x6C, v1;
	_ =	sdelay $0x1  }
0x1a9: {  	v3 =	vmul.f32 v3, v0;
	_ =	sdelay $0x1  }
0x1aa: {  	[tilespmem:v14+s23+$0x0] =	vst.idx.msk $0xffff, v3  }
0x1ab: {  	v3 =	vld.idx.msk [tilespmem:v43+s29+$0x0], $0xffff;
	_ =	sdelay $0x2  }
0x1ac: {  	v44 =	vor.u32 $0x6D, v1;
	_ =	sdelay $0x1  }
0x1ad: {  	v3 =	vmul.f32 v3, v0;
	_ =	sdelay $0x1  }
0x1ae: {  	[tilespmem:v45+s23+$0x0] =	vst.idx.msk $0xffff, v3  }
0x1af: {  	v3 =	vld.idx.msk [tilespmem:v44+s29+$0x0], $0xffff;
	_ =	sdelay $0x2  }
0x1b0: {  	v45 =	vor.u32 $0x6E, v1;
	_ =	sdelay $0x1  }
0x1b1: {  	v3 =	vmul.f32 v3, v0;
	_ =	sdelay $0x1  }
0x1b2: {  	[tilespmem:v11+s23+$0x0] =	vst.idx.msk $0xffff, v3  }
0x1b3: {  	v3 =	vld.idx.msk [tilespmem:v45+s29+$0x0], $0xffff;
	_ =	sdelay $0x2  }
0x1b4: {  	v46 =	vor.u32 $0x6F, v1;
	_ =	sdelay $0x1  }
0x1b5: {  	v3 =	vmul.f32 v3, v0;
	_ =	sdelay $0x1  }
0x1b6: {  	[tilespmem:v25+s23+$0x0] =	vst.idx.msk $0xffff, v3  }
0x1b7: {  	v3 =	vld.idx.msk [tilespmem:v46+s29+$0x0], $0xffff;
	_ =	sdelay $0x2  }
0x1b8: {  	v47 =	vor.u32 $0x70, v1;
	_ =	sdelay $0x1  }
0x1b9: {  	v3 =	vmul.f32 v3, v0;
	_ =	sdelay $0x1  }
0x1ba: {  	[tilespmem:v8+s23+$0x0] =	vst.idx.msk $0xffff, v3  }
0x1bb: {  	v3 =	vld.idx.msk [tilespmem:v47+s29+$0x0], $0xffff;
	_ =	sdelay $0x2  }
0x1bc: {  	v48 =	vor.u32 $0x71, v1;
	_ =	sdelay $0x1  }
0x1bd: {  	v3 =	vmul.f32 v3, v0;
	_ =	sdelay $0x1  }
0x1be: {  	[tilespmem:v15+s23+$0x0] =	vst.idx.msk $0xffff, v3  }
0x1bf: {  	v3 =	vld.idx.msk [tilespmem:v48+s29+$0x0], $0xffff;
	_ =	sdelay $0x2  }
0x1c0: {  	v49 =	vor.u32 $0x72, v1;
	_ =	sdelay $0x1  }
0x1c1: {  	v3 =	vmul.f32 v3, v0;
	_ =	sdelay $0x1  }
0x1c2: {  	[tilespmem:v6+s23+$0x0] =	vst.idx.msk $0xffff, v3  }
0x1c3: {  	v3 =	vld.idx.msk [tilespmem:v49+s29+$0x0], $0xffff;
	_ =	sdelay $0x2  }
0x1c4: {  	v50 =	vor.u32 $0x73, v1;
	_ =	sdelay $0x1  }
0x1c5: {  	v3 =	vmul.f32 v3, v0;
	_ =	sdelay $0x1  }
0x1c6: {  	[tilespmem:v10+s23+$0x0] =	vst.idx.msk $0xffff, v3  }
0x1c7: {  	v3 =	vld.idx.msk [tilespmem:v50+s29+$0x0], $0xffff;
	_ =	sdelay $0x2  }
0x1c8: {  	v51 =	vor.u32 $0x74, v1;
	_ =	sdelay $0x1  }
0x1c9: {  	v3 =	vmul.f32 v3, v0;
	_ =	sdelay $0x1  }
0x1ca: {  	[tilespmem:v52+s23+$0x0] =	vst.idx.msk $0xffff, v3  }
0x1cb: {  	v3 =	vld.idx.msk [tilespmem:v51+s29+$0x0], $0xffff;
	_ =	sdelay $0x2  }
0x1cc: {  	v52 =	vor.u32 $0x75, v1;
	_ =	sdelay $0x1  }
0x1cd: {  	v3 =	vmul.f32 v3, v0;
	_ =	sdelay $0x1  }
0x1ce: {  	[tilespmem:v53+s23+$0x0] =	vst.idx.msk $0xffff, v3  }
0x1cf: {  	v3 =	vld.idx.msk [tilespmem:v52+s29+$0x0], $0xffff;
	_ =	sdelay $0x2  }
0x1d0: {  	v53 =	vor.u32 $0x76, v1;
	_ =	sdelay $0x1  }
0x1d1: {  	v3 =	vmul.f32 v3, v0;
	_ =	sdelay $0x1  }
0x1d2: {  	[tilespmem:v54+s23+$0x0] =	vst.idx.msk $0xffff, v3  }
0x1d3: {  	v3 =	vld.idx.msk [tilespmem:v53+s29+$0x0], $0xffff;
	_ =	sdelay $0x2  }
0x1d4: {  	v54 =	vor.u32 $0x77, v1;
	_ =	sdelay $0x1  }
0x1d5: {  	v3 =	vmul.f32 v3, v0;
	_ =	sdelay $0x1  }
0x1d6: {  	[tilespmem:v12+s23+$0x0] =	vst.idx.msk $0xffff, v3  }
0x1d7: {  	v3 =	vld.idx.msk [tilespmem:v54+s29+$0x0], $0xffff;
	_ =	sdelay $0x2  }
0x1d8: {  	v55 =	vor.u32 $0x78, v1;
	_ =	sdelay $0x1  }
0x1d9: {  	v3 =	vmul.f32 v3, v0;
	_ =	sdelay $0x1  }
0x1da: {  	[tilespmem:v56+s23+$0x0] =	vst.idx.msk $0xffff, v3  }
0x1db: {  	v3 =	vld.idx.msk [tilespmem:v55+s29+$0x0], $0xffff;
	_ =	sdelay $0x2  }
0x1dc: {  	v56 =	vor.u32 $0x79, v1;
	_ =	sdelay $0x1  }
0x1dd: {  	v3 =	vmul.f32 v3, v0;
	_ =	sdelay $0x1  }
0x1de: {  	[tilespmem:v7+s23+$0x0] =	vst.idx.msk $0xffff, v3  }
0x1df: {  	v3 =	vld.idx.msk [tilespmem:v56+s29+$0x0], $0xffff;
	_ =	sdelay $0x2  }
0x1e0: {  	v57 =	vor.u32 $0x7A, v1;
	_ =	sdelay $0x1  }
0x1e1: {  	v3 =	vmul.f32 v3, v0;
	_ =	sdelay $0x1  }
0x1e2: {  	[tilespmem:v58+s23+$0x0] =	vst.idx.msk $0xffff, v3  }
0x1e3: {  	v3 =	vld.idx.msk [tilespmem:v57+s29+$0x0], $0xffff;
	_ =	sdelay $0x2  }
0x1e4: {  	v58 =	vor.u32 $0x7B, v1;
	_ =	sdelay $0x1  }
0x1e5: {  	v3 =	vmul.f32 v3, v0;
	_ =	sdelay $0x1  }
0x1e6: {  	[tilespmem:v9+s23+$0x0] =	vst.idx.msk $0xffff, v3  }
0x1e7: {  	v3 =	vld.idx.msk [tilespmem:v58+s29+$0x0], $0xffff;
	_ =	sdelay $0x2  }
0x1e8: {  	v59 =	vor.u32 $0x7C, v1;
	_ =	sdelay $0x1  }
0x1e9: {  	v3 =	vmul.f32 v3, v0;
	_ =	sdelay $0x1  }
0x1ea: {  	[tilespmem:v60+s23+$0x0] =	vst.idx.msk $0xffff, v3  }
0x1eb: {  	v3 =	vld.idx.msk [tilespmem:v59+s29+$0x0], $0xffff;
	_ =	sdelay $0x2  }
0x1ec: {  	v60 =	vor.u32 $0x7D, v1;
	_ =	sdelay $0x1  }
0x1ed: {  	v3 =	vmul.f32 v3, v0;
	_ =	sdelay $0x1  }
0x1ee: {  	[tilespmem:v61+s23+$0x0] =	vst.idx.msk $0xffff, v3  }
0x1ef: {  	v3 =	vld.idx.msk [tilespmem:v60+s29+$0x0], $0xffff;
	_ =	sdelay $0x2  }
0x1f0: {  	v61 =	vor.u32 $0x7E, v1;
	_ =	sdelay $0x1  }
0x1f1: {  	v3 =	vmul.f32 v3, v0;
	_ =	sdelay $0x1  }
0x1f2: {  	[tilespmem:v62+s23+$0x0] =	vst.idx.msk $0xffff, v3  }
0x1f3: {  	v3 =	vld.idx.msk [tilespmem:v61+s29+$0x0], $0xffff;
	_ =	sdelay $0x2  }
0x1f4: {  	v1 =	vor.u32 $0x7F, v1;
	_ =	sdelay $0x1  }
0x1f5: {  	v3 =	vmul.f32 v3, v0;
	_ =	sdelay $0x1  }
0x1f6: {  	[tilespmem:v63+s23+$0x0] =	vst.idx.msk $0xffff, v3  }
0x1f7: {  	v1 =	vld.idx.msk [tilespmem:v1+s29+$0x0], $0xffff;
	_ =	sdelay $0x1  }
0x1f8: {  	p0 =	sne.s32 s15, $0x70  }
.Ltmp0:
0x1f9: {  	_ = 	snop;
	(pc) =	sbr.rel @p0 .LBB2_3-.Ltmp0, $3  }
0x1fa: {  	_ = 	snop  }
0x1fb: {  	v0 =	vmul.f32 v1, v0;
	_ =	sdelay $0x1  }
0x1fc: {  	s15 =	sadd.s32 $0x10, s15;
	[tilespmem:v2+s23+$0x0] =	vst.idx.msk $0xffff, v0  }
0x1fd: {  	s15 =	sshll.u32 s13, $0x8  }
0x1fe: {  	[spmem:s2] =	stream.indirect.scatter.add.f32 [tilespmem:s23], [sflag:$0x3], $0x80, s25, s25, $0xb8;
	[tilespmem:$0x1E200] =	vst v63  }
0x1ff: {  	p0 =	seq.s32 s13, $0x13;
	s16 =	sadd.s32 $0x100, s15  }
0x200: {  	s16 =	simm.s32 @p0 $0x0  }
0x201: {  	_ =	swait.ge [sflag:s24], $0x4000;
	s16 =	sadd.s32 s11, s16  }
0x202: {  	[sflag:s24] =	ssyncset.done $0x0;
	s17 =	sshrl.u32 s16, $0x3  }
0x203: {  	[sflag:s24] =	ssyncadd.s32 $0xFFFFC000;
	s16 =	simm.s32 $0x0;
	s18 =	sadd.s32 s5, s17  }
0x204: {  	[tilespmem:s16], [sflag:$0x3] =	stream.linear.gather [hbm4b:s18+s16], $0x80, $0x38;
	[tilespmem:$0x1E200] =	vst v63  }
0x205: {  	_ =	swait.ge [sflag:s24], $0x80  }
0x206: {  	[sflag:s24] =	ssyncset.done $0x0  }
0x207: {  	s17 =	sadd.s32 s6, s17;
	[sflag:s24] =	ssyncadd.s32 $0xFFFFFF80  }
0x208: {  	[tilespmem:s25], [sflag:$0x3] =	stream.linear.gather [hbm4b:s17+s16], $0x80, $0x38;
	[tilespmem:$0x1E200] =	vst v63  }
0x209: {  	_ =	swait.ge [sflag:s24], $0x80  }
0x20a: {  	[sflag:s24] =	ssyncset.done $0x0  }
0x20b: {  	[sflag:s24] =	ssyncadd.s32 $0xFFFFFF80  }
0x20c: {  	_ =	swait.ge [sflag:s8], $0x4000  }
0x20d: {  	[sflag:s8] =	ssyncset.done $0x0  }
0x20e: {  	[sflag:s8] =	ssyncadd.s32 $0xFFFFC000  }
0x20f: {  	_ =	swait.ge [sflag:s8], $0x4000  }
0x210: {  	[sflag:s8] =	ssyncset.done $0x0  }
0x211: {  	[sflag:s8] =	ssyncadd.s32 $0xFFFFC000  }
0x212: {  	[tilespmem:s29], [sflag:$0x1] =	stream.indirect.gather [hbm4b:s1+s25], $0x80, s16, s25, $0xb8;
	[tilespmem:$0x1E200] =	vst v63  }
0x213: {  	_ = 	snop  }
0x214: {  	[tilespmem:s30], [sflag:$0x1] =	stream.indirect.gather [hbm4b:s7+s25], $0x80, s25, s25, $0xb8;
	[tilespmem:$0x1E200] =	vst v63  }
.LBB2_5:
0x215: {  	v1 =	vld [tilespmem:$0x1FFF0];
	_ =	sdelay $0x2  }
0x216: {  	v0 =	vmov s16  }
0x217: {  	v0 =	vshll.u32 v0, $0x7  }
0x218: {  	v1 =	vor.u32 v1, v0;
	_ =	sdelay $0x1  }
0x219: {  	v39 =	vor.u32 $0x1, v1;
	_ =	sdelay $0x1  }
0x21a: {  	v38 =	vor.u32 $0x2, v1  }
0x21b: {  	v30 =	vld.idx.msk [tilespmem:v1+s0+$0x0], $0xffff  }
0x21c: {  	v4 =	vor.u32 $0x3, v1;
	v2 =	vld.idx.msk [tilespmem:v1+s4+$0x0], $0xffff  }
0x21d: {  	v5 =	vld.idx.msk [tilespmem:v39+s0+$0x0], $0xffff  }
0x21e: {  	v0 =	vor.u32 $0x4, v1;
	v14 =	vld.idx.msk [tilespmem:v39+s4+$0x0], $0xffff  }
0x21f: {  	v19 =	vld.idx.msk [tilespmem:v38+s0+$0x0], $0xffff  }
0x220: {  	v3 =	vor.u32 $0x5, v1;
	v24 =	vld.idx.msk [tilespmem:v38+s4+$0x0], $0xffff  }
0x221: {  	v28 =	vld.idx.msk [tilespmem:v4+s0+$0x0], $0xffff  }
0x222: {  	v7 =	vor.u32 $0x6, v1;
	v32 =	vld.idx.msk [tilespmem:v4+s4+$0x0], $0xffff  }
0x223: {  	[tilespmem:$0x1FBB0] =	vst v4;
	v4 =	vld.idx.msk [tilespmem:v0+s0+$0x0], $0xffff  }
0x224: {  	v63 =	vor.u32 $0x7, v1;
	v6 =	vld.idx.msk [tilespmem:v0+s4+$0x0], $0xffff  }
0x225: {  	v37 =	vld.idx.msk [tilespmem:v3+s0+$0x0], $0xffff  }
0x226: {  	v9 =	vor.u32 $0x8, v1;
	v40 =	vld.idx.msk [tilespmem:v3+s4+$0x0], $0xffff  }
0x227: {  	v41 =	vld.idx.msk [tilespmem:v7+s0+$0x0], $0xffff  }
0x228: {  	v10 =	vor.u32 $0x9, v1;
	v42 =	vld.idx.msk [tilespmem:v7+s4+$0x0], $0xffff  }
0x229: {  	v43 =	vld.idx.msk [tilespmem:v63+s0+$0x0], $0xffff  }
0x22a: {  	v11 =	vor.u32 $0xA, v1;
	v44 =	vld.idx.msk [tilespmem:v63+s4+$0x0], $0xffff  }
0x22b: {  	v45 =	vld.idx.msk [tilespmem:v9+s0+$0x0], $0xffff  }
0x22c: {  	v12 =	vor.u32 $0xB, v1;
	v46 =	vld.idx.msk [tilespmem:v9+s4+$0x0], $0xffff  }
0x22d: {  	v47 =	vld.idx.msk [tilespmem:v10+s0+$0x0], $0xffff  }
0x22e: {  	v13 =	vor.u32 $0xC, v1;
	v48 =	vld.idx.msk [tilespmem:v10+s4+$0x0], $0xffff  }
0x22f: {  	v49 =	vld.idx.msk [tilespmem:v11+s0+$0x0], $0xffff  }
0x230: {  	v15 =	vor.u32 $0xD, v1;
	v50 =	vld.idx.msk [tilespmem:v11+s4+$0x0], $0xffff  }
0x231: {  	v51 =	vld.idx.msk [tilespmem:v12+s0+$0x0], $0xffff  }
0x232: {  	v16 =	vor.u32 $0xE, v1;
	v52 =	vld.idx.msk [tilespmem:v12+s4+$0x0], $0xffff  }
0x233: {  	v53 =	vld.idx.msk [tilespmem:v13+s0+$0x0], $0xffff  }
0x234: {  	v17 =	vor.u32 $0xF, v1;
	v54 =	vld.idx.msk [tilespmem:v13+s4+$0x0], $0xffff  }
0x235: {  	v55 =	vld.idx.msk [tilespmem:v15+s0+$0x0], $0xffff  }
0x236: {  	v18 =	vor.u32 $0x10, v1;
	v56 =	vld.idx.msk [tilespmem:v15+s4+$0x0], $0xffff  }
0x237: {  	v57 =	vld.idx.msk [tilespmem:v16+s0+$0x0], $0xffff  }
0x238: {  	v20 =	vor.u32 $0x11, v1;
	v58 =	vld.idx.msk [tilespmem:v16+s4+$0x0], $0xffff  }
0x239: {  	v59 =	vld.idx.msk [tilespmem:v17+s0+$0x0], $0xffff  }
0x23a: {  	v21 =	vor.u32 $0x12, v1;
	v60 =	vld.idx.msk [tilespmem:v17+s4+$0x0], $0xffff  }
0x23b: {  	v61 =	vld.idx.msk [tilespmem:v18+s0+$0x0], $0xffff  }
0x23c: {  	v22 =	vor.u32 $0x13, v1;
	[tilespmem:$0x1FBC0] =	vst v0;
	v62 =	vld.idx.msk [tilespmem:v18+s4+$0x0], $0xffff  }
0x23d: {  	[tilespmem:$0x1FBF0] =	vst v63;
	v63 =	vld.idx.msk [tilespmem:v20+s0+$0x0], $0xffff  }
0x23e: {  	v23 =	vor.u32 $0x14, v1;
	[tilespmem:$0x1FC00] =	vst v9;
	v9 =	vld.idx.msk [tilespmem:v20+s4+$0x0], $0xffff  }
0x23f: {  	[tilespmem:$0x1FC30] =	vst v12;
	v12 =	vld.idx.msk [tilespmem:v21+s0+$0x0], $0xffff  }
0x240: {  	v29 =	vor.u32 $0x16, v1;
	[tilespmem:$0x1FBD0] =	vst v3;
	v8 =	vld.idx.msk [tilespmem:v21+s4+$0x0], $0xffff  }
0x241: {  	[tilespmem:$0x1FC20] =	vst v11;
	v11 =	vld.idx.msk [tilespmem:v22+s0+$0x0], $0xffff  }
0x242: {  	v31 =	vor.u32 $0x17, v1;
	[tilespmem:$0x1FBE0] =	vst v7;
	v7 =	vld.idx.msk [tilespmem:v22+s4+$0x0], $0xffff  }
0x243: {  	[tilespmem:$0x1FC10] =	vst v10;
	v25 =	vld.idx.msk [tilespmem:v23+s0+$0x0], $0xffff  }
0x244: {  	v33 =	vor.u32 $0x18, v1;
	[tilespmem:$0x1FCC0] =	vst v23;
	v23 =	vld.idx.msk [tilespmem:v23+s4+$0x0], $0xffff  }
0x245: {  	[tilespmem:$0x1FC90] =	vst v20;
	v20 =	vld.idx.msk [tilespmem:v29+s0+$0x0], $0xffff  }
0x246: {  	v34 =	vor.u32 $0x19, v1;
	[tilespmem:$0x1FC50] =	vst v15;
	v15 =	vld.idx.msk [tilespmem:v29+s4+$0x0], $0xffff  }
0x247: {  	[tilespmem:$0x1FC60] =	vst v16;
	v16 =	vld.idx.msk [tilespmem:v31+s0+$0x0], $0xffff  }
0x248: {  	v35 =	vor.u32 $0x1A, v1;
	[tilespmem:$0x1FC40] =	vst v13;
	v13 =	vld.idx.msk [tilespmem:v31+s4+$0x0], $0xffff  }
0x249: {  	[tilespmem:$0x1FCB0] =	vst v22;
	v22 =	vld.idx.msk [tilespmem:v33+s0+$0x0], $0xffff  }
0x24a: {  	[tilespmem:$0x1FC80] =	vst v18;
	v10 =	vor.u32 $0x15, v1;
	v18 =	vld.idx.msk [tilespmem:v33+s4+$0x0], $0xffff  }
0x24b: {  	[tilespmem:$0x1FC70] =	vst v17;
	v36 =	vld.idx.msk [tilespmem:v34+s0+$0x0], $0xffff  }
0x24c: {  	v27 =	vor.u32 $0x1B, v1;
	[tilespmem:$0x1FCE0] =	vst v29;
	v29 =	vld.idx.msk [tilespmem:v34+s4+$0x0], $0xffff  }
0x24d: {  	[tilespmem:$0x1FCF0] =	vst v31;
	v31 =	vld.idx.msk [tilespmem:v35+s0+$0x0], $0xffff  }
0x24e: {  	[tilespmem:$0x1FCA0] =	vst v21;
	v0 =	vor.u32 $0x1C, v1;
	v26 =	vld.idx.msk [tilespmem:v35+s4+$0x0], $0xffff  }
0x24f: {  	[tilespmem:$0x1FD00] =	vst v33;
	v21 =	vld.idx.msk [tilespmem:v10+s0+$0x0], $0xffff  }
0x250: {  	[tilespmem:$0x1FCD0] =	vst v10;
	v17 =	vld.idx.msk [tilespmem:v10+s4+$0x0], $0xffff;
	v10 =	vor.u32 $0x1D, v1  }
0x251: {  	[tilespmem:$0x1FD20] =	vst v35;
	v35 =	vld.idx.msk [tilespmem:v27+s0+$0x0], $0xffff  }
0x252: {  	[tilespmem:$0x1FD30] =	vst v27;
	v27 =	vld.idx.msk [tilespmem:v27+s4+$0x0], $0xffff;
	v3 =	vsub.f32 v30, v2;
	v30 =	vsub.f32 v4, v6;
	v4 =	vor.u32 $0x1E, v1  }
0x253: {  	[tilespmem:$0x1FD10] =	vst v34;
	v34 =	vld.idx.msk [tilespmem:v0+s0+$0x0], $0xffff;
	v5 =	vsub.f32 v5, v14;
	v19 =	vsub.f32 v19, v24  }
0x254: {  	[tilespmem:$0x1FD40] =	vst v0;
	v33 =	vld.idx.msk [tilespmem:v0+s4+$0x0], $0xffff;
	v0 =	vor.u32 $0x1F, v1;
	v28 =	vsub.f32 v28, v32;
	v32 =	vsub.f32 v37, v40  }
0x255: {  	v37 =	vsub.f32 v41, v42;
	v40 =	vsub.f32 v43, v44;
	v2 =	vmul.f32 v30, v30;
	v30 =	vld.idx.msk [tilespmem:v10+s0+$0x0], $0xffff  }
0x256: {  	v6 =	vor.u32 $0x21, v1;
	v43 =	vsub.f32 v47, v48;
	v3 =	vmul.f32 v3, v3;
	v24 =	vld.idx.msk [tilespmem:v10+s4+$0x0], $0xffff  }
0x257: {  	[tilespmem:$0x1FD50] =	vst v10;
	v32 =	vmul.f32 v32, v32;
	v48 =	vmul.f32 v19, v19;
	v19 =	vor.u32 $0x22, v1;
	v10 =	vld.idx.msk [tilespmem:v4+s0+$0x0], $0xffff  }
0x258: {  	v41 =	vsub.f32 v45, v46;
	v28 =	vmul.f32 v28, v28;
	v37 =	vmul.f32 v37, v37;
	v42 =	vld.idx.msk [tilespmem:v4+s4+$0x0], $0xffff  }
0x259: {  	v14 =	vadd.f32 v2, v3;
	v2 =	vor.u32 $0x20, v1;
	v3 =	vmul.f32 v5, v5;
	v44 =	vld.idx.msk [tilespmem:v0+s0+$0x0], $0xffff  }
0x25a: {  	v40 =	vmul.f32 v40, v40;
	v41 =	vmul.f32 v41, v41;
	v46 =	vld.idx.msk [tilespmem:v0+s4+$0x0], $0xffff  }
0x25b: {  	v43 =	vmul.f32 v43, v43;
	v45 =	vadd.f32 v37, v48;
	v48 =	vld.idx.msk [tilespmem:v6+s0+$0x0], $0xffff;
	v32 =	vadd.f32 v32, v3  }
0x25c: {  	v5 =	vor.u32 $0x23, v1;
	v40 =	vadd.f32 v40, v28;
	v28 =	vsub.f32 v49, v50;
	v50 =	vld.idx.msk [tilespmem:v19+s0+$0x0], $0xffff  }
0x25d: {  	[tilespmem:$0x1FD70] =	vst v0;
	v0 =	vadd.f32 v41, v14;
	v41 =	vadd.f32 v43, v32;
	v43 =	vld.idx.msk [tilespmem:v6+s4+$0x0], $0xffff  }
0x25e: {  	v37 =	vor.u32 $0x26, v1;
	v3 =	vld.idx.msk [tilespmem:v2+s0+$0x0], $0xffff  }
0x25f: {  	[tilespmem:$0x1FD90] =	vst v6;
	v47 =	vld.idx.msk [tilespmem:v2+s4+$0x0], $0xffff  }
0x260: {  	v49 =	vsub.f32 v51, v52;
	[tilespmem:$0x1FD80] =	vst v2;
	v6 =	vor.u32 $0x24, v1;
	v2 =	vsub.f32 v53, v54;
	v53 =	vld.idx.msk [tilespmem:v19+s4+$0x0], $0xffff  }
0x261: {  	v14 =	vsub.f32 v55, v56;
	v56 =	vld.idx.msk [tilespmem:v5+s0+$0x0], $0xffff  }
0x262: {  	[tilespmem:$0x1FDA0] =	vst v19;
	v49 =	vmul.f32 v49, v49;
	v32 =	vor.u32 $0x25, v1;
	v19 =	vsub.f32 v57, v58;
	v57 =	vld.idx.msk [tilespmem:v5+s4+$0x0], $0xffff  }
0x263: {  	v28 =	vmul.f32 v28, v28;
	v52 =	vmul.f32 v14, v14;
	v14 =	vsub.f32 v61, v62;
	v61 =	vld.idx.msk [tilespmem:v37+s0+$0x0], $0xffff  }
0x264: {  	v9 =	vsub.f32 v63, v9;
	v49 =	vadd.f32 v49, v40;
	v40 =	vor.u32 $0x27, v1;
	v62 =	vld.idx.msk [tilespmem:v37+s4+$0x0], $0xffff  }
0x265: {  	v8 =	vsub.f32 v12, v8;
	v45 =	vadd.f32 v28, v45;
	v28 =	vor.u32 $0x29, v1;
	v55 =	vld.idx.msk [tilespmem:v6+s0+$0x0], $0xffff  }
0x266: {  	v7 =	vsub.f32 v11, v7;
	[tilespmem:$0x1FDB0] =	vst v5;
	v5 =	vsub.f32 v25, v23;
	v58 =	vld.idx.msk [tilespmem:v6+s4+$0x0], $0xffff  }
0x267: {  	v25 =	vsub.f32 v16, v13;
	v51 =	vmul.f32 v2, v2;
	v2 =	vsub.f32 v59, v60;
	v59 =	vld.idx.msk [tilespmem:v32+s0+$0x0], $0xffff  }
0x268: {  	v15 =	vsub.f32 v20, v15;
	v11 =	vor.u32 $0x2D, v1;
	v9 =	vmul.f32 v9, v9;
	v60 =	vld.idx.msk [tilespmem:v32+s4+$0x0], $0xffff  }
0x269: {  	v54 =	vmul.f32 v19, v19;
	v12 =	vmul.f32 v25, v25;
	v25 =	vor.u32 $0x2E, v1;
	v63 =	vld.idx.msk [tilespmem:v40+s0+$0x0], $0xffff  }
0x26a: {  	v8 =	vmul.f32 v8, v8;
	v0 =	vadd.f32 v51, v0;
	v51 =	vadd.f32 v52, v41;
	v13 =	vld.idx.msk [tilespmem:v28+s0+$0x0], $0xffff  }
0x26b: {  	v45 =	vadd.f32 v54, v45;
	v41 =	vor.u32 $0x28, v1;
	v19 =	vmul.f32 v2, v2;
	v20 =	vld.idx.msk [tilespmem:v28+s4+$0x0], $0xffff  }
0x26c: {  	v2 =	vmul.f32 v14, v14;
	v14 =	vor.u32 $0x2B, v1;
	v9 =	vadd.f32 v9, v51;
	v51 =	vld.idx.msk [tilespmem:v40+s4+$0x0], $0xffff  }
0x26d: {  	v52 =	vadd.f32 v8, v45;
	v8 =	vmul.f32 v5, v5;
	v5 =	vsub.f32 v30, v24;
	v24 =	vld.idx.msk [tilespmem:v11+s0+$0x0], $0xffff  }
0x26e: {  	v7 =	vmul.f32 v7, v7;
	v17 =	vsub.f32 v21, v17;
	v49 =	vadd.f32 v19, v49;
	v30 =	vld.idx.msk [tilespmem:v25+s0+$0x0], $0xffff  }
0x26f: {  	[tilespmem:$0x1FDC0] =	vst v6;
	v54 =	vsub.f32 v34, v33;
	v34 =	vsub.f32 v44, v46;
	v6 =	vor.u32 $0x31, v1;
	v44 =	vld.idx.msk [tilespmem:v25+s4+$0x0], $0xffff  }
0x270: {  	v17 =	vmul.f32 v17, v17;
	v49 =	vadd.f32 v7, v49;
	v7 =	vld.idx.msk [tilespmem:v41+s0+$0x0], $0xffff  }
0x271: {  	v29 =	vsub.f32 v36, v29;
	v21 =	vld.idx.msk [tilespmem:v41+s4+$0x0], $0xffff  }
0x272: {  	v36 =	vsub.f32 v50, v53;
	v53 =	vor.u32 $0x34, v1;
	v17 =	vadd.f32 v17, v9;
	v9 =	vld.idx.msk [tilespmem:v14+s0+$0x0], $0xffff  }
0x273: {  	v26 =	vsub.f32 v31, v26;
	v31 =	vld.idx.msk [tilespmem:v14+s4+$0x0], $0xffff  }
0x274: {  	v29 =	vmul.f32 v29, v29;
	v43 =	vsub.f32 v48, v43;
	v19 =	vor.u32 $0x2A, v1;
	v48 =	vld.idx.msk [tilespmem:v6+s0+$0x0], $0xffff  }
0x275: {  	v18 =	vsub.f32 v22, v18;
	[tilespmem:$0x1FD60] =	vst v4;
	v4 =	vld.idx.msk [tilespmem:v6+s4+$0x0], $0xffff  }
0x276: {  	v15 =	vmul.f32 v15, v15;
	v45 =	vor.u32 $0x2C, v1;
	v17 =	vadd.f32 v29, v17;
	v29 =	vld.idx.msk [tilespmem:v11+s4+$0x0], $0xffff  }
0x277: {  	v18 =	vmul.f32 v18, v18;
	v0 =	vadd.f32 v2, v0;
	v2 =	vmul.f32 v5, v5;
	v5 =	vld.idx.msk [tilespmem:v53+s0+$0x0], $0xffff  }
0x278: {  	v33 =	vmul.f32 v54, v54;
	v54 =	vor.u32 $0x35, v1;
	v13 =	vsub.f32 v13, v20;
	v20 =	vld.idx.msk [tilespmem:v53+s4+$0x0], $0xffff  }
0x279: {  	v26 =	vmul.f32 v26, v26;
	v10 =	vsub.f32 v10, v42;
	v3 =	vsub.f32 v3, v47;
	v22 =	vld.idx.msk [tilespmem:v19+s0+$0x0], $0xffff  }
0x27a: {  	v16 =	vsub.f32 v56, v57;
	v0 =	vadd.f32 v8, v0;
	v8 =	vor.u32 $0x2F, v1;
	v23 =	vld.idx.msk [tilespmem:v19+s4+$0x0], $0xffff  }
0x27b: {  	v56 =	vor.u32 $0x37, v1;
	v15 =	vadd.f32 v15, v52;
	v52 =	vsub.f32 v35, v27;
	v27 =	vld.idx.msk [tilespmem:v45+s0+$0x0], $0xffff  }
0x27c: {  	v35 =	vmul.f32 v10, v10;
	v10 =	vor.u32 $0x32, v1;
	v12 =	vadd.f32 v12, v49;
	v49 =	vld.idx.msk [tilespmem:v45+s4+$0x0], $0xffff  }
0x27d: {  	v42 =	vmul.f32 v34, v34;
	v0 =	vadd.f32 v18, v0;
	v18 =	vmul.f32 v52, v52;
	v57 =	vld.idx.msk [tilespmem:v54+s0+$0x0], $0xffff  }
0x27e: {  	v34 =	vmul.f32 v36, v36;
	v60 =	vsub.f32 v59, v60;
	v26 =	vadd.f32 v26, v15;
	v59 =	vld.idx.msk [tilespmem:v54+s4+$0x0], $0xffff  }
0x27f: {  	v15 =	vor.u32 $0x30, v1;
	v12 =	vadd.f32 v18, v12;
	v2 =	vadd.f32 v2, v17;
	v17 =	vld.idx.msk [tilespmem:v8+s0+$0x0], $0xffff  }
0x280: {  	v52 =	vor.u32 $0x33, v1;
	v0 =	vadd.f32 v33, v0;
	v18 =	vadd.f32 v35, v26;
	v46 =	vld.idx.msk [tilespmem:v8+s4+$0x0], $0xffff  }
0x281: {  	v33 =	vsub.f32 v55, v58;
	v35 =	vmul.f32 v16, v16;
	v16 =	vsub.f32 v61, v62;
	v55 =	vld.idx.msk [tilespmem:v10+s4+$0x0], $0xffff  }
0x282: {  	v43 =	vmul.f32 v43, v43;
	v3 =	vmul.f32 v3, v3;
	v12 =	vadd.f32 v42, v12;
	v42 =	vld.idx.msk [tilespmem:v10+s0+$0x0], $0xffff  }
0x283: {  	v18 =	vadd.f32 v34, v18;
	v34 =	vmul.f32 v16, v16;
	v16 =	vsub.f32 v9, v31;
	v31 =	vld.idx.msk [tilespmem:v56+s0+$0x0], $0xffff  }
0x284: {  	v51 =	vsub.f32 v63, v51;
	v58 =	vor.u32 $0x39, v1;
	v61 =	vor.u32 $0x3C, v1;
	v47 =	vld.idx.msk [tilespmem:v15+s0+$0x0], $0xffff  }
0x285: {  	v30 =	vsub.f32 v30, v44;
	v62 =	vor.u32 $0x3D, v1;
	v0 =	vadd.f32 v3, v0;
	v26 =	vld.idx.msk [tilespmem:v15+s4+$0x0], $0xffff  }
0x286: {  	v2 =	vadd.f32 v43, v2;
	v36 =	vmul.f32 v33, v33;
	v7 =	vsub.f32 v7, v21;
	v3 =	vld.idx.msk [tilespmem:v52+s0+$0x0], $0xffff  }
0x287: {  	v33 =	vmul.f32 v60, v60;
	v60 =	vor.u32 $0x3B, v1;
	v50 =	vld.idx.msk [tilespmem:v52+s4+$0x0], $0xffff;
	v24 =	vsub.f32 v24, v29  }
0x288: {  	v29 =	vld.idx.msk [tilespmem:v56+s4+$0x0], $0xffff;
	v43 =	vadd.f32 v35, v12;
	v0 =	vadd.f32 v36, v0;
	v35 =	vmul.f32 v7, v7  }
0x289: {  	v51 =	vmul.f32 v51, v51;
	v18 =	vadd.f32 v34, v18;
	v34 =	vmul.f32 v30, v30;
	v30 =	vld.idx.msk [tilespmem:v61+s0+$0x0], $0xffff  }
0x28a: {  	v63 =	vor.u32 $0x3E, v1;
	v4 =	vsub.f32 v48, v4;
	v0 =	vadd.f32 v35, v0;
	v35 =	vld.idx.msk [tilespmem:v58+s0+$0x0], $0xffff  }
0x28b: {  	v13 =	vmul.f32 v13, v13;
	v5 =	vsub.f32 v5, v20;
	v36 =	vadd.f32 v51, v43;
	v51 =	vld.idx.msk [tilespmem:v61+s4+$0x0], $0xffff  }
0x28c: {  	v9 =	vor.u32 $0x3A, v1;
	v22 =	vsub.f32 v22, v23;
	v48 =	vsub.f32 v42, v55;
	v42 =	vld.idx.msk [tilespmem:v60+s0+$0x0], $0xffff  }
0x28d: {  	v12 =	vor.u32 $0x36, v1;
	v27 =	vsub.f32 v27, v49;
	v17 =	vsub.f32 v17, v46;
	v46 =	vld.idx.msk [tilespmem:v60+s4+$0x0], $0xffff  }
0x28e: {  	v2 =	vadd.f32 v33, v2;
	v23 =	vmul.f32 v16, v16;
	v55 =	vsub.f32 v57, v59;
	v57 =	vld.idx.msk [tilespmem:v62+s4+$0x0], $0xffff  }
0x28f: {  	v7 =	vor.u32 $0x38, v1;
	v22 =	vmul.f32 v22, v22;
	v27 =	vmul.f32 v27, v27;
	v59 =	vld.idx.msk [tilespmem:v63+s0+$0x0], $0xffff  }
0x290: {  	v24 =	vmul.f32 v24, v24;
	v2 =	vadd.f32 v13, v2;
	v21 =	vadd.f32 v23, v36;
	v36 =	vld.idx.msk [tilespmem:v58+s4+$0x0], $0xffff  }
0x291: {  	v18 =	vadd.f32 v22, v18;
	v0 =	vadd.f32 v27, v0;
	v22 =	vld.idx.msk [tilespmem:v9+s0+$0x0], $0xffff  }
0x292: {  	v4 =	vmul.f32 v4, v4;
	v2 =	vadd.f32 v24, v2;
	v26 =	vsub.f32 v47, v26;
	v27 =	vld.idx.msk [tilespmem:v9+s4+$0x0], $0xffff  }
0x293: {  	v3 =	vsub.f32 v3, v50;
	v17 =	vmul.f32 v17, v17;
	v29 =	vsub.f32 v31, v29;
	v43 =	vld.idx.msk [tilespmem:v12+s0+$0x0], $0xffff  }
0x294: {  	v13 =	vld.idx.msk [tilespmem:v12+s4+$0x0], $0xffff;
	v50 =	vmul.f32 v48, v48;
	v4 =	vadd.f32 v4, v2;
	v2 =	vor.u32 $0x3F, v1  }
0x295: {  	v44 =	vld.idx.msk [tilespmem:v7+s0+$0x0], $0xffff;
	v20 =	vmul.f32 v55, v55;
	v18 =	vadd.f32 v34, v18;
	v26 =	vmul.f32 v26, v26  }
0x296: {  	v33 =	vld.idx.msk [tilespmem:v7+s4+$0x0], $0xffff;
	v17 =	vadd.f32 v17, v21;
	v3 =	vmul.f32 v3, v3;
	v51 =	vsub.f32 v30, v51  }
0x297: {  	v34 =	vld.idx.msk [tilespmem:v63+s4+$0x0], $0xffff;
	v0 =	vadd.f32 v26, v0;
	v18 =	vadd.f32 v50, v18  }
0x298: {  	v3 =	vadd.f32 v3, v17;
	v17 =	vld.idx.msk [tilespmem:v62+s0+$0x0], $0xffff;
	v4 =	vadd.f32 v20, v4  }
0x299: {  	v5 =	vmul.f32 v5, v5;
	v50 =	vsub.f32 v42, v46;
	v23 =	vsub.f32 v35, v36;
	v36 =	vld.idx.msk [tilespmem:v2+s0+$0x0], $0xffff  }
0x29a: {  	v35 =	vmul.f32 v29, v29;
	v49 =	vsub.f32 v22, v27;
	v13 =	vsub.f32 v43, v13;
	v47 =	vld.idx.msk [tilespmem:v2+s4+$0x0], $0xffff  }
0x29b: {  	v33 =	vsub.f32 v44, v33;
	v0 =	vadd.f32 v5, v0  }
0x29c: {  	v3 =	vadd.f32 v35, v3;
	v48 =	vmul.f32 v23, v23;
	v5 =	vmul.f32 v49, v49  }
0x29d: {  	v55 =	vsub.f32 v59, v34;
	v13 =	vmul.f32 v13, v13;
	v43 =	vmul.f32 v33, v33  }
0x29e: {  	v4 =	vadd.f32 v48, v4;
	v17 =	vsub.f32 v17, v57;
	v57 =	vmul.f32 v51, v51  }
0x29f: {  	v13 =	vadd.f32 v13, v18;
	v18 =	vmul.f32 v50, v50;
	v20 =	vsub.f32 v36, v47  }
0x2a0: {  	v59 =	vmul.f32 v55, v55;
	v0 =	vadd.f32 v43, v0;
	v17 =	vmul.f32 v17, v17  }
0x2a1: {  	v5 =	vadd.f32 v5, v13;
	v3 =	vadd.f32 v18, v3;
	v20 =	vmul.f32 v20, v20  }
0x2a2: {  	v0 =	vadd.f32 v57, v0;
	v4 =	vadd.f32 v17, v4  }
0x2a3: {  	v5 =	vadd.f32 v59, v5;
	v3 =	vadd.f32 v20, v3;
	_ =	sdelay $0x1  }
0x2a4: {  	v0 =	vadd.f32 v4, v0;
	v3 =	vadd.f32 v3, v5;
	_ =	sdelay $0x1  }
0x2a5: {  	v0 =	vadd.f32 v3, v0;
	_ =	sdelay $0x1  }
0x2a6: {  	v0 =	vmax.f32 v0, $1.000000020e-24  }
0x2a7: {  	v21 =	vshrl.u32 v0, $0x1  }
0x2a8: {  	v3 =	vadd.s32 $0x1FBD1DF5, v21  }
0x2a9: {  	(erf) = vrcp.f32 v3;
	_ =	sdelay $0x8  }
0x2aa: {  	v22 =	vpop (erf)  }
0x2ab: {  	v4 =	vmul.f32 v22, v0;
	_ =	sdelay $0x1  }
0x2ac: {  	v3 =	vadd.f32 v3, v4;
	_ =	sdelay $0x1  }
0x2ad: {  	v3 =	vmul.f32 $5.000000000e-01, v3;
	_ =	sdelay $0x1  }
0x2ae: {  	(erf) = vrcp.f32 v3;
	_ =	sdelay $0x8  }
0x2af: {  	v23 =	vpop (erf)  }
0x2b0: {  	v4 =	vmul.f32 v23, v0;
	_ =	sdelay $0x1  }
0x2b1: {  	v3 =	vadd.f32 v4, v3;
	_ =	sdelay $0x1  }
0x2b2: {  	v3 =	vmul.f32 $5.000000000e-01, v3;
	_ =	sdelay $0x1  }
0x2b3: {  	(erf) = vrcp.f32 v3;
	_ =	sdelay $0x8  }
0x2b4: {  	v24 =	vpop (erf)  }
0x2b5: {  	v0 =	vmul.f32 v24, v0;
	_ =	sdelay $0x1  }
0x2b6: {  	v0 =	vadd.f32 v0, v3;
	_ =	sdelay $0x1  }
0x2b7: {  	v0 =	vmul.f32 $5.000000000e-01, v0;
	_ =	sdelay $0x1  }
0x2b8: {  	v0 =	vmul.f32 $1.250000000e-01, v0;
	_ =	sdelay $0x1  }
0x2b9: {  	v0 =	vmul.f32 $1.442695020e+00, v0;
	_ =	sdelay $0x1  }
0x2ba: {  	(erf) = vpow2.f32 v0;
	_ =	sdelay $0x4  }
0x2bb: {  	v26 =	vor.u32 $0x40, v1;
	_ =	sdelay $0x3  }
0x2bc: {  	v0 =	vpop (erf)  }
0x2bd: {  	[tilespmem:v26+s23+$0x0] =	vst.idx.msk $0xffff, v0  }
0x2be: {  	v3 =	vld.idx.msk [tilespmem:v26+s0+$0x0], $0xffff;
	_ =	sdelay $0x2  }
0x2bf: {  	v27 =	vor.u32 $0x41, v1;
	_ =	sdelay $0x1  }
0x2c0: {  	v3 =	vmul.f32 v0, v3;
	_ =	sdelay $0x1  }
0x2c1: {  	[tilespmem:v1+s23+$0x0] =	vst.idx.msk $0xffff, v3  }
0x2c2: {  	v3 =	vld.idx.msk [tilespmem:v27+s0+$0x0], $0xffff;
	_ =	sdelay $0x2  }
0x2c3: {  	v29 =	vor.u32 $0x42, v1;
	_ =	sdelay $0x1  }
0x2c4: {  	v3 =	vmul.f32 v0, v3;
	_ =	sdelay $0x1  }
0x2c5: {  	[tilespmem:v39+s23+$0x0] =	vst.idx.msk $0xffff, v3  }
0x2c6: {  	v3 =	vld.idx.msk [tilespmem:v29+s0+$0x0], $0xffff;
	_ =	sdelay $0x2  }
0x2c7: {  	v30 =	vor.u32 $0x43, v1;
	_ =	sdelay $0x1  }
0x2c8: {  	v3 =	vmul.f32 v0, v3;
	_ =	sdelay $0x1  }
0x2c9: {  	v33 =	vld [tilespmem:$0x1FBB0];
	[tilespmem:v38+s23+$0x0] =	vst.idx.msk $0xffff, v3  }
0x2ca: {  	v3 =	vld.idx.msk [tilespmem:v30+s0+$0x0], $0xffff;
	_ =	sdelay $0x2  }
0x2cb: {  	v31 =	vor.u32 $0x44, v1;
	_ =	sdelay $0x1  }
0x2cc: {  	v3 =	vmul.f32 v0, v3;
	_ =	sdelay $0x1  }
0x2cd: {  	v35 =	vld [tilespmem:$0x1FBC0];
	[tilespmem:v33+s23+$0x0] =	vst.idx.msk $0xffff, v3  }
0x2ce: {  	v3 =	vld.idx.msk [tilespmem:v31+s0+$0x0], $0xffff;
	_ =	sdelay $0x2  }
0x2cf: {  	v34 =	vor.u32 $0x45, v1;
	_ =	sdelay $0x1  }
0x2d0: {  	v3 =	vmul.f32 v0, v3;
	_ =	sdelay $0x1  }
0x2d1: {  	v38 =	vld [tilespmem:$0x1FBD0];
	[tilespmem:v35+s23+$0x0] =	vst.idx.msk $0xffff, v3  }
0x2d2: {  	v3 =	vld.idx.msk [tilespmem:v34+s0+$0x0], $0xffff;
	_ =	sdelay $0x2  }
0x2d3: {  	v36 =	vor.u32 $0x46, v1;
	_ =	sdelay $0x1  }
0x2d4: {  	v3 =	vmul.f32 v0, v3;
	_ =	sdelay $0x1  }
0x2d5: {  	v42 =	vld [tilespmem:$0x1FBE0];
	[tilespmem:v38+s23+$0x0] =	vst.idx.msk $0xffff, v3  }
0x2d6: {  	v3 =	vld.idx.msk [tilespmem:v36+s0+$0x0], $0xffff;
	_ =	sdelay $0x2  }
0x2d7: {  	v39 =	vor.u32 $0x47, v1;
	_ =	sdelay $0x1  }
0x2d8: {  	v3 =	vmul.f32 v0, v3;
	_ =	sdelay $0x1  }
0x2d9: {  	v44 =	vld [tilespmem:$0x1FBF0];
	[tilespmem:v42+s23+$0x0] =	vst.idx.msk $0xffff, v3  }
0x2da: {  	v3 =	vld.idx.msk [tilespmem:v39+s0+$0x0], $0xffff;
	_ =	sdelay $0x2  }
0x2db: {  	v43 =	vor.u32 $0x48, v1;
	_ =	sdelay $0x1  }
0x2dc: {  	v3 =	vmul.f32 v0, v3;
	_ =	sdelay $0x1  }
0x2dd: {  	v47 =	vld [tilespmem:$0x1FC00];
	[tilespmem:v44+s23+$0x0] =	vst.idx.msk $0xffff, v3  }
0x2de: {  	v3 =	vld.idx.msk [tilespmem:v43+s0+$0x0], $0xffff;
	_ =	sdelay $0x2  }
0x2df: {  	v46 =	vor.u32 $0x49, v1;
	_ =	sdelay $0x1  }
0x2e0: {  	v3 =	vmul.f32 v0, v3;
	_ =	sdelay $0x1  }
0x2e1: {  	v49 =	vld [tilespmem:$0x1FC10];
	[tilespmem:v47+s23+$0x0] =	vst.idx.msk $0xffff, v3  }
0x2e2: {  	v3 =	vld.idx.msk [tilespmem:v46+s0+$0x0], $0xffff;
	_ =	sdelay $0x2  }
0x2e3: {  	v48 =	vor.u32 $0x4A, v1;
	_ =	sdelay $0x1  }
0x2e4: {  	v3 =	vmul.f32 v0, v3;
	_ =	sdelay $0x1  }
0x2e5: {  	v51 =	vld [tilespmem:$0x1FC20];
	[tilespmem:v49+s23+$0x0] =	vst.idx.msk $0xffff, v3  }
0x2e6: {  	v3 =	vld.idx.msk [tilespmem:v48+s0+$0x0], $0xffff;
	_ =	sdelay $0x2  }
0x2e7: {  	v50 =	vor.u32 $0x4B, v1;
	_ =	sdelay $0x1  }
0x2e8: {  	v3 =	vmul.f32 v0, v3;
	_ =	sdelay $0x1  }
0x2e9: {  	v57 =	vld [tilespmem:$0x1FC30];
	[tilespmem:v51+s23+$0x0] =	vst.idx.msk $0xffff, v3  }
0x2ea: {  	v3 =	vld.idx.msk [tilespmem:v50+s0+$0x0], $0xffff;
	_ =	sdelay $0x2  }
0x2eb: {  	v55 =	vor.u32 $0x4C, v1;
	_ =	sdelay $0x1  }
0x2ec: {  	v3 =	vmul.f32 v0, v3;
	_ =	sdelay $0x1  }
0x2ed: {  	v13 =	vld [tilespmem:$0x1FC40];
	[tilespmem:v57+s23+$0x0] =	vst.idx.msk $0xffff, v3  }
0x2ee: {  	v3 =	vld.idx.msk [tilespmem:v55+s0+$0x0], $0xffff;
	_ =	sdelay $0x2  }
0x2ef: {  	v59 =	vor.u32 $0x4D, v1;
	_ =	sdelay $0x1  }
0x2f0: {  	v3 =	vmul.f32 v3, v0;
	_ =	sdelay $0x1  }
0x2f1: {  	v17 =	vld [tilespmem:$0x1FC50];
	[tilespmem:v13+s23+$0x0] =	vst.idx.msk $0xffff, v3  }
0x2f2: {  	v3 =	vld.idx.msk [tilespmem:v59+s0+$0x0], $0xffff;
	_ =	sdelay $0x2  }
0x2f3: {  	v16 =	vor.u32 $0x4E, v1;
	_ =	sdelay $0x1  }
0x2f4: {  	v3 =	vmul.f32 v3, v0;
	_ =	sdelay $0x1  }
0x2f5: {  	v20 =	vld [tilespmem:$0x1FC60];
	[tilespmem:v17+s23+$0x0] =	vst.idx.msk $0xffff, v3  }
0x2f6: {  	v3 =	vld.idx.msk [tilespmem:v16+s0+$0x0], $0xffff;
	_ =	sdelay $0x2  }
0x2f7: {  	v18 =	vor.u32 $0x4F, v1;
	_ =	sdelay $0x1  }
0x2f8: {  	v3 =	vmul.f32 v3, v0;
	_ =	sdelay $0x1  }
0x2f9: {  	v22 =	vld [tilespmem:$0x1FC70];
	[tilespmem:v20+s23+$0x0] =	vst.idx.msk $0xffff, v3  }
0x2fa: {  	v3 =	vld.idx.msk [tilespmem:v18+s0+$0x0], $0xffff;
	_ =	sdelay $0x2  }
0x2fb: {  	v21 =	vor.u32 $0x50, v1;
	_ =	sdelay $0x1  }
0x2fc: {  	v3 =	vmul.f32 v3, v0;
	_ =	sdelay $0x1  }
0x2fd: {  	v24 =	vld [tilespmem:$0x1FC80];
	[tilespmem:v22+s23+$0x0] =	vst.idx.msk $0xffff, v3  }
0x2fe: {  	v3 =	vld.idx.msk [tilespmem:v21+s0+$0x0], $0xffff;
	_ =	sdelay $0x2  }
0x2ff: {  	v23 =	vor.u32 $0x51, v1;
	_ =	sdelay $0x1  }
0x300: {  	v3 =	vmul.f32 v3, v0;
	_ =	sdelay $0x1  }
0x301: {  	v27 =	vld [tilespmem:$0x1FC90];
	[tilespmem:v24+s23+$0x0] =	vst.idx.msk $0xffff, v3  }
0x302: {  	v3 =	vld.idx.msk [tilespmem:v23+s0+$0x0], $0xffff;
	_ =	sdelay $0x2  }
0x303: {  	v26 =	vor.u32 $0x52, v1;
	_ =	sdelay $0x1  }
0x304: {  	v3 =	vmul.f32 v3, v0;
	_ =	sdelay $0x1  }
0x305: {  	v30 =	vld [tilespmem:$0x1FCA0];
	[tilespmem:v27+s23+$0x0] =	vst.idx.msk $0xffff, v3  }
0x306: {  	v3 =	vld.idx.msk [tilespmem:v26+s0+$0x0], $0xffff;
	_ =	sdelay $0x2  }
0x307: {  	v29 =	vor.u32 $0x53, v1;
	_ =	sdelay $0x1  }
0x308: {  	v3 =	vmul.f32 v3, v0;
	_ =	sdelay $0x1  }
0x309: {  	v33 =	vld [tilespmem:$0x1FCB0];
	[tilespmem:v30+s23+$0x0] =	vst.idx.msk $0xffff, v3  }
0x30a: {  	v3 =	vld.idx.msk [tilespmem:v29+s0+$0x0], $0xffff;
	_ =	sdelay $0x2  }
0x30b: {  	v31 =	vor.u32 $0x54, v1;
	_ =	sdelay $0x1  }
0x30c: {  	v3 =	vmul.f32 v3, v0;
	_ =	sdelay $0x1  }
0x30d: {  	v35 =	vld [tilespmem:$0x1FCC0];
	[tilespmem:v33+s23+$0x0] =	vst.idx.msk $0xffff, v3  }
0x30e: {  	v3 =	vld.idx.msk [tilespmem:v31+s0+$0x0], $0xffff;
	_ =	sdelay $0x2  }
0x30f: {  	v34 =	vor.u32 $0x55, v1;
	_ =	sdelay $0x1  }
0x310: {  	v3 =	vmul.f32 v3, v0;
	_ =	sdelay $0x1  }
0x311: {  	v38 =	vld [tilespmem:$0x1FCD0];
	[tilespmem:v35+s23+$0x0] =	vst.idx.msk $0xffff, v3  }
0x312: {  	v3 =	vld.idx.msk [tilespmem:v34+s0+$0x0], $0xffff;
	_ =	sdelay $0x2  }
0x313: {  	v36 =	vor.u32 $0x56, v1;
	_ =	sdelay $0x1  }
0x314: {  	v3 =	vmul.f32 v3, v0;
	_ =	sdelay $0x1  }
0x315: {  	v42 =	vld [tilespmem:$0x1FCE0];
	[tilespmem:v38+s23+$0x0] =	vst.idx.msk $0xffff, v3  }
0x316: {  	v3 =	vld.idx.msk [tilespmem:v36+s0+$0x0], $0xffff;
	_ =	sdelay $0x2  }
0x317: {  	v39 =	vor.u32 $0x57, v1;
	_ =	sdelay $0x1  }
0x318: {  	v3 =	vmul.f32 v3, v0;
	_ =	sdelay $0x1  }
0x319: {  	v44 =	vld [tilespmem:$0x1FCF0];
	[tilespmem:v42+s23+$0x0] =	vst.idx.msk $0xffff, v3  }
0x31a: {  	v3 =	vld.idx.msk [tilespmem:v39+s0+$0x0], $0xffff;
	_ =	sdelay $0x2  }
0x31b: {  	v43 =	vor.u32 $0x58, v1;
	_ =	sdelay $0x1  }
0x31c: {  	v3 =	vmul.f32 v3, v0;
	_ =	sdelay $0x1  }
0x31d: {  	v47 =	vld [tilespmem:$0x1FD00];
	[tilespmem:v44+s23+$0x0] =	vst.idx.msk $0xffff, v3  }
0x31e: {  	v3 =	vld.idx.msk [tilespmem:v43+s0+$0x0], $0xffff;
	_ =	sdelay $0x2  }
0x31f: {  	v46 =	vor.u32 $0x59, v1;
	_ =	sdelay $0x1  }
0x320: {  	v3 =	vmul.f32 v3, v0;
	_ =	sdelay $0x1  }
0x321: {  	v49 =	vld [tilespmem:$0x1FD10];
	[tilespmem:v47+s23+$0x0] =	vst.idx.msk $0xffff, v3  }
0x322: {  	v3 =	vld.idx.msk [tilespmem:v46+s0+$0x0], $0xffff;
	_ =	sdelay $0x2  }
0x323: {  	v48 =	vor.u32 $0x5A, v1;
	_ =	sdelay $0x1  }
0x324: {  	v3 =	vmul.f32 v3, v0;
	_ =	sdelay $0x1  }
0x325: {  	v51 =	vld [tilespmem:$0x1FD20];
	[tilespmem:v49+s23+$0x0] =	vst.idx.msk $0xffff, v3  }
0x326: {  	v3 =	vld.idx.msk [tilespmem:v48+s0+$0x0], $0xffff;
	_ =	sdelay $0x2  }
0x327: {  	v50 =	vor.u32 $0x5B, v1;
	_ =	sdelay $0x1  }
0x328: {  	v3 =	vmul.f32 v3, v0;
	_ =	sdelay $0x1  }
0x329: {  	v57 =	vld [tilespmem:$0x1FD30];
	[tilespmem:v51+s23+$0x0] =	vst.idx.msk $0xffff, v3  }
0x32a: {  	v3 =	vld.idx.msk [tilespmem:v50+s0+$0x0], $0xffff;
	_ =	sdelay $0x2  }
0x32b: {  	v55 =	vor.u32 $0x5C, v1;
	_ =	sdelay $0x1  }
0x32c: {  	v3 =	vmul.f32 v3, v0;
	_ =	sdelay $0x1  }
0x32d: {  	v13 =	vld [tilespmem:$0x1FD40];
	[tilespmem:v57+s23+$0x0] =	vst.idx.msk $0xffff, v3  }
0x32e: {  	v3 =	vld.idx.msk [tilespmem:v55+s0+$0x0], $0xffff;
	_ =	sdelay $0x2  }
0x32f: {  	v59 =	vor.u32 $0x5D, v1;
	_ =	sdelay $0x1  }
0x330: {  	v3 =	vmul.f32 v3, v0;
	_ =	sdelay $0x1  }
0x331: {  	v17 =	vld [tilespmem:$0x1FD50];
	[tilespmem:v13+s23+$0x0] =	vst.idx.msk $0xffff, v3  }
0x332: {  	v3 =	vld.idx.msk [tilespmem:v59+s0+$0x0], $0xffff;
	_ =	sdelay $0x2  }
0x333: {  	v16 =	vor.u32 $0x5E, v1;
	_ =	sdelay $0x1  }
0x334: {  	v3 =	vmul.f32 v3, v0;
	_ =	sdelay $0x1  }
0x335: {  	v20 =	vld [tilespmem:$0x1FD60];
	[tilespmem:v17+s23+$0x0] =	vst.idx.msk $0xffff, v3  }
0x336: {  	v3 =	vld.idx.msk [tilespmem:v16+s0+$0x0], $0xffff;
	_ =	sdelay $0x2  }
0x337: {  	v18 =	vor.u32 $0x5F, v1;
	_ =	sdelay $0x1  }
0x338: {  	v3 =	vmul.f32 v3, v0;
	_ =	sdelay $0x1  }
0x339: {  	v22 =	vld [tilespmem:$0x1FD70];
	[tilespmem:v20+s23+$0x0] =	vst.idx.msk $0xffff, v3  }
0x33a: {  	v3 =	vld.idx.msk [tilespmem:v18+s0+$0x0], $0xffff;
	_ =	sdelay $0x2  }
0x33b: {  	v21 =	vor.u32 $0x60, v1;
	_ =	sdelay $0x1  }
0x33c: {  	v3 =	vmul.f32 v3, v0;
	_ =	sdelay $0x1  }
0x33d: {  	v24 =	vld [tilespmem:$0x1FD80];
	[tilespmem:v22+s23+$0x0] =	vst.idx.msk $0xffff, v3  }
0x33e: {  	v3 =	vld.idx.msk [tilespmem:v21+s0+$0x0], $0xffff;
	_ =	sdelay $0x2  }
0x33f: {  	v23 =	vor.u32 $0x61, v1;
	_ =	sdelay $0x1  }
0x340: {  	v3 =	vmul.f32 v3, v0;
	_ =	sdelay $0x1  }
0x341: {  	v27 =	vld [tilespmem:$0x1FD90];
	[tilespmem:v24+s23+$0x0] =	vst.idx.msk $0xffff, v3  }
0x342: {  	v3 =	vld.idx.msk [tilespmem:v23+s0+$0x0], $0xffff;
	_ =	sdelay $0x2  }
0x343: {  	v26 =	vor.u32 $0x62, v1;
	_ =	sdelay $0x1  }
0x344: {  	v3 =	vmul.f32 v3, v0;
	_ =	sdelay $0x1  }
0x345: {  	v30 =	vld [tilespmem:$0x1FDA0];
	[tilespmem:v27+s23+$0x0] =	vst.idx.msk $0xffff, v3  }
0x346: {  	v3 =	vld.idx.msk [tilespmem:v26+s0+$0x0], $0xffff;
	_ =	sdelay $0x2  }
0x347: {  	v29 =	vor.u32 $0x63, v1;
	_ =	sdelay $0x1  }
0x348: {  	v3 =	vmul.f32 v3, v0;
	_ =	sdelay $0x1  }
0x349: {  	v33 =	vld [tilespmem:$0x1FDB0];
	[tilespmem:v30+s23+$0x0] =	vst.idx.msk $0xffff, v3  }
0x34a: {  	v3 =	vld.idx.msk [tilespmem:v29+s0+$0x0], $0xffff;
	_ =	sdelay $0x2  }
0x34b: {  	v31 =	vor.u32 $0x64, v1;
	_ =	sdelay $0x1  }
0x34c: {  	v3 =	vmul.f32 v3, v0;
	_ =	sdelay $0x1  }
0x34d: {  	v35 =	vld [tilespmem:$0x1FDC0];
	[tilespmem:v33+s23+$0x0] =	vst.idx.msk $0xffff, v3  }
0x34e: {  	v3 =	vld.idx.msk [tilespmem:v31+s0+$0x0], $0xffff;
	_ =	sdelay $0x2  }
0x34f: {  	v34 =	vor.u32 $0x65, v1;
	_ =	sdelay $0x1  }
0x350: {  	v3 =	vmul.f32 v3, v0;
	_ =	sdelay $0x1  }
0x351: {  	[tilespmem:v35+s23+$0x0] =	vst.idx.msk $0xffff, v3  }
0x352: {  	v3 =	vld.idx.msk [tilespmem:v34+s0+$0x0], $0xffff;
	_ =	sdelay $0x2  }
0x353: {  	v36 =	vor.u32 $0x66, v1;
	_ =	sdelay $0x1  }
0x354: {  	v3 =	vmul.f32 v3, v0;
	_ =	sdelay $0x1  }
0x355: {  	[tilespmem:v32+s23+$0x0] =	vst.idx.msk $0xffff, v3  }
0x356: {  	v3 =	vld.idx.msk [tilespmem:v36+s0+$0x0], $0xffff;
	_ =	sdelay $0x2  }
0x357: {  	v38 =	vor.u32 $0x67, v1;
	_ =	sdelay $0x1  }
0x358: {  	v3 =	vmul.f32 v3, v0;
	_ =	sdelay $0x1  }
0x359: {  	[tilespmem:v37+s23+$0x0] =	vst.idx.msk $0xffff, v3  }
0x35a: {  	v3 =	vld.idx.msk [tilespmem:v38+s0+$0x0], $0xffff;
	_ =	sdelay $0x2  }
0x35b: {  	v39 =	vor.u32 $0x68, v1;
	_ =	sdelay $0x1  }
0x35c: {  	v3 =	vmul.f32 v3, v0;
	_ =	sdelay $0x1  }
0x35d: {  	[tilespmem:v40+s23+$0x0] =	vst.idx.msk $0xffff, v3  }
0x35e: {  	v3 =	vld.idx.msk [tilespmem:v39+s0+$0x0], $0xffff;
	_ =	sdelay $0x2  }
0x35f: {  	v40 =	vor.u32 $0x69, v1;
	_ =	sdelay $0x1  }
0x360: {  	v3 =	vmul.f32 v3, v0;
	_ =	sdelay $0x1  }
0x361: {  	[tilespmem:v41+s23+$0x0] =	vst.idx.msk $0xffff, v3  }
0x362: {  	v3 =	vld.idx.msk [tilespmem:v40+s0+$0x0], $0xffff;
	_ =	sdelay $0x2  }
0x363: {  	v41 =	vor.u32 $0x6A, v1;
	_ =	sdelay $0x1  }
0x364: {  	v3 =	vmul.f32 v3, v0;
	_ =	sdelay $0x1  }
0x365: {  	[tilespmem:v28+s23+$0x0] =	vst.idx.msk $0xffff, v3  }
0x366: {  	v3 =	vld.idx.msk [tilespmem:v41+s0+$0x0], $0xffff;
	_ =	sdelay $0x2  }
0x367: {  	v42 =	vor.u32 $0x6B, v1;
	_ =	sdelay $0x1  }
0x368: {  	v3 =	vmul.f32 v3, v0;
	_ =	sdelay $0x1  }
0x369: {  	[tilespmem:v19+s23+$0x0] =	vst.idx.msk $0xffff, v3  }
0x36a: {  	v3 =	vld.idx.msk [tilespmem:v42+s0+$0x0], $0xffff;
	_ =	sdelay $0x2  }
0x36b: {  	v43 =	vor.u32 $0x6C, v1;
	_ =	sdelay $0x1  }
0x36c: {  	v3 =	vmul.f32 v3, v0;
	_ =	sdelay $0x1  }
0x36d: {  	[tilespmem:v14+s23+$0x0] =	vst.idx.msk $0xffff, v3  }
0x36e: {  	v3 =	vld.idx.msk [tilespmem:v43+s0+$0x0], $0xffff;
	_ =	sdelay $0x2  }
0x36f: {  	v44 =	vor.u32 $0x6D, v1;
	_ =	sdelay $0x1  }
0x370: {  	v3 =	vmul.f32 v3, v0;
	_ =	sdelay $0x1  }
0x371: {  	[tilespmem:v45+s23+$0x0] =	vst.idx.msk $0xffff, v3  }
0x372: {  	v3 =	vld.idx.msk [tilespmem:v44+s0+$0x0], $0xffff;
	_ =	sdelay $0x2  }
0x373: {  	v45 =	vor.u32 $0x6E, v1;
	_ =	sdelay $0x1  }
0x374: {  	v3 =	vmul.f32 v3, v0;
	_ =	sdelay $0x1  }
0x375: {  	[tilespmem:v11+s23+$0x0] =	vst.idx.msk $0xffff, v3  }
0x376: {  	v3 =	vld.idx.msk [tilespmem:v45+s0+$0x0], $0xffff;
	_ =	sdelay $0x2  }
0x377: {  	v46 =	vor.u32 $0x6F, v1;
	_ =	sdelay $0x1  }
0x378: {  	v3 =	vmul.f32 v3, v0;
	_ =	sdelay $0x1  }
0x379: {  	[tilespmem:v25+s23+$0x0] =	vst.idx.msk $0xffff, v3  }
0x37a: {  	v3 =	vld.idx.msk [tilespmem:v46+s0+$0x0], $0xffff;
	_ =	sdelay $0x2  }
0x37b: {  	v47 =	vor.u32 $0x70, v1;
	_ =	sdelay $0x1  }
0x37c: {  	v3 =	vmul.f32 v3, v0;
	_ =	sdelay $0x1  }
0x37d: {  	[tilespmem:v8+s23+$0x0] =	vst.idx.msk $0xffff, v3  }
0x37e: {  	v3 =	vld.idx.msk [tilespmem:v47+s0+$0x0], $0xffff;
	_ =	sdelay $0x2  }
0x37f: {  	v48 =	vor.u32 $0x71, v1;
	_ =	sdelay $0x1  }
0x380: {  	v3 =	vmul.f32 v3, v0;
	_ =	sdelay $0x1  }
0x381: {  	[tilespmem:v15+s23+$0x0] =	vst.idx.msk $0xffff, v3  }
0x382: {  	v3 =	vld.idx.msk [tilespmem:v48+s0+$0x0], $0xffff;
	_ =	sdelay $0x2  }
0x383: {  	v49 =	vor.u32 $0x72, v1;
	_ =	sdelay $0x1  }
0x384: {  	v3 =	vmul.f32 v3, v0;
	_ =	sdelay $0x1  }
0x385: {  	[tilespmem:v6+s23+$0x0] =	vst.idx.msk $0xffff, v3  }
0x386: {  	v3 =	vld.idx.msk [tilespmem:v49+s0+$0x0], $0xffff;
	_ =	sdelay $0x2  }
0x387: {  	v50 =	vor.u32 $0x73, v1;
	_ =	sdelay $0x1  }
0x388: {  	v3 =	vmul.f32 v3, v0;
	_ =	sdelay $0x1  }
0x389: {  	[tilespmem:v10+s23+$0x0] =	vst.idx.msk $0xffff, v3  }
0x38a: {  	v3 =	vld.idx.msk [tilespmem:v50+s0+$0x0], $0xffff;
	_ =	sdelay $0x2  }
0x38b: {  	v51 =	vor.u32 $0x74, v1;
	_ =	sdelay $0x1  }
0x38c: {  	v3 =	vmul.f32 v3, v0;
	_ =	sdelay $0x1  }
0x38d: {  	[tilespmem:v52+s23+$0x0] =	vst.idx.msk $0xffff, v3  }
0x38e: {  	v3 =	vld.idx.msk [tilespmem:v51+s0+$0x0], $0xffff;
	_ =	sdelay $0x2  }
0x38f: {  	v52 =	vor.u32 $0x75, v1;
	_ =	sdelay $0x1  }
0x390: {  	v3 =	vmul.f32 v3, v0;
	_ =	sdelay $0x1  }
0x391: {  	[tilespmem:v53+s23+$0x0] =	vst.idx.msk $0xffff, v3  }
0x392: {  	v3 =	vld.idx.msk [tilespmem:v52+s0+$0x0], $0xffff;
	_ =	sdelay $0x2  }
0x393: {  	v53 =	vor.u32 $0x76, v1;
	_ =	sdelay $0x1  }
0x394: {  	v3 =	vmul.f32 v3, v0;
	_ =	sdelay $0x1  }
0x395: {  	[tilespmem:v54+s23+$0x0] =	vst.idx.msk $0xffff, v3  }
0x396: {  	v3 =	vld.idx.msk [tilespmem:v53+s0+$0x0], $0xffff;
	_ =	sdelay $0x2  }
0x397: {  	v54 =	vor.u32 $0x77, v1;
	_ =	sdelay $0x1  }
0x398: {  	v3 =	vmul.f32 v3, v0;
	_ =	sdelay $0x1  }
0x399: {  	[tilespmem:v12+s23+$0x0] =	vst.idx.msk $0xffff, v3  }
0x39a: {  	v3 =	vld.idx.msk [tilespmem:v54+s0+$0x0], $0xffff;
	_ =	sdelay $0x2  }
0x39b: {  	v55 =	vor.u32 $0x78, v1;
	_ =	sdelay $0x1  }
0x39c: {  	v3 =	vmul.f32 v3, v0;
	_ =	sdelay $0x1  }
0x39d: {  	[tilespmem:v56+s23+$0x0] =	vst.idx.msk $0xffff, v3  }
0x39e: {  	v3 =	vld.idx.msk [tilespmem:v55+s0+$0x0], $0xffff;
	_ =	sdelay $0x2  }
0x39f: {  	v56 =	vor.u32 $0x79, v1;
	_ =	sdelay $0x1  }
0x3a0: {  	v3 =	vmul.f32 v3, v0;
	_ =	sdelay $0x1  }
0x3a1: {  	[tilespmem:v7+s23+$0x0] =	vst.idx.msk $0xffff, v3  }
0x3a2: {  	v3 =	vld.idx.msk [tilespmem:v56+s0+$0x0], $0xffff;
	_ =	sdelay $0x2  }
0x3a3: {  	v57 =	vor.u32 $0x7A, v1;
	_ =	sdelay $0x1  }
0x3a4: {  	v3 =	vmul.f32 v3, v0;
	_ =	sdelay $0x1  }
0x3a5: {  	[tilespmem:v58+s23+$0x0] =	vst.idx.msk $0xffff, v3  }
0x3a6: {  	v3 =	vld.idx.msk [tilespmem:v57+s0+$0x0], $0xffff;
	_ =	sdelay $0x2  }
0x3a7: {  	v58 =	vor.u32 $0x7B, v1;
	_ =	sdelay $0x1  }
0x3a8: {  	v3 =	vmul.f32 v3, v0;
	_ =	sdelay $0x1  }
0x3a9: {  	[tilespmem:v9+s23+$0x0] =	vst.idx.msk $0xffff, v3  }
0x3aa: {  	v3 =	vld.idx.msk [tilespmem:v58+s0+$0x0], $0xffff;
	_ =	sdelay $0x2  }
0x3ab: {  	v59 =	vor.u32 $0x7C, v1;
	_ =	sdelay $0x1  }
0x3ac: {  	v3 =	vmul.f32 v3, v0;
	_ =	sdelay $0x1  }
0x3ad: {  	[tilespmem:v60+s23+$0x0] =	vst.idx.msk $0xffff, v3  }
0x3ae: {  	v3 =	vld.idx.msk [tilespmem:v59+s0+$0x0], $0xffff;
	_ =	sdelay $0x2  }
0x3af: {  	v60 =	vor.u32 $0x7D, v1;
	_ =	sdelay $0x1  }
0x3b0: {  	v3 =	vmul.f32 v3, v0;
	_ =	sdelay $0x1  }
0x3b1: {  	[tilespmem:v61+s23+$0x0] =	vst.idx.msk $0xffff, v3  }
0x3b2: {  	v3 =	vld.idx.msk [tilespmem:v60+s0+$0x0], $0xffff;
	_ =	sdelay $0x2  }
0x3b3: {  	v61 =	vor.u32 $0x7E, v1;
	_ =	sdelay $0x1  }
0x3b4: {  	v3 =	vmul.f32 v3, v0;
	_ =	sdelay $0x1  }
0x3b5: {  	[tilespmem:v62+s23+$0x0] =	vst.idx.msk $0xffff, v3  }
0x3b6: {  	v3 =	vld.idx.msk [tilespmem:v61+s0+$0x0], $0xffff;
	_ =	sdelay $0x2  }
0x3b7: {  	v1 =	vor.u32 $0x7F, v1;
	_ =	sdelay $0x1  }
0x3b8: {  	v3 =	vmul.f32 v3, v0;
	_ =	sdelay $0x1  }
0x3b9: {  	[tilespmem:v63+s23+$0x0] =	vst.idx.msk $0xffff, v3  }
0x3ba: {  	v1 =	vld.idx.msk [tilespmem:v1+s0+$0x0], $0xffff;
	_ =	sdelay $0x1  }
0x3bb: {  	p1 =	sne.s32 s16, $0x70  }
.Ltmp1:
0x3bc: {  	_ = 	snop;
	(pc) =	sbr.rel @p1 .LBB2_5-.Ltmp1, $3  }
0x3bd: {  	_ = 	snop  }
0x3be: {  	v0 =	vmul.f32 v1, v0;
	_ =	sdelay $0x1  }
0x3bf: {  	s16 =	sadd.s32 $0x10, s16;
	[tilespmem:v2+s23+$0x0] =	vst.idx.msk $0xffff, v0  }
0x3c0: {  	[spmem:s2] =	stream.indirect.scatter.add.f32 [tilespmem:s23], [sflag:$0x3], $0x80, s28, s25, $0xb8;
	[tilespmem:$0x1E200] =	vst v63  }
0x3c1: {  	s15 =	sadd.s32 $0x180, s15  }
0x3c2: {  	s15 =	simm.s32 @p0 $0x0  }
0x3c3: {  	_ =	swait.ge [sflag:s24], $0x4000;
	s15 =	sadd.s32 s11, s15  }
0x3c4: {  	[sflag:s24] =	ssyncset.done $0x0;
	s15 =	sshrl.u32 s15, $0x3  }
0x3c5: {  	[sflag:s24] =	ssyncadd.s32 $0xFFFFC000;
	s16 =	sadd.s32 s5, s15  }
0x3c6: {  	[tilespmem:s26], [sflag:$0x3] =	stream.linear.gather [hbm4b:s16+s3], $0x80, $0x38;
	[tilespmem:$0x1E200] =	vst v63  }
0x3c7: {  	s13 =	sadd.s32 $0x1, s13;
	_ =	swait.ge [sflag:s24], $0x80  }
0x3c8: {  	p0 =	sne.s32 s13, $0x14;
	[sflag:s24] =	ssyncset.done $0x0  }
.Ltmp2:
0x3c9: {  	s15 =	sadd.s32 s6, s15;
	[sflag:s24] =	ssyncadd.s32 $0xFFFFFF80;
	(pc) =	sbr.rel @p0 .LBB2_2-.Ltmp2, $4  }
0x3ca: {  	[tilespmem:s28], [sflag:$0x3] =	stream.linear.gather [hbm4b:s15+s3], $0x80, $0x38;
	[tilespmem:$0x1E200] =	vst v63  }
0x3cb: {  	_ =	swait.ge [sflag:s24], $0x80  }
0x3cc: {  	[sflag:s24] =	ssyncset.done $0x0  }
0x3cd: {  	[sflag:s24] =	ssyncadd.s32 $0xFFFFFF80  }
0x3ce: {  	_ =	swait.ge [sflag:s31], $0x4000  }
0x3cf: {  	[sflag:s31] =	ssyncset.done $0x0  }
0x3d0: {  	[sflag:s31] =	ssyncadd.s32 $0xFFFFC000  }
0x3d1: {  	_ =	swait.ge [sflag:s31], $0x4000  }
0x3d2: {  	[sflag:s31] =	ssyncset.done $0x0  }
0x3d3: {  	[sflag:s31] =	ssyncadd.s32 $0xFFFFC000  }
0x3d4: {  	[bflag:$0x0] =	sbarrier.arrive $0xFFFF  }
0x3d5: {  	[tilespmem:s23], [sflag:$0x3] =	stream.linear.gather [spmem:s9], $0x4000, $0x38;
	[tilespmem:$0x1E200] =	vst v63  }
0x3d6: {  	_ =	swait.ge [sflag:s24], $0x4000  }
0x3d7: {  	[sflag:s24] =	ssyncset.done $0x0  }
0x3d8: {  	[sflag:s24] =	ssyncadd.s32 $0xFFFFC000  }
0x3d9: {  	[hbm4b:s19+s3] =	stream.linear.scatter [tilespmem:s23], [sflag:$0x3], $0x4000, $0x38;
	[tilespmem:$0x1E200] =	vst v63  }
0x3da: {  	_ =	swait.ge [sflag:s24], $0x4000  }
0x3db: {  	[sflag:s24] =	ssyncset.done $0x0  }
0x3dc: {  	[sflag:s24] =	ssyncadd.s32 $0xFFFFC000  }
0x3dd: {  	[tilespmem:s23], [sflag:$0x3] =	stream.linear.gather [spmem:s12], $0x4000, $0x38;
	[tilespmem:$0x1E200] =	vst v63  }
0x3de: {  	_ =	swait.ge [sflag:s24], $0x4000  }
0x3df: {  	[sflag:s24] =	ssyncset.done $0x0  }
0x3e0: {  	[sflag:s24] =	ssyncadd.s32 $0xFFFFC000  }
0x3e1: {  	[hbm4b:s20+s3] =	stream.linear.scatter [tilespmem:s23], [sflag:$0x3], $0x4000, $0x38;
	[tilespmem:$0x1E200] =	vst v63  }
0x3e2: {  	_ =	swait.ge [sflag:s24], $0x4000  }
0x3e3: {  	[sflag:s24] =	ssyncset.done $0x0  }
0x3e4: {  	[sflag:s24] =	ssyncadd.s32 $0xFFFFC000  }
0x3e5: {  	[tilespmem:s23], [sflag:$0x3] =	stream.linear.gather [spmem:s14], $0x2000, $0x38;
	[tilespmem:$0x1E200] =	vst v63  }
0x3e6: {  	s10 =	sadd.s32 $0x1, s10;
	_ =	swait.ge [sflag:s24], $0x2000  }
0x3e7: {  	p0 =	sne.s32 s10, s22;
	[sflag:s24] =	ssyncset.done $0x0  }
.Ltmp3:
0x3e8: {  	[sflag:s24] =	ssyncadd.s32 $0xFFFFE000;
	(pc) =	sbr.rel @p0 .LBB2_1-.Ltmp3, $4  }
0x3e9: {  	[hbm4b:s21+s3] =	stream.linear.scatter [tilespmem:s23], [sflag:$0x3], $0x2000, $0x38;
	[tilespmem:$0x1E200] =	vst v63  }
0x3ea: {  	_ =	swait.ge [sflag:s24], $0x2000  }
0x3eb: {  	[sflag:s24] =	ssyncset.done $0x0  }
0x3ec: {  	[sflag:s24] =	ssyncadd.s32 $0xFFFFE000  }
0x3ed: {  	_ =	sfence.sel $0x180000  }
0x3ee: {  	[bflag:$0x0] =	sbarrier.arrive $0xFFFF  }
0x3ef: {  	_ =	strace $0x9000004A  }
0x3f0: {  	s0 =	stileid.u32;
	[bflag:$0x2] =	sbarrier.arrive $0xFFFF  }
0x3f1: {  	p0 =	sne.s32 s0, $0x0;
	s0 =	rddreg [dreg:$0x3]  }
0x3f2: {  	s0 =	sadd.s32 @!p0 $0x100000, s0  }
0x3f3: {  	[sflag:s0] =	ssyncadd.tile.s32 @!p0 $0x1;
	_ =	shalt  }
.Lfunc_end2:
_tile_overlayer_lowered:
.L_overlay_start_2:
0x3f4: {  	(tag) =	ssettag $0x2  }
0x3f5: {  	s0 =	rddreg [dreg:$0x0];
	s2 =	stileid.u32  }
0x3f6: {  	s1 =	rddreg [dreg:$0x1];
	p0 =	sne.s32 s2, $0x0  }
0x3f7: {  	s3 =	rddreg [dreg:$0x2];
	[bflag:$0x3] =	sbarrier.arrive $0xFFFF;
	s2 =	simm.s32 @!p0 $0x1C03  }
0x3f8: {  	[timem:s3], [sflag:s2] =	dma.local @!p0 [hbm:s0], s1  }
0x3f9: {  	s0 =	simm.s32 @!p0 $0x3  }
0x3fa: {  	_ =	swait.ge @!p0 [sflag:s0], s1  }
0x3fb: {  	s1 =	ssub.s32 @!p0 $0x0, s1;
	[sflag:s0] =	ssyncset.done @!p0 $0x0  }
0x3fc: {  	[sflag:s0] =	ssyncadd.s32 @!p0 s1  }
0x3fd: {  	[bflag:$0x3] =	sbarrier.arrive $0xFFFF  }
0x3fe: {  	_ =	shalt  }

// kernel: kernel.7.cloned.1.call-start
scs
__scs_entry_jumppad:
0x0: {  	(pc) =	sbr.rel $0x88, $3  }
0x1: {  	(tag) =	ssettag $0x0;
	lr =	simm.s32 $0x1  }
0x2: {  	[smem:$0x3F9C] =	sst lr;
	_ =	strace $0xD0000000  }
0x3: {  	_ = 	snop  }
0x4: {  	_ = 	snop  }
0x5: {  	_ = 	snop  }
0x6: {  	_ = 	snop  }
0x7: {  	_ = 	snop  }
__scs_overlays_trampoline_lowered:
0x8: {  	[smem:$0x3FAB] =	sst s0  }
0x9: {  	[smem:$0x3FAC] =	sst s1  }
0xa: {  	[smem:$0x3FAD] =	sst s2  }
0xb: {  	[smem:$0x3FAE] =	sst s3  }
0xc: {  	[smem:$0x3FAF] =	sst s4  }
0xd: {  	[smem:$0x3FB0] =	sst s5  }
0xe: {  	[smem:$0x3FB1] =	sst s6  }
0xf: {  	[smem:$0x3FB2] =	sst s7  }
0x10: {  	[smem:$0x3FB3] =	sst s8  }
0x11: {  	[smem:$0x3FB4] =	sst s9;
	s0 =	simm.s32 @!p0 $0x0  }
0x12: {  	s1 =	sld [smem:$0x3F9A];
	s0 =	simm.s32 @p0 $0x1  }
0x13: {  	[smem:$0x3FB5] =	sst s0;
	s0 =	simm.s32 @!p1 $0x0  }
0x14: {  	s2 =	sld [smem:$0x3F99];
	s0 =	simm.s32 @p1 $0x1  }
0x15: {  	[smem:$0x3FB6] =	sst s0;
	s0 =	simm.s32 @!p2 $0x0  }
0x16: {  	s3 =	sld [smem:$0x3FDB];
	s0 =	simm.s32 @p2 $0x1  }
0x17: {  	s4 =	simm.s32 $0x1BF5;
	[smem:$0x3FB8] =	sst s0  }
0x18: {  	s0 =	sld [smem:$0x3F9B];
	_ =	swait.ge [sflag:s4], $0x0  }
0x19: {  	s7 =	sld [smem:$0x3F9C]  }
0x1a: {  	s8 =	sadd.s32 $0xFFFFE003, lr  }
0x1b: {  	s9 =	sadd.s32 $0xFFFFFEF7, lr;
	s5 =	simm.s32 $0xFFFFFFFF;
	p2 =	slt.u32 s8, $0xFFFFF086  }
0x1c: {  	p1 =	slt.u32 s9, $0xF7A;
	s5 =	simm.s32 @!p2 $0x0  }
0x1d: {  	s5 =	simm.s32 @p1 $0x1;
	p0 =	seq.s32 s7, s2  }
0x1e: {  	s7 =	smul.u32 @!p0 $0xF7A, s2;
	p2 =	seq.s32 @!p0 s5, $0x0  }
0x1f: {  	s9 =	smul.u32 $0xF7A, s1;
	s8 =	simm.s32 @!p0 $0x1BF5;
	p2 =	por !p2, p0  }
0x20: {  	[sflag:s8] =	ssyncset.s32 @!p0 $0xFFFFF086;
	s6 =	sadd.s32 @!p0 s3, s7;
	s7 =	simm.s32 @!p0 $0x108  }
0x21: {  	s3 =	sadd.s32 s3, s9;
	s6 =	sadd.s32 @!p0 $0x88, s6;
	s7 =	simm.s32 @p2 $0x1082  }
0x22: {  	[simem:s7], [sflag:s8] =	dma.local @!p0 [hbm:s6], $0xF7A  }
0x23: {  	s9 =	sor.u32 $0xD0000000, s2;
	s6 =	simm.s32 $0x108;
	_ =	swait.ge @!p0 [sflag:s8], $0x0  }
0x24: {  	s3 =	sadd.s32 $0x88, s3;
	s6 =	simm.s32 @!p1 $0x1082;
	[sflag:s4] =	ssyncset.s32 $0xFFFFF086  }
0x25: {  	[simem:s6], [sflag:s4] =	dma.local [hbm:s3], $0xF7A  }
0x26: {  	[smem:$0x3F9C] =	sst s1;
	(tag) =	ssettag s2;
	_ =	strace s9  }
0x27: {  	s1 =	sld [smem:$0x3FAC]  }
0x28: {  	s2 =	sld [smem:$0x3FAD]  }
0x29: {  	s4 =	sld [smem:$0x3FAF]  }
0x2a: {  	p0 =	seq.s32 s5, $0x0;
	s5 =	sld [smem:$0x3FB0]  }
0x2b: {  	s6 =	sld [smem:$0x3FB1]  }
0x2c: {  	s7 =	sld [smem:$0x3FB2]  }
0x2d: {  	s3 =	simm.s32 $0x108;
	s8 =	sld [smem:$0x3FB3]  }
0x2e: {  	s3 =	simm.s32 @!p0 $0x1082;
	s9 =	sld [smem:$0x3FB4]  }
0x2f: {  	lr =	sadd.s32 s0, s3;
	s0 =	sld [smem:$0x3FAB]  }
0x30: {  	s3 =	sld [smem:$0x3FAE]  }
0x31: {  	[smem:$0x3FB7] =	sst s10  }
0x32: {  	s10 =	sld [smem:$0x3FB5];
	_ =	sdelay $0x3  }
0x33: {  	p0 =	seq.s32 s10, $0x1;
	s10 =	sld [smem:$0x3FB7];
	_ =	sdelay $0x3  }
0x34: {  	[smem:$0x3FB7] =	sst s10  }
0x35: {  	s10 =	sld [smem:$0x3FB6];
	_ =	sdelay $0x3  }
0x36: {  	p1 =	seq.s32 s10, $0x1;
	s10 =	sld [smem:$0x3FB7];
	_ =	sdelay $0x3  }
0x37: {  	[smem:$0x3FB7] =	sst s10  }
0x38: {  	s10 =	sld [smem:$0x3FB8]  }
0x39: {  	_ = 	snop;
	(pc) =	sbr.ind lr, $3  }
0x3a: {  	_ = 	snop  }
0x3b: {  	_ = 	snop  }
0x3c: {  	p2 =	seq.s32 s10, $0x1;
	s10 =	sld [smem:$0x3FB7]  }
0x3d: {  	_ =	shalt  }
0x3e: {  	_ =	shalt  }
0x3f: {  	_ =	shalt  }
0x40: {  	_ =	shalt  }
0x41: {  	_ =	shalt  }
0x42: {  	_ =	shalt  }
0x43: {  	_ =	shalt  }
0x44: {  	_ =	shalt  }
0x45: {  	_ =	shalt  }
0x46: {  	_ =	shalt  }
0x47: {  	_ =	shalt  }
0x48: {  	_ =	shalt  }
0x49: {  	_ =	shalt  }
0x4a: {  	_ =	shalt  }
0x4b: {  	_ =	shalt  }
0x4c: {  	_ =	shalt  }
0x4d: {  	_ =	shalt  }
0x4e: {  	_ =	shalt  }
0x4f: {  	_ =	shalt  }
0x50: {  	_ =	shalt  }
0x51: {  	_ =	shalt  }
0x52: {  	_ =	shalt  }
0x53: {  	_ =	shalt  }
0x54: {  	_ =	shalt  }
0x55: {  	_ =	shalt  }
0x56: {  	_ =	shalt  }
0x57: {  	_ =	shalt  }
0x58: {  	_ =	shalt  }
0x59: {  	_ =	shalt  }
0x5a: {  	_ =	shalt  }
0x5b: {  	_ =	shalt  }
0x5c: {  	_ =	shalt  }
0x5d: {  	_ =	shalt  }
0x5e: {  	_ =	shalt  }
0x5f: {  	_ =	shalt  }
0x60: {  	_ =	shalt  }
0x61: {  	_ =	shalt  }
0x62: {  	_ =	shalt  }
0x63: {  	_ =	shalt  }
0x64: {  	_ =	shalt  }
0x65: {  	_ =	shalt  }
0x66: {  	_ =	shalt  }
0x67: {  	_ =	shalt  }
0x68: {  	_ =	shalt  }
0x69: {  	_ =	shalt  }
0x6a: {  	_ =	shalt  }
0x6b: {  	_ =	shalt  }
0x6c: {  	_ =	shalt  }
0x6d: {  	_ =	shalt  }
0x6e: {  	_ =	shalt  }
0x6f: {  	_ =	shalt  }
0x70: {  	_ =	shalt  }
0x71: {  	_ =	shalt  }
0x72: {  	_ =	shalt  }
0x73: {  	_ =	shalt  }
0x74: {  	_ =	shalt  }
0x75: {  	_ =	shalt  }
0x76: {  	_ =	shalt  }
0x77: {  	_ =	shalt  }
0x78: {  	_ =	shalt  }
0x79: {  	_ =	shalt  }
0x7a: {  	_ =	shalt  }
0x7b: {  	_ =	shalt  }
0x7c: {  	_ =	shalt  }
0x7d: {  	_ =	shalt  }
0x7e: {  	_ =	shalt  }
0x7f: {  	_ =	shalt  }
0x80: {  	_ =	shalt  }
0x81: {  	_ =	shalt  }
0x82: {  	_ =	shalt  }
0x83: {  	_ =	shalt  }
0x84: {  	_ =	shalt  }
0x85: {  	_ =	shalt  }
0x86: {  	_ =	shalt  }
0x87: {  	_ =	shalt  }
.Lfunc_end0:
.L_simem_size_0:
called_computation_lowered:
.L_overlay_start_0:
0x88: {  	s2 =	sld [smem:$0x3FD9]  }
0x89: {  	s3 =	sld [smem:$0x3FFE];
	_ =	sdelay $0x1  }
0x8a: {  	s1 =	srdreg.scid  }
0x8b: {  	s0 =	sand.u32 $0x1, s1  }
0x8c: {  	s16 =	sshll.u32 s0, $0xA;
	s2 =	sadd.s32 s3, s2  }
0x8d: {  	s2 =	sadd.s32 s2, s16  }
0x8e: {  	[smem:$0x3FC3] =	sst s2  }
0x8f: {  	_ = 	snop  }
0x90: {  	(tm) =	ssettm $0x1  }
0x91: {  	s17 =	sld [smem:$0x3FFB];
	_ =	sdelay $0x3  }
0x92: {  	_ =	strace s17  }
0x93: {  	s2 =	sld [smem:$0x3FFC];
	_ =	sdelay $0x3  }
0x94: {  	_ =	strace s2  }
0x95: {  	s2 =	sld [smem:$0x3FFD];
	_ =	sdelay $0x3  }
0x96: {  	_ =	strace s2  }
0x97: {  	_ =	strace $0x8FFFFFFF  }
0x98: {  	s18 =	sld [smem:$0x3FDB];
	_ =	sdelay $0x1  }
0x99: {  	s19 =	simm.s32 $_scs_section_size  }
0x9a: {  	s4 =	simm.s32 $_size__tile_overlayer_lowered;
	s5 =	simm.s32 $_tile_overlayer_lowered  }
0x9b: {  	s22 =	simm.s32 $0x1BFF;
	s21 =	sshll.u32 s5, $0x1;
	s2 =	sadd.s32 s19, s18  }
0x9c: {  	s6 =	simm.s32 $0x0;
	s20 =	sshll.u32 s4, $0x1;
	s4 =	sadd.s32 s21, s2  }
0x9d: {  	[timem:s6], [sflag:s22] =	dma.local [hbm:s4], s20  }
0x9e: {  	_ =	swait.ge [sflag:s22], s20  }
0x9f: {  	s3 =	ssub.s32 $0x0, s20;
	[sflag:s22] =	ssyncset.done $0x0  }
0xa0: {  	[sflag:s22] =	ssyncadd.s32 s3;
	_ =	sdelay $0x1  }
0xa1: {  	s23 =	simm.s32 $0x1B8B  }
0xa2: {  	_ =	swait.ge [sflag:s23], $0x1  }
0xa3: {  	[sflag:s23] =	ssyncset.done $0x0  }
0xa4: {  	s25 =	simm.s32 $0x1B8E;
	s24 =	sld [smem:$0x3FFE];
	[sflag:s23] =	ssyncadd.s32 $0xFFFFFFFF  }
0xa5: {  	s26 =	simm.s32 $execute0_lowered;
	[smem:$0x3FD2] =	sst s25  }
0xa6: {  	s4 =	sshll.u32 s26, $0x1;
	_ =	strace $0x80000046;
	[dreg:$0x1] =	wrdreg $0xFFFFFFFF  }
0xa7: {  	s28 =	simm.s32 $_size_execute0_lowered;
	s2 =	sadd.s32 s2, s4;
	[dreg:$0x0] =	wrdreg $0x0  }
0xa8: {  	s4 =	sshll.u32 s28, $0x1;
	[dreg:$0x2] =	wrdreg s2  }
0xa9: {  	[dreg:$0x3] =	wrdreg s4  }
0xaa: {  	[dreg:$0x4] =	wrdreg $0xC0  }
0xab: {  	_ =	task [dreg:s6], $0x5FFFF  }
0xac: {  	[dreg:$0x1] =	wrdreg $0xFFFFFFFF  }
0xad: {  	[dreg:$0x0] =	wrdreg $0x60  }
0xae: {  	[dreg:$0x2] =	wrdreg s24  }
0xaf: {  	[dreg:$0x3] =	wrdreg $0x82000  }
0xb0: {  	[dreg:$0x4] =	wrdreg $0x9  }
0xb1: {  	_ =	task.clear_ibuf [dreg:s6], $0x5FFFF;
	_ =	strace $0x90000046  }
0xb2: {  	s29 =	simm.s32 $0x9;
	_ =	strace $0x80000048  }
0xb3: {  	_ =	swait.ge [sflag:s29], $0x1  }
0xb4: {  	[sflag:s29] =	ssyncadd.s32 $0xFFFFFFFF  }
0xb5: {  	_ =	strace $0x90000048  }
0xb6: {  	_ =	sfence  }
0xb7: {  	s30 =	sld [smem:$0x0];
	_ =	sdelay $0x2  }
0xb8: {  	s31 =	sshll.u32 s1, $0xD;
	s1 =	sshrl.u32 s1, $0x2  }
0xb9: {  	s3 =	sand.u32 $0x4000, s31;
	s1 =	sadd.s32 s1, s30  }
0xba: {  	s0 =	sor.u32 s3, s0;
	s1 =	sshll.u32 s1, $0x11  }
0xbb: {  	s0 =	sor.u32 s1, s0  }
0xbc: {  	s0 =	sadd.s32 $0x8F2B, s0  }
0xbd: {  	[sflag:s0] =	ssyncadd.remote.s32 $0x1  }
0xbe: {  	_ =	sfence.sel $0xFFFF  }
0xbf: {  	[dreg:$0x0] =	wrdreg $0xFFFFFFFF;
	(pc) =	sbr.abs _section_cstart, $3  }
0xc0: {  	[dreg:$0x1] =	wrdreg $0xFFFFFFFF  }
0xc1: {  	_ =	task.clear_ibuf [dreg:s6], $0x2FFFF;
	_ =	strace $0x9FFFFFFF  }
0xc2: {  	(tm) =	ssettm $0x7FFFFFFF  }
0xc3: {  	_ =	shalt  }
tec
execute0_lowered:
.L_overlay_start_1:
0x0: {  	(tag) =	ssettag $0x1  }
0x1: {  	s0 =	rddreg [dreg:$0x0]  }
0x2: {  	s1 =	rddreg [dreg:$0x1];
	s2 =	simm.s32 $0x0  }
0x3: {  	s6 =	srdreg.scid;
	s22 =	stileid.u32;
	s28 =	simm.s32 $0x180  }
0x4: {  	s29 =	simm.s32 $0x1;
	s30 =	simm.s32 $0x4200;
	s31 =	simm.s32 $0x2  }
0x5: {  	[smem:$0x7FF] =	sst s2;
	s3 =	sadd.s32 $0x6200, s0;
	s5 =	sadd.s32 $0x1200, s0  }
0x6: {  	s4 =	sadd.s32 $0xB200, s0;
	s9 =	sadd.s32 $0x32400, s0;
	s8 =	smul.u32 $0x140, s22  }
0x7: {  	s13 =	sand.u32 $0x1, s6;
	s0 =	sadd.s32 $0x46400, s0;
	s14 =	smul.u32 $0xA000, s22  }
0x8: {  	s11 =	smul.u32 $0x28000, s22;
	s6 =	ssub.s32 $0x2, s13;
	s10 =	sshll.u32 s13, $0x4  }
0x9: {  	_ =	strace $0x80000047;
	s7 =	sshrl.u32 s6, $0x1;
	s10 =	sor.u32 s22, s10  }
0xa: {  	s17 =	sshrl.u32 s14, $0x3;
	s19 =	sshrl.u32 s11, $0x2;
	s20 =	sadd.s32 $0x80, s8  }
0xb: {  	s21 =	sadd.s32 $0x100, s8;
	s22 =	smul.u32 $0x1400, s22;
	s18 =	ssub.s32 s6, s7  }
0xc: {  	s6 =	sadd.s32 s9, s17;
	s16 =	sshll.u32 s20, $0x7;
	s7 =	sshll.u32 s20, $0x4  }
0xd: {  	s10 =	smul.u32 $0x1400, s10;
	s17 =	sshll.u32 s21, $0x7;
	s11 =	sshll.u32 s21, $0x4  }
0xe: {  	s20 =	smul.u32 $0x14000, s13;
	[dreg:$0x3] =	wrdreg s6;
	s6 =	sadd.s32 s19, s1  }
0xf: {  	s7 =	sadd.s32 s9, s7;
	s8 =	sadd.s32 s16, s1;
	s9 =	sadd.s32 s9, s11  }
0x10: {  	s19 =	smul.u32 $0xA0000, s13;
	s18 =	smax.u32 s18, $0x1;
	[dreg:$0x4] =	wrdreg s7  }
0x11: {  	s15 =	sshrl.u32 s10, $0x3;
	s10 =	sadd.s32 s17, s1;
	s23 =	sadd.s32 s22, s20  }
0x12: {  	s11 =	sadd.s32 s3, s15;
	s12 =	sadd.s32 s5, s15;
	s15 =	sor.u32 $0x10, s15  }
0x13: {  	s14 =	sadd.s32 s14, s19;
	s16 =	sadd.s32 s19, s16;
	s17 =	sadd.s32 s19, s17  }
0x14: {  	s20 =	sor.u32 $0x180, s23;
	s25 =	sor.u32 $0x100, s23;
	s23 =	simm.s32 $0x200  }
0x15: {  	s13 =	sadd.s32 s3, s15;
	s21 =	sshrl.u32 s14, $0x3;
	s14 =	sadd.s32 s5, s15  }
0x16: {  	s16 =	sshrl.u32 s16, $0x3;
	s17 =	sshrl.u32 s17, $0x3;
	s24 =	sshrl.u32 s20, $0x3  }
0x17: {  	s26 =	sshrl.u32 s25, $0x3;
	s25 =	simm.s32 $0x80;
	s15 =	sadd.s32 s0, s21  }
0x18: {  	s16 =	sadd.s32 s0, s16;
	s17 =	sadd.s32 s0, s17;
	s19 =	sadd.s32 s24, s5  }
0x19: {  	s20 =	sadd.s32 s24, s3;
	s21 =	sadd.s32 s26, s5;
	s22 =	sadd.s32 s26, s3  }
0x1a: {  	s24 =	simm.s32 $0x3;
	s26 =	simm.s32 $0x100;
	s0 =	simm.s32 $0x0  }
.LBB2_1:
0x1b: {  	s3 =	rddreg [dreg:$0x3]  }
0x1c: {  	[tilespmem:s23], [sflag:$0x3] =	stream.linear.gather [hbm4b:s3+s2], $0x4000, $0x38;
	[tilespmem:$0x12200] =	vst v63  }
0x1d: {  	_ =	swait.ge [sflag:s24], $0x4000  }
0x1e: {  	[sflag:s24] =	ssyncset.done $0x0  }
0x1f: {  	[sflag:s24] =	ssyncadd.s32 $0xFFFFC000  }
0x20: {  	[spmem:s6] =	stream.linear.scatter [tilespmem:s23], [sflag:$0x3], $0x4000, $0x38;
	[tilespmem:$0x12200] =	vst v63  }
0x21: {  	_ =	swait.ge [sflag:s24], $0x4000  }
0x22: {  	[sflag:s24] =	ssyncset.done $0x0  }
0x23: {  	s7 =	rddreg [dreg:$0x4];
	[sflag:s24] =	ssyncadd.s32 $0xFFFFC000  }
0x24: {  	[tilespmem:s23], [sflag:$0x3] =	stream.linear.gather [hbm4b:s7+s2], $0x4000, $0x38;
	[tilespmem:$0x12200] =	vst v63  }
0x25: {  	_ =	swait.ge [sflag:s24], $0x4000  }
0x26: {  	[sflag:s24] =	ssyncset.done $0x0  }
0x27: {  	[sflag:s24] =	ssyncadd.s32 $0xFFFFC000  }
0x28: {  	[spmem:s8] =	stream.linear.scatter [tilespmem:s23], [sflag:$0x3], $0x4000, $0x38;
	[tilespmem:$0x12200] =	vst v63  }
0x29: {  	_ =	swait.ge [sflag:s24], $0x4000  }
0x2a: {  	[sflag:s24] =	ssyncset.done $0x0  }
0x2b: {  	[sflag:s24] =	ssyncadd.s32 $0xFFFFC000  }
0x2c: {  	[tilespmem:s23], [sflag:$0x3] =	stream.linear.gather [hbm4b:s9+s2], $0x2000, $0x38;
	[tilespmem:$0x12200] =	vst v63  }
0x2d: {  	_ =	swait.ge [sflag:s24], $0x2000  }
0x2e: {  	[sflag:s24] =	ssyncset.done $0x0  }
0x2f: {  	[sflag:s24] =	ssyncadd.s32 $0xFFFFE000  }
0x30: {  	[spmem:s10] =	stream.linear.scatter [tilespmem:s23], [sflag:$0x3], $0x2000, $0x38;
	[tilespmem:$0x12200] =	vst v63  }
0x31: {  	_ =	swait.ge [sflag:s24], $0x2000  }
0x32: {  	[sflag:s24] =	ssyncset.done $0x0  }
0x33: {  	[sflag:s24] =	ssyncadd.s32 $0xFFFFE000  }
0x34: {  	[bflag:$0x0] =	sbarrier.arrive $0xFFFF  }
0x35: {  	[tilespmem:s2], [sflag:$0x3] =	stream.linear.gather [hbm4b:s11+s2], $0x80, $0x38;
	[tilespmem:$0x12200] =	vst v63  }
0x36: {  	_ =	swait.ge [sflag:s24], $0x80  }
0x37: {  	[sflag:s24] =	ssyncset.done $0x0  }
0x38: {  	[sflag:s24] =	ssyncadd.s32 $0xFFFFFF80  }
0x39: {  	[tilespmem:s25], [sflag:$0x3] =	stream.linear.gather [hbm4b:s12+s2], $0x80, $0x38;
	[tilespmem:$0x12200] =	vst v63  }
0x3a: {  	_ =	swait.ge [sflag:s24], $0x80  }
0x3b: {  	[sflag:s24] =	ssyncset.done $0x0  }
0x3c: {  	[sflag:s24] =	ssyncadd.s32 $0xFFFFFF80  }
0x3d: {  	[tilespmem:s26], [sflag:$0x3] =	stream.linear.gather [hbm4b:s13+s2], $0x80, $0x38;
	[tilespmem:$0x12200] =	vst v63  }
0x3e: {  	_ =	swait.ge [sflag:s24], $0x80  }
0x3f: {  	[sflag:s24] =	ssyncset.done $0x0  }
0x40: {  	[sflag:s24] =	ssyncadd.s32 $0xFFFFFF80  }
0x41: {  	[tilespmem:s28], [sflag:$0x3] =	stream.linear.gather [hbm4b:s14+s2], $0x80, $0x38;
	[tilespmem:$0x12200] =	vst v63  }
0x42: {  	_ =	swait.ge [sflag:s24], $0x80  }
0x43: {  	[sflag:s24] =	ssyncset.done $0x0  }
0x44: {  	[sflag:s24] =	ssyncadd.s32 $0xFFFFFF80  }
0x45: {  	[tilespmem:s23], [sflag:$0x1] =	stream.indirect.gather [hbm4b:s4+s25], $0x80, s2, s25, $0xb8;
	[tilespmem:$0x12200] =	vst v63  }
0x46: {  	_ =	swait.ge [sflag:s29], $0x4000  }
0x47: {  	[sflag:s29] =	ssyncset.done $0x0  }
0x48: {  	[sflag:s29] =	ssyncadd.s32 $0xFFFFC000  }
0x49: {  	[tilespmem:s30], [sflag:$0x2] =	stream.indirect.gather [hbm4b:s4+s25], $0x80, s26, s25, $0xb8;
	[tilespmem:$0x12200] =	vst v63  }
0x4a: {  	_ = 	snop  }
0x4b: {  	[spmem:s1] =	stream.indirect.scatter.add.f32 [tilespmem:s23], [sflag:$0x3], $0x80, s25, s25, $0xb8;
	[tilespmem:$0x12200] =	vst v63  }
0x4c: {  	_ =	swait.ge [sflag:s24], $0x4000  }
0x4d: {  	[sflag:s24] =	ssyncset.done $0x0  }
0x4e: {  	s5 =	sadd.s32 $0x0, s22;
	[sflag:s24] =	ssyncadd.s32 $0xFFFFC000  }
0x4f: {  	[tilespmem:s2], [sflag:$0x3] =	stream.linear.gather [hbm4b:s5+s2], $0x80, $0x38;
	[tilespmem:$0x12200] =	vst v63  }
0x50: {  	_ =	swait.ge [sflag:s24], $0x80  }
0x51: {  	[sflag:s24] =	ssyncset.done $0x0  }
0x52: {  	s7 =	sadd.s32 $0x0, s21;
	[sflag:s24] =	ssyncadd.s32 $0xFFFFFF80  }
0x53: {  	[tilespmem:s25], [sflag:$0x3] =	stream.linear.gather [hbm4b:s7+s2], $0x80, $0x38;
	[tilespmem:$0x12200] =	vst v63  }
0x54: {  	_ =	swait.ge [sflag:s24], $0x80  }
0x55: {  	[sflag:s24] =	ssyncset.done $0x0  }
0x56: {  	[sflag:s24] =	ssyncadd.s32 $0xFFFFFF80  }
0x57: {  	_ =	swait.ge [sflag:s31], $0x4000  }
0x58: {  	[sflag:s31] =	ssyncset.done $0x0  }
0x59: {  	[sflag:s31] =	ssyncadd.s32 $0xFFFFC000  }
0x5a: {  	[tilespmem:s23], [sflag:$0x1] =	stream.indirect.gather [hbm4b:s4+s25], $0x80, s2, s25, $0xb8;
	[tilespmem:$0x12200] =	vst v63  }
0x5b: {  	_ = 	snop  }
0x5c: {  	[spmem:s1] =	stream.indirect.scatter.add.f32 [tilespmem:s30], [sflag:$0x3], $0x80, s28, s25, $0xb8;
	[tilespmem:$0x12200] =	vst v63  }
0x5d: {  	_ =	swait.ge [sflag:s24], $0x4000  }
0x5e: {  	[sflag:s24] =	ssyncset.done $0x0  }
0x5f: {  	s5 =	sadd.s32 $0x0, s20;
	[sflag:s24] =	ssyncadd.s32 $0xFFFFC000  }
0x60: {  	[tilespmem:s26], [sflag:$0x3] =	stream.linear.gather [hbm4b:s5+s2], $0x80, $0x38;
	[tilespmem:$0x12200] =	vst v63  }
0x61: {  	_ =	swait.ge [sflag:s24], $0x80  }
0x62: {  	[sflag:s24] =	ssyncset.done $0x0  }
0x63: {  	s7 =	sadd.s32 $0x0, s19;
	[sflag:s24] =	ssyncadd.s32 $0xFFFFFF80  }
0x64: {  	[tilespmem:s28], [sflag:$0x3] =	stream.linear.gather [hbm4b:s7+s2], $0x80, $0x38;
	[tilespmem:$0x12200] =	vst v63  }
0x65: {  	_ =	swait.ge [sflag:s24], $0x80  }
0x66: {  	s3 =	simm.s32 $0x20;
	[sflag:s24] =	ssyncset.done $0x0  }
.LBB2_2:
0x67: {  	p0 =	sne.s32 s3, $0x240  }
0x68: {  	[sflag:s24] =	ssyncadd.s32 $0xFFFFFF80;
	s5 =	smov.u32 s3;
	s3 =	sadd.s32 $0x20, s3  }
0x69: {  	_ =	swait.ge [sflag:s29], $0x4000  }
0x6a: {  	[sflag:s29] =	ssyncset.done $0x0  }
0x6b: {  	[sflag:s29] =	ssyncadd.s32 $0xFFFFC000  }
0x6c: {  	[tilespmem:s30], [sflag:$0x2] =	stream.indirect.gather [hbm4b:s4+s25], $0x80, s26, s25, $0xb8;
	[tilespmem:$0x12200] =	vst v63  }
0x6d: {  	_ = 	snop  }
0x6e: {  	[spmem:s1] =	stream.indirect.scatter.add.f32 [tilespmem:s23], [sflag:$0x3], $0x80, s25, s25, $0xb8;
	[tilespmem:$0x12200] =	vst v63  }
0x6f: {  	_ =	swait.ge [sflag:s24], $0x4000  }
0x70: {  	[sflag:s24] =	ssyncset.done $0x0  }
0x71: {  	s7 =	sadd.s32 s5, s22;
	[sflag:s24] =	ssyncadd.s32 $0xFFFFC000  }
0x72: {  	[tilespmem:s2], [sflag:$0x3] =	stream.linear.gather [hbm4b:s7+s2], $0x80, $0x38;
	[tilespmem:$0x12200] =	vst v63  }
0x73: {  	_ =	swait.ge [sflag:s24], $0x80  }
0x74: {  	[sflag:s24] =	ssyncset.done $0x0  }
0x75: {  	s7 =	sadd.s32 s5, s21;
	[sflag:s24] =	ssyncadd.s32 $0xFFFFFF80  }
0x76: {  	[tilespmem:s25], [sflag:$0x3] =	stream.linear.gather [hbm4b:s7+s2], $0x80, $0x38;
	[tilespmem:$0x12200] =	vst v63  }
0x77: {  	_ =	swait.ge [sflag:s24], $0x80  }
0x78: {  	[sflag:s24] =	ssyncset.done $0x0  }
0x79: {  	[sflag:s24] =	ssyncadd.s32 $0xFFFFFF80  }
0x7a: {  	_ =	swait.ge [sflag:s31], $0x4000  }
0x7b: {  	[sflag:s31] =	ssyncset.done $0x0  }
0x7c: {  	[sflag:s31] =	ssyncadd.s32 $0xFFFFC000  }
0x7d: {  	[tilespmem:s23], [sflag:$0x1] =	stream.indirect.gather [hbm4b:s4+s25], $0x80, s2, s25, $0xb8;
	[tilespmem:$0x12200] =	vst v63  }
0x7e: {  	_ = 	snop  }
0x7f: {  	[spmem:s1] =	stream.indirect.scatter.add.f32 [tilespmem:s30], [sflag:$0x3], $0x80, s28, s25, $0xb8;
	[tilespmem:$0x12200] =	vst v63  }
0x80: {  	_ =	swait.ge [sflag:s24], $0x4000  }
0x81: {  	[sflag:s24] =	ssyncset.done $0x0  }
0x82: {  	s7 =	sadd.s32 s5, s20;
	[sflag:s24] =	ssyncadd.s32 $0xFFFFC000  }
0x83: {  	[tilespmem:s26], [sflag:$0x3] =	stream.linear.gather [hbm4b:s7+s2], $0x80, $0x38;
	[tilespmem:$0x12200] =	vst v63  }
0x84: {  	_ =	swait.ge [sflag:s24], $0x80  }
.Ltmp0:
0x85: {  	[sflag:s24] =	ssyncset.done $0x0;
	(pc) =	sbr.rel @p0 .LBB2_2-.Ltmp0, $4  }
0x86: {  	s5 =	sadd.s32 s5, s19;
	[sflag:s24] =	ssyncadd.s32 $0xFFFFFF80  }
0x87: {  	[tilespmem:s28], [sflag:$0x3] =	stream.linear.gather [hbm4b:s5+s2], $0x80, $0x38;
	[tilespmem:$0x12200] =	vst v63  }
0x88: {  	_ =	swait.ge [sflag:s24], $0x80  }
0x89: {  	[sflag:s24] =	ssyncset.done $0x0  }
0x8a: {  	[sflag:s24] =	ssyncadd.s32 $0xFFFFFF80  }
0x8b: {  	_ =	swait.ge [sflag:s29], $0x4000  }
0x8c: {  	[sflag:s29] =	ssyncset.done $0x0  }
0x8d: {  	[sflag:s29] =	ssyncadd.s32 $0xFFFFC000  }
0x8e: {  	[tilespmem:s30], [sflag:$0x2] =	stream.indirect.gather [hbm4b:s4+s25], $0x80, s26, s25, $0xb8;
	[tilespmem:$0x12200] =	vst v63  }
0x8f: {  	_ = 	snop  }
0x90: {  	[spmem:s1] =	stream.indirect.scatter.add.f32 [tilespmem:s23], [sflag:$0x3], $0x80, s25, s25, $0xb8;
	[tilespmem:$0x12200] =	vst v63  }
0x91: {  	_ =	swait.ge [sflag:s24], $0x4000  }
0x92: {  	[sflag:s24] =	ssyncset.done $0x0  }
0x93: {  	[sflag:s24] =	ssyncadd.s32 $0xFFFFC000  }
0x94: {  	[tilespmem:s2], [sflag:$0x3] =	stream.linear.gather [hbm4b:s11+s2], $0x80, $0x38;
	[tilespmem:$0x12200] =	vst v63  }
0x95: {  	_ =	swait.ge [sflag:s24], $0x80  }
0x96: {  	[sflag:s24] =	ssyncset.done $0x0  }
0x97: {  	[sflag:s24] =	ssyncadd.s32 $0xFFFFFF80  }
0x98: {  	[tilespmem:s25], [sflag:$0x3] =	stream.linear.gather [hbm4b:s12+s2], $0x80, $0x38;
	[tilespmem:$0x12200] =	vst v63  }
0x99: {  	_ =	swait.ge [sflag:s24], $0x80  }
0x9a: {  	[sflag:s24] =	ssyncset.done $0x0  }
0x9b: {  	[sflag:s24] =	ssyncadd.s32 $0xFFFFFF80  }
0x9c: {  	_ =	swait.ge [sflag:s31], $0x4000  }
0x9d: {  	[sflag:s31] =	ssyncset.done $0x0  }
0x9e: {  	[sflag:s31] =	ssyncadd.s32 $0xFFFFC000  }
0x9f: {  	[tilespmem:s23], [sflag:$0x1] =	stream.indirect.gather [hbm4b:s4+s25], $0x80, s2, s25, $0xb8;
	[tilespmem:$0x12200] =	vst v63  }
0xa0: {  	_ = 	snop  }
0xa1: {  	[spmem:s1] =	stream.indirect.scatter.add.f32 [tilespmem:s30], [sflag:$0x3], $0x80, s28, s25, $0xb8;
	[tilespmem:$0x12200] =	vst v63  }
0xa2: {  	_ =	swait.ge [sflag:s24], $0x4000  }
0xa3: {  	[sflag:s24] =	ssyncset.done $0x0  }
0xa4: {  	[sflag:s24] =	ssyncadd.s32 $0xFFFFC000  }
0xa5: {  	[tilespmem:s26], [sflag:$0x3] =	stream.linear.gather [hbm4b:s11+s2], $0x80, $0x38;
	[tilespmem:$0x12200] =	vst v63  }
0xa6: {  	_ =	swait.ge [sflag:s24], $0x80  }
0xa7: {  	[sflag:s24] =	ssyncset.done $0x0  }
0xa8: {  	[sflag:s24] =	ssyncadd.s32 $0xFFFFFF80  }
0xa9: {  	[tilespmem:s28], [sflag:$0x3] =	stream.linear.gather [hbm4b:s12+s2], $0x80, $0x38;
	[tilespmem:$0x12200] =	vst v63  }
0xaa: {  	_ =	swait.ge [sflag:s24], $0x80  }
0xab: {  	[sflag:s24] =	ssyncset.done $0x0  }
0xac: {  	[sflag:s24] =	ssyncadd.s32 $0xFFFFFF80  }
0xad: {  	_ =	swait.ge [sflag:s29], $0x4000  }
0xae: {  	[sflag:s29] =	ssyncset.done $0x0  }
0xaf: {  	[sflag:s29] =	ssyncadd.s32 $0xFFFFC000  }
0xb0: {  	[bflag:$0x0] =	sbarrier.arrive $0xFFFF  }
0xb1: {  	[tilespmem:s23], [sflag:$0x3] =	stream.linear.gather [spmem:s6], $0x4000, $0x38;
	[tilespmem:$0x12200] =	vst v63  }
0xb2: {  	_ =	swait.ge [sflag:s24], $0x4000  }
0xb3: {  	[sflag:s24] =	ssyncset.done $0x0  }
0xb4: {  	[sflag:s24] =	ssyncadd.s32 $0xFFFFC000  }
0xb5: {  	[hbm4b:s15+s2] =	stream.linear.scatter [tilespmem:s23], [sflag:$0x3], $0x4000, $0x38;
	[tilespmem:$0x12200] =	vst v63  }
0xb6: {  	_ =	swait.ge [sflag:s24], $0x4000  }
0xb7: {  	[sflag:s24] =	ssyncset.done $0x0  }
0xb8: {  	[sflag:s24] =	ssyncadd.s32 $0xFFFFC000  }
0xb9: {  	[tilespmem:s23], [sflag:$0x3] =	stream.linear.gather [spmem:s8], $0x4000, $0x38;
	[tilespmem:$0x12200] =	vst v63  }
0xba: {  	_ =	swait.ge [sflag:s24], $0x4000  }
0xbb: {  	[sflag:s24] =	ssyncset.done $0x0  }
0xbc: {  	[sflag:s24] =	ssyncadd.s32 $0xFFFFC000  }
0xbd: {  	[hbm4b:s16+s2] =	stream.linear.scatter [tilespmem:s23], [sflag:$0x3], $0x4000, $0x38;
	[tilespmem:$0x12200] =	vst v63  }
0xbe: {  	_ =	swait.ge [sflag:s24], $0x4000  }
0xbf: {  	[sflag:s24] =	ssyncset.done $0x0  }
0xc0: {  	[sflag:s24] =	ssyncadd.s32 $0xFFFFC000  }
0xc1: {  	[tilespmem:s23], [sflag:$0x3] =	stream.linear.gather [spmem:s10], $0x2000, $0x38;
	[tilespmem:$0x12200] =	vst v63  }
0xc2: {  	s0 =	sadd.s32 $0x1, s0;
	_ =	swait.ge [sflag:s24], $0x2000  }
0xc3: {  	p0 =	sne.s32 s0, s18;
	[sflag:s24] =	ssyncset.done $0x0  }
.Ltmp1:
0xc4: {  	[sflag:s24] =	ssyncadd.s32 $0xFFFFE000;
	(pc) =	sbr.rel @p0 .LBB2_1-.Ltmp1, $4  }
0xc5: {  	[hbm4b:s17+s2] =	stream.linear.scatter [tilespmem:s23], [sflag:$0x3], $0x2000, $0x38;
	[tilespmem:$0x12200] =	vst v63  }
0xc6: {  	_ =	swait.ge [sflag:s24], $0x2000  }
0xc7: {  	[sflag:s24] =	ssyncset.done $0x0  }
0xc8: {  	[sflag:s24] =	ssyncadd.s32 $0xFFFFE000  }
0xc9: {  	_ =	sfence.sel $0x180000  }
0xca: {  	[bflag:$0x0] =	sbarrier.arrive $0xFFFF  }
0xcb: {  	_ =	strace $0x90000047  }
0xcc: {  	s0 =	stileid.u32;
	[bflag:$0x2] =	sbarrier.arrive $0xFFFF  }
0xcd: {  	p0 =	sne.s32 s0, $0x0;
	s0 =	rddreg [dreg:$0x2]  }
0xce: {  	s0 =	sadd.s32 @!p0 $0x100000, s0  }
0xcf: {  	[sflag:s0] =	ssyncadd.tile.s32 @!p0 $0x1;
	_ =	shalt  }
.Lfunc_end2:
_tile_overlayer_lowered:
.L_overlay_start_2:
0xd0: {  	(tag) =	ssettag $0x2  }
0xd1: {  	s0 =	rddreg [dreg:$0x0];
	s2 =	stileid.u32  }
0xd2: {  	s1 =	rddreg [dreg:$0x1];
	p0 =	sne.s32 s2, $0x0  }
0xd3: {  	s3 =	rddreg [dreg:$0x2];
	[bflag:$0x3] =	sbarrier.arrive $0xFFFF;
	s2 =	simm.s32 @!p0 $0x1C03  }
0xd4: {  	[timem:s3], [sflag:s2] =	dma.local @!p0 [hbm:s0], s1  }
0xd5: {  	s0 =	simm.s32 @!p0 $0x3  }
0xd6: {  	_ =	swait.ge @!p0 [sflag:s0], s1  }
0xd7: {  	s1 =	ssub.s32 @!p0 $0x0, s1;
	[sflag:s0] =	ssyncset.done @!p0 $0x0  }
0xd8: {  	[sflag:s0] =	ssyncadd.s32 @!p0 s1  }
0xd9: {  	[bflag:$0x3] =	sbarrier.arrive $0xFFFF  }
0xda: {  	_ =	shalt  }

</sc_bundles>
